<compile_context>
chip_gen: v7x
topology: tpu7x:2x2x1
jax: 0.10.2.dev20260603
libtpu: 0.0.44.dev20260713+nightly
codegen_flags: <defaults>
</compile_context>

<pallas_src>
import jax
import jax.numpy as jnp
from jax import lax
from jax.experimental import pallas as pl
from jax.experimental.pallas import tpu as pltpu
from jax.experimental.pallas import tpu_sc as plsc

N = 10000
E = 320000
D = 128
NC = 2
NS = 16
NW = NC * NS
EPT = E // NW
CH = 80
NCHUNK = EPT // CH
RPT = 640
NPAD = NS * RPT
BN = 1000
NBUF = 3
NITER = NCHUNK // NBUF
NTAIL = NCHUNK - NITER * NBUF

_mesh = plsc.VectorSubcoreMesh(
    core_axis_name="c", subcore_axis_name="s", num_cores=NC, num_subcores=NS
)


def _make_sc_pass(with_deg):
    def body(h_hbm, src_hbm, dst_hbm, zrows_hbm, *rest):
        if with_deg:
            ones_hbm, out_hbm, degp_hbm, acc_sh = rest[:4]
            scr = rest[4:]
        else:
            out_hbm, acc_sh = rest[:2]
            scr = rest[2:]
        c = lax.axis_index("c")
        s = lax.axis_index("s")
        wid = c * NS + s
        nrep = RPT // CH
        bufs = scr[:NBUF]
        src_b = scr[NBUF:2 * NBUF]
        dst_b = scr[2 * NBUF:3 * NBUF]
        gsems = scr[3 * NBUF:4 * NBUF]
        ssems = scr[4 * NBUF:5 * NBUF]
        isems = scr[5 * NBUF:6 * NBUF]
        b0 = bufs[0]

        def zero_acc():
            pltpu.sync_copy(zrows_hbm, b0)
            zd = [pltpu.make_async_copy(
                      b0, acc_sh.at[pl.ds(s * RPT + r * CH, CH)],
                      scr[3 * NBUF + r % (3 * NBUF)])
                  for r in range(nrep)]
            for d in zd:
                d.start()
            for d in zd:
                d.wait()

        def i_start(k, j, with_src):
            off = wid * EPT + k * CH
            if with_src:
                pltpu.async_copy(src_hbm.at[pl.ds(off, CH)], src_b[j], isems[j])
            pltpu.async_copy(dst_hbm.at[pl.ds(off, CH)], dst_b[j], isems[j])

        def i_wait(k, j, with_src):
            off = wid * EPT + k * CH
            if with_src:
                pltpu.make_async_copy(src_hbm.at[pl.ds(off, CH)], src_b[j],
                                      isems[j]).wait()
            pltpu.make_async_copy(dst_hbm.at[pl.ds(off, CH)], dst_b[j],
                                  isems[j]).wait()

        def g_start(j):
            pltpu.async_copy(h_hbm.at[src_b[j]], bufs[j], gsems[j])

        def g_wait(j):
            pltpu.make_async_copy(h_hbm.at[src_b[j]], bufs[j], gsems[j]).wait()

        def s_start(j, buf=None):
            pltpu.async_copy(buf if buf is not None else bufs[j],
                             acc_sh.at[dst_b[j]], ssems[j], add=True)

        def s_wait(j, buf=None):
            pltpu.make_async_copy(buf if buf is not None else bufs[j],
                                  acc_sh.at[dst_b[j]], ssems[j]).wait()

        def dump(dst_hbm_out):
            rd = [pltpu.make_async_copy(
                      acc_sh.at[pl.ds(s * RPT + r * CH, CH)], bufs[r % 2],
                      gsems[r % 2])
                  for r in range(nrep)]
            wr = [pltpu.make_async_copy(
                      bufs[r % 2],
                      dst_hbm_out.at[pl.ds(wid * RPT + r * CH, CH)],
                      ssems[r % 2])
                  for r in range(nrep)]
            for r in range(nrep):
                if r >= 2:
                    wr[r - 2].wait()
                rd[r].start()
                rd[r].wait()
                wr[r].start()
            for r in range(nrep - 2, nrep):
                wr[r].wait()

        def scatter_phase(gather):
            for j in range(NBUF):
                i_start(j, j, gather)
            for j in range(NBUF):
                i_wait(j, j, gather)
                if gather:
                    g_start(j)
                else:
                    s_start(j, buf=b0)

            if gather:
                def step(k4, carry):
                    k = k4 * NBUF
                    for j in range(NBUF):
                        g_wait(j)
                        s_start(j)
                    for j in range(NBUF):
                        s_wait(j)

                        @pl.when(k + j + NBUF < NCHUNK)
                        def _(j=j, k=k):
                            i_start(k + j + NBUF, j, True)
                            i_wait(k + j + NBUF, j, True)
                            g_start(j)
                    return carry

                lax.fori_loop(0, NITER, step, 0)
                for t in range(NTAIL):
                    g_wait(t)
                    s_start(t)
                for t in range(NTAIL):
                    s_wait(t)
            else:
                def step(k4, carry):
                    k = k4 * NBUF
                    for j in range(NBUF):
                        s_wait(j, buf=b0)

                        @pl.when(k + j + NBUF < NCHUNK)
                        def _(j=j, k=k):
                            i_start(k + j + NBUF, j, False)
                            i_wait(k + j + NBUF, j, False)
                            s_start(j, buf=b0)
                    return carry

                lax.fori_loop(0, NITER, step, 0)
                for t in range(NTAIL):
                    s_wait(t, buf=b0)

        if with_deg:
            zero_acc()
            pltpu.sync_copy(ones_hbm, b0)
            plsc.subcore_barrier()
            scatter_phase(False)
            plsc.subcore_barrier()
            dump(degp_hbm)
            plsc.subcore_barrier()

        zero_acc()
        plsc.subcore_barrier()
        scatter_phase(True)
        plsc.subcore_barrier()
        dump(out_hbm)

    out_type = [jax.ShapeDtypeStruct((NC * NPAD, D), jnp.float32)]
    if with_deg:
        out_type.append(jax.ShapeDtypeStruct((NC * NPAD, D), jnp.float32))
    return pl.kernel(
        body,
        out_type=tuple(out_type) if with_deg else out_type[0],
        mesh=_mesh,
        scratch_types=(
            [pltpu.VMEM_SHARED((NPAD, D), jnp.float32)]
            + [pltpu.VMEM((CH, D), jnp.float32)] * NBUF
            + [pltpu.VMEM((CH,), jnp.int32)] * NBUF
            + [pltpu.VMEM((CH,), jnp.int32)] * NBUF
            + [pltpu.SemaphoreType.DMA] * (3 * NBUF)
        ),
    )


_sc_agg_deg = _make_sc_pass(True)
_sc_agg = _make_sc_pass(False)


def _first_body(p0_ref, p1_ref, d0_ref, d1_ref, w_ref, b_ref, x_ref,
                o_ref, r_ref):
    deg = d0_ref[0][:, 0] + d1_ref[0][:, 0]
    recip = 1.0 / jnp.maximum(deg, 1.0)
    agg = (p0_ref[0] + p1_ref[0]) * recip[:, None]
    z = jnp.dot(agg, w_ref[...], preferred_element_type=jnp.float32) + b_ref[...]
    o_ref[...] = jnp.maximum(z, 0.0) + x_ref[...]
    r_ref[...] = recip[:, None]


def _mid_math(p0_ref, p1_ref, r_ref, w_ref, b_ref, x_ref):
    agg = (p0_ref[0] + p1_ref[0]) * r_ref[...]
    z = jnp.dot(agg, w_ref[...], preferred_element_type=jnp.float32) + b_ref[...]
    return jnp.maximum(z, 0.0) + x_ref[...]


def _mid_body(p0_ref, p1_ref, r_ref, w_ref, b_ref, x_ref, o_ref):
    o_ref[...] = _mid_math(p0_ref, p1_ref, r_ref, w_ref, b_ref, x_ref)


def _final_body(p0_ref, p1_ref, r_ref, w_ref, b_ref, x_ref,
                wfc_ref, bfc_ref, o_ref):
    h = _mid_math(p0_ref, p1_ref, r_ref, w_ref, b_ref, x_ref)
    o_ref[...] = jnp.sum(h * wfc_ref[...], axis=1, keepdims=True) + bfc_ref[...]


_p_specs = [
    pl.BlockSpec((1, BN, D), lambda i: (0, i, 0)),
    pl.BlockSpec((1, BN, D), lambda i: (1, i, 0)),
]
_wbx_specs = [
    pl.BlockSpec((D, D), lambda i: (0, 0)),
    pl.BlockSpec((1, D), lambda i: (0, 0)),
    pl.BlockSpec((BN, D), lambda i: (i, 0)),
]
_r_spec = pl.BlockSpec((BN, 1), lambda i: (i, 0))

_first = pl.pallas_call(
    _first_body,
    grid=(N // BN,),
    in_specs=_p_specs + _p_specs + _wbx_specs,
    out_specs=[pl.BlockSpec((BN, D), lambda i: (i, 0)), _r_spec],
    out_shape=[jax.ShapeDtypeStruct((N, D), jnp.float32),
               jax.ShapeDtypeStruct((N, 1), jnp.float32)],
)

_mid = pl.pallas_call(
    _mid_body,
    grid=(N // BN,),
    in_specs=_p_specs + [_r_spec] + _wbx_specs,
    out_specs=pl.BlockSpec((BN, D), lambda i: (i, 0)),
    out_shape=jax.ShapeDtypeStruct((N, D), jnp.float32),
)

_final = pl.pallas_call(
    _final_body,
    grid=(N // BN,),
    in_specs=_p_specs + [_r_spec] + _wbx_specs + [
        pl.BlockSpec((1, D), lambda i: (0, 0)),
        pl.BlockSpec((1, 1), lambda i: (0, 0)),
    ],
    out_specs=pl.BlockSpec((BN, 1), lambda i: (i, 0)),
    out_shape=jax.ShapeDtypeStruct((N, 1), jnp.float32),
)


def kernel(x, edge_index, W0, b0, W1, b1, W2, b2, W3, b3, Wfc, bfc):
    src = edge_index[0]
    dst = edge_index[1]
    zrows = jnp.zeros((CH, D), jnp.float32)
    ones = jnp.ones((CH, D), jnp.float32)

    P, degp = _sc_agg_deg(x, src, dst, zrows, ones)
    P = P.reshape(NC, NPAD, D)
    degp = degp.reshape(NC, NPAD, D)
    h, recip = _first(P, P, degp, degp, W0, b0.reshape(1, D), x)
    for W, b in ((W1, b1), (W2, b2)):
        P = _sc_agg(h, src, dst, zrows).reshape(NC, NPAD, D)
        h = _mid(P, P, recip, W, b.reshape(1, D), x)
    P = _sc_agg(h, src, dst, zrows).reshape(NC, NPAD, D)
    out = _final(P, P, recip, W3, b3.reshape(1, D), x,
                 Wfc.reshape(1, D), bfc.reshape(1, 1))
    return out[:, 0]

# --- scband reference (transcript-rebuilt; emitter-appended) ---
"""Pipeline reference for scband-afgcn-18030272708968 (READ-ONLY COPY).

The authoritative reference and input builder live on the scoring server;
editing this copy changes nothing except your own understanding.
"""

import jax, jax.numpy as jnp
import numpy as np

N = 10000
E = 320000
D = 128
OUT = 1
NUM_LAYERS = 4


def setup_inputs(seed: int = 0) -> dict:
    key = jax.random.key(seed)
    ks = jax.random.split(key, 16)
    inp = {}
    inp["x"] = jax.random.normal(ks[0], (N, D), dtype=jnp.float32)
    inp["edge_index"] = jax.random.randint(ks[1], (2, E), 0, N, dtype=jnp.int32)
    scale = 1.0 / np.sqrt(D)
    for i in range(NUM_LAYERS):
        inp[f"W{i}"] = jax.random.normal(ks[2 + i], (D, D), dtype=jnp.float32) * scale
        inp[f"b{i}"] = jnp.zeros((D,), dtype=jnp.float32)
    inp["Wfc"] = jax.random.normal(ks[10], (D, OUT), dtype=jnp.float32) * scale
    inp["bfc"] = jnp.zeros((OUT,), dtype=jnp.float32)
    return inp


def _graph_conv(h, src, dst, W, b):
    # message passing: gather source node features, scatter-add into destination nodes
    msg = jnp.take(h, src, axis=0)
    agg = jax.ops.segment_sum(msg, dst, num_segments=N)
    deg = jax.ops.segment_sum(jnp.ones((E,), dtype=jnp.float32), dst, num_segments=N)
    deg = jnp.clip(deg, 1.0, None)
    agg = agg / deg[:, None]
    return agg @ W + b


def reference(x, edge_index, W0, b0, W1, b1, W2, b2, W3, b3, Wfc, bfc):
    src = edge_index[0]
    dst = edge_index[1]
    h0 = x
    h = x
    for W, b in ((W0, b0), (W1, b1), (W2, b2), (W3, b3)):
        h = _graph_conv(h, src, dst, W, b)
        h = jax.nn.relu(h)
        # dropout is identity in eval mode
        h = h + h0
    out = h @ Wfc + bfc
    return out.squeeze(-1)

if __name__ == "__main__":
    import jax
    _d = setup_inputs()
    print(jax.jit(kernel)(*tuple(_d.values())))

</pallas_src>

<mosaic_0001>
#map = affine_map<(d0, d1) -> (0, 0)>
#map1 = affine_map<(d0, d1) -> (0)>
module attributes {stable_mosaic.version = 14 : i64} {
  func.func @body(%arg0: i32, %arg1: i32, %arg2: memref<10000x128xf32, #tpu.memory_space<hbm>>, %arg3: memref<320000xi32, #tpu.memory_space<hbm>>, %arg4: memref<320000xi32, #tpu.memory_space<hbm>>, %arg5: memref<80x128xf32, #tpu.memory_space<hbm>>, %arg6: memref<80x128xf32, #tpu.memory_space<hbm>>, %arg7: memref<20480x128xf32, #tpu.memory_space<hbm>>, %arg8: memref<20480x128xf32, #tpu.memory_space<hbm>>, %arg9: memref<10240x128xf32, #tpu.memory_space<vmem_shared>>, %arg10: memref<80x128xf32, #tpu.memory_space<vmem>>, %arg11: memref<80x128xf32, #tpu.memory_space<vmem>>, %arg12: memref<80x128xf32, #tpu.memory_space<vmem>>, %arg13: memref<80xi32, #tpu.memory_space<vmem>>, %arg14: memref<80xi32, #tpu.memory_space<vmem>>, %arg15: memref<80xi32, #tpu.memory_space<vmem>>, %arg16: memref<80xi32, #tpu.memory_space<vmem>>, %arg17: memref<80xi32, #tpu.memory_space<vmem>>, %arg18: memref<80xi32, #tpu.memory_space<vmem>>, %arg19: memref<!tpu.dma_semaphore, #tpu.memory_space<semaphore_mem>>, %arg20: memref<!tpu.dma_semaphore, #tpu.memory_space<semaphore_mem>>, %arg21: memref<!tpu.dma_semaphore, #tpu.memory_space<semaphore_mem>>, %arg22: memref<!tpu.dma_semaphore, #tpu.memory_space<semaphore_mem>>, %arg23: memref<!tpu.dma_semaphore, #tpu.memory_space<semaphore_mem>>, %arg24: memref<!tpu.dma_semaphore, #tpu.memory_space<semaphore_mem>>, %arg25: memref<!tpu.dma_semaphore, #tpu.memory_space<semaphore_mem>>, %arg26: memref<!tpu.dma_semaphore, #tpu.memory_space<semaphore_mem>>, %arg27: memref<!tpu.dma_semaphore, #tpu.memory_space<semaphore_mem>>) attributes {dimension_semantics = [#tpu.dimension_semantics<core_parallel>, #tpu.dimension_semantics<subcore_parallel>], iteration_bounds = array<i64: 2, 16>, scalar_prefetch = 0 : i64, scratch_operands = 19 : i64, tpu.core_type = #tpu.core_type<sc_vector_subcore>, window_params = [{transform_indices = #map}, {transform_indices = #map1}, {transform_indices = #map1}, {transform_indices = #map}, {transform_indices = #map}, {transform_indices = #map}, {transform_indices = #map}]} {
    %mul3A = arith.constant 16 : i32
    %mul3A_0 = arith.muli %arg0, %mul3A : i32
    %add3A = arith.addi %mul3A_0, %arg1 : i32
    "tpu.region"() ({
      %run_scoped3A = tpu.sem_alloc : memref<!tpu.dma_semaphore, #tpu.memory_space<semaphore_mem>>
      tpu.enqueue_dma source(%arg5 : memref<80x128xf32, #tpu.memory_space<hbm>>) target(%arg10 : memref<80x128xf32, #tpu.memory_space<vmem>>) target_semaphore(%run_scoped3A : memref<!tpu.dma_semaphore, #tpu.memory_space<semaphore_mem>>)
      tpu.wait_dma2 semaphore(%run_scoped3A : memref<!tpu.dma_semaphore, #tpu.memory_space<semaphore_mem>>) src(%arg5 : memref<80x128xf32, #tpu.memory_space<hbm>>) dst(%arg10 : memref<80x128xf32, #tpu.memory_space<vmem>>)
      tpu.yield
    }) : () -> ()
    %mul3A_1 = arith.constant 640 : i32
    %mul3A_2 = arith.muli %arg1, %mul3A_1 : i32
    %add3A_3 = arith.constant 0 : i32
    %add3A_4 = arith.addi %mul3A_2, %add3A_3 : i32
    %mul3A_5 = arith.constant 640 : i32
    %mul3A_6 = arith.muli %arg1, %mul3A_5 : i32
    %add3A_7 = arith.constant 80 : i32
    %add3A_8 = arith.addi %mul3A_6, %add3A_7 : i32
    %mul3A_9 = arith.constant 640 : i32
    %mul3A_10 = arith.muli %arg1, %mul3A_9 : i32
    %add3A_11 = arith.constant 160 : i32
    %add3A_12 = arith.addi %mul3A_10, %add3A_11 : i32
    %mul3A_13 = arith.constant 640 : i32
    %mul3A_14 = arith.muli %arg1, %mul3A_13 : i32
    %add3A_15 = arith.constant 240 : i32
    %add3A_16 = arith.addi %mul3A_14, %add3A_15 : i32
    %mul3A_17 = arith.constant 640 : i32
    %mul3A_18 = arith.muli %arg1, %mul3A_17 : i32
    %add3A_19 = arith.constant 320 : i32
    %add3A_20 = arith.addi %mul3A_18, %add3A_19 : i32
    %mul3A_21 = arith.constant 640 : i32
    %mul3A_22 = arith.muli %arg1, %mul3A_21 : i32
    %add3A_23 = arith.constant 400 : i32
    %add3A_24 = arith.addi %mul3A_22, %add3A_23 : i32
    %mul3A_25 = arith.constant 640 : i32
    %mul3A_26 = arith.muli %arg1, %mul3A_25 : i32
    %add3A_27 = arith.constant 480 : i32
    %add3A_28 = arith.addi %mul3A_26, %add3A_27 : i32
    %mul3A_29 = arith.constant 640 : i32
    %mul3A_30 = arith.muli %arg1, %mul3A_29 : i32
    %add3A_31 = arith.constant 560 : i32
    %add3A_32 = arith.addi %mul3A_30, %add3A_31 : i32
    %dma_start3A = arith.constant 0 : i32
    %dma_start3A_33 = tpu.memref_slice %arg9[%add3A_4, %dma_start3A] : memref<10240x128xf32, #tpu.memory_space<vmem_shared>> -> memref<80x128xf32, #tpu.memory_space<vmem_shared>>
    %dma_start3A_34 = arith.constant 0 : i32
    %dma_start3A_35 = tpu.memref_slice %arg9[%add3A_4, %dma_start3A_34] : memref<10240x128xf32, #tpu.memory_space<vmem_shared>> -> memref<80x128xf32, #tpu.memory_space<vmem_shared>>
    tpu.enqueue_dma source(%arg10 : memref<80x128xf32, #tpu.memory_space<vmem>>) target(%dma_start3A_35 : memref<80x128xf32, #tpu.memory_space<vmem_shared>>) target_semaphore(%arg19 : memref<!tpu.dma_semaphore, #tpu.memory_space<semaphore_mem>>)
    %dma_start3A_36 = arith.constant 0 : i32
    %dma_start3A_37 = tpu.memref_slice %arg9[%add3A_8, %dma_start3A_36] : memref<10240x128xf32, #tpu.memory_space<vmem_shared>> -> memref<80x128xf32, #tpu.memory_space<vmem_shared>>
    %dma_start3A_38 = arith.constant 0 : i32
    %dma_start3A_39 = tpu.memref_slice %arg9[%add3A_8, %dma_start3A_38] : memref<10240x128xf32, #tpu.memory_space<vmem_shared>> -> memref<80x128xf32, #tpu.memory_space<vmem_shared>>
    tpu.enqueue_dma source(%arg10 : memref<80x128xf32, #tpu.memory_space<vmem>>) target(%dma_start3A_39 : memref<80x128xf32, #tpu.memory_space<vmem_shared>>) target_semaphore(%arg20 : memref<!tpu.dma_semaphore, #tpu.memory_space<semaphore_mem>>)
    %dma_start3A_40 = arith.constant 0 : i32
    %dma_start3A_41 = tpu.memref_slice %arg9[%add3A_12, %dma_start3A_40] : memref<10240x128xf32, #tpu.memory_space<vmem_shared>> -> memref<80x128xf32, #tpu.memory_space<vmem_shared>>
    %dma_start3A_42 = arith.constant 0 : i32
    %dma_start3A_43 = tpu.memref_slice %arg9[%add3A_12, %dma_start3A_42] : memref<10240x128xf32, #tpu.memory_space<vmem_shared>> -> memref<80x128xf32, #tpu.memory_space<vmem_shared>>
    tpu.enqueue_dma source(%arg10 : memref<80x128xf32, #tpu.memory_space<vmem>>) target(%dma_start3A_43 : memref<80x128xf32, #tpu.memory_space<vmem_shared>>) target_semaphore(%arg21 : memref<!tpu.dma_semaphore, #tpu.memory_space<semaphore_mem>>)
    %dma_start3A_44 = arith.constant 0 : i32
    %dma_start3A_45 = tpu.memref_slice %arg9[%add3A_16, %dma_start3A_44] : memref<10240x128xf32, #tpu.memory_space<vmem_shared>> -> memref<80x128xf32, #tpu.memory_space<vmem_shared>>
    %dma_start3A_46 = arith.constant 0 : i32
    %dma_start3A_47 = tpu.memref_slice %arg9[%add3A_16, %dma_start3A_46] : memref<10240x128xf32, #tpu.memory_space<vmem_shared>> -> memref<80x128xf32, #tpu.memory_space<vmem_shared>>
    tpu.enqueue_dma source(%arg10 : memref<80x128xf32, #tpu.memory_space<vmem>>) target(%dma_start3A_47 : memref<80x128xf32, #tpu.memory_space<vmem_shared>>) target_semaphore(%arg22 : memref<!tpu.dma_semaphore, #tpu.memory_space<semaphore_mem>>)
    %dma_start3A_48 = arith.constant 0 : i32
    %dma_start3A_49 = tpu.memref_slice %arg9[%add3A_20, %dma_start3A_48] : memref<10240x128xf32, #tpu.memory_space<vmem_shared>> -> memref<80x128xf32, #tpu.memory_space<vmem_shared>>
    %dma_start3A_50 = arith.constant 0 : i32
    %dma_start3A_51 = tpu.memref_slice %arg9[%add3A_20, %dma_start3A_50] : memref<10240x128xf32, #tpu.memory_space<vmem_shared>> -> memref<80x128xf32, #tpu.memory_space<vmem_shared>>
    tpu.enqueue_dma source(%arg10 : memref<80x128xf32, #tpu.memory_space<vmem>>) target(%dma_start3A_51 : memref<80x128xf32, #tpu.memory_space<vmem_shared>>) target_semaphore(%arg23 : memref<!tpu.dma_semaphore, #tpu.memory_space<semaphore_mem>>)
    %dma_start3A_52 = arith.constant 0 : i32
    %dma_start3A_53 = tpu.memref_slice %arg9[%add3A_24, %dma_start3A_52] : memref<10240x128xf32, #tpu.memory_space<vmem_shared>> -> memref<80x128xf32, #tpu.memory_space<vmem_shared>>
    %dma_start3A_54 = arith.constant 0 : i32
    %dma_start3A_55 = tpu.memref_slice %arg9[%add3A_24, %dma_start3A_54] : memref<10240x128xf32, #tpu.memory_space<vmem_shared>> -> memref<80x128xf32, #tpu.memory_space<vmem_shared>>
    tpu.enqueue_dma source(%arg10 : memref<80x128xf32, #tpu.memory_space<vmem>>) target(%dma_start3A_55 : memref<80x128xf32, #tpu.memory_space<vmem_shared>>) target_semaphore(%arg24 : memref<!tpu.dma_semaphore, #tpu.memory_space<semaphore_mem>>)
    %dma_start3A_56 = arith.constant 0 : i32
    %dma_start3A_57 = tpu.memref_slice %arg9[%add3A_28, %dma_start3A_56] : memref<10240x128xf32, #tpu.memory_space<vmem_shared>> -> memref<80x128xf32, #tpu.memory_space<vmem_shared>>
    %dma_start3A_58 = arith.constant 0 : i32
    %dma_start3A_59 = tpu.memref_slice %arg9[%add3A_28, %dma_start3A_58] : memref<10240x128xf32, #tpu.memory_space<vmem_shared>> -> memref<80x128xf32, #tpu.memory_space<vmem_shared>>
    tpu.enqueue_dma source(%arg10 : memref<80x128xf32, #tpu.memory_space<vmem>>) target(%dma_start3A_59 : memref<80x128xf32, #tpu.memory_space<vmem_shared>>) target_semaphore(%arg25 : memref<!tpu.dma_semaphore, #tpu.memory_space<semaphore_mem>>)
    %dma_start3A_60 = arith.constant 0 : i32
    %dma_start3A_61 = tpu.memref_slice %arg9[%add3A_32, %dma_start3A_60] : memref<10240x128xf32, #tpu.memory_space<vmem_shared>> -> memref<80x128xf32, #tpu.memory_space<vmem_shared>>
    %dma_start3A_62 = arith.constant 0 : i32
    %dma_start3A_63 = tpu.memref_slice %arg9[%add3A_32, %dma_start3A_62] : memref<10240x128xf32, #tpu.memory_space<vmem_shared>> -> memref<80x128xf32, #tpu.memory_space<vmem_shared>>
    tpu.enqueue_dma source(%arg10 : memref<80x128xf32, #tpu.memory_space<vmem>>) target(%dma_start3A_63 : memref<80x128xf32, #tpu.memory_space<vmem_shared>>) target_semaphore(%arg26 : memref<!tpu.dma_semaphore, #tpu.memory_space<semaphore_mem>>)
    %dma_wait3A = arith.constant 0 : i32
    %dma_wait3A_64 = tpu.memref_slice %arg9[%add3A_4, %dma_wait3A] : memref<10240x128xf32, #tpu.memory_space<vmem_shared>> -> memref<80x128xf32, #tpu.memory_space<vmem_shared>>
    %dma_wait3A_65 = arith.constant 0 : i32
    %dma_wait3A_66 = tpu.memref_slice %arg9[%add3A_4, %dma_wait3A_65] : memref<10240x128xf32, #tpu.memory_space<vmem_shared>> -> memref<80x128xf32, #tpu.memory_space<vmem_shared>>
    tpu.wait_dma2 semaphore(%arg19 : memref<!tpu.dma_semaphore, #tpu.memory_space<semaphore_mem>>) src(%arg10 : memref<80x128xf32, #tpu.memory_space<vmem>>) dst(%dma_wait3A_66 : memref<80x128xf32, #tpu.memory_space<vmem_shared>>)
    %dma_wait3A_67 = arith.constant 0 : i32
    %dma_wait3A_68 = tpu.memref_slice %arg9[%add3A_8, %dma_wait3A_67] : memref<10240x128xf32, #tpu.memory_space<vmem_shared>> -> memref<80x128xf32, #tpu.memory_space<vmem_shared>>
    %dma_wait3A_69 = arith.constant 0 : i32
    %dma_wait3A_70 = tpu.memref_slice %arg9[%add3A_8, %dma_wait3A_69] : memref<10240x128xf32, #tpu.memory_space<vmem_shared>> -> memref<80x128xf32, #tpu.memory_space<vmem_shared>>
    tpu.wait_dma2 semaphore(%arg20 : memref<!tpu.dma_semaphore, #tpu.memory_space<semaphore_mem>>) src(%arg10 : memref<80x128xf32, #tpu.memory_space<vmem>>) dst(%dma_wait3A_70 : memref<80x128xf32, #tpu.memory_space<vmem_shared>>)
    %dma_wait3A_71 = arith.constant 0 : i32
    %dma_wait3A_72 = tpu.memref_slice %arg9[%add3A_12, %dma_wait3A_71] : memref<10240x128xf32, #tpu.memory_space<vmem_shared>> -> memref<80x128xf32, #tpu.memory_space<vmem_shared>>
    %dma_wait3A_73 = arith.constant 0 : i32
    %dma_wait3A_74 = tpu.memref_slice %arg9[%add3A_12, %dma_wait3A_73] : memref<10240x128xf32, #tpu.memory_space<vmem_shared>> -> memref<80x128xf32, #tpu.memory_space<vmem_shared>>
    tpu.wait_dma2 semaphore(%arg21 : memref<!tpu.dma_semaphore, #tpu.memory_space<semaphore_mem>>) src(%arg10 : memref<80x128xf32, #tpu.memory_space<vmem>>) dst(%dma_wait3A_74 : memref<80x128xf32, #tpu.memory_space<vmem_shared>>)
    %dma_wait3A_75 = arith.constant 0 : i32
    %dma_wait3A_76 = tpu.memref_slice %arg9[%add3A_16, %dma_wait3A_75] : memref<10240x128xf32, #tpu.memory_space<vmem_shared>> -> memref<80x128xf32, #tpu.memory_space<vmem_shared>>
    %dma_wait3A_77 = arith.constant 0 : i32
    %dma_wait3A_78 = tpu.memref_slice %arg9[%add3A_16, %dma_wait3A_77] : memref<10240x128xf32, #tpu.memory_space<vmem_shared>> -> memref<80x128xf32, #tpu.memory_space<vmem_shared>>
    tpu.wait_dma2 semaphore(%arg22 : memref<!tpu.dma_semaphore, #tpu.memory_space<semaphore_mem>>) src(%arg10 : memref<80x128xf32, #tpu.memory_space<vmem>>) dst(%dma_wait3A_78 : memref<80x128xf32, #tpu.memory_space<vmem_shared>>)
    %dma_wait3A_79 = arith.constant 0 : i32
    %dma_wait3A_80 = tpu.memref_slice %arg9[%add3A_20, %dma_wait3A_79] : memref<10240x128xf32, #tpu.memory_space<vmem_shared>> -> memref<80x128xf32, #tpu.memory_space<vmem_shared>>
    %dma_wait3A_81 = arith.constant 0 : i32
    %dma_wait3A_82 = tpu.memref_slice %arg9[%add3A_20, %dma_wait3A_81] : memref<10240x128xf32, #tpu.memory_space<vmem_shared>> -> memref<80x128xf32, #tpu.memory_space<vmem_shared>>
    tpu.wait_dma2 semaphore(%arg23 : memref<!tpu.dma_semaphore, #tpu.memory_space<semaphore_mem>>) src(%arg10 : memref<80x128xf32, #tpu.memory_space<vmem>>) dst(%dma_wait3A_82 : memref<80x128xf32, #tpu.memory_space<vmem_shared>>)
    %dma_wait3A_83 = arith.constant 0 : i32
    %dma_wait3A_84 = tpu.memref_slice %arg9[%add3A_24, %dma_wait3A_83] : memref<10240x128xf32, #tpu.memory_space<vmem_shared>> -> memref<80x128xf32, #tpu.memory_space<vmem_shared>>
    %dma_wait3A_85 = arith.constant 0 : i32
    %dma_wait3A_86 = tpu.memref_slice %arg9[%add3A_24, %dma_wait3A_85] : memref<10240x128xf32, #tpu.memory_space<vmem_shared>> -> memref<80x128xf32, #tpu.memory_space<vmem_shared>>
    tpu.wait_dma2 semaphore(%arg24 : memref<!tpu.dma_semaphore, #tpu.memory_space<semaphore_mem>>) src(%arg10 : memref<80x128xf32, #tpu.memory_space<vmem>>) dst(%dma_wait3A_86 : memref<80x128xf32, #tpu.memory_space<vmem_shared>>)
    %dma_wait3A_87 = arith.constant 0 : i32
    %dma_wait3A_88 = tpu.memref_slice %arg9[%add3A_28, %dma_wait3A_87] : memref<10240x128xf32, #tpu.memory_space<vmem_shared>> -> memref<80x128xf32, #tpu.memory_space<vmem_shared>>
    %dma_wait3A_89 = arith.constant 0 : i32
    %dma_wait3A_90 = tpu.memref_slice %arg9[%add3A_28, %dma_wait3A_89] : memref<10240x128xf32, #tpu.memory_space<vmem_shared>> -> memref<80x128xf32, #tpu.memory_space<vmem_shared>>
    tpu.wait_dma2 semaphore(%arg25 : memref<!tpu.dma_semaphore, #tpu.memory_space<semaphore_mem>>) src(%arg10 : memref<80x128xf32, #tpu.memory_space<vmem>>) dst(%dma_wait3A_90 : memref<80x128xf32, #tpu.memory_space<vmem_shared>>)
    %dma_wait3A_91 = arith.constant 0 : i32
    %dma_wait3A_92 = tpu.memref_slice %arg9[%add3A_32, %dma_wait3A_91] : memref<10240x128xf32, #tpu.memory_space<vmem_shared>> -> memref<80x128xf32, #tpu.memory_space<vmem_shared>>
    %dma_wait3A_93 = arith.constant 0 : i32
    %dma_wait3A_94 = tpu.memref_slice %arg9[%add3A_32, %dma_wait3A_93] : memref<10240x128xf32, #tpu.memory_space<vmem_shared>> -> memref<80x128xf32, #tpu.memory_space<vmem_shared>>
    tpu.wait_dma2 semaphore(%arg26 : memref<!tpu.dma_semaphore, #tpu.memory_space<semaphore_mem>>) src(%arg10 : memref<80x128xf32, #tpu.memory_space<vmem>>) dst(%dma_wait3A_94 : memref<80x128xf32, #tpu.memory_space<vmem_shared>>)
    "tpu.region"() ({
      %run_scoped3A = tpu.sem_alloc : memref<!tpu.dma_semaphore, #tpu.memory_space<semaphore_mem>>
      tpu.enqueue_dma source(%arg6 : memref<80x128xf32, #tpu.memory_space<hbm>>) target(%arg10 : memref<80x128xf32, #tpu.memory_space<vmem>>) target_semaphore(%run_scoped3A : memref<!tpu.dma_semaphore, #tpu.memory_space<semaphore_mem>>)
      tpu.wait_dma2 semaphore(%run_scoped3A : memref<!tpu.dma_semaphore, #tpu.memory_space<semaphore_mem>>) src(%arg6 : memref<80x128xf32, #tpu.memory_space<hbm>>) dst(%arg10 : memref<80x128xf32, #tpu.memory_space<vmem>>)
      tpu.yield
    }) : () -> ()
    %barrier3A = arith.constant 0 : index
    tpu.barrier barrier_id(%barrier3A)
    %mul3A_95 = arith.constant 10000 : i32
    %mul3A_96 = arith.muli %add3A, %mul3A_95 : i32
    %add3A_97 = arith.constant 0 : i32
    %add3A_98 = arith.addi %mul3A_96, %add3A_97 : i32
    %dma_start3A_99 = tpu.memref_slice %arg4[%add3A_98] : memref<320000xi32, #tpu.memory_space<hbm>> -> memref<80xi32, #tpu.memory_space<hbm>>
    %dma_start3A_100 = tpu.memref_slice %arg4[%add3A_98] : memref<320000xi32, #tpu.memory_space<hbm>> -> memref<80xi32, #tpu.memory_space<hbm>>
    tpu.enqueue_dma source(%dma_start3A_100 : memref<80xi32, #tpu.memory_space<hbm>>) target(%arg16 : memref<80xi32, #tpu.memory_space<vmem>>) target_semaphore(%arg25 : memref<!tpu.dma_semaphore, #tpu.memory_space<semaphore_mem>>)
    %mul3A_101 = arith.constant 10000 : i32
    %mul3A_102 = arith.muli %add3A, %mul3A_101 : i32
    %add3A_103 = arith.constant 80 : i32
    %add3A_104 = arith.addi %mul3A_102, %add3A_103 : i32
    %dma_start3A_105 = tpu.memref_slice %arg4[%add3A_104] : memref<320000xi32, #tpu.memory_space<hbm>> -> memref<80xi32, #tpu.memory_space<hbm>>
    %dma_start3A_106 = tpu.memref_slice %arg4[%add3A_104] : memref<320000xi32, #tpu.memory_space<hbm>> -> memref<80xi32, #tpu.memory_space<hbm>>
    tpu.enqueue_dma source(%dma_start3A_106 : memref<80xi32, #tpu.memory_space<hbm>>) target(%arg17 : memref<80xi32, #tpu.memory_space<vmem>>) target_semaphore(%arg26 : memref<!tpu.dma_semaphore, #tpu.memory_space<semaphore_mem>>)
    %mul3A_107 = arith.constant 10000 : i32
    %mul3A_108 = arith.muli %add3A, %mul3A_107 : i32
    %add3A_109 = arith.constant 160 : i32
    %add3A_110 = arith.addi %mul3A_108, %add3A_109 : i32
    %dma_start3A_111 = tpu.memref_slice %arg4[%add3A_110] : memref<320000xi32, #tpu.memory_space<hbm>> -> memref<80xi32, #tpu.memory_space<hbm>>
    %dma_start3A_112 = tpu.memref_slice %arg4[%add3A_110] : memref<320000xi32, #tpu.memory_space<hbm>> -> memref<80xi32, #tpu.memory_space<hbm>>
    tpu.enqueue_dma source(%dma_start3A_112 : memref<80xi32, #tpu.memory_space<hbm>>) target(%arg18 : memref<80xi32, #tpu.memory_space<vmem>>) target_semaphore(%arg27 : memref<!tpu.dma_semaphore, #tpu.memory_space<semaphore_mem>>)
    %mul3A_113 = arith.constant 10000 : i32
    %mul3A_114 = arith.muli %add3A, %mul3A_113 : i32
    %add3A_115 = arith.constant 0 : i32
    %add3A_116 = arith.addi %mul3A_114, %add3A_115 : i32
    %dma_wait3A_117 = tpu.memref_slice %arg4[%add3A_116] : memref<320000xi32, #tpu.memory_space<hbm>> -> memref<80xi32, #tpu.memory_space<hbm>>
    %dma_wait3A_118 = tpu.memref_slice %arg4[%add3A_116] : memref<320000xi32, #tpu.memory_space<hbm>> -> memref<80xi32, #tpu.memory_space<hbm>>
    tpu.wait_dma2 semaphore(%arg25 : memref<!tpu.dma_semaphore, #tpu.memory_space<semaphore_mem>>) src(%dma_wait3A_118 : memref<80xi32, #tpu.memory_space<hbm>>) dst(%arg16 : memref<80xi32, #tpu.memory_space<vmem>>)
    %dma_start3A_119 = arith.constant 0 : i32
    %dma_start3A_120 = arith.constant 0 : i32
    %dma_start3A_121 = tpu.memref_slice %arg9[%dma_start3A_119, %dma_start3A_120] : memref<10240x128xf32, #tpu.memory_space<vmem_shared>> -> memref<10240x128xf32, #tpu.memory_space<vmem_shared>>
    tpu.enqueue_indirect_dma source(%arg10 : memref<80x128xf32, #tpu.memory_space<vmem>>) target(%dma_start3A_121 : memref<10240x128xf32, #tpu.memory_space<vmem_shared>>) offsets(%arg16 : memref<80xi32, #tpu.memory_space<vmem>>) semaphore(%arg22 : memref<!tpu.dma_semaphore, #tpu.memory_space<semaphore_mem>>) {add = true}
    %mul3A_122 = arith.constant 10000 : i32
    %mul3A_123 = arith.muli %add3A, %mul3A_122 : i32
    %add3A_124 = arith.constant 80 : i32
    %add3A_125 = arith.addi %mul3A_123, %add3A_124 : i32
    %dma_wait3A_126 = tpu.memref_slice %arg4[%add3A_125] : memref<320000xi32, #tpu.memory_space<hbm>> -> memref<80xi32, #tpu.memory_space<hbm>>
    %dma_wait3A_127 = tpu.memref_slice %arg4[%add3A_125] : memref<320000xi32, #tpu.memory_space<hbm>> -> memref<80xi32, #tpu.memory_space<hbm>>
    tpu.wait_dma2 semaphore(%arg26 : memref<!tpu.dma_semaphore, #tpu.memory_space<semaphore_mem>>) src(%dma_wait3A_127 : memref<80xi32, #tpu.memory_space<hbm>>) dst(%arg17 : memref<80xi32, #tpu.memory_space<vmem>>)
    %dma_start3A_128 = arith.constant 0 : i32
    %dma_start3A_129 = arith.constant 0 : i32
    %dma_start3A_130 = tpu.memref_slice %arg9[%dma_start3A_128, %dma_start3A_129] : memref<10240x128xf32, #tpu.memory_space<vmem_shared>> -> memref<10240x128xf32, #tpu.memory_space<vmem_shared>>
    tpu.enqueue_indirect_dma source(%arg10 : memref<80x128xf32, #tpu.memory_space<vmem>>) target(%dma_start3A_130 : memref<10240x128xf32, #tpu.memory_space<vmem_shared>>) offsets(%arg17 : memref<80xi32, #tpu.memory_space<vmem>>) semaphore(%arg23 : memref<!tpu.dma_semaphore, #tpu.memory_space<semaphore_mem>>) {add = true}
    %mul3A_131 = arith.constant 10000 : i32
    %mul3A_132 = arith.muli %add3A, %mul3A_131 : i32
    %add3A_133 = arith.constant 160 : i32
    %add3A_134 = arith.addi %mul3A_132, %add3A_133 : i32
    %dma_wait3A_135 = tpu.memref_slice %arg4[%add3A_134] : memref<320000xi32, #tpu.memory_space<hbm>> -> memref<80xi32, #tpu.memory_space<hbm>>
    %dma_wait3A_136 = tpu.memref_slice %arg4[%add3A_134] : memref<320000xi32, #tpu.memory_space<hbm>> -> memref<80xi32, #tpu.memory_space<hbm>>
    tpu.wait_dma2 semaphore(%arg27 : memref<!tpu.dma_semaphore, #tpu.memory_space<semaphore_mem>>) src(%dma_wait3A_136 : memref<80xi32, #tpu.memory_space<hbm>>) dst(%arg18 : memref<80xi32, #tpu.memory_space<vmem>>)
    %dma_start3A_137 = arith.constant 0 : i32
    %dma_start3A_138 = arith.constant 0 : i32
    %dma_start3A_139 = tpu.memref_slice %arg9[%dma_start3A_137, %dma_start3A_138] : memref<10240x128xf32, #tpu.memory_space<vmem_shared>> -> memref<10240x128xf32, #tpu.memory_space<vmem_shared>>
    tpu.enqueue_indirect_dma source(%arg10 : memref<80x128xf32, #tpu.memory_space<vmem>>) target(%dma_start3A_139 : memref<10240x128xf32, #tpu.memory_space<vmem_shared>>) offsets(%arg18 : memref<80xi32, #tpu.memory_space<vmem>>) semaphore(%arg24 : memref<!tpu.dma_semaphore, #tpu.memory_space<semaphore_mem>>) {add = true}
    %scan3A = arith.constant 0 : i32
    %scan3A_140 = arith.constant 0 : i32
    %scan3A_141 = arith.constant 41 : i32
    %scan3A_142 = arith.addi %scan3A_140, %scan3A_141 : i32
    %scan3A_143 = arith.constant 1 : i32
    scf.for %scan3A_716 = %scan3A_140 to %scan3A_142 step %scan3A_143  : i32 {
      %mul3A_717 = arith.constant 3 : i32
      %mul3A_718 = arith.muli %scan3A_716, %mul3A_717 : i32
      %dma_wait3A_719 = arith.constant 0 : i32
      %dma_wait3A_720 = arith.constant 0 : i32
      %dma_wait3A_721 = tpu.memref_slice %arg9[%dma_wait3A_719, %dma_wait3A_720] : memref<10240x128xf32, #tpu.memory_space<vmem_shared>> -> memref<10240x128xf32, #tpu.memory_space<vmem_shared>>
      tpu.wait_indirect_dma semaphore(%arg22 : memref<!tpu.dma_semaphore, #tpu.memory_space<semaphore_mem>>) src(%arg10 : memref<80x128xf32, #tpu.memory_space<vmem>>) dst(%dma_wait3A_721 : memref<10240x128xf32, #tpu.memory_space<vmem_shared>>)
      %add3A_722 = arith.constant 0 : i32
      %add3A_723 = arith.addi %mul3A_718, %add3A_722 : i32
      %add3A_724 = arith.constant 3 : i32
      %add3A_725 = arith.addi %add3A_723, %add3A_724 : i32
      %lt3A = arith.constant 125 : i32
      %lt3A_726 = arith.cmpi slt, %add3A_725, %lt3A : i32
      %convert_element_type3A = arith.extui %lt3A_726 : i1 to i32
      %cond3A = arith.constant 0 : i32
      %cond3A_727 = arith.cmpi ne, %convert_element_type3A, %cond3A : i32
      scf.if %cond3A_727 {
        %add3A_752 = arith.constant 0 : i32
        %add3A_753 = arith.addi %mul3A_718, %add3A_752 : i32
        %add3A_754 = arith.constant 3 : i32
        %add3A_755 = arith.addi %add3A_753, %add3A_754 : i32
        %mul3A_756 = arith.constant 10000 : i32
        %mul3A_757 = arith.muli %add3A, %mul3A_756 : i32
        %mul3A_758 = arith.constant 80 : i32
        %mul3A_759 = arith.muli %add3A_755, %mul3A_758 : i32
        %add3A_760 = arith.addi %mul3A_757, %mul3A_759 : i32
        %dma_start3A_761 = tpu.memref_slice %arg4[%add3A_760] : memref<320000xi32, #tpu.memory_space<hbm>> -> memref<80xi32, #tpu.memory_space<hbm>>
        %dma_start3A_762 = tpu.memref_slice %arg4[%add3A_760] : memref<320000xi32, #tpu.memory_space<hbm>> -> memref<80xi32, #tpu.memory_space<hbm>>
        tpu.enqueue_dma source(%dma_start3A_762 : memref<80xi32, #tpu.memory_space<hbm>>) target(%arg16 : memref<80xi32, #tpu.memory_space<vmem>>) target_semaphore(%arg25 : memref<!tpu.dma_semaphore, #tpu.memory_space<semaphore_mem>>)
        %add3A_763 = arith.constant 0 : i32
        %add3A_764 = arith.addi %mul3A_718, %add3A_763 : i32
        %add3A_765 = arith.constant 3 : i32
        %add3A_766 = arith.addi %add3A_764, %add3A_765 : i32
        %mul3A_767 = arith.constant 10000 : i32
        %mul3A_768 = arith.muli %add3A, %mul3A_767 : i32
        %mul3A_769 = arith.constant 80 : i32
        %mul3A_770 = arith.muli %add3A_766, %mul3A_769 : i32
        %add3A_771 = arith.addi %mul3A_768, %mul3A_770 : i32
        %dma_wait3A_772 = tpu.memref_slice %arg4[%add3A_771] : memref<320000xi32, #tpu.memory_space<hbm>> -> memref<80xi32, #tpu.memory_space<hbm>>
        %dma_wait3A_773 = tpu.memref_slice %arg4[%add3A_771] : memref<320000xi32, #tpu.memory_space<hbm>> -> memref<80xi32, #tpu.memory_space<hbm>>
        tpu.wait_dma2 semaphore(%arg25 : memref<!tpu.dma_semaphore, #tpu.memory_space<semaphore_mem>>) src(%dma_wait3A_773 : memref<80xi32, #tpu.memory_space<hbm>>) dst(%arg16 : memref<80xi32, #tpu.memory_space<vmem>>)
        %dma_start3A_774 = arith.constant 0 : i32
        %dma_start3A_775 = arith.constant 0 : i32
        %dma_start3A_776 = tpu.memref_slice %arg9[%dma_start3A_774, %dma_start3A_775] : memref<10240x128xf32, #tpu.memory_space<vmem_shared>> -> memref<10240x128xf32, #tpu.memory_space<vmem_shared>>
        tpu.enqueue_indirect_dma source(%arg10 : memref<80x128xf32, #tpu.memory_space<vmem>>) target(%dma_start3A_776 : memref<10240x128xf32, #tpu.memory_space<vmem_shared>>) offsets(%arg16 : memref<80xi32, #tpu.memory_space<vmem>>) semaphore(%arg22 : memref<!tpu.dma_semaphore, #tpu.memory_space<semaphore_mem>>) {add = true}
      } else {
      }
      %dma_wait3A_728 = arith.constant 0 : i32
      %dma_wait3A_729 = arith.constant 0 : i32
      %dma_wait3A_730 = tpu.memref_slice %arg9[%dma_wait3A_728, %dma_wait3A_729] : memref<10240x128xf32, #tpu.memory_space<vmem_shared>> -> memref<10240x128xf32, #tpu.memory_space<vmem_shared>>
      tpu.wait_indirect_dma semaphore(%arg23 : memref<!tpu.dma_semaphore, #tpu.memory_space<semaphore_mem>>) src(%arg10 : memref<80x128xf32, #tpu.memory_space<vmem>>) dst(%dma_wait3A_730 : memref<10240x128xf32, #tpu.memory_space<vmem_shared>>)
      %add3A_731 = arith.constant 1 : i32
      %add3A_732 = arith.addi %mul3A_718, %add3A_731 : i32
      %add3A_733 = arith.constant 3 : i32
      %add3A_734 = arith.addi %add3A_732, %add3A_733 : i32
      %lt3A_735 = arith.constant 125 : i32
      %lt3A_736 = arith.cmpi slt, %add3A_734, %lt3A_735 : i32
      %convert_element_type3A_737 = arith.extui %lt3A_736 : i1 to i32
      %cond3A_738 = arith.constant 0 : i32
      %cond3A_739 = arith.cmpi ne, %convert_element_type3A_737, %cond3A_738 : i32
      scf.if %cond3A_739 {
        %add3A_752 = arith.constant 1 : i32
        %add3A_753 = arith.addi %mul3A_718, %add3A_752 : i32
        %add3A_754 = arith.constant 3 : i32
        %add3A_755 = arith.addi %add3A_753, %add3A_754 : i32
        %mul3A_756 = arith.constant 10000 : i32
        %mul3A_757 = arith.muli %add3A, %mul3A_756 : i32
        %mul3A_758 = arith.constant 80 : i32
        %mul3A_759 = arith.muli %add3A_755, %mul3A_758 : i32
        %add3A_760 = arith.addi %mul3A_757, %mul3A_759 : i32
        %dma_start3A_761 = tpu.memref_slice %arg4[%add3A_760] : memref<320000xi32, #tpu.memory_space<hbm>> -> memref<80xi32, #tpu.memory_space<hbm>>
        %dma_start3A_762 = tpu.memref_slice %arg4[%add3A_760] : memref<320000xi32, #tpu.memory_space<hbm>> -> memref<80xi32, #tpu.memory_space<hbm>>
        tpu.enqueue_dma source(%dma_start3A_762 : memref<80xi32, #tpu.memory_space<hbm>>) target(%arg17 : memref<80xi32, #tpu.memory_space<vmem>>) target_semaphore(%arg26 : memref<!tpu.dma_semaphore, #tpu.memory_space<semaphore_mem>>)
        %add3A_763 = arith.constant 1 : i32
        %add3A_764 = arith.addi %mul3A_718, %add3A_763 : i32
        %add3A_765 = arith.constant 3 : i32
        %add3A_766 = arith.addi %add3A_764, %add3A_765 : i32
        %mul3A_767 = arith.constant 10000 : i32
        %mul3A_768 = arith.muli %add3A, %mul3A_767 : i32
        %mul3A_769 = arith.constant 80 : i32
        %mul3A_770 = arith.muli %add3A_766, %mul3A_769 : i32
        %add3A_771 = arith.addi %mul3A_768, %mul3A_770 : i32
        %dma_wait3A_772 = tpu.memref_slice %arg4[%add3A_771] : memref<320000xi32, #tpu.memory_space<hbm>> -> memref<80xi32, #tpu.memory_space<hbm>>
        %dma_wait3A_773 = tpu.memref_slice %arg4[%add3A_771] : memref<320000xi32, #tpu.memory_space<hbm>> -> memref<80xi32, #tpu.memory_space<hbm>>
        tpu.wait_dma2 semaphore(%arg26 : memref<!tpu.dma_semaphore, #tpu.memory_space<semaphore_mem>>) src(%dma_wait3A_773 : memref<80xi32, #tpu.memory_space<hbm>>) dst(%arg17 : memref<80xi32, #tpu.memory_space<vmem>>)
        %dma_start3A_774 = arith.constant 0 : i32
        %dma_start3A_775 = arith.constant 0 : i32
        %dma_start3A_776 = tpu.memref_slice %arg9[%dma_start3A_774, %dma_start3A_775] : memref<10240x128xf32, #tpu.memory_space<vmem_shared>> -> memref<10240x128xf32, #tpu.memory_space<vmem_shared>>
        tpu.enqueue_indirect_dma source(%arg10 : memref<80x128xf32, #tpu.memory_space<vmem>>) target(%dma_start3A_776 : memref<10240x128xf32, #tpu.memory_space<vmem_shared>>) offsets(%arg17 : memref<80xi32, #tpu.memory_space<vmem>>) semaphore(%arg23 : memref<!tpu.dma_semaphore, #tpu.memory_space<semaphore_mem>>) {add = true}
      } else {
      }
      %dma_wait3A_740 = arith.constant 0 : i32
      %dma_wait3A_741 = arith.constant 0 : i32
      %dma_wait3A_742 = tpu.memref_slice %arg9[%dma_wait3A_740, %dma_wait3A_741] : memref<10240x128xf32, #tpu.memory_space<vmem_shared>> -> memref<10240x128xf32, #tpu.memory_space<vmem_shared>>
      tpu.wait_indirect_dma semaphore(%arg24 : memref<!tpu.dma_semaphore, #tpu.memory_space<semaphore_mem>>) src(%arg10 : memref<80x128xf32, #tpu.memory_space<vmem>>) dst(%dma_wait3A_742 : memref<10240x128xf32, #tpu.memory_space<vmem_shared>>)
      %add3A_743 = arith.constant 2 : i32
      %add3A_744 = arith.addi %mul3A_718, %add3A_743 : i32
      %add3A_745 = arith.constant 3 : i32
      %add3A_746 = arith.addi %add3A_744, %add3A_745 : i32
      %lt3A_747 = arith.constant 125 : i32
      %lt3A_748 = arith.cmpi slt, %add3A_746, %lt3A_747 : i32
      %convert_element_type3A_749 = arith.extui %lt3A_748 : i1 to i32
      %cond3A_750 = arith.constant 0 : i32
      %cond3A_751 = arith.cmpi ne, %convert_element_type3A_749, %cond3A_750 : i32
      scf.if %cond3A_751 {
        %add3A_752 = arith.constant 2 : i32
        %add3A_753 = arith.addi %mul3A_718, %add3A_752 : i32
        %add3A_754 = arith.constant 3 : i32
        %add3A_755 = arith.addi %add3A_753, %add3A_754 : i32
        %mul3A_756 = arith.constant 10000 : i32
        %mul3A_757 = arith.muli %add3A, %mul3A_756 : i32
        %mul3A_758 = arith.constant 80 : i32
        %mul3A_759 = arith.muli %add3A_755, %mul3A_758 : i32
        %add3A_760 = arith.addi %mul3A_757, %mul3A_759 : i32
        %dma_start3A_761 = tpu.memref_slice %arg4[%add3A_760] : memref<320000xi32, #tpu.memory_space<hbm>> -> memref<80xi32, #tpu.memory_space<hbm>>
        %dma_start3A_762 = tpu.memref_slice %arg4[%add3A_760] : memref<320000xi32, #tpu.memory_space<hbm>> -> memref<80xi32, #tpu.memory_space<hbm>>
        tpu.enqueue_dma source(%dma_start3A_762 : memref<80xi32, #tpu.memory_space<hbm>>) target(%arg18 : memref<80xi32, #tpu.memory_space<vmem>>) target_semaphore(%arg27 : memref<!tpu.dma_semaphore, #tpu.memory_space<semaphore_mem>>)
        %add3A_763 = arith.constant 2 : i32
        %add3A_764 = arith.addi %mul3A_718, %add3A_763 : i32
        %add3A_765 = arith.constant 3 : i32
        %add3A_766 = arith.addi %add3A_764, %add3A_765 : i32
        %mul3A_767 = arith.constant 10000 : i32
        %mul3A_768 = arith.muli %add3A, %mul3A_767 : i32
        %mul3A_769 = arith.constant 80 : i32
        %mul3A_770 = arith.muli %add3A_766, %mul3A_769 : i32
        %add3A_771 = arith.addi %mul3A_768, %mul3A_770 : i32
        %dma_wait3A_772 = tpu.memref_slice %arg4[%add3A_771] : memref<320000xi32, #tpu.memory_space<hbm>> -> memref<80xi32, #tpu.memory_space<hbm>>
        %dma_wait3A_773 = tpu.memref_slice %arg4[%add3A_771] : memref<320000xi32, #tpu.memory_space<hbm>> -> memref<80xi32, #tpu.memory_space<hbm>>
        tpu.wait_dma2 semaphore(%arg27 : memref<!tpu.dma_semaphore, #tpu.memory_space<semaphore_mem>>) src(%dma_wait3A_773 : memref<80xi32, #tpu.memory_space<hbm>>) dst(%arg18 : memref<80xi32, #tpu.memory_space<vmem>>)
        %dma_start3A_774 = arith.constant 0 : i32
        %dma_start3A_775 = arith.constant 0 : i32
        %dma_start3A_776 = tpu.memref_slice %arg9[%dma_start3A_774, %dma_start3A_775] : memref<10240x128xf32, #tpu.memory_space<vmem_shared>> -> memref<10240x128xf32, #tpu.memory_space<vmem_shared>>
        tpu.enqueue_indirect_dma source(%arg10 : memref<80x128xf32, #tpu.memory_space<vmem>>) target(%dma_start3A_776 : memref<10240x128xf32, #tpu.memory_space<vmem_shared>>) offsets(%arg18 : memref<80xi32, #tpu.memory_space<vmem>>) semaphore(%arg24 : memref<!tpu.dma_semaphore, #tpu.memory_space<semaphore_mem>>) {add = true}
      } else {
      }
    }
    %scan3A_144 = arith.constant 41 : i32
    %dma_wait3A_145 = arith.constant 0 : i32
    %dma_wait3A_146 = arith.constant 0 : i32
    %dma_wait3A_147 = tpu.memref_slice %arg9[%dma_wait3A_145, %dma_wait3A_146] : memref<10240x128xf32, #tpu.memory_space<vmem_shared>> -> memref<10240x128xf32, #tpu.memory_space<vmem_shared>>
    tpu.wait_indirect_dma semaphore(%arg22 : memref<!tpu.dma_semaphore, #tpu.memory_space<semaphore_mem>>) src(%arg10 : memref<80x128xf32, #tpu.memory_space<vmem>>) dst(%dma_wait3A_147 : memref<10240x128xf32, #tpu.memory_space<vmem_shared>>)
    %dma_wait3A_148 = arith.constant 0 : i32
    %dma_wait3A_149 = arith.constant 0 : i32
    %dma_wait3A_150 = tpu.memref_slice %arg9[%dma_wait3A_148, %dma_wait3A_149] : memref<10240x128xf32, #tpu.memory_space<vmem_shared>> -> memref<10240x128xf32, #tpu.memory_space<vmem_shared>>
    tpu.wait_indirect_dma semaphore(%arg23 : memref<!tpu.dma_semaphore, #tpu.memory_space<semaphore_mem>>) src(%arg10 : memref<80x128xf32, #tpu.memory_space<vmem>>) dst(%dma_wait3A_150 : memref<10240x128xf32, #tpu.memory_space<vmem_shared>>)
    %barrier3A_151 = arith.constant 0 : index
    tpu.barrier barrier_id(%barrier3A_151)
    %mul3A_152 = arith.constant 640 : i32
    %mul3A_153 = arith.muli %arg1, %mul3A_152 : i32
    %add3A_154 = arith.constant 0 : i32
    %add3A_155 = arith.addi %mul3A_153, %add3A_154 : i32
    %mul3A_156 = arith.constant 640 : i32
    %mul3A_157 = arith.muli %arg1, %mul3A_156 : i32
    %add3A_158 = arith.constant 80 : i32
    %add3A_159 = arith.addi %mul3A_157, %add3A_158 : i32
    %mul3A_160 = arith.constant 640 : i32
    %mul3A_161 = arith.muli %arg1, %mul3A_160 : i32
    %add3A_162 = arith.constant 160 : i32
    %add3A_163 = arith.addi %mul3A_161, %add3A_162 : i32
    %mul3A_164 = arith.constant 640 : i32
    %mul3A_165 = arith.muli %arg1, %mul3A_164 : i32
    %add3A_166 = arith.constant 240 : i32
    %add3A_167 = arith.addi %mul3A_165, %add3A_166 : i32
    %mul3A_168 = arith.constant 640 : i32
    %mul3A_169 = arith.muli %arg1, %mul3A_168 : i32
    %add3A_170 = arith.constant 320 : i32
    %add3A_171 = arith.addi %mul3A_169, %add3A_170 : i32
    %mul3A_172 = arith.constant 640 : i32
    %mul3A_173 = arith.muli %arg1, %mul3A_172 : i32
    %add3A_174 = arith.constant 400 : i32
    %add3A_175 = arith.addi %mul3A_173, %add3A_174 : i32
    %mul3A_176 = arith.constant 640 : i32
    %mul3A_177 = arith.muli %arg1, %mul3A_176 : i32
    %add3A_178 = arith.constant 480 : i32
    %add3A_179 = arith.addi %mul3A_177, %add3A_178 : i32
    %mul3A_180 = arith.constant 640 : i32
    %mul3A_181 = arith.muli %arg1, %mul3A_180 : i32
    %add3A_182 = arith.constant 560 : i32
    %add3A_183 = arith.addi %mul3A_181, %add3A_182 : i32
    %mul3A_184 = arith.constant 640 : i32
    %mul3A_185 = arith.muli %add3A, %mul3A_184 : i32
    %add3A_186 = arith.constant 0 : i32
    %add3A_187 = arith.addi %mul3A_185, %add3A_186 : i32
    %mul3A_188 = arith.constant 640 : i32
    %mul3A_189 = arith.muli %add3A, %mul3A_188 : i32
    %add3A_190 = arith.constant 80 : i32
    %add3A_191 = arith.addi %mul3A_189, %add3A_190 : i32
    %mul3A_192 = arith.constant 640 : i32
    %mul3A_193 = arith.muli %add3A, %mul3A_192 : i32
    %add3A_194 = arith.constant 160 : i32
    %add3A_195 = arith.addi %mul3A_193, %add3A_194 : i32
    %mul3A_196 = arith.constant 640 : i32
    %mul3A_197 = arith.muli %add3A, %mul3A_196 : i32
    %add3A_198 = arith.constant 240 : i32
    %add3A_199 = arith.addi %mul3A_197, %add3A_198 : i32
    %mul3A_200 = arith.constant 640 : i32
    %mul3A_201 = arith.muli %add3A, %mul3A_200 : i32
    %add3A_202 = arith.constant 320 : i32
    %add3A_203 = arith.addi %mul3A_201, %add3A_202 : i32
    %mul3A_204 = arith.constant 640 : i32
    %mul3A_205 = arith.muli %add3A, %mul3A_204 : i32
    %add3A_206 = arith.constant 400 : i32
    %add3A_207 = arith.addi %mul3A_205, %add3A_206 : i32
    %mul3A_208 = arith.constant 640 : i32
    %mul3A_209 = arith.muli %add3A, %mul3A_208 : i32
    %add3A_210 = arith.constant 480 : i32
    %add3A_211 = arith.addi %mul3A_209, %add3A_210 : i32
    %mul3A_212 = arith.constant 640 : i32
    %mul3A_213 = arith.muli %add3A, %mul3A_212 : i32
    %add3A_214 = arith.constant 560 : i32
    %add3A_215 = arith.addi %mul3A_213, %add3A_214 : i32
    %dma_start3A_216 = arith.constant 0 : i32
    %dma_start3A_217 = tpu.memref_slice %arg9[%add3A_155, %dma_start3A_216] : memref<10240x128xf32, #tpu.memory_space<vmem_shared>> -> memref<80x128xf32, #tpu.memory_space<vmem_shared>>
    %dma_start3A_218 = arith.constant 0 : i32
    %dma_start3A_219 = tpu.memref_slice %arg9[%add3A_155, %dma_start3A_218] : memref<10240x128xf32, #tpu.memory_space<vmem_shared>> -> memref<80x128xf32, #tpu.memory_space<vmem_shared>>
    tpu.enqueue_dma source(%dma_start3A_219 : memref<80x128xf32, #tpu.memory_space<vmem_shared>>) target(%arg10 : memref<80x128xf32, #tpu.memory_space<vmem>>) target_semaphore(%arg19 : memref<!tpu.dma_semaphore, #tpu.memory_space<semaphore_mem>>)
    %dma_wait3A_220 = arith.constant 0 : i32
    %dma_wait3A_221 = tpu.memref_slice %arg9[%add3A_155, %dma_wait3A_220] : memref<10240x128xf32, #tpu.memory_space<vmem_shared>> -> memref<80x128xf32, #tpu.memory_space<vmem_shared>>
    %dma_wait3A_222 = arith.constant 0 : i32
    %dma_wait3A_223 = tpu.memref_slice %arg9[%add3A_155, %dma_wait3A_222] : memref<10240x128xf32, #tpu.memory_space<vmem_shared>> -> memref<80x128xf32, #tpu.memory_space<vmem_shared>>
    tpu.wait_dma2 semaphore(%arg19 : memref<!tpu.dma_semaphore, #tpu.memory_space<semaphore_mem>>) src(%dma_wait3A_223 : memref<80x128xf32, #tpu.memory_space<vmem_shared>>) dst(%arg10 : memref<80x128xf32, #tpu.memory_space<vmem>>)
    %dma_start3A_224 = arith.constant 0 : i32
    %dma_start3A_225 = tpu.memref_slice %arg8[%add3A_187, %dma_start3A_224] : memref<20480x128xf32, #tpu.memory_space<hbm>> -> memref<80x128xf32, #tpu.memory_space<hbm>>
    %dma_start3A_226 = arith.constant 0 : i32
    %dma_start3A_227 = tpu.memref_slice %arg8[%add3A_187, %dma_start3A_226] : memref<20480x128xf32, #tpu.memory_space<hbm>> -> memref<80x128xf32, #tpu.memory_space<hbm>>
    tpu.enqueue_dma source(%arg10 : memref<80x128xf32, #tpu.memory_space<vmem>>) target(%dma_start3A_227 : memref<80x128xf32, #tpu.memory_space<hbm>>) target_semaphore(%arg22 : memref<!tpu.dma_semaphore, #tpu.memory_space<semaphore_mem>>)
    %dma_start3A_228 = arith.constant 0 : i32
    %dma_start3A_229 = tpu.memref_slice %arg9[%add3A_159, %dma_start3A_228] : memref<10240x128xf32, #tpu.memory_space<vmem_shared>> -> memref<80x128xf32, #tpu.memory_space<vmem_shared>>
    %dma_start3A_230 = arith.constant 0 : i32
    %dma_start3A_231 = tpu.memref_slice %arg9[%add3A_159, %dma_start3A_230] : memref<10240x128xf32, #tpu.memory_space<vmem_shared>> -> memref<80x128xf32, #tpu.memory_space<vmem_shared>>
    tpu.enqueue_dma source(%dma_start3A_231 : memref<80x128xf32, #tpu.memory_space<vmem_shared>>) target(%arg11 : memref<80x128xf32, #tpu.memory_space<vmem>>) target_semaphore(%arg20 : memref<!tpu.dma_semaphore, #tpu.memory_space<semaphore_mem>>)
    %dma_wait3A_232 = arith.constant 0 : i32
    %dma_wait3A_233 = tpu.memref_slice %arg9[%add3A_159, %dma_wait3A_232] : memref<10240x128xf32, #tpu.memory_space<vmem_shared>> -> memref<80x128xf32, #tpu.memory_space<vmem_shared>>
    %dma_wait3A_234 = arith.constant 0 : i32
    %dma_wait3A_235 = tpu.memref_slice %arg9[%add3A_159, %dma_wait3A_234] : memref<10240x128xf32, #tpu.memory_space<vmem_shared>> -> memref<80x128xf32, #tpu.memory_space<vmem_shared>>
    tpu.wait_dma2 semaphore(%arg20 : memref<!tpu.dma_semaphore, #tpu.memory_space<semaphore_mem>>) src(%dma_wait3A_235 : memref<80x128xf32, #tpu.memory_space<vmem_shared>>) dst(%arg11 : memref<80x128xf32, #tpu.memory_space<vmem>>)
    %dma_start3A_236 = arith.constant 0 : i32
    %dma_start3A_237 = tpu.memref_slice %arg8[%add3A_191, %dma_start3A_236] : memref<20480x128xf32, #tpu.memory_space<hbm>> -> memref<80x128xf32, #tpu.memory_space<hbm>>
    %dma_start3A_238 = arith.constant 0 : i32
    %dma_start3A_239 = tpu.memref_slice %arg8[%add3A_191, %dma_start3A_238] : memref<20480x128xf32, #tpu.memory_space<hbm>> -> memref<80x128xf32, #tpu.memory_space<hbm>>
    tpu.enqueue_dma source(%arg11 : memref<80x128xf32, #tpu.memory_space<vmem>>) target(%dma_start3A_239 : memref<80x128xf32, #tpu.memory_space<hbm>>) target_semaphore(%arg23 : memref<!tpu.dma_semaphore, #tpu.memory_space<semaphore_mem>>)
    %dma_wait3A_240 = arith.constant 0 : i32
    %dma_wait3A_241 = tpu.memref_slice %arg8[%add3A_187, %dma_wait3A_240] : memref<20480x128xf32, #tpu.memory_space<hbm>> -> memref<80x128xf32, #tpu.memory_space<hbm>>
    %dma_wait3A_242 = arith.constant 0 : i32
    %dma_wait3A_243 = tpu.memref_slice %arg8[%add3A_187, %dma_wait3A_242] : memref<20480x128xf32, #tpu.memory_space<hbm>> -> memref<80x128xf32, #tpu.memory_space<hbm>>
    tpu.wait_dma2 semaphore(%arg22 : memref<!tpu.dma_semaphore, #tpu.memory_space<semaphore_mem>>) src(%arg10 : memref<80x128xf32, #tpu.memory_space<vmem>>) dst(%dma_wait3A_243 : memref<80x128xf32, #tpu.memory_space<hbm>>)
    %dma_start3A_244 = arith.constant 0 : i32
    %dma_start3A_245 = tpu.memref_slice %arg9[%add3A_163, %dma_start3A_244] : memref<10240x128xf32, #tpu.memory_space<vmem_shared>> -> memref<80x128xf32, #tpu.memory_space<vmem_shared>>
    %dma_start3A_246 = arith.constant 0 : i32
    %dma_start3A_247 = tpu.memref_slice %arg9[%add3A_163, %dma_start3A_246] : memref<10240x128xf32, #tpu.memory_space<vmem_shared>> -> memref<80x128xf32, #tpu.memory_space<vmem_shared>>
    tpu.enqueue_dma source(%dma_start3A_247 : memref<80x128xf32, #tpu.memory_space<vmem_shared>>) target(%arg10 : memref<80x128xf32, #tpu.memory_space<vmem>>) target_semaphore(%arg19 : memref<!tpu.dma_semaphore, #tpu.memory_space<semaphore_mem>>)
    %dma_wait3A_248 = arith.constant 0 : i32
    %dma_wait3A_249 = tpu.memref_slice %arg9[%add3A_163, %dma_wait3A_248] : memref<10240x128xf32, #tpu.memory_space<vmem_shared>> -> memref<80x128xf32, #tpu.memory_space<vmem_shared>>
    %dma_wait3A_250 = arith.constant 0 : i32
    %dma_wait3A_251 = tpu.memref_slice %arg9[%add3A_163, %dma_wait3A_250] : memref<10240x128xf32, #tpu.memory_space<vmem_shared>> -> memref<80x128xf32, #tpu.memory_space<vmem_shared>>
    tpu.wait_dma2 semaphore(%arg19 : memref<!tpu.dma_semaphore, #tpu.memory_space<semaphore_mem>>) src(%dma_wait3A_251 : memref<80x128xf32, #tpu.memory_space<vmem_shared>>) dst(%arg10 : memref<80x128xf32, #tpu.memory_space<vmem>>)
    %dma_start3A_252 = arith.constant 0 : i32
    %dma_start3A_253 = tpu.memref_slice %arg8[%add3A_195, %dma_start3A_252] : memref<20480x128xf32, #tpu.memory_space<hbm>> -> memref<80x128xf32, #tpu.memory_space<hbm>>
    %dma_start3A_254 = arith.constant 0 : i32
    %dma_start3A_255 = tpu.memref_slice %arg8[%add3A_195, %dma_start3A_254] : memref<20480x128xf32, #tpu.memory_space<hbm>> -> memref<80x128xf32, #tpu.memory_space<hbm>>
    tpu.enqueue_dma source(%arg10 : memref<80x128xf32, #tpu.memory_space<vmem>>) target(%dma_start3A_255 : memref<80x128xf32, #tpu.memory_space<hbm>>) target_semaphore(%arg22 : memref<!tpu.dma_semaphore, #tpu.memory_space<semaphore_mem>>)
    %dma_wait3A_256 = arith.constant 0 : i32
    %dma_wait3A_257 = tpu.memref_slice %arg8[%add3A_191, %dma_wait3A_256] : memref<20480x128xf32, #tpu.memory_space<hbm>> -> memref<80x128xf32, #tpu.memory_space<hbm>>
    %dma_wait3A_258 = arith.constant 0 : i32
    %dma_wait3A_259 = tpu.memref_slice %arg8[%add3A_191, %dma_wait3A_258] : memref<20480x128xf32, #tpu.memory_space<hbm>> -> memref<80x128xf32, #tpu.memory_space<hbm>>
    tpu.wait_dma2 semaphore(%arg23 : memref<!tpu.dma_semaphore, #tpu.memory_space<semaphore_mem>>) src(%arg11 : memref<80x128xf32, #tpu.memory_space<vmem>>) dst(%dma_wait3A_259 : memref<80x128xf32, #tpu.memory_space<hbm>>)
    %dma_start3A_260 = arith.constant 0 : i32
    %dma_start3A_261 = tpu.memref_slice %arg9[%add3A_167, %dma_start3A_260] : memref<10240x128xf32, #tpu.memory_space<vmem_shared>> -> memref<80x128xf32, #tpu.memory_space<vmem_shared>>
    %dma_start3A_262 = arith.constant 0 : i32
    %dma_start3A_263 = tpu.memref_slice %arg9[%add3A_167, %dma_start3A_262] : memref<10240x128xf32, #tpu.memory_space<vmem_shared>> -> memref<80x128xf32, #tpu.memory_space<vmem_shared>>
    tpu.enqueue_dma source(%dma_start3A_263 : memref<80x128xf32, #tpu.memory_space<vmem_shared>>) target(%arg11 : memref<80x128xf32, #tpu.memory_space<vmem>>) target_semaphore(%arg20 : memref<!tpu.dma_semaphore, #tpu.memory_space<semaphore_mem>>)
    %dma_wait3A_264 = arith.constant 0 : i32
    %dma_wait3A_265 = tpu.memref_slice %arg9[%add3A_167, %dma_wait3A_264] : memref<10240x128xf32, #tpu.memory_space<vmem_shared>> -> memref<80x128xf32, #tpu.memory_space<vmem_shared>>
    %dma_wait3A_266 = arith.constant 0 : i32
    %dma_wait3A_267 = tpu.memref_slice %arg9[%add3A_167, %dma_wait3A_266] : memref<10240x128xf32, #tpu.memory_space<vmem_shared>> -> memref<80x128xf32, #tpu.memory_space<vmem_shared>>
    tpu.wait_dma2 semaphore(%arg20 : memref<!tpu.dma_semaphore, #tpu.memory_space<semaphore_mem>>) src(%dma_wait3A_267 : memref<80x128xf32, #tpu.memory_space<vmem_shared>>) dst(%arg11 : memref<80x128xf32, #tpu.memory_space<vmem>>)
    %dma_start3A_268 = arith.constant 0 : i32
    %dma_start3A_269 = tpu.memref_slice %arg8[%add3A_199, %dma_start3A_268] : memref<20480x128xf32, #tpu.memory_space<hbm>> -> memref<80x128xf32, #tpu.memory_space<hbm>>
    %dma_start3A_270 = arith.constant 0 : i32
    %dma_start3A_271 = tpu.memref_slice %arg8[%add3A_199, %dma_start3A_270] : memref<20480x128xf32, #tpu.memory_space<hbm>> -> memref<80x128xf32, #tpu.memory_space<hbm>>
    tpu.enqueue_dma source(%arg11 : memref<80x128xf32, #tpu.memory_space<vmem>>) target(%dma_start3A_271 : memref<80x128xf32, #tpu.memory_space<hbm>>) target_semaphore(%arg23 : memref<!tpu.dma_semaphore, #tpu.memory_space<semaphore_mem>>)
    %dma_wait3A_272 = arith.constant 0 : i32
    %dma_wait3A_273 = tpu.memref_slice %arg8[%add3A_195, %dma_wait3A_272] : memref<20480x128xf32, #tpu.memory_space<hbm>> -> memref<80x128xf32, #tpu.memory_space<hbm>>
    %dma_wait3A_274 = arith.constant 0 : i32
    %dma_wait3A_275 = tpu.memref_slice %arg8[%add3A_195, %dma_wait3A_274] : memref<20480x128xf32, #tpu.memory_space<hbm>> -> memref<80x128xf32, #tpu.memory_space<hbm>>
    tpu.wait_dma2 semaphore(%arg22 : memref<!tpu.dma_semaphore, #tpu.memory_space<semaphore_mem>>) src(%arg10 : memref<80x128xf32, #tpu.memory_space<vmem>>) dst(%dma_wait3A_275 : memref<80x128xf32, #tpu.memory_space<hbm>>)
    %dma_start3A_276 = arith.constant 0 : i32
    %dma_start3A_277 = tpu.memref_slice %arg9[%add3A_171, %dma_start3A_276] : memref<10240x128xf32, #tpu.memory_space<vmem_shared>> -> memref<80x128xf32, #tpu.memory_space<vmem_shared>>
    %dma_start3A_278 = arith.constant 0 : i32
    %dma_start3A_279 = tpu.memref_slice %arg9[%add3A_171, %dma_start3A_278] : memref<10240x128xf32, #tpu.memory_space<vmem_shared>> -> memref<80x128xf32, #tpu.memory_space<vmem_shared>>
    tpu.enqueue_dma source(%dma_start3A_279 : memref<80x128xf32, #tpu.memory_space<vmem_shared>>) target(%arg10 : memref<80x128xf32, #tpu.memory_space<vmem>>) target_semaphore(%arg19 : memref<!tpu.dma_semaphore, #tpu.memory_space<semaphore_mem>>)
    %dma_wait3A_280 = arith.constant 0 : i32
    %dma_wait3A_281 = tpu.memref_slice %arg9[%add3A_171, %dma_wait3A_280] : memref<10240x128xf32, #tpu.memory_space<vmem_shared>> -> memref<80x128xf32, #tpu.memory_space<vmem_shared>>
    %dma_wait3A_282 = arith.constant 0 : i32
    %dma_wait3A_283 = tpu.memref_slice %arg9[%add3A_171, %dma_wait3A_282] : memref<10240x128xf32, #tpu.memory_space<vmem_shared>> -> memref<80x128xf32, #tpu.memory_space<vmem_shared>>
    tpu.wait_dma2 semaphore(%arg19 : memref<!tpu.dma_semaphore, #tpu.memory_space<semaphore_mem>>) src(%dma_wait3A_283 : memref<80x128xf32, #tpu.memory_space<vmem_shared>>) dst(%arg10 : memref<80x128xf32, #tpu.memory_space<vmem>>)
    %dma_start3A_284 = arith.constant 0 : i32
    %dma_start3A_285 = tpu.memref_slice %arg8[%add3A_203, %dma_start3A_284] : memref<20480x128xf32, #tpu.memory_space<hbm>> -> memref<80x128xf32, #tpu.memory_space<hbm>>
    %dma_start3A_286 = arith.constant 0 : i32
    %dma_start3A_287 = tpu.memref_slice %arg8[%add3A_203, %dma_start3A_286] : memref<20480x128xf32, #tpu.memory_space<hbm>> -> memref<80x128xf32, #tpu.memory_space<hbm>>
    tpu.enqueue_dma source(%arg10 : memref<80x128xf32, #tpu.memory_space<vmem>>) target(%dma_start3A_287 : memref<80x128xf32, #tpu.memory_space<hbm>>) target_semaphore(%arg22 : memref<!tpu.dma_semaphore, #tpu.memory_space<semaphore_mem>>)
    %dma_wait3A_288 = arith.constant 0 : i32
    %dma_wait3A_289 = tpu.memref_slice %arg8[%add3A_199, %dma_wait3A_288] : memref<20480x128xf32, #tpu.memory_space<hbm>> -> memref<80x128xf32, #tpu.memory_space<hbm>>
    %dma_wait3A_290 = arith.constant 0 : i32
    %dma_wait3A_291 = tpu.memref_slice %arg8[%add3A_199, %dma_wait3A_290] : memref<20480x128xf32, #tpu.memory_space<hbm>> -> memref<80x128xf32, #tpu.memory_space<hbm>>
    tpu.wait_dma2 semaphore(%arg23 : memref<!tpu.dma_semaphore, #tpu.memory_space<semaphore_mem>>) src(%arg11 : memref<80x128xf32, #tpu.memory_space<vmem>>) dst(%dma_wait3A_291 : memref<80x128xf32, #tpu.memory_space<hbm>>)
    %dma_start3A_292 = arith.constant 0 : i32
    %dma_start3A_293 = tpu.memref_slice %arg9[%add3A_175, %dma_start3A_292] : memref<10240x128xf32, #tpu.memory_space<vmem_shared>> -> memref<80x128xf32, #tpu.memory_space<vmem_shared>>
    %dma_start3A_294 = arith.constant 0 : i32
    %dma_start3A_295 = tpu.memref_slice %arg9[%add3A_175, %dma_start3A_294] : memref<10240x128xf32, #tpu.memory_space<vmem_shared>> -> memref<80x128xf32, #tpu.memory_space<vmem_shared>>
    tpu.enqueue_dma source(%dma_start3A_295 : memref<80x128xf32, #tpu.memory_space<vmem_shared>>) target(%arg11 : memref<80x128xf32, #tpu.memory_space<vmem>>) target_semaphore(%arg20 : memref<!tpu.dma_semaphore, #tpu.memory_space<semaphore_mem>>)
    %dma_wait3A_296 = arith.constant 0 : i32
    %dma_wait3A_297 = tpu.memref_slice %arg9[%add3A_175, %dma_wait3A_296] : memref<10240x128xf32, #tpu.memory_space<vmem_shared>> -> memref<80x128xf32, #tpu.memory_space<vmem_shared>>
    %dma_wait3A_298 = arith.constant 0 : i32
    %dma_wait3A_299 = tpu.memref_slice %arg9[%add3A_175, %dma_wait3A_298] : memref<10240x128xf32, #tpu.memory_space<vmem_shared>> -> memref<80x128xf32, #tpu.memory_space<vmem_shared>>
    tpu.wait_dma2 semaphore(%arg20 : memref<!tpu.dma_semaphore, #tpu.memory_space<semaphore_mem>>) src(%dma_wait3A_299 : memref<80x128xf32, #tpu.memory_space<vmem_shared>>) dst(%arg11 : memref<80x128xf32, #tpu.memory_space<vmem>>)
    %dma_start3A_300 = arith.constant 0 : i32
    %dma_start3A_301 = tpu.memref_slice %arg8[%add3A_207, %dma_start3A_300] : memref<20480x128xf32, #tpu.memory_space<hbm>> -> memref<80x128xf32, #tpu.memory_space<hbm>>
    %dma_start3A_302 = arith.constant 0 : i32
    %dma_start3A_303 = tpu.memref_slice %arg8[%add3A_207, %dma_start3A_302] : memref<20480x128xf32, #tpu.memory_space<hbm>> -> memref<80x128xf32, #tpu.memory_space<hbm>>
    tpu.enqueue_dma source(%arg11 : memref<80x128xf32, #tpu.memory_space<vmem>>) target(%dma_start3A_303 : memref<80x128xf32, #tpu.memory_space<hbm>>) target_semaphore(%arg23 : memref<!tpu.dma_semaphore, #tpu.memory_space<semaphore_mem>>)
    %dma_wait3A_304 = arith.constant 0 : i32
    %dma_wait3A_305 = tpu.memref_slice %arg8[%add3A_203, %dma_wait3A_304] : memref<20480x128xf32, #tpu.memory_space<hbm>> -> memref<80x128xf32, #tpu.memory_space<hbm>>
    %dma_wait3A_306 = arith.constant 0 : i32
    %dma_wait3A_307 = tpu.memref_slice %arg8[%add3A_203, %dma_wait3A_306] : memref<20480x128xf32, #tpu.memory_space<hbm>> -> memref<80x128xf32, #tpu.memory_space<hbm>>
    tpu.wait_dma2 semaphore(%arg22 : memref<!tpu.dma_semaphore, #tpu.memory_space<semaphore_mem>>) src(%arg10 : memref<80x128xf32, #tpu.memory_space<vmem>>) dst(%dma_wait3A_307 : memref<80x128xf32, #tpu.memory_space<hbm>>)
    %dma_start3A_308 = arith.constant 0 : i32
    %dma_start3A_309 = tpu.memref_slice %arg9[%add3A_179, %dma_start3A_308] : memref<10240x128xf32, #tpu.memory_space<vmem_shared>> -> memref<80x128xf32, #tpu.memory_space<vmem_shared>>
    %dma_start3A_310 = arith.constant 0 : i32
    %dma_start3A_311 = tpu.memref_slice %arg9[%add3A_179, %dma_start3A_310] : memref<10240x128xf32, #tpu.memory_space<vmem_shared>> -> memref<80x128xf32, #tpu.memory_space<vmem_shared>>
    tpu.enqueue_dma source(%dma_start3A_311 : memref<80x128xf32, #tpu.memory_space<vmem_shared>>) target(%arg10 : memref<80x128xf32, #tpu.memory_space<vmem>>) target_semaphore(%arg19 : memref<!tpu.dma_semaphore, #tpu.memory_space<semaphore_mem>>)
    %dma_wait3A_312 = arith.constant 0 : i32
    %dma_wait3A_313 = tpu.memref_slice %arg9[%add3A_179, %dma_wait3A_312] : memref<10240x128xf32, #tpu.memory_space<vmem_shared>> -> memref<80x128xf32, #tpu.memory_space<vmem_shared>>
    %dma_wait3A_314 = arith.constant 0 : i32
    %dma_wait3A_315 = tpu.memref_slice %arg9[%add3A_179, %dma_wait3A_314] : memref<10240x128xf32, #tpu.memory_space<vmem_shared>> -> memref<80x128xf32, #tpu.memory_space<vmem_shared>>
    tpu.wait_dma2 semaphore(%arg19 : memref<!tpu.dma_semaphore, #tpu.memory_space<semaphore_mem>>) src(%dma_wait3A_315 : memref<80x128xf32, #tpu.memory_space<vmem_shared>>) dst(%arg10 : memref<80x128xf32, #tpu.memory_space<vmem>>)
    %dma_start3A_316 = arith.constant 0 : i32
    %dma_start3A_317 = tpu.memref_slice %arg8[%add3A_211, %dma_start3A_316] : memref<20480x128xf32, #tpu.memory_space<hbm>> -> memref<80x128xf32, #tpu.memory_space<hbm>>
    %dma_start3A_318 = arith.constant 0 : i32
    %dma_start3A_319 = tpu.memref_slice %arg8[%add3A_211, %dma_start3A_318] : memref<20480x128xf32, #tpu.memory_space<hbm>> -> memref<80x128xf32, #tpu.memory_space<hbm>>
    tpu.enqueue_dma source(%arg10 : memref<80x128xf32, #tpu.memory_space<vmem>>) target(%dma_start3A_319 : memref<80x128xf32, #tpu.memory_space<hbm>>) target_semaphore(%arg22 : memref<!tpu.dma_semaphore, #tpu.memory_space<semaphore_mem>>)
    %dma_wait3A_320 = arith.constant 0 : i32
    %dma_wait3A_321 = tpu.memref_slice %arg8[%add3A_207, %dma_wait3A_320] : memref<20480x128xf32, #tpu.memory_space<hbm>> -> memref<80x128xf32, #tpu.memory_space<hbm>>
    %dma_wait3A_322 = arith.constant 0 : i32
    %dma_wait3A_323 = tpu.memref_slice %arg8[%add3A_207, %dma_wait3A_322] : memref<20480x128xf32, #tpu.memory_space<hbm>> -> memref<80x128xf32, #tpu.memory_space<hbm>>
    tpu.wait_dma2 semaphore(%arg23 : memref<!tpu.dma_semaphore, #tpu.memory_space<semaphore_mem>>) src(%arg11 : memref<80x128xf32, #tpu.memory_space<vmem>>) dst(%dma_wait3A_323 : memref<80x128xf32, #tpu.memory_space<hbm>>)
    %dma_start3A_324 = arith.constant 0 : i32
    %dma_start3A_325 = tpu.memref_slice %arg9[%add3A_183, %dma_start3A_324] : memref<10240x128xf32, #tpu.memory_space<vmem_shared>> -> memref<80x128xf32, #tpu.memory_space<vmem_shared>>
    %dma_start3A_326 = arith.constant 0 : i32
    %dma_start3A_327 = tpu.memref_slice %arg9[%add3A_183, %dma_start3A_326] : memref<10240x128xf32, #tpu.memory_space<vmem_shared>> -> memref<80x128xf32, #tpu.memory_space<vmem_shared>>
    tpu.enqueue_dma source(%dma_start3A_327 : memref<80x128xf32, #tpu.memory_space<vmem_shared>>) target(%arg11 : memref<80x128xf32, #tpu.memory_space<vmem>>) target_semaphore(%arg20 : memref<!tpu.dma_semaphore, #tpu.memory_space<semaphore_mem>>)
    %dma_wait3A_328 = arith.constant 0 : i32
    %dma_wait3A_329 = tpu.memref_slice %arg9[%add3A_183, %dma_wait3A_328] : memref<10240x128xf32, #tpu.memory_space<vmem_shared>> -> memref<80x128xf32, #tpu.memory_space<vmem_shared>>
    %dma_wait3A_330 = arith.constant 0 : i32
    %dma_wait3A_331 = tpu.memref_slice %arg9[%add3A_183, %dma_wait3A_330] : memref<10240x128xf32, #tpu.memory_space<vmem_shared>> -> memref<80x128xf32, #tpu.memory_space<vmem_shared>>
    tpu.wait_dma2 semaphore(%arg20 : memref<!tpu.dma_semaphore, #tpu.memory_space<semaphore_mem>>) src(%dma_wait3A_331 : memref<80x128xf32, #tpu.memory_space<vmem_shared>>) dst(%arg11 : memref<80x128xf32, #tpu.memory_space<vmem>>)
    %dma_start3A_332 = arith.constant 0 : i32
    %dma_start3A_333 = tpu.memref_slice %arg8[%add3A_215, %dma_start3A_332] : memref<20480x128xf32, #tpu.memory_space<hbm>> -> memref<80x128xf32, #tpu.memory_space<hbm>>
    %dma_start3A_334 = arith.constant 0 : i32
    %dma_start3A_335 = tpu.memref_slice %arg8[%add3A_215, %dma_start3A_334] : memref<20480x128xf32, #tpu.memory_space<hbm>> -> memref<80x128xf32, #tpu.memory_space<hbm>>
    tpu.enqueue_dma source(%arg11 : memref<80x128xf32, #tpu.memory_space<vmem>>) target(%dma_start3A_335 : memref<80x128xf32, #tpu.memory_space<hbm>>) target_semaphore(%arg23 : memref<!tpu.dma_semaphore, #tpu.memory_space<semaphore_mem>>)
    %dma_wait3A_336 = arith.constant 0 : i32
    %dma_wait3A_337 = tpu.memref_slice %arg8[%add3A_211, %dma_wait3A_336] : memref<20480x128xf32, #tpu.memory_space<hbm>> -> memref<80x128xf32, #tpu.memory_space<hbm>>
    %dma_wait3A_338 = arith.constant 0 : i32
    %dma_wait3A_339 = tpu.memref_slice %arg8[%add3A_211, %dma_wait3A_338] : memref<20480x128xf32, #tpu.memory_space<hbm>> -> memref<80x128xf32, #tpu.memory_space<hbm>>
    tpu.wait_dma2 semaphore(%arg22 : memref<!tpu.dma_semaphore, #tpu.memory_space<semaphore_mem>>) src(%arg10 : memref<80x128xf32, #tpu.memory_space<vmem>>) dst(%dma_wait3A_339 : memref<80x128xf32, #tpu.memory_space<hbm>>)
    %dma_wait3A_340 = arith.constant 0 : i32
    %dma_wait3A_341 = tpu.memref_slice %arg8[%add3A_215, %dma_wait3A_340] : memref<20480x128xf32, #tpu.memory_space<hbm>> -> memref<80x128xf32, #tpu.memory_space<hbm>>
    %dma_wait3A_342 = arith.constant 0 : i32
    %dma_wait3A_343 = tpu.memref_slice %arg8[%add3A_215, %dma_wait3A_342] : memref<20480x128xf32, #tpu.memory_space<hbm>> -> memref<80x128xf32, #tpu.memory_space<hbm>>
    tpu.wait_dma2 semaphore(%arg23 : memref<!tpu.dma_semaphore, #tpu.memory_space<semaphore_mem>>) src(%arg11 : memref<80x128xf32, #tpu.memory_space<vmem>>) dst(%dma_wait3A_343 : memref<80x128xf32, #tpu.memory_space<hbm>>)
    %barrier3A_344 = arith.constant 0 : index
    tpu.barrier barrier_id(%barrier3A_344)
    "tpu.region"() ({
      %run_scoped3A = tpu.sem_alloc : memref<!tpu.dma_semaphore, #tpu.memory_space<semaphore_mem>>
      tpu.enqueue_dma source(%arg5 : memref<80x128xf32, #tpu.memory_space<hbm>>) target(%arg10 : memref<80x128xf32, #tpu.memory_space<vmem>>) target_semaphore(%run_scoped3A : memref<!tpu.dma_semaphore, #tpu.memory_space<semaphore_mem>>)
      tpu.wait_dma2 semaphore(%run_scoped3A : memref<!tpu.dma_semaphore, #tpu.memory_space<semaphore_mem>>) src(%arg5 : memref<80x128xf32, #tpu.memory_space<hbm>>) dst(%arg10 : memref<80x128xf32, #tpu.memory_space<vmem>>)
      tpu.yield
    }) : () -> ()
    %mul3A_345 = arith.constant 640 : i32
    %mul3A_346 = arith.muli %arg1, %mul3A_345 : i32
    %add3A_347 = arith.constant 0 : i32
    %add3A_348 = arith.addi %mul3A_346, %add3A_347 : i32
    %mul3A_349 = arith.constant 640 : i32
    %mul3A_350 = arith.muli %arg1, %mul3A_349 : i32
    %add3A_351 = arith.constant 80 : i32
    %add3A_352 = arith.addi %mul3A_350, %add3A_351 : i32
    %mul3A_353 = arith.constant 640 : i32
    %mul3A_354 = arith.muli %arg1, %mul3A_353 : i32
    %add3A_355 = arith.constant 160 : i32
    %add3A_356 = arith.addi %mul3A_354, %add3A_355 : i32
    %mul3A_357 = arith.constant 640 : i32
    %mul3A_358 = arith.muli %arg1, %mul3A_357 : i32
    %add3A_359 = arith.constant 240 : i32
    %add3A_360 = arith.addi %mul3A_358, %add3A_359 : i32
    %mul3A_361 = arith.constant 640 : i32
    %mul3A_362 = arith.muli %arg1, %mul3A_361 : i32
    %add3A_363 = arith.constant 320 : i32
    %add3A_364 = arith.addi %mul3A_362, %add3A_363 : i32
    %mul3A_365 = arith.constant 640 : i32
    %mul3A_366 = arith.muli %arg1, %mul3A_365 : i32
    %add3A_367 = arith.constant 400 : i32
    %add3A_368 = arith.addi %mul3A_366, %add3A_367 : i32
    %mul3A_369 = arith.constant 640 : i32
    %mul3A_370 = arith.muli %arg1, %mul3A_369 : i32
    %add3A_371 = arith.constant 480 : i32
    %add3A_372 = arith.addi %mul3A_370, %add3A_371 : i32
    %mul3A_373 = arith.constant 640 : i32
    %mul3A_374 = arith.muli %arg1, %mul3A_373 : i32
    %add3A_375 = arith.constant 560 : i32
    %add3A_376 = arith.addi %mul3A_374, %add3A_375 : i32
    %dma_start3A_377 = arith.constant 0 : i32
    %dma_start3A_378 = tpu.memref_slice %arg9[%add3A_348, %dma_start3A_377] : memref<10240x128xf32, #tpu.memory_space<vmem_shared>> -> memref<80x128xf32, #tpu.memory_space<vmem_shared>>
    %dma_start3A_379 = arith.constant 0 : i32
    %dma_start3A_380 = tpu.memref_slice %arg9[%add3A_348, %dma_start3A_379] : memref<10240x128xf32, #tpu.memory_space<vmem_shared>> -> memref<80x128xf32, #tpu.memory_space<vmem_shared>>
    tpu.enqueue_dma source(%arg10 : memref<80x128xf32, #tpu.memory_space<vmem>>) target(%dma_start3A_380 : memref<80x128xf32, #tpu.memory_space<vmem_shared>>) target_semaphore(%arg19 : memref<!tpu.dma_semaphore, #tpu.memory_space<semaphore_mem>>)
    %dma_start3A_381 = arith.constant 0 : i32
    %dma_start3A_382 = tpu.memref_slice %arg9[%add3A_352, %dma_start3A_381] : memref<10240x128xf32, #tpu.memory_space<vmem_shared>> -> memref<80x128xf32, #tpu.memory_space<vmem_shared>>
    %dma_start3A_383 = arith.constant 0 : i32
    %dma_start3A_384 = tpu.memref_slice %arg9[%add3A_352, %dma_start3A_383] : memref<10240x128xf32, #tpu.memory_space<vmem_shared>> -> memref<80x128xf32, #tpu.memory_space<vmem_shared>>
    tpu.enqueue_dma source(%arg10 : memref<80x128xf32, #tpu.memory_space<vmem>>) target(%dma_start3A_384 : memref<80x128xf32, #tpu.memory_space<vmem_shared>>) target_semaphore(%arg20 : memref<!tpu.dma_semaphore, #tpu.memory_space<semaphore_mem>>)
    %dma_start3A_385 = arith.constant 0 : i32
    %dma_start3A_386 = tpu.memref_slice %arg9[%add3A_356, %dma_start3A_385] : memref<10240x128xf32, #tpu.memory_space<vmem_shared>> -> memref<80x128xf32, #tpu.memory_space<vmem_shared>>
    %dma_start3A_387 = arith.constant 0 : i32
    %dma_start3A_388 = tpu.memref_slice %arg9[%add3A_356, %dma_start3A_387] : memref<10240x128xf32, #tpu.memory_space<vmem_shared>> -> memref<80x128xf32, #tpu.memory_space<vmem_shared>>
    tpu.enqueue_dma source(%arg10 : memref<80x128xf32, #tpu.memory_space<vmem>>) target(%dma_start3A_388 : memref<80x128xf32, #tpu.memory_space<vmem_shared>>) target_semaphore(%arg21 : memref<!tpu.dma_semaphore, #tpu.memory_space<semaphore_mem>>)
    %dma_start3A_389 = arith.constant 0 : i32
    %dma_start3A_390 = tpu.memref_slice %arg9[%add3A_360, %dma_start3A_389] : memref<10240x128xf32, #tpu.memory_space<vmem_shared>> -> memref<80x128xf32, #tpu.memory_space<vmem_shared>>
    %dma_start3A_391 = arith.constant 0 : i32
    %dma_start3A_392 = tpu.memref_slice %arg9[%add3A_360, %dma_start3A_391] : memref<10240x128xf32, #tpu.memory_space<vmem_shared>> -> memref<80x128xf32, #tpu.memory_space<vmem_shared>>
    tpu.enqueue_dma source(%arg10 : memref<80x128xf32, #tpu.memory_space<vmem>>) target(%dma_start3A_392 : memref<80x128xf32, #tpu.memory_space<vmem_shared>>) target_semaphore(%arg22 : memref<!tpu.dma_semaphore, #tpu.memory_space<semaphore_mem>>)
    %dma_start3A_393 = arith.constant 0 : i32
    %dma_start3A_394 = tpu.memref_slice %arg9[%add3A_364, %dma_start3A_393] : memref<10240x128xf32, #tpu.memory_space<vmem_shared>> -> memref<80x128xf32, #tpu.memory_space<vmem_shared>>
    %dma_start3A_395 = arith.constant 0 : i32
    %dma_start3A_396 = tpu.memref_slice %arg9[%add3A_364, %dma_start3A_395] : memref<10240x128xf32, #tpu.memory_space<vmem_shared>> -> memref<80x128xf32, #tpu.memory_space<vmem_shared>>
    tpu.enqueue_dma source(%arg10 : memref<80x128xf32, #tpu.memory_space<vmem>>) target(%dma_start3A_396 : memref<80x128xf32, #tpu.memory_space<vmem_shared>>) target_semaphore(%arg23 : memref<!tpu.dma_semaphore, #tpu.memory_space<semaphore_mem>>)
    %dma_start3A_397 = arith.constant 0 : i32
    %dma_start3A_398 = tpu.memref_slice %arg9[%add3A_368, %dma_start3A_397] : memref<10240x128xf32, #tpu.memory_space<vmem_shared>> -> memref<80x128xf32, #tpu.memory_space<vmem_shared>>
    %dma_start3A_399 = arith.constant 0 : i32
    %dma_start3A_400 = tpu.memref_slice %arg9[%add3A_368, %dma_start3A_399] : memref<10240x128xf32, #tpu.memory_space<vmem_shared>> -> memref<80x128xf32, #tpu.memory_space<vmem_shared>>
    tpu.enqueue_dma source(%arg10 : memref<80x128xf32, #tpu.memory_space<vmem>>) target(%dma_start3A_400 : memref<80x128xf32, #tpu.memory_space<vmem_shared>>) target_semaphore(%arg24 : memref<!tpu.dma_semaphore, #tpu.memory_space<semaphore_mem>>)
    %dma_start3A_401 = arith.constant 0 : i32
    %dma_start3A_402 = tpu.memref_slice %arg9[%add3A_372, %dma_start3A_401] : memref<10240x128xf32, #tpu.memory_space<vmem_shared>> -> memref<80x128xf32, #tpu.memory_space<vmem_shared>>
    %dma_start3A_403 = arith.constant 0 : i32
    %dma_start3A_404 = tpu.memref_slice %arg9[%add3A_372, %dma_start3A_403] : memref<10240x128xf32, #tpu.memory_space<vmem_shared>> -> memref<80x128xf32, #tpu.memory_space<vmem_shared>>
    tpu.enqueue_dma source(%arg10 : memref<80x128xf32, #tpu.memory_space<vmem>>) target(%dma_start3A_404 : memref<80x128xf32, #tpu.memory_space<vmem_shared>>) target_semaphore(%arg25 : memref<!tpu.dma_semaphore, #tpu.memory_space<semaphore_mem>>)
    %dma_start3A_405 = arith.constant 0 : i32
    %dma_start3A_406 = tpu.memref_slice %arg9[%add3A_376, %dma_start3A_405] : memref<10240x128xf32, #tpu.memory_space<vmem_shared>> -> memref<80x128xf32, #tpu.memory_space<vmem_shared>>
    %dma_start3A_407 = arith.constant 0 : i32
    %dma_start3A_408 = tpu.memref_slice %arg9[%add3A_376, %dma_start3A_407] : memref<10240x128xf32, #tpu.memory_space<vmem_shared>> -> memref<80x128xf32, #tpu.memory_space<vmem_shared>>
    tpu.enqueue_dma source(%arg10 : memref<80x128xf32, #tpu.memory_space<vmem>>) target(%dma_start3A_408 : memref<80x128xf32, #tpu.memory_space<vmem_shared>>) target_semaphore(%arg26 : memref<!tpu.dma_semaphore, #tpu.memory_space<semaphore_mem>>)
    %dma_wait3A_409 = arith.constant 0 : i32
    %dma_wait3A_410 = tpu.memref_slice %arg9[%add3A_348, %dma_wait3A_409] : memref<10240x128xf32, #tpu.memory_space<vmem_shared>> -> memref<80x128xf32, #tpu.memory_space<vmem_shared>>
    %dma_wait3A_411 = arith.constant 0 : i32
    %dma_wait3A_412 = tpu.memref_slice %arg9[%add3A_348, %dma_wait3A_411] : memref<10240x128xf32, #tpu.memory_space<vmem_shared>> -> memref<80x128xf32, #tpu.memory_space<vmem_shared>>
    tpu.wait_dma2 semaphore(%arg19 : memref<!tpu.dma_semaphore, #tpu.memory_space<semaphore_mem>>) src(%arg10 : memref<80x128xf32, #tpu.memory_space<vmem>>) dst(%dma_wait3A_412 : memref<80x128xf32, #tpu.memory_space<vmem_shared>>)
    %dma_wait3A_413 = arith.constant 0 : i32
    %dma_wait3A_414 = tpu.memref_slice %arg9[%add3A_352, %dma_wait3A_413] : memref<10240x128xf32, #tpu.memory_space<vmem_shared>> -> memref<80x128xf32, #tpu.memory_space<vmem_shared>>
    %dma_wait3A_415 = arith.constant 0 : i32
    %dma_wait3A_416 = tpu.memref_slice %arg9[%add3A_352, %dma_wait3A_415] : memref<10240x128xf32, #tpu.memory_space<vmem_shared>> -> memref<80x128xf32, #tpu.memory_space<vmem_shared>>
    tpu.wait_dma2 semaphore(%arg20 : memref<!tpu.dma_semaphore, #tpu.memory_space<semaphore_mem>>) src(%arg10 : memref<80x128xf32, #tpu.memory_space<vmem>>) dst(%dma_wait3A_416 : memref<80x128xf32, #tpu.memory_space<vmem_shared>>)
    %dma_wait3A_417 = arith.constant 0 : i32
    %dma_wait3A_418 = tpu.memref_slice %arg9[%add3A_356, %dma_wait3A_417] : memref<10240x128xf32, #tpu.memory_space<vmem_shared>> -> memref<80x128xf32, #tpu.memory_space<vmem_shared>>
    %dma_wait3A_419 = arith.constant 0 : i32
    %dma_wait3A_420 = tpu.memref_slice %arg9[%add3A_356, %dma_wait3A_419] : memref<10240x128xf32, #tpu.memory_space<vmem_shared>> -> memref<80x128xf32, #tpu.memory_space<vmem_shared>>
    tpu.wait_dma2 semaphore(%arg21 : memref<!tpu.dma_semaphore, #tpu.memory_space<semaphore_mem>>) src(%arg10 : memref<80x128xf32, #tpu.memory_space<vmem>>) dst(%dma_wait3A_420 : memref<80x128xf32, #tpu.memory_space<vmem_shared>>)
    %dma_wait3A_421 = arith.constant 0 : i32
    %dma_wait3A_422 = tpu.memref_slice %arg9[%add3A_360, %dma_wait3A_421] : memref<10240x128xf32, #tpu.memory_space<vmem_shared>> -> memref<80x128xf32, #tpu.memory_space<vmem_shared>>
    %dma_wait3A_423 = arith.constant 0 : i32
    %dma_wait3A_424 = tpu.memref_slice %arg9[%add3A_360, %dma_wait3A_423] : memref<10240x128xf32, #tpu.memory_space<vmem_shared>> -> memref<80x128xf32, #tpu.memory_space<vmem_shared>>
    tpu.wait_dma2 semaphore(%arg22 : memref<!tpu.dma_semaphore, #tpu.memory_space<semaphore_mem>>) src(%arg10 : memref<80x128xf32, #tpu.memory_space<vmem>>) dst(%dma_wait3A_424 : memref<80x128xf32, #tpu.memory_space<vmem_shared>>)
    %dma_wait3A_425 = arith.constant 0 : i32
    %dma_wait3A_426 = tpu.memref_slice %arg9[%add3A_364, %dma_wait3A_425] : memref<10240x128xf32, #tpu.memory_space<vmem_shared>> -> memref<80x128xf32, #tpu.memory_space<vmem_shared>>
    %dma_wait3A_427 = arith.constant 0 : i32
    %dma_wait3A_428 = tpu.memref_slice %arg9[%add3A_364, %dma_wait3A_427] : memref<10240x128xf32, #tpu.memory_space<vmem_shared>> -> memref<80x128xf32, #tpu.memory_space<vmem_shared>>
    tpu.wait_dma2 semaphore(%arg23 : memref<!tpu.dma_semaphore, #tpu.memory_space<semaphore_mem>>) src(%arg10 : memref<80x128xf32, #tpu.memory_space<vmem>>) dst(%dma_wait3A_428 : memref<80x128xf32, #tpu.memory_space<vmem_shared>>)
    %dma_wait3A_429 = arith.constant 0 : i32
    %dma_wait3A_430 = tpu.memref_slice %arg9[%add3A_368, %dma_wait3A_429] : memref<10240x128xf32, #tpu.memory_space<vmem_shared>> -> memref<80x128xf32, #tpu.memory_space<vmem_shared>>
    %dma_wait3A_431 = arith.constant 0 : i32
    %dma_wait3A_432 = tpu.memref_slice %arg9[%add3A_368, %dma_wait3A_431] : memref<10240x128xf32, #tpu.memory_space<vmem_shared>> -> memref<80x128xf32, #tpu.memory_space<vmem_shared>>
    tpu.wait_dma2 semaphore(%arg24 : memref<!tpu.dma_semaphore, #tpu.memory_space<semaphore_mem>>) src(%arg10 : memref<80x128xf32, #tpu.memory_space<vmem>>) dst(%dma_wait3A_432 : memref<80x128xf32, #tpu.memory_space<vmem_shared>>)
    %dma_wait3A_433 = arith.constant 0 : i32
    %dma_wait3A_434 = tpu.memref_slice %arg9[%add3A_372, %dma_wait3A_433] : memref<10240x128xf32, #tpu.memory_space<vmem_shared>> -> memref<80x128xf32, #tpu.memory_space<vmem_shared>>
    %dma_wait3A_435 = arith.constant 0 : i32
    %dma_wait3A_436 = tpu.memref_slice %arg9[%add3A_372, %dma_wait3A_435] : memref<10240x128xf32, #tpu.memory_space<vmem_shared>> -> memref<80x128xf32, #tpu.memory_space<vmem_shared>>
    tpu.wait_dma2 semaphore(%arg25 : memref<!tpu.dma_semaphore, #tpu.memory_space<semaphore_mem>>) src(%arg10 : memref<80x128xf32, #tpu.memory_space<vmem>>) dst(%dma_wait3A_436 : memref<80x128xf32, #tpu.memory_space<vmem_shared>>)
    %dma_wait3A_437 = arith.constant 0 : i32
    %dma_wait3A_438 = tpu.memref_slice %arg9[%add3A_376, %dma_wait3A_437] : memref<10240x128xf32, #tpu.memory_space<vmem_shared>> -> memref<80x128xf32, #tpu.memory_space<vmem_shared>>
    %dma_wait3A_439 = arith.constant 0 : i32
    %dma_wait3A_440 = tpu.memref_slice %arg9[%add3A_376, %dma_wait3A_439] : memref<10240x128xf32, #tpu.memory_space<vmem_shared>> -> memref<80x128xf32, #tpu.memory_space<vmem_shared>>
    tpu.wait_dma2 semaphore(%arg26 : memref<!tpu.dma_semaphore, #tpu.memory_space<semaphore_mem>>) src(%arg10 : memref<80x128xf32, #tpu.memory_space<vmem>>) dst(%dma_wait3A_440 : memref<80x128xf32, #tpu.memory_space<vmem_shared>>)
    %barrier3A_441 = arith.constant 0 : index
    tpu.barrier barrier_id(%barrier3A_441)
    %mul3A_442 = arith.constant 10000 : i32
    %mul3A_443 = arith.muli %add3A, %mul3A_442 : i32
    %add3A_444 = arith.constant 0 : i32
    %add3A_445 = arith.addi %mul3A_443, %add3A_444 : i32
    %dma_start3A_446 = tpu.memref_slice %arg3[%add3A_445] : memref<320000xi32, #tpu.memory_space<hbm>> -> memref<80xi32, #tpu.memory_space<hbm>>
    %dma_start3A_447 = tpu.memref_slice %arg3[%add3A_445] : memref<320000xi32, #tpu.memory_space<hbm>> -> memref<80xi32, #tpu.memory_space<hbm>>
    tpu.enqueue_dma source(%dma_start3A_447 : memref<80xi32, #tpu.memory_space<hbm>>) target(%arg13 : memref<80xi32, #tpu.memory_space<vmem>>) target_semaphore(%arg25 : memref<!tpu.dma_semaphore, #tpu.memory_space<semaphore_mem>>)
    %dma_start3A_448 = tpu.memref_slice %arg4[%add3A_445] : memref<320000xi32, #tpu.memory_space<hbm>> -> memref<80xi32, #tpu.memory_space<hbm>>
    %dma_start3A_449 = tpu.memref_slice %arg4[%add3A_445] : memref<320000xi32, #tpu.memory_space<hbm>> -> memref<80xi32, #tpu.memory_space<hbm>>
    tpu.enqueue_dma source(%dma_start3A_449 : memref<80xi32, #tpu.memory_space<hbm>>) target(%arg16 : memref<80xi32, #tpu.memory_space<vmem>>) target_semaphore(%arg25 : memref<!tpu.dma_semaphore, #tpu.memory_space<semaphore_mem>>)
    %mul3A_450 = arith.constant 10000 : i32
    %mul3A_451 = arith.muli %add3A, %mul3A_450 : i32
    %add3A_452 = arith.constant 80 : i32
    %add3A_453 = arith.addi %mul3A_451, %add3A_452 : i32
    %dma_start3A_454 = tpu.memref_slice %arg3[%add3A_453] : memref<320000xi32, #tpu.memory_space<hbm>> -> memref<80xi32, #tpu.memory_space<hbm>>
    %dma_start3A_455 = tpu.memref_slice %arg3[%add3A_453] : memref<320000xi32, #tpu.memory_space<hbm>> -> memref<80xi32, #tpu.memory_space<hbm>>
    tpu.enqueue_dma source(%dma_start3A_455 : memref<80xi32, #tpu.memory_space<hbm>>) target(%arg14 : memref<80xi32, #tpu.memory_space<vmem>>) target_semaphore(%arg26 : memref<!tpu.dma_semaphore, #tpu.memory_space<semaphore_mem>>)
    %dma_start3A_456 = tpu.memref_slice %arg4[%add3A_453] : memref<320000xi32, #tpu.memory_space<hbm>> -> memref<80xi32, #tpu.memory_space<hbm>>
    %dma_start3A_457 = tpu.memref_slice %arg4[%add3A_453] : memref<320000xi32, #tpu.memory_space<hbm>> -> memref<80xi32, #tpu.memory_space<hbm>>
    tpu.enqueue_dma source(%dma_start3A_457 : memref<80xi32, #tpu.memory_space<hbm>>) target(%arg17 : memref<80xi32, #tpu.memory_space<vmem>>) target_semaphore(%arg26 : memref<!tpu.dma_semaphore, #tpu.memory_space<semaphore_mem>>)
    %mul3A_458 = arith.constant 10000 : i32
    %mul3A_459 = arith.muli %add3A, %mul3A_458 : i32
    %add3A_460 = arith.constant 160 : i32
    %add3A_461 = arith.addi %mul3A_459, %add3A_460 : i32
    %dma_start3A_462 = tpu.memref_slice %arg3[%add3A_461] : memref<320000xi32, #tpu.memory_space<hbm>> -> memref<80xi32, #tpu.memory_space<hbm>>
    %dma_start3A_463 = tpu.memref_slice %arg3[%add3A_461] : memref<320000xi32, #tpu.memory_space<hbm>> -> memref<80xi32, #tpu.memory_space<hbm>>
    tpu.enqueue_dma source(%dma_start3A_463 : memref<80xi32, #tpu.memory_space<hbm>>) target(%arg15 : memref<80xi32, #tpu.memory_space<vmem>>) target_semaphore(%arg27 : memref<!tpu.dma_semaphore, #tpu.memory_space<semaphore_mem>>)
    %dma_start3A_464 = tpu.memref_slice %arg4[%add3A_461] : memref<320000xi32, #tpu.memory_space<hbm>> -> memref<80xi32, #tpu.memory_space<hbm>>
    %dma_start3A_465 = tpu.memref_slice %arg4[%add3A_461] : memref<320000xi32, #tpu.memory_space<hbm>> -> memref<80xi32, #tpu.memory_space<hbm>>
    tpu.enqueue_dma source(%dma_start3A_465 : memref<80xi32, #tpu.memory_space<hbm>>) target(%arg18 : memref<80xi32, #tpu.memory_space<vmem>>) target_semaphore(%arg27 : memref<!tpu.dma_semaphore, #tpu.memory_space<semaphore_mem>>)
    %mul3A_466 = arith.constant 10000 : i32
    %mul3A_467 = arith.muli %add3A, %mul3A_466 : i32
    %add3A_468 = arith.constant 0 : i32
    %add3A_469 = arith.addi %mul3A_467, %add3A_468 : i32
    %dma_wait3A_470 = tpu.memref_slice %arg3[%add3A_469] : memref<320000xi32, #tpu.memory_space<hbm>> -> memref<80xi32, #tpu.memory_space<hbm>>
    %dma_wait3A_471 = tpu.memref_slice %arg3[%add3A_469] : memref<320000xi32, #tpu.memory_space<hbm>> -> memref<80xi32, #tpu.memory_space<hbm>>
    tpu.wait_dma2 semaphore(%arg25 : memref<!tpu.dma_semaphore, #tpu.memory_space<semaphore_mem>>) src(%dma_wait3A_471 : memref<80xi32, #tpu.memory_space<hbm>>) dst(%arg13 : memref<80xi32, #tpu.memory_space<vmem>>)
    %dma_wait3A_472 = tpu.memref_slice %arg4[%add3A_469] : memref<320000xi32, #tpu.memory_space<hbm>> -> memref<80xi32, #tpu.memory_space<hbm>>
    %dma_wait3A_473 = tpu.memref_slice %arg4[%add3A_469] : memref<320000xi32, #tpu.memory_space<hbm>> -> memref<80xi32, #tpu.memory_space<hbm>>
    tpu.wait_dma2 semaphore(%arg25 : memref<!tpu.dma_semaphore, #tpu.memory_space<semaphore_mem>>) src(%dma_wait3A_473 : memref<80xi32, #tpu.memory_space<hbm>>) dst(%arg16 : memref<80xi32, #tpu.memory_space<vmem>>)
    %dma_start3A_474 = arith.constant 0 : i32
    %dma_start3A_475 = arith.constant 0 : i32
    %dma_start3A_476 = tpu.memref_slice %arg2[%dma_start3A_474, %dma_start3A_475] : memref<10000x128xf32, #tpu.memory_space<hbm>> -> memref<10000x128xf32, #tpu.memory_space<hbm>>
    tpu.enqueue_indirect_dma source(%dma_start3A_476 : memref<10000x128xf32, #tpu.memory_space<hbm>>) target(%arg10 : memref<80x128xf32, #tpu.memory_space<vmem>>) offsets(%arg13 : memref<80xi32, #tpu.memory_space<vmem>>) semaphore(%arg19 : memref<!tpu.dma_semaphore, #tpu.memory_space<semaphore_mem>>)
    %mul3A_477 = arith.constant 10000 : i32
    %mul3A_478 = arith.muli %add3A, %mul3A_477 : i32
    %add3A_479 = arith.constant 80 : i32
    %add3A_480 = arith.addi %mul3A_478, %add3A_479 : i32
    %dma_wait3A_481 = tpu.memref_slice %arg3[%add3A_480] : memref<320000xi32, #tpu.memory_space<hbm>> -> memref<80xi32, #tpu.memory_space<hbm>>
    %dma_wait3A_482 = tpu.memref_slice %arg3[%add3A_480] : memref<320000xi32, #tpu.memory_space<hbm>> -> memref<80xi32, #tpu.memory_space<hbm>>
    tpu.wait_dma2 semaphore(%arg26 : memref<!tpu.dma_semaphore, #tpu.memory_space<semaphore_mem>>) src(%dma_wait3A_482 : memref<80xi32, #tpu.memory_space<hbm>>) dst(%arg14 : memref<80xi32, #tpu.memory_space<vmem>>)
    %dma_wait3A_483 = tpu.memref_slice %arg4[%add3A_480] : memref<320000xi32, #tpu.memory_space<hbm>> -> memref<80xi32, #tpu.memory_space<hbm>>
    %dma_wait3A_484 = tpu.memref_slice %arg4[%add3A_480] : memref<320000xi32, #tpu.memory_space<hbm>> -> memref<80xi32, #tpu.memory_space<hbm>>
    tpu.wait_dma2 semaphore(%arg26 : memref<!tpu.dma_semaphore, #tpu.memory_space<semaphore_mem>>) src(%dma_wait3A_484 : memref<80xi32, #tpu.memory_space<hbm>>) dst(%arg17 : memref<80xi32, #tpu.memory_space<vmem>>)
    %dma_start3A_485 = arith.constant 0 : i32
    %dma_start3A_486 = arith.constant 0 : i32
    %dma_start3A_487 = tpu.memref_slice %arg2[%dma_start3A_485, %dma_start3A_486] : memref<10000x128xf32, #tpu.memory_space<hbm>> -> memref<10000x128xf32, #tpu.memory_space<hbm>>
    tpu.enqueue_indirect_dma source(%dma_start3A_487 : memref<10000x128xf32, #tpu.memory_space<hbm>>) target(%arg11 : memref<80x128xf32, #tpu.memory_space<vmem>>) offsets(%arg14 : memref<80xi32, #tpu.memory_space<vmem>>) semaphore(%arg20 : memref<!tpu.dma_semaphore, #tpu.memory_space<semaphore_mem>>)
    %mul3A_488 = arith.constant 10000 : i32
    %mul3A_489 = arith.muli %add3A, %mul3A_488 : i32
    %add3A_490 = arith.constant 160 : i32
    %add3A_491 = arith.addi %mul3A_489, %add3A_490 : i32
    %dma_wait3A_492 = tpu.memref_slice %arg3[%add3A_491] : memref<320000xi32, #tpu.memory_space<hbm>> -> memref<80xi32, #tpu.memory_space<hbm>>
    %dma_wait3A_493 = tpu.memref_slice %arg3[%add3A_491] : memref<320000xi32, #tpu.memory_space<hbm>> -> memref<80xi32, #tpu.memory_space<hbm>>
    tpu.wait_dma2 semaphore(%arg27 : memref<!tpu.dma_semaphore, #tpu.memory_space<semaphore_mem>>) src(%dma_wait3A_493 : memref<80xi32, #tpu.memory_space<hbm>>) dst(%arg15 : memref<80xi32, #tpu.memory_space<vmem>>)
    %dma_wait3A_494 = tpu.memref_slice %arg4[%add3A_491] : memref<320000xi32, #tpu.memory_space<hbm>> -> memref<80xi32, #tpu.memory_space<hbm>>
    %dma_wait3A_495 = tpu.memref_slice %arg4[%add3A_491] : memref<320000xi32, #tpu.memory_space<hbm>> -> memref<80xi32, #tpu.memory_space<hbm>>
    tpu.wait_dma2 semaphore(%arg27 : memref<!tpu.dma_semaphore, #tpu.memory_space<semaphore_mem>>) src(%dma_wait3A_495 : memref<80xi32, #tpu.memory_space<hbm>>) dst(%arg18 : memref<80xi32, #tpu.memory_space<vmem>>)
    %dma_start3A_496 = arith.constant 0 : i32
    %dma_start3A_497 = arith.constant 0 : i32
    %dma_start3A_498 = tpu.memref_slice %arg2[%dma_start3A_496, %dma_start3A_497] : memref<10000x128xf32, #tpu.memory_space<hbm>> -> memref<10000x128xf32, #tpu.memory_space<hbm>>
    tpu.enqueue_indirect_dma source(%dma_start3A_498 : memref<10000x128xf32, #tpu.memory_space<hbm>>) target(%arg12 : memref<80x128xf32, #tpu.memory_space<vmem>>) offsets(%arg15 : memref<80xi32, #tpu.memory_space<vmem>>) semaphore(%arg21 : memref<!tpu.dma_semaphore, #tpu.memory_space<semaphore_mem>>)
    %scan3A_499 = arith.constant 0 : i32
    %scan3A_500 = arith.constant 0 : i32
    %scan3A_501 = arith.constant 41 : i32
    %scan3A_502 = arith.addi %scan3A_500, %scan3A_501 : i32
    %scan3A_503 = arith.constant 1 : i32
    scf.for %scan3A_716 = %scan3A_500 to %scan3A_502 step %scan3A_503  : i32 {
      %mul3A_717 = arith.constant 3 : i32
      %mul3A_718 = arith.muli %scan3A_716, %mul3A_717 : i32
      %dma_wait3A_719 = arith.constant 0 : i32
      %dma_wait3A_720 = arith.constant 0 : i32
      %dma_wait3A_721 = tpu.memref_slice %arg2[%dma_wait3A_719, %dma_wait3A_720] : memref<10000x128xf32, #tpu.memory_space<hbm>> -> memref<10000x128xf32, #tpu.memory_space<hbm>>
      tpu.wait_indirect_dma semaphore(%arg19 : memref<!tpu.dma_semaphore, #tpu.memory_space<semaphore_mem>>) src(%dma_wait3A_721 : memref<10000x128xf32, #tpu.memory_space<hbm>>) dst(%arg10 : memref<80x128xf32, #tpu.memory_space<vmem>>)
      %dma_start3A_722 = arith.constant 0 : i32
      %dma_start3A_723 = arith.constant 0 : i32
      %dma_start3A_724 = tpu.memref_slice %arg9[%dma_start3A_722, %dma_start3A_723] : memref<10240x128xf32, #tpu.memory_space<vmem_shared>> -> memref<10240x128xf32, #tpu.memory_space<vmem_shared>>
      tpu.enqueue_indirect_dma source(%arg10 : memref<80x128xf32, #tpu.memory_space<vmem>>) target(%dma_start3A_724 : memref<10240x128xf32, #tpu.memory_space<vmem_shared>>) offsets(%arg16 : memref<80xi32, #tpu.memory_space<vmem>>) semaphore(%arg22 : memref<!tpu.dma_semaphore, #tpu.memory_space<semaphore_mem>>) {add = true}
      %dma_wait3A_725 = arith.constant 0 : i32
      %dma_wait3A_726 = arith.constant 0 : i32
      %dma_wait3A_727 = tpu.memref_slice %arg2[%dma_wait3A_725, %dma_wait3A_726] : memref<10000x128xf32, #tpu.memory_space<hbm>> -> memref<10000x128xf32, #tpu.memory_space<hbm>>
      tpu.wait_indirect_dma semaphore(%arg20 : memref<!tpu.dma_semaphore, #tpu.memory_space<semaphore_mem>>) src(%dma_wait3A_727 : memref<10000x128xf32, #tpu.memory_space<hbm>>) dst(%arg11 : memref<80x128xf32, #tpu.memory_space<vmem>>)
      %dma_start3A_728 = arith.constant 0 : i32
      %dma_start3A_729 = arith.constant 0 : i32
      %dma_start3A_730 = tpu.memref_slice %arg9[%dma_start3A_728, %dma_start3A_729] : memref<10240x128xf32, #tpu.memory_space<vmem_shared>> -> memref<10240x128xf32, #tpu.memory_space<vmem_shared>>
      tpu.enqueue_indirect_dma source(%arg11 : memref<80x128xf32, #tpu.memory_space<vmem>>) target(%dma_start3A_730 : memref<10240x128xf32, #tpu.memory_space<vmem_shared>>) offsets(%arg17 : memref<80xi32, #tpu.memory_space<vmem>>) semaphore(%arg23 : memref<!tpu.dma_semaphore, #tpu.memory_space<semaphore_mem>>) {add = true}
      %dma_wait3A_731 = arith.constant 0 : i32
      %dma_wait3A_732 = arith.constant 0 : i32
      %dma_wait3A_733 = tpu.memref_slice %arg2[%dma_wait3A_731, %dma_wait3A_732] : memref<10000x128xf32, #tpu.memory_space<hbm>> -> memref<10000x128xf32, #tpu.memory_space<hbm>>
      tpu.wait_indirect_dma semaphore(%arg21 : memref<!tpu.dma_semaphore, #tpu.memory_space<semaphore_mem>>) src(%dma_wait3A_733 : memref<10000x128xf32, #tpu.memory_space<hbm>>) dst(%arg12 : memref<80x128xf32, #tpu.memory_space<vmem>>)
      %dma_start3A_734 = arith.constant 0 : i32
      %dma_start3A_735 = arith.constant 0 : i32
      %dma_start3A_736 = tpu.memref_slice %arg9[%dma_start3A_734, %dma_start3A_735] : memref<10240x128xf32, #tpu.memory_space<vmem_shared>> -> memref<10240x128xf32, #tpu.memory_space<vmem_shared>>
      tpu.enqueue_indirect_dma source(%arg12 : memref<80x128xf32, #tpu.memory_space<vmem>>) target(%dma_start3A_736 : memref<10240x128xf32, #tpu.memory_space<vmem_shared>>) offsets(%arg18 : memref<80xi32, #tpu.memory_space<vmem>>) semaphore(%arg24 : memref<!tpu.dma_semaphore, #tpu.memory_space<semaphore_mem>>) {add = true}
      %dma_wait3A_737 = arith.constant 0 : i32
      %dma_wait3A_738 = arith.constant 0 : i32
      %dma_wait3A_739 = tpu.memref_slice %arg9[%dma_wait3A_737, %dma_wait3A_738] : memref<10240x128xf32, #tpu.memory_space<vmem_shared>> -> memref<10240x128xf32, #tpu.memory_space<vmem_shared>>
      tpu.wait_indirect_dma semaphore(%arg22 : memref<!tpu.dma_semaphore, #tpu.memory_space<semaphore_mem>>) src(%arg10 : memref<80x128xf32, #tpu.memory_space<vmem>>) dst(%dma_wait3A_739 : memref<10240x128xf32, #tpu.memory_space<vmem_shared>>)
      %add3A_740 = arith.constant 0 : i32
      %add3A_741 = arith.addi %mul3A_718, %add3A_740 : i32
      %add3A_742 = arith.constant 3 : i32
      %add3A_743 = arith.addi %add3A_741, %add3A_742 : i32
      %lt3A = arith.constant 125 : i32
      %lt3A_744 = arith.cmpi slt, %add3A_743, %lt3A : i32
      %convert_element_type3A = arith.extui %lt3A_744 : i1 to i32
      %cond3A = arith.constant 0 : i32
      %cond3A_745 = arith.cmpi ne, %convert_element_type3A, %cond3A : i32
      scf.if %cond3A_745 {
        %add3A_770 = arith.constant 0 : i32
        %add3A_771 = arith.addi %mul3A_718, %add3A_770 : i32
        %add3A_772 = arith.constant 3 : i32
        %add3A_773 = arith.addi %add3A_771, %add3A_772 : i32
        %mul3A_774 = arith.constant 10000 : i32
        %mul3A_775 = arith.muli %add3A, %mul3A_774 : i32
        %mul3A_776 = arith.constant 80 : i32
        %mul3A_777 = arith.muli %add3A_773, %mul3A_776 : i32
        %add3A_778 = arith.addi %mul3A_775, %mul3A_777 : i32
        %dma_start3A_779 = tpu.memref_slice %arg3[%add3A_778] : memref<320000xi32, #tpu.memory_space<hbm>> -> memref<80xi32, #tpu.memory_space<hbm>>
        %dma_start3A_780 = tpu.memref_slice %arg3[%add3A_778] : memref<320000xi32, #tpu.memory_space<hbm>> -> memref<80xi32, #tpu.memory_space<hbm>>
        tpu.enqueue_dma source(%dma_start3A_780 : memref<80xi32, #tpu.memory_space<hbm>>) target(%arg13 : memref<80xi32, #tpu.memory_space<vmem>>) target_semaphore(%arg25 : memref<!tpu.dma_semaphore, #tpu.memory_space<semaphore_mem>>)
        %dma_start3A_781 = tpu.memref_slice %arg4[%add3A_778] : memref<320000xi32, #tpu.memory_space<hbm>> -> memref<80xi32, #tpu.memory_space<hbm>>
        %dma_start3A_782 = tpu.memref_slice %arg4[%add3A_778] : memref<320000xi32, #tpu.memory_space<hbm>> -> memref<80xi32, #tpu.memory_space<hbm>>
        tpu.enqueue_dma source(%dma_start3A_782 : memref<80xi32, #tpu.memory_space<hbm>>) target(%arg16 : memref<80xi32, #tpu.memory_space<vmem>>) target_semaphore(%arg25 : memref<!tpu.dma_semaphore, #tpu.memory_space<semaphore_mem>>)
        %add3A_783 = arith.constant 0 : i32
        %add3A_784 = arith.addi %mul3A_718, %add3A_783 : i32
        %add3A_785 = arith.constant 3 : i32
        %add3A_786 = arith.addi %add3A_784, %add3A_785 : i32
        %mul3A_787 = arith.constant 10000 : i32
        %mul3A_788 = arith.muli %add3A, %mul3A_787 : i32
        %mul3A_789 = arith.constant 80 : i32
        %mul3A_790 = arith.muli %add3A_786, %mul3A_789 : i32
        %add3A_791 = arith.addi %mul3A_788, %mul3A_790 : i32
        %dma_wait3A_792 = tpu.memref_slice %arg3[%add3A_791] : memref<320000xi32, #tpu.memory_space<hbm>> -> memref<80xi32, #tpu.memory_space<hbm>>
        %dma_wait3A_793 = tpu.memref_slice %arg3[%add3A_791] : memref<320000xi32, #tpu.memory_space<hbm>> -> memref<80xi32, #tpu.memory_space<hbm>>
        tpu.wait_dma2 semaphore(%arg25 : memref<!tpu.dma_semaphore, #tpu.memory_space<semaphore_mem>>) src(%dma_wait3A_793 : memref<80xi32, #tpu.memory_space<hbm>>) dst(%arg13 : memref<80xi32, #tpu.memory_space<vmem>>)
        %dma_wait3A_794 = tpu.memref_slice %arg4[%add3A_791] : memref<320000xi32, #tpu.memory_space<hbm>> -> memref<80xi32, #tpu.memory_space<hbm>>
        %dma_wait3A_795 = tpu.memref_slice %arg4[%add3A_791] : memref<320000xi32, #tpu.memory_space<hbm>> -> memref<80xi32, #tpu.memory_space<hbm>>
        tpu.wait_dma2 semaphore(%arg25 : memref<!tpu.dma_semaphore, #tpu.memory_space<semaphore_mem>>) src(%dma_wait3A_795 : memref<80xi32, #tpu.memory_space<hbm>>) dst(%arg16 : memref<80xi32, #tpu.memory_space<vmem>>)
        %dma_start3A_796 = arith.constant 0 : i32
        %dma_start3A_797 = arith.constant 0 : i32
        %dma_start3A_798 = tpu.memref_slice %arg2[%dma_start3A_796, %dma_start3A_797] : memref<10000x128xf32, #tpu.memory_space<hbm>> -> memref<10000x128xf32, #tpu.memory_space<hbm>>
        tpu.enqueue_indirect_dma source(%dma_start3A_798 : memref<10000x128xf32, #tpu.memory_space<hbm>>) target(%arg10 : memref<80x128xf32, #tpu.memory_space<vmem>>) offsets(%arg13 : memref<80xi32, #tpu.memory_space<vmem>>) semaphore(%arg19 : memref<!tpu.dma_semaphore, #tpu.memory_space<semaphore_mem>>)
      } else {
      }
      %dma_wait3A_746 = arith.constant 0 : i32
      %dma_wait3A_747 = arith.constant 0 : i32
      %dma_wait3A_748 = tpu.memref_slice %arg9[%dma_wait3A_746, %dma_wait3A_747] : memref<10240x128xf32, #tpu.memory_space<vmem_shared>> -> memref<10240x128xf32, #tpu.memory_space<vmem_shared>>
      tpu.wait_indirect_dma semaphore(%arg23 : memref<!tpu.dma_semaphore, #tpu.memory_space<semaphore_mem>>) src(%arg11 : memref<80x128xf32, #tpu.memory_space<vmem>>) dst(%dma_wait3A_748 : memref<10240x128xf32, #tpu.memory_space<vmem_shared>>)
      %add3A_749 = arith.constant 1 : i32
      %add3A_750 = arith.addi %mul3A_718, %add3A_749 : i32
      %add3A_751 = arith.constant 3 : i32
      %add3A_752 = arith.addi %add3A_750, %add3A_751 : i32
      %lt3A_753 = arith.constant 125 : i32
      %lt3A_754 = arith.cmpi slt, %add3A_752, %lt3A_753 : i32
      %convert_element_type3A_755 = arith.extui %lt3A_754 : i1 to i32
      %cond3A_756 = arith.constant 0 : i32
      %cond3A_757 = arith.cmpi ne, %convert_element_type3A_755, %cond3A_756 : i32
      scf.if %cond3A_757 {
        %add3A_770 = arith.constant 1 : i32
        %add3A_771 = arith.addi %mul3A_718, %add3A_770 : i32
        %add3A_772 = arith.constant 3 : i32
        %add3A_773 = arith.addi %add3A_771, %add3A_772 : i32
        %mul3A_774 = arith.constant 10000 : i32
        %mul3A_775 = arith.muli %add3A, %mul3A_774 : i32
        %mul3A_776 = arith.constant 80 : i32
        %mul3A_777 = arith.muli %add3A_773, %mul3A_776 : i32
        %add3A_778 = arith.addi %mul3A_775, %mul3A_777 : i32
        %dma_start3A_779 = tpu.memref_slice %arg3[%add3A_778] : memref<320000xi32, #tpu.memory_space<hbm>> -> memref<80xi32, #tpu.memory_space<hbm>>
        %dma_start3A_780 = tpu.memref_slice %arg3[%add3A_778] : memref<320000xi32, #tpu.memory_space<hbm>> -> memref<80xi32, #tpu.memory_space<hbm>>
        tpu.enqueue_dma source(%dma_start3A_780 : memref<80xi32, #tpu.memory_space<hbm>>) target(%arg14 : memref<80xi32, #tpu.memory_space<vmem>>) target_semaphore(%arg26 : memref<!tpu.dma_semaphore, #tpu.memory_space<semaphore_mem>>)
        %dma_start3A_781 = tpu.memref_slice %arg4[%add3A_778] : memref<320000xi32, #tpu.memory_space<hbm>> -> memref<80xi32, #tpu.memory_space<hbm>>
        %dma_start3A_782 = tpu.memref_slice %arg4[%add3A_778] : memref<320000xi32, #tpu.memory_space<hbm>> -> memref<80xi32, #tpu.memory_space<hbm>>
        tpu.enqueue_dma source(%dma_start3A_782 : memref<80xi32, #tpu.memory_space<hbm>>) target(%arg17 : memref<80xi32, #tpu.memory_space<vmem>>) target_semaphore(%arg26 : memref<!tpu.dma_semaphore, #tpu.memory_space<semaphore_mem>>)
        %add3A_783 = arith.constant 1 : i32
        %add3A_784 = arith.addi %mul3A_718, %add3A_783 : i32
        %add3A_785 = arith.constant 3 : i32
        %add3A_786 = arith.addi %add3A_784, %add3A_785 : i32
        %mul3A_787 = arith.constant 10000 : i32
        %mul3A_788 = arith.muli %add3A, %mul3A_787 : i32
        %mul3A_789 = arith.constant 80 : i32
        %mul3A_790 = arith.muli %add3A_786, %mul3A_789 : i32
        %add3A_791 = arith.addi %mul3A_788, %mul3A_790 : i32
        %dma_wait3A_792 = tpu.memref_slice %arg3[%add3A_791] : memref<320000xi32, #tpu.memory_space<hbm>> -> memref<80xi32, #tpu.memory_space<hbm>>
        %dma_wait3A_793 = tpu.memref_slice %arg3[%add3A_791] : memref<320000xi32, #tpu.memory_space<hbm>> -> memref<80xi32, #tpu.memory_space<hbm>>
        tpu.wait_dma2 semaphore(%arg26 : memref<!tpu.dma_semaphore, #tpu.memory_space<semaphore_mem>>) src(%dma_wait3A_793 : memref<80xi32, #tpu.memory_space<hbm>>) dst(%arg14 : memref<80xi32, #tpu.memory_space<vmem>>)
        %dma_wait3A_794 = tpu.memref_slice %arg4[%add3A_791] : memref<320000xi32, #tpu.memory_space<hbm>> -> memref<80xi32, #tpu.memory_space<hbm>>
        %dma_wait3A_795 = tpu.memref_slice %arg4[%add3A_791] : memref<320000xi32, #tpu.memory_space<hbm>> -> memref<80xi32, #tpu.memory_space<hbm>>
        tpu.wait_dma2 semaphore(%arg26 : memref<!tpu.dma_semaphore, #tpu.memory_space<semaphore_mem>>) src(%dma_wait3A_795 : memref<80xi32, #tpu.memory_space<hbm>>) dst(%arg17 : memref<80xi32, #tpu.memory_space<vmem>>)
        %dma_start3A_796 = arith.constant 0 : i32
        %dma_start3A_797 = arith.constant 0 : i32
        %dma_start3A_798 = tpu.memref_slice %arg2[%dma_start3A_796, %dma_start3A_797] : memref<10000x128xf32, #tpu.memory_space<hbm>> -> memref<10000x128xf32, #tpu.memory_space<hbm>>
        tpu.enqueue_indirect_dma source(%dma_start3A_798 : memref<10000x128xf32, #tpu.memory_space<hbm>>) target(%arg11 : memref<80x128xf32, #tpu.memory_space<vmem>>) offsets(%arg14 : memref<80xi32, #tpu.memory_space<vmem>>) semaphore(%arg20 : memref<!tpu.dma_semaphore, #tpu.memory_space<semaphore_mem>>)
      } else {
      }
      %dma_wait3A_758 = arith.constant 0 : i32
      %dma_wait3A_759 = arith.constant 0 : i32
      %dma_wait3A_760 = tpu.memref_slice %arg9[%dma_wait3A_758, %dma_wait3A_759] : memref<10240x128xf32, #tpu.memory_space<vmem_shared>> -> memref<10240x128xf32, #tpu.memory_space<vmem_shared>>
      tpu.wait_indirect_dma semaphore(%arg24 : memref<!tpu.dma_semaphore, #tpu.memory_space<semaphore_mem>>) src(%arg12 : memref<80x128xf32, #tpu.memory_space<vmem>>) dst(%dma_wait3A_760 : memref<10240x128xf32, #tpu.memory_space<vmem_shared>>)
      %add3A_761 = arith.constant 2 : i32
      %add3A_762 = arith.addi %mul3A_718, %add3A_761 : i32
      %add3A_763 = arith.constant 3 : i32
      %add3A_764 = arith.addi %add3A_762, %add3A_763 : i32
      %lt3A_765 = arith.constant 125 : i32
      %lt3A_766 = arith.cmpi slt, %add3A_764, %lt3A_765 : i32
      %convert_element_type3A_767 = arith.extui %lt3A_766 : i1 to i32
      %cond3A_768 = arith.constant 0 : i32
      %cond3A_769 = arith.cmpi ne, %convert_element_type3A_767, %cond3A_768 : i32
      scf.if %cond3A_769 {
        %add3A_770 = arith.constant 2 : i32
        %add3A_771 = arith.addi %mul3A_718, %add3A_770 : i32
        %add3A_772 = arith.constant 3 : i32
        %add3A_773 = arith.addi %add3A_771, %add3A_772 : i32
        %mul3A_774 = arith.constant 10000 : i32
        %mul3A_775 = arith.muli %add3A, %mul3A_774 : i32
        %mul3A_776 = arith.constant 80 : i32
        %mul3A_777 = arith.muli %add3A_773, %mul3A_776 : i32
        %add3A_778 = arith.addi %mul3A_775, %mul3A_777 : i32
        %dma_start3A_779 = tpu.memref_slice %arg3[%add3A_778] : memref<320000xi32, #tpu.memory_space<hbm>> -> memref<80xi32, #tpu.memory_space<hbm>>
        %dma_start3A_780 = tpu.memref_slice %arg3[%add3A_778] : memref<320000xi32, #tpu.memory_space<hbm>> -> memref<80xi32, #tpu.memory_space<hbm>>
        tpu.enqueue_dma source(%dma_start3A_780 : memref<80xi32, #tpu.memory_space<hbm>>) target(%arg15 : memref<80xi32, #tpu.memory_space<vmem>>) target_semaphore(%arg27 : memref<!tpu.dma_semaphore, #tpu.memory_space<semaphore_mem>>)
        %dma_start3A_781 = tpu.memref_slice %arg4[%add3A_778] : memref<320000xi32, #tpu.memory_space<hbm>> -> memref<80xi32, #tpu.memory_space<hbm>>
        %dma_start3A_782 = tpu.memref_slice %arg4[%add3A_778] : memref<320000xi32, #tpu.memory_space<hbm>> -> memref<80xi32, #tpu.memory_space<hbm>>
        tpu.enqueue_dma source(%dma_start3A_782 : memref<80xi32, #tpu.memory_space<hbm>>) target(%arg18 : memref<80xi32, #tpu.memory_space<vmem>>) target_semaphore(%arg27 : memref<!tpu.dma_semaphore, #tpu.memory_space<semaphore_mem>>)
        %add3A_783 = arith.constant 2 : i32
        %add3A_784 = arith.addi %mul3A_718, %add3A_783 : i32
        %add3A_785 = arith.constant 3 : i32
        %add3A_786 = arith.addi %add3A_784, %add3A_785 : i32
        %mul3A_787 = arith.constant 10000 : i32
        %mul3A_788 = arith.muli %add3A, %mul3A_787 : i32
        %mul3A_789 = arith.constant 80 : i32
        %mul3A_790 = arith.muli %add3A_786, %mul3A_789 : i32
        %add3A_791 = arith.addi %mul3A_788, %mul3A_790 : i32
        %dma_wait3A_792 = tpu.memref_slice %arg3[%add3A_791] : memref<320000xi32, #tpu.memory_space<hbm>> -> memref<80xi32, #tpu.memory_space<hbm>>
        %dma_wait3A_793 = tpu.memref_slice %arg3[%add3A_791] : memref<320000xi32, #tpu.memory_space<hbm>> -> memref<80xi32, #tpu.memory_space<hbm>>
        tpu.wait_dma2 semaphore(%arg27 : memref<!tpu.dma_semaphore, #tpu.memory_space<semaphore_mem>>) src(%dma_wait3A_793 : memref<80xi32, #tpu.memory_space<hbm>>) dst(%arg15 : memref<80xi32, #tpu.memory_space<vmem>>)
        %dma_wait3A_794 = tpu.memref_slice %arg4[%add3A_791] : memref<320000xi32, #tpu.memory_space<hbm>> -> memref<80xi32, #tpu.memory_space<hbm>>
        %dma_wait3A_795 = tpu.memref_slice %arg4[%add3A_791] : memref<320000xi32, #tpu.memory_space<hbm>> -> memref<80xi32, #tpu.memory_space<hbm>>
        tpu.wait_dma2 semaphore(%arg27 : memref<!tpu.dma_semaphore, #tpu.memory_space<semaphore_mem>>) src(%dma_wait3A_795 : memref<80xi32, #tpu.memory_space<hbm>>) dst(%arg18 : memref<80xi32, #tpu.memory_space<vmem>>)
        %dma_start3A_796 = arith.constant 0 : i32
        %dma_start3A_797 = arith.constant 0 : i32
        %dma_start3A_798 = tpu.memref_slice %arg2[%dma_start3A_796, %dma_start3A_797] : memref<10000x128xf32, #tpu.memory_space<hbm>> -> memref<10000x128xf32, #tpu.memory_space<hbm>>
        tpu.enqueue_indirect_dma source(%dma_start3A_798 : memref<10000x128xf32, #tpu.memory_space<hbm>>) target(%arg12 : memref<80x128xf32, #tpu.memory_space<vmem>>) offsets(%arg15 : memref<80xi32, #tpu.memory_space<vmem>>) semaphore(%arg21 : memref<!tpu.dma_semaphore, #tpu.memory_space<semaphore_mem>>)
      } else {
      }
    }
    %scan3A_504 = arith.constant 41 : i32
    %dma_wait3A_505 = arith.constant 0 : i32
    %dma_wait3A_506 = arith.constant 0 : i32
    %dma_wait3A_507 = tpu.memref_slice %arg2[%dma_wait3A_505, %dma_wait3A_506] : memref<10000x128xf32, #tpu.memory_space<hbm>> -> memref<10000x128xf32, #tpu.memory_space<hbm>>
    tpu.wait_indirect_dma semaphore(%arg19 : memref<!tpu.dma_semaphore, #tpu.memory_space<semaphore_mem>>) src(%dma_wait3A_507 : memref<10000x128xf32, #tpu.memory_space<hbm>>) dst(%arg10 : memref<80x128xf32, #tpu.memory_space<vmem>>)
    %dma_start3A_508 = arith.constant 0 : i32
    %dma_start3A_509 = arith.constant 0 : i32
    %dma_start3A_510 = tpu.memref_slice %arg9[%dma_start3A_508, %dma_start3A_509] : memref<10240x128xf32, #tpu.memory_space<vmem_shared>> -> memref<10240x128xf32, #tpu.memory_space<vmem_shared>>
    tpu.enqueue_indirect_dma source(%arg10 : memref<80x128xf32, #tpu.memory_space<vmem>>) target(%dma_start3A_510 : memref<10240x128xf32, #tpu.memory_space<vmem_shared>>) offsets(%arg16 : memref<80xi32, #tpu.memory_space<vmem>>) semaphore(%arg22 : memref<!tpu.dma_semaphore, #tpu.memory_space<semaphore_mem>>) {add = true}
    %dma_wait3A_511 = arith.constant 0 : i32
    %dma_wait3A_512 = arith.constant 0 : i32
    %dma_wait3A_513 = tpu.memref_slice %arg2[%dma_wait3A_511, %dma_wait3A_512] : memref<10000x128xf32, #tpu.memory_space<hbm>> -> memref<10000x128xf32, #tpu.memory_space<hbm>>
    tpu.wait_indirect_dma semaphore(%arg20 : memref<!tpu.dma_semaphore, #tpu.memory_space<semaphore_mem>>) src(%dma_wait3A_513 : memref<10000x128xf32, #tpu.memory_space<hbm>>) dst(%arg11 : memref<80x128xf32, #tpu.memory_space<vmem>>)
    %dma_start3A_514 = arith.constant 0 : i32
    %dma_start3A_515 = arith.constant 0 : i32
    %dma_start3A_516 = tpu.memref_slice %arg9[%dma_start3A_514, %dma_start3A_515] : memref<10240x128xf32, #tpu.memory_space<vmem_shared>> -> memref<10240x128xf32, #tpu.memory_space<vmem_shared>>
    tpu.enqueue_indirect_dma source(%arg11 : memref<80x128xf32, #tpu.memory_space<vmem>>) target(%dma_start3A_516 : memref<10240x128xf32, #tpu.memory_space<vmem_shared>>) offsets(%arg17 : memref<80xi32, #tpu.memory_space<vmem>>) semaphore(%arg23 : memref<!tpu.dma_semaphore, #tpu.memory_space<semaphore_mem>>) {add = true}
    %dma_wait3A_517 = arith.constant 0 : i32
    %dma_wait3A_518 = arith.constant 0 : i32
    %dma_wait3A_519 = tpu.memref_slice %arg9[%dma_wait3A_517, %dma_wait3A_518] : memref<10240x128xf32, #tpu.memory_space<vmem_shared>> -> memref<10240x128xf32, #tpu.memory_space<vmem_shared>>
    tpu.wait_indirect_dma semaphore(%arg22 : memref<!tpu.dma_semaphore, #tpu.memory_space<semaphore_mem>>) src(%arg10 : memref<80x128xf32, #tpu.memory_space<vmem>>) dst(%dma_wait3A_519 : memref<10240x128xf32, #tpu.memory_space<vmem_shared>>)
    %dma_wait3A_520 = arith.constant 0 : i32
    %dma_wait3A_521 = arith.constant 0 : i32
    %dma_wait3A_522 = tpu.memref_slice %arg9[%dma_wait3A_520, %dma_wait3A_521] : memref<10240x128xf32, #tpu.memory_space<vmem_shared>> -> memref<10240x128xf32, #tpu.memory_space<vmem_shared>>
    tpu.wait_indirect_dma semaphore(%arg23 : memref<!tpu.dma_semaphore, #tpu.memory_space<semaphore_mem>>) src(%arg11 : memref<80x128xf32, #tpu.memory_space<vmem>>) dst(%dma_wait3A_522 : memref<10240x128xf32, #tpu.memory_space<vmem_shared>>)
    %barrier3A_523 = arith.constant 0 : index
    tpu.barrier barrier_id(%barrier3A_523)
    %mul3A_524 = arith.constant 640 : i32
    %mul3A_525 = arith.muli %arg1, %mul3A_524 : i32
    %add3A_526 = arith.constant 0 : i32
    %add3A_527 = arith.addi %mul3A_525, %add3A_526 : i32
    %mul3A_528 = arith.constant 640 : i32
    %mul3A_529 = arith.muli %arg1, %mul3A_528 : i32
    %add3A_530 = arith.constant 80 : i32
    %add3A_531 = arith.addi %mul3A_529, %add3A_530 : i32
    %mul3A_532 = arith.constant 640 : i32
    %mul3A_533 = arith.muli %arg1, %mul3A_532 : i32
    %add3A_534 = arith.constant 160 : i32
    %add3A_535 = arith.addi %mul3A_533, %add3A_534 : i32
    %mul3A_536 = arith.constant 640 : i32
    %mul3A_537 = arith.muli %arg1, %mul3A_536 : i32
    %add3A_538 = arith.constant 240 : i32
    %add3A_539 = arith.addi %mul3A_537, %add3A_538 : i32
    %mul3A_540 = arith.constant 640 : i32
    %mul3A_541 = arith.muli %arg1, %mul3A_540 : i32
    %add3A_542 = arith.constant 320 : i32
    %add3A_543 = arith.addi %mul3A_541, %add3A_542 : i32
    %mul3A_544 = arith.constant 640 : i32
    %mul3A_545 = arith.muli %arg1, %mul3A_544 : i32
    %add3A_546 = arith.constant 400 : i32
    %add3A_547 = arith.addi %mul3A_545, %add3A_546 : i32
    %mul3A_548 = arith.constant 640 : i32
    %mul3A_549 = arith.muli %arg1, %mul3A_548 : i32
    %add3A_550 = arith.constant 480 : i32
    %add3A_551 = arith.addi %mul3A_549, %add3A_550 : i32
    %mul3A_552 = arith.constant 640 : i32
    %mul3A_553 = arith.muli %arg1, %mul3A_552 : i32
    %add3A_554 = arith.constant 560 : i32
    %add3A_555 = arith.addi %mul3A_553, %add3A_554 : i32
    %mul3A_556 = arith.constant 640 : i32
    %mul3A_557 = arith.muli %add3A, %mul3A_556 : i32
    %add3A_558 = arith.constant 0 : i32
    %add3A_559 = arith.addi %mul3A_557, %add3A_558 : i32
    %mul3A_560 = arith.constant 640 : i32
    %mul3A_561 = arith.muli %add3A, %mul3A_560 : i32
    %add3A_562 = arith.constant 80 : i32
    %add3A_563 = arith.addi %mul3A_561, %add3A_562 : i32
    %mul3A_564 = arith.constant 640 : i32
    %mul3A_565 = arith.muli %add3A, %mul3A_564 : i32
    %add3A_566 = arith.constant 160 : i32
    %add3A_567 = arith.addi %mul3A_565, %add3A_566 : i32
    %mul3A_568 = arith.constant 640 : i32
    %mul3A_569 = arith.muli %add3A, %mul3A_568 : i32
    %add3A_570 = arith.constant 240 : i32
    %add3A_571 = arith.addi %mul3A_569, %add3A_570 : i32
    %mul3A_572 = arith.constant 640 : i32
    %mul3A_573 = arith.muli %add3A, %mul3A_572 : i32
    %add3A_574 = arith.constant 320 : i32
    %add3A_575 = arith.addi %mul3A_573, %add3A_574 : i32
    %mul3A_576 = arith.constant 640 : i32
    %mul3A_577 = arith.muli %add3A, %mul3A_576 : i32
    %add3A_578 = arith.constant 400 : i32
    %add3A_579 = arith.addi %mul3A_577, %add3A_578 : i32
    %mul3A_580 = arith.constant 640 : i32
    %mul3A_581 = arith.muli %add3A, %mul3A_580 : i32
    %add3A_582 = arith.constant 480 : i32
    %add3A_583 = arith.addi %mul3A_581, %add3A_582 : i32
    %mul3A_584 = arith.constant 640 : i32
    %mul3A_585 = arith.muli %add3A, %mul3A_584 : i32
    %add3A_586 = arith.constant 560 : i32
    %add3A_587 = arith.addi %mul3A_585, %add3A_586 : i32
    %dma_start3A_588 = arith.constant 0 : i32
    %dma_start3A_589 = tpu.memref_slice %arg9[%add3A_527, %dma_start3A_588] : memref<10240x128xf32, #tpu.memory_space<vmem_shared>> -> memref<80x128xf32, #tpu.memory_space<vmem_shared>>
    %dma_start3A_590 = arith.constant 0 : i32
    %dma_start3A_591 = tpu.memref_slice %arg9[%add3A_527, %dma_start3A_590] : memref<10240x128xf32, #tpu.memory_space<vmem_shared>> -> memref<80x128xf32, #tpu.memory_space<vmem_shared>>
    tpu.enqueue_dma source(%dma_start3A_591 : memref<80x128xf32, #tpu.memory_space<vmem_shared>>) target(%arg10 : memref<80x128xf32, #tpu.memory_space<vmem>>) target_semaphore(%arg19 : memref<!tpu.dma_semaphore, #tpu.memory_space<semaphore_mem>>)
    %dma_wait3A_592 = arith.constant 0 : i32
    %dma_wait3A_593 = tpu.memref_slice %arg9[%add3A_527, %dma_wait3A_592] : memref<10240x128xf32, #tpu.memory_space<vmem_shared>> -> memref<80x128xf32, #tpu.memory_space<vmem_shared>>
    %dma_wait3A_594 = arith.constant 0 : i32
    %dma_wait3A_595 = tpu.memref_slice %arg9[%add3A_527, %dma_wait3A_594] : memref<10240x128xf32, #tpu.memory_space<vmem_shared>> -> memref<80x128xf32, #tpu.memory_space<vmem_shared>>
    tpu.wait_dma2 semaphore(%arg19 : memref<!tpu.dma_semaphore, #tpu.memory_space<semaphore_mem>>) src(%dma_wait3A_595 : memref<80x128xf32, #tpu.memory_space<vmem_shared>>) dst(%arg10 : memref<80x128xf32, #tpu.memory_space<vmem>>)
    %dma_start3A_596 = arith.constant 0 : i32
    %dma_start3A_597 = tpu.memref_slice %arg7[%add3A_559, %dma_start3A_596] : memref<20480x128xf32, #tpu.memory_space<hbm>> -> memref<80x128xf32, #tpu.memory_space<hbm>>
    %dma_start3A_598 = arith.constant 0 : i32
    %dma_start3A_599 = tpu.memref_slice %arg7[%add3A_559, %dma_start3A_598] : memref<20480x128xf32, #tpu.memory_space<hbm>> -> memref<80x128xf32, #tpu.memory_space<hbm>>
    tpu.enqueue_dma source(%arg10 : memref<80x128xf32, #tpu.memory_space<vmem>>) target(%dma_start3A_599 : memref<80x128xf32, #tpu.memory_space<hbm>>) target_semaphore(%arg22 : memref<!tpu.dma_semaphore, #tpu.memory_space<semaphore_mem>>)
    %dma_start3A_600 = arith.constant 0 : i32
    %dma_start3A_601 = tpu.memref_slice %arg9[%add3A_531, %dma_start3A_600] : memref<10240x128xf32, #tpu.memory_space<vmem_shared>> -> memref<80x128xf32, #tpu.memory_space<vmem_shared>>
    %dma_start3A_602 = arith.constant 0 : i32
    %dma_start3A_603 = tpu.memref_slice %arg9[%add3A_531, %dma_start3A_602] : memref<10240x128xf32, #tpu.memory_space<vmem_shared>> -> memref<80x128xf32, #tpu.memory_space<vmem_shared>>
    tpu.enqueue_dma source(%dma_start3A_603 : memref<80x128xf32, #tpu.memory_space<vmem_shared>>) target(%arg11 : memref<80x128xf32, #tpu.memory_space<vmem>>) target_semaphore(%arg20 : memref<!tpu.dma_semaphore, #tpu.memory_space<semaphore_mem>>)
    %dma_wait3A_604 = arith.constant 0 : i32
    %dma_wait3A_605 = tpu.memref_slice %arg9[%add3A_531, %dma_wait3A_604] : memref<10240x128xf32, #tpu.memory_space<vmem_shared>> -> memref<80x128xf32, #tpu.memory_space<vmem_shared>>
    %dma_wait3A_606 = arith.constant 0 : i32
    %dma_wait3A_607 = tpu.memref_slice %arg9[%add3A_531, %dma_wait3A_606] : memref<10240x128xf32, #tpu.memory_space<vmem_shared>> -> memref<80x128xf32, #tpu.memory_space<vmem_shared>>
    tpu.wait_dma2 semaphore(%arg20 : memref<!tpu.dma_semaphore, #tpu.memory_space<semaphore_mem>>) src(%dma_wait3A_607 : memref<80x128xf32, #tpu.memory_space<vmem_shared>>) dst(%arg11 : memref<80x128xf32, #tpu.memory_space<vmem>>)
    %dma_start3A_608 = arith.constant 0 : i32
    %dma_start3A_609 = tpu.memref_slice %arg7[%add3A_563, %dma_start3A_608] : memref<20480x128xf32, #tpu.memory_space<hbm>> -> memref<80x128xf32, #tpu.memory_space<hbm>>
    %dma_start3A_610 = arith.constant 0 : i32
    %dma_start3A_611 = tpu.memref_slice %arg7[%add3A_563, %dma_start3A_610] : memref<20480x128xf32, #tpu.memory_space<hbm>> -> memref<80x128xf32, #tpu.memory_space<hbm>>
    tpu.enqueue_dma source(%arg11 : memref<80x128xf32, #tpu.memory_space<vmem>>) target(%dma_start3A_611 : memref<80x128xf32, #tpu.memory_space<hbm>>) target_semaphore(%arg23 : memref<!tpu.dma_semaphore, #tpu.memory_space<semaphore_mem>>)
    %dma_wait3A_612 = arith.constant 0 : i32
    %dma_wait3A_613 = tpu.memref_slice %arg7[%add3A_559, %dma_wait3A_612] : memref<20480x128xf32, #tpu.memory_space<hbm>> -> memref<80x128xf32, #tpu.memory_space<hbm>>
    %dma_wait3A_614 = arith.constant 0 : i32
    %dma_wait3A_615 = tpu.memref_slice %arg7[%add3A_559, %dma_wait3A_614] : memref<20480x128xf32, #tpu.memory_space<hbm>> -> memref<80x128xf32, #tpu.memory_space<hbm>>
    tpu.wait_dma2 semaphore(%arg22 : memref<!tpu.dma_semaphore, #tpu.memory_space<semaphore_mem>>) src(%arg10 : memref<80x128xf32, #tpu.memory_space<vmem>>) dst(%dma_wait3A_615 : memref<80x128xf32, #tpu.memory_space<hbm>>)
    %dma_start3A_616 = arith.constant 0 : i32
    %dma_start3A_617 = tpu.memref_slice %arg9[%add3A_535, %dma_start3A_616] : memref<10240x128xf32, #tpu.memory_space<vmem_shared>> -> memref<80x128xf32, #tpu.memory_space<vmem_shared>>
    %dma_start3A_618 = arith.constant 0 : i32
    %dma_start3A_619 = tpu.memref_slice %arg9[%add3A_535, %dma_start3A_618] : memref<10240x128xf32, #tpu.memory_space<vmem_shared>> -> memref<80x128xf32, #tpu.memory_space<vmem_shared>>
    tpu.enqueue_dma source(%dma_start3A_619 : memref<80x128xf32, #tpu.memory_space<vmem_shared>>) target(%arg10 : memref<80x128xf32, #tpu.memory_space<vmem>>) target_semaphore(%arg19 : memref<!tpu.dma_semaphore, #tpu.memory_space<semaphore_mem>>)
    %dma_wait3A_620 = arith.constant 0 : i32
    %dma_wait3A_621 = tpu.memref_slice %arg9[%add3A_535, %dma_wait3A_620] : memref<10240x128xf32, #tpu.memory_space<vmem_shared>> -> memref<80x128xf32, #tpu.memory_space<vmem_shared>>
    %dma_wait3A_622 = arith.constant 0 : i32
    %dma_wait3A_623 = tpu.memref_slice %arg9[%add3A_535, %dma_wait3A_622] : memref<10240x128xf32, #tpu.memory_space<vmem_shared>> -> memref<80x128xf32, #tpu.memory_space<vmem_shared>>
    tpu.wait_dma2 semaphore(%arg19 : memref<!tpu.dma_semaphore, #tpu.memory_space<semaphore_mem>>) src(%dma_wait3A_623 : memref<80x128xf32, #tpu.memory_space<vmem_shared>>) dst(%arg10 : memref<80x128xf32, #tpu.memory_space<vmem>>)
    %dma_start3A_624 = arith.constant 0 : i32
    %dma_start3A_625 = tpu.memref_slice %arg7[%add3A_567, %dma_start3A_624] : memref<20480x128xf32, #tpu.memory_space<hbm>> -> memref<80x128xf32, #tpu.memory_space<hbm>>
    %dma_start3A_626 = arith.constant 0 : i32
    %dma_start3A_627 = tpu.memref_slice %arg7[%add3A_567, %dma_start3A_626] : memref<20480x128xf32, #tpu.memory_space<hbm>> -> memref<80x128xf32, #tpu.memory_space<hbm>>
    tpu.enqueue_dma source(%arg10 : memref<80x128xf32, #tpu.memory_space<vmem>>) target(%dma_start3A_627 : memref<80x128xf32, #tpu.memory_space<hbm>>) target_semaphore(%arg22 : memref<!tpu.dma_semaphore, #tpu.memory_space<semaphore_mem>>)
    %dma_wait3A_628 = arith.constant 0 : i32
    %dma_wait3A_629 = tpu.memref_slice %arg7[%add3A_563, %dma_wait3A_628] : memref<20480x128xf32, #tpu.memory_space<hbm>> -> memref<80x128xf32, #tpu.memory_space<hbm>>
    %dma_wait3A_630 = arith.constant 0 : i32
    %dma_wait3A_631 = tpu.memref_slice %arg7[%add3A_563, %dma_wait3A_630] : memref<20480x128xf32, #tpu.memory_space<hbm>> -> memref<80x128xf32, #tpu.memory_space<hbm>>
    tpu.wait_dma2 semaphore(%arg23 : memref<!tpu.dma_semaphore, #tpu.memory_space<semaphore_mem>>) src(%arg11 : memref<80x128xf32, #tpu.memory_space<vmem>>) dst(%dma_wait3A_631 : memref<80x128xf32, #tpu.memory_space<hbm>>)
    %dma_start3A_632 = arith.constant 0 : i32
    %dma_start3A_633 = tpu.memref_slice %arg9[%add3A_539, %dma_start3A_632] : memref<10240x128xf32, #tpu.memory_space<vmem_shared>> -> memref<80x128xf32, #tpu.memory_space<vmem_shared>>
    %dma_start3A_634 = arith.constant 0 : i32
    %dma_start3A_635 = tpu.memref_slice %arg9[%add3A_539, %dma_start3A_634] : memref<10240x128xf32, #tpu.memory_space<vmem_shared>> -> memref<80x128xf32, #tpu.memory_space<vmem_shared>>
    tpu.enqueue_dma source(%dma_start3A_635 : memref<80x128xf32, #tpu.memory_space<vmem_shared>>) target(%arg11 : memref<80x128xf32, #tpu.memory_space<vmem>>) target_semaphore(%arg20 : memref<!tpu.dma_semaphore, #tpu.memory_space<semaphore_mem>>)
    %dma_wait3A_636 = arith.constant 0 : i32
    %dma_wait3A_637 = tpu.memref_slice %arg9[%add3A_539, %dma_wait3A_636] : memref<10240x128xf32, #tpu.memory_space<vmem_shared>> -> memref<80x128xf32, #tpu.memory_space<vmem_shared>>
    %dma_wait3A_638 = arith.constant 0 : i32
    %dma_wait3A_639 = tpu.memref_slice %arg9[%add3A_539, %dma_wait3A_638] : memref<10240x128xf32, #tpu.memory_space<vmem_shared>> -> memref<80x128xf32, #tpu.memory_space<vmem_shared>>
    tpu.wait_dma2 semaphore(%arg20 : memref<!tpu.dma_semaphore, #tpu.memory_space<semaphore_mem>>) src(%dma_wait3A_639 : memref<80x128xf32, #tpu.memory_space<vmem_shared>>) dst(%arg11 : memref<80x128xf32, #tpu.memory_space<vmem>>)
    %dma_start3A_640 = arith.constant 0 : i32
    %dma_start3A_641 = tpu.memref_slice %arg7[%add3A_571, %dma_start3A_640] : memref<20480x128xf32, #tpu.memory_space<hbm>> -> memref<80x128xf32, #tpu.memory_space<hbm>>
    %dma_start3A_642 = arith.constant 0 : i32
    %dma_start3A_643 = tpu.memref_slice %arg7[%add3A_571, %dma_start3A_642] : memref<20480x128xf32, #tpu.memory_space<hbm>> -> memref<80x128xf32, #tpu.memory_space<hbm>>
    tpu.enqueue_dma source(%arg11 : memref<80x128xf32, #tpu.memory_space<vmem>>) target(%dma_start3A_643 : memref<80x128xf32, #tpu.memory_space<hbm>>) target_semaphore(%arg23 : memref<!tpu.dma_semaphore, #tpu.memory_space<semaphore_mem>>)
    %dma_wait3A_644 = arith.constant 0 : i32
    %dma_wait3A_645 = tpu.memref_slice %arg7[%add3A_567, %dma_wait3A_644] : memref<20480x128xf32, #tpu.memory_space<hbm>> -> memref<80x128xf32, #tpu.memory_space<hbm>>
    %dma_wait3A_646 = arith.constant 0 : i32
    %dma_wait3A_647 = tpu.memref_slice %arg7[%add3A_567, %dma_wait3A_646] : memref<20480x128xf32, #tpu.memory_space<hbm>> -> memref<80x128xf32, #tpu.memory_space<hbm>>
    tpu.wait_dma2 semaphore(%arg22 : memref<!tpu.dma_semaphore, #tpu.memory_space<semaphore_mem>>) src(%arg10 : memref<80x128xf32, #tpu.memory_space<vmem>>) dst(%dma_wait3A_647 : memref<80x128xf32, #tpu.memory_space<hbm>>)
    %dma_start3A_648 = arith.constant 0 : i32
    %dma_start3A_649 = tpu.memref_slice %arg9[%add3A_543, %dma_start3A_648] : memref<10240x128xf32, #tpu.memory_space<vmem_shared>> -> memref<80x128xf32, #tpu.memory_space<vmem_shared>>
    %dma_start3A_650 = arith.constant 0 : i32
    %dma_start3A_651 = tpu.memref_slice %arg9[%add3A_543, %dma_start3A_650] : memref<10240x128xf32, #tpu.memory_space<vmem_shared>> -> memref<80x128xf32, #tpu.memory_space<vmem_shared>>
    tpu.enqueue_dma source(%dma_start3A_651 : memref<80x128xf32, #tpu.memory_space<vmem_shared>>) target(%arg10 : memref<80x128xf32, #tpu.memory_space<vmem>>) target_semaphore(%arg19 : memref<!tpu.dma_semaphore, #tpu.memory_space<semaphore_mem>>)
    %dma_wait3A_652 = arith.constant 0 : i32
    %dma_wait3A_653 = tpu.memref_slice %arg9[%add3A_543, %dma_wait3A_652] : memref<10240x128xf32, #tpu.memory_space<vmem_shared>> -> memref<80x128xf32, #tpu.memory_space<vmem_shared>>
    %dma_wait3A_654 = arith.constant 0 : i32
    %dma_wait3A_655 = tpu.memref_slice %arg9[%add3A_543, %dma_wait3A_654] : memref<10240x128xf32, #tpu.memory_space<vmem_shared>> -> memref<80x128xf32, #tpu.memory_space<vmem_shared>>
    tpu.wait_dma2 semaphore(%arg19 : memref<!tpu.dma_semaphore, #tpu.memory_space<semaphore_mem>>) src(%dma_wait3A_655 : memref<80x128xf32, #tpu.memory_space<vmem_shared>>) dst(%arg10 : memref<80x128xf32, #tpu.memory_space<vmem>>)
    %dma_start3A_656 = arith.constant 0 : i32
    %dma_start3A_657 = tpu.memref_slice %arg7[%add3A_575, %dma_start3A_656] : memref<20480x128xf32, #tpu.memory_space<hbm>> -> memref<80x128xf32, #tpu.memory_space<hbm>>
    %dma_start3A_658 = arith.constant 0 : i32
    %dma_start3A_659 = tpu.memref_slice %arg7[%add3A_575, %dma_start3A_658] : memref<20480x128xf32, #tpu.memory_space<hbm>> -> memref<80x128xf32, #tpu.memory_space<hbm>>
    tpu.enqueue_dma source(%arg10 : memref<80x128xf32, #tpu.memory_space<vmem>>) target(%dma_start3A_659 : memref<80x128xf32, #tpu.memory_space<hbm>>) target_semaphore(%arg22 : memref<!tpu.dma_semaphore, #tpu.memory_space<semaphore_mem>>)
    %dma_wait3A_660 = arith.constant 0 : i32
    %dma_wait3A_661 = tpu.memref_slice %arg7[%add3A_571, %dma_wait3A_660] : memref<20480x128xf32, #tpu.memory_space<hbm>> -> memref<80x128xf32, #tpu.memory_space<hbm>>
    %dma_wait3A_662 = arith.constant 0 : i32
    %dma_wait3A_663 = tpu.memref_slice %arg7[%add3A_571, %dma_wait3A_662] : memref<20480x128xf32, #tpu.memory_space<hbm>> -> memref<80x128xf32, #tpu.memory_space<hbm>>
    tpu.wait_dma2 semaphore(%arg23 : memref<!tpu.dma_semaphore, #tpu.memory_space<semaphore_mem>>) src(%arg11 : memref<80x128xf32, #tpu.memory_space<vmem>>) dst(%dma_wait3A_663 : memref<80x128xf32, #tpu.memory_space<hbm>>)
    %dma_start3A_664 = arith.constant 0 : i32
    %dma_start3A_665 = tpu.memref_slice %arg9[%add3A_547, %dma_start3A_664] : memref<10240x128xf32, #tpu.memory_space<vmem_shared>> -> memref<80x128xf32, #tpu.memory_space<vmem_shared>>
    %dma_start3A_666 = arith.constant 0 : i32
    %dma_start3A_667 = tpu.memref_slice %arg9[%add3A_547, %dma_start3A_666] : memref<10240x128xf32, #tpu.memory_space<vmem_shared>> -> memref<80x128xf32, #tpu.memory_space<vmem_shared>>
    tpu.enqueue_dma source(%dma_start3A_667 : memref<80x128xf32, #tpu.memory_space<vmem_shared>>) target(%arg11 : memref<80x128xf32, #tpu.memory_space<vmem>>) target_semaphore(%arg20 : memref<!tpu.dma_semaphore, #tpu.memory_space<semaphore_mem>>)
    %dma_wait3A_668 = arith.constant 0 : i32
    %dma_wait3A_669 = tpu.memref_slice %arg9[%add3A_547, %dma_wait3A_668] : memref<10240x128xf32, #tpu.memory_space<vmem_shared>> -> memref<80x128xf32, #tpu.memory_space<vmem_shared>>
    %dma_wait3A_670 = arith.constant 0 : i32
    %dma_wait3A_671 = tpu.memref_slice %arg9[%add3A_547, %dma_wait3A_670] : memref<10240x128xf32, #tpu.memory_space<vmem_shared>> -> memref<80x128xf32, #tpu.memory_space<vmem_shared>>
    tpu.wait_dma2 semaphore(%arg20 : memref<!tpu.dma_semaphore, #tpu.memory_space<semaphore_mem>>) src(%dma_wait3A_671 : memref<80x128xf32, #tpu.memory_space<vmem_shared>>) dst(%arg11 : memref<80x128xf32, #tpu.memory_space<vmem>>)
    %dma_start3A_672 = arith.constant 0 : i32
    %dma_start3A_673 = tpu.memref_slice %arg7[%add3A_579, %dma_start3A_672] : memref<20480x128xf32, #tpu.memory_space<hbm>> -> memref<80x128xf32, #tpu.memory_space<hbm>>
    %dma_start3A_674 = arith.constant 0 : i32
    %dma_start3A_675 = tpu.memref_slice %arg7[%add3A_579, %dma_start3A_674] : memref<20480x128xf32, #tpu.memory_space<hbm>> -> memref<80x128xf32, #tpu.memory_space<hbm>>
    tpu.enqueue_dma source(%arg11 : memref<80x128xf32, #tpu.memory_space<vmem>>) target(%dma_start3A_675 : memref<80x128xf32, #tpu.memory_space<hbm>>) target_semaphore(%arg23 : memref<!tpu.dma_semaphore, #tpu.memory_space<semaphore_mem>>)
    %dma_wait3A_676 = arith.constant 0 : i32
    %dma_wait3A_677 = tpu.memref_slice %arg7[%add3A_575, %dma_wait3A_676] : memref<20480x128xf32, #tpu.memory_space<hbm>> -> memref<80x128xf32, #tpu.memory_space<hbm>>
    %dma_wait3A_678 = arith.constant 0 : i32
    %dma_wait3A_679 = tpu.memref_slice %arg7[%add3A_575, %dma_wait3A_678] : memref<20480x128xf32, #tpu.memory_space<hbm>> -> memref<80x128xf32, #tpu.memory_space<hbm>>
    tpu.wait_dma2 semaphore(%arg22 : memref<!tpu.dma_semaphore, #tpu.memory_space<semaphore_mem>>) src(%arg10 : memref<80x128xf32, #tpu.memory_space<vmem>>) dst(%dma_wait3A_679 : memref<80x128xf32, #tpu.memory_space<hbm>>)
    %dma_start3A_680 = arith.constant 0 : i32
    %dma_start3A_681 = tpu.memref_slice %arg9[%add3A_551, %dma_start3A_680] : memref<10240x128xf32, #tpu.memory_space<vmem_shared>> -> memref<80x128xf32, #tpu.memory_space<vmem_shared>>
    %dma_start3A_682 = arith.constant 0 : i32
    %dma_start3A_683 = tpu.memref_slice %arg9[%add3A_551, %dma_start3A_682] : memref<10240x128xf32, #tpu.memory_space<vmem_shared>> -> memref<80x128xf32, #tpu.memory_space<vmem_shared>>
    tpu.enqueue_dma source(%dma_start3A_683 : memref<80x128xf32, #tpu.memory_space<vmem_shared>>) target(%arg10 : memref<80x128xf32, #tpu.memory_space<vmem>>) target_semaphore(%arg19 : memref<!tpu.dma_semaphore, #tpu.memory_space<semaphore_mem>>)
    %dma_wait3A_684 = arith.constant 0 : i32
    %dma_wait3A_685 = tpu.memref_slice %arg9[%add3A_551, %dma_wait3A_684] : memref<10240x128xf32, #tpu.memory_space<vmem_shared>> -> memref<80x128xf32, #tpu.memory_space<vmem_shared>>
    %dma_wait3A_686 = arith.constant 0 : i32
    %dma_wait3A_687 = tpu.memref_slice %arg9[%add3A_551, %dma_wait3A_686] : memref<10240x128xf32, #tpu.memory_space<vmem_shared>> -> memref<80x128xf32, #tpu.memory_space<vmem_shared>>
    tpu.wait_dma2 semaphore(%arg19 : memref<!tpu.dma_semaphore, #tpu.memory_space<semaphore_mem>>) src(%dma_wait3A_687 : memref<80x128xf32, #tpu.memory_space<vmem_shared>>) dst(%arg10 : memref<80x128xf32, #tpu.memory_space<vmem>>)
    %dma_start3A_688 = arith.constant 0 : i32
    %dma_start3A_689 = tpu.memref_slice %arg7[%add3A_583, %dma_start3A_688] : memref<20480x128xf32, #tpu.memory_space<hbm>> -> memref<80x128xf32, #tpu.memory_space<hbm>>
    %dma_start3A_690 = arith.constant 0 : i32
    %dma_start3A_691 = tpu.memref_slice %arg7[%add3A_583, %dma_start3A_690] : memref<20480x128xf32, #tpu.memory_space<hbm>> -> memref<80x128xf32, #tpu.memory_space<hbm>>
    tpu.enqueue_dma source(%arg10 : memref<80x128xf32, #tpu.memory_space<vmem>>) target(%dma_start3A_691 : memref<80x128xf32, #tpu.memory_space<hbm>>) target_semaphore(%arg22 : memref<!tpu.dma_semaphore, #tpu.memory_space<semaphore_mem>>)
    %dma_wait3A_692 = arith.constant 0 : i32
    %dma_wait3A_693 = tpu.memref_slice %arg7[%add3A_579, %dma_wait3A_692] : memref<20480x128xf32, #tpu.memory_space<hbm>> -> memref<80x128xf32, #tpu.memory_space<hbm>>
    %dma_wait3A_694 = arith.constant 0 : i32
    %dma_wait3A_695 = tpu.memref_slice %arg7[%add3A_579, %dma_wait3A_694] : memref<20480x128xf32, #tpu.memory_space<hbm>> -> memref<80x128xf32, #tpu.memory_space<hbm>>
    tpu.wait_dma2 semaphore(%arg23 : memref<!tpu.dma_semaphore, #tpu.memory_space<semaphore_mem>>) src(%arg11 : memref<80x128xf32, #tpu.memory_space<vmem>>) dst(%dma_wait3A_695 : memref<80x128xf32, #tpu.memory_space<hbm>>)
    %dma_start3A_696 = arith.constant 0 : i32
    %dma_start3A_697 = tpu.memref_slice %arg9[%add3A_555, %dma_start3A_696] : memref<10240x128xf32, #tpu.memory_space<vmem_shared>> -> memref<80x128xf32, #tpu.memory_space<vmem_shared>>
    %dma_start3A_698 = arith.constant 0 : i32
    %dma_start3A_699 = tpu.memref_slice %arg9[%add3A_555, %dma_start3A_698] : memref<10240x128xf32, #tpu.memory_space<vmem_shared>> -> memref<80x128xf32, #tpu.memory_space<vmem_shared>>
    tpu.enqueue_dma source(%dma_start3A_699 : memref<80x128xf32, #tpu.memory_space<vmem_shared>>) target(%arg11 : memref<80x128xf32, #tpu.memory_space<vmem>>) target_semaphore(%arg20 : memref<!tpu.dma_semaphore, #tpu.memory_space<semaphore_mem>>)
    %dma_wait3A_700 = arith.constant 0 : i32
    %dma_wait3A_701 = tpu.memref_slice %arg9[%add3A_555, %dma_wait3A_700] : memref<10240x128xf32, #tpu.memory_space<vmem_shared>> -> memref<80x128xf32, #tpu.memory_space<vmem_shared>>
    %dma_wait3A_702 = arith.constant 0 : i32
    %dma_wait3A_703 = tpu.memref_slice %arg9[%add3A_555, %dma_wait3A_702] : memref<10240x128xf32, #tpu.memory_space<vmem_shared>> -> memref<80x128xf32, #tpu.memory_space<vmem_shared>>
    tpu.wait_dma2 semaphore(%arg20 : memref<!tpu.dma_semaphore, #tpu.memory_space<semaphore_mem>>) src(%dma_wait3A_703 : memref<80x128xf32, #tpu.memory_space<vmem_shared>>) dst(%arg11 : memref<80x128xf32, #tpu.memory_space<vmem>>)
    %dma_start3A_704 = arith.constant 0 : i32
    %dma_start3A_705 = tpu.memref_slice %arg7[%add3A_587, %dma_start3A_704] : memref<20480x128xf32, #tpu.memory_space<hbm>> -> memref<80x128xf32, #tpu.memory_space<hbm>>
    %dma_start3A_706 = arith.constant 0 : i32
    %dma_start3A_707 = tpu.memref_slice %arg7[%add3A_587, %dma_start3A_706] : memref<20480x128xf32, #tpu.memory_space<hbm>> -> memref<80x128xf32, #tpu.memory_space<hbm>>
    tpu.enqueue_dma source(%arg11 : memref<80x128xf32, #tpu.memory_space<vmem>>) target(%dma_start3A_707 : memref<80x128xf32, #tpu.memory_space<hbm>>) target_semaphore(%arg23 : memref<!tpu.dma_semaphore, #tpu.memory_space<semaphore_mem>>)
    %dma_wait3A_708 = arith.constant 0 : i32
    %dma_wait3A_709 = tpu.memref_slice %arg7[%add3A_583, %dma_wait3A_708] : memref<20480x128xf32, #tpu.memory_space<hbm>> -> memref<80x128xf32, #tpu.memory_space<hbm>>
    %dma_wait3A_710 = arith.constant 0 : i32
    %dma_wait3A_711 = tpu.memref_slice %arg7[%add3A_583, %dma_wait3A_710] : memref<20480x128xf32, #tpu.memory_space<hbm>> -> memref<80x128xf32, #tpu.memory_space<hbm>>
    tpu.wait_dma2 semaphore(%arg22 : memref<!tpu.dma_semaphore, #tpu.memory_space<semaphore_mem>>) src(%arg10 : memref<80x128xf32, #tpu.memory_space<vmem>>) dst(%dma_wait3A_711 : memref<80x128xf32, #tpu.memory_space<hbm>>)
    %dma_wait3A_712 = arith.constant 0 : i32
    %dma_wait3A_713 = tpu.memref_slice %arg7[%add3A_587, %dma_wait3A_712] : memref<20480x128xf32, #tpu.memory_space<hbm>> -> memref<80x128xf32, #tpu.memory_space<hbm>>
    %dma_wait3A_714 = arith.constant 0 : i32
    %dma_wait3A_715 = tpu.memref_slice %arg7[%add3A_587, %dma_wait3A_714] : memref<20480x128xf32, #tpu.memory_space<hbm>> -> memref<80x128xf32, #tpu.memory_space<hbm>>
    tpu.wait_dma2 semaphore(%arg23 : memref<!tpu.dma_semaphore, #tpu.memory_space<semaphore_mem>>) src(%arg11 : memref<80x128xf32, #tpu.memory_space<vmem>>) dst(%dma_wait3A_715 : memref<80x128xf32, #tpu.memory_space<hbm>>)
    return
  }
}

#map = affine_map<(d0, d1) -> (0, 0)>
#map1 = affine_map<(d0, d1) -> (0)>
module attributes {stable_mosaic.version = 14 : i64} {
  func.func @body(%arg0: i32, %arg1: i32, %arg2: memref<10000x128xf32, #tpu.memory_space<hbm>>, %arg3: memref<320000xi32, #tpu.memory_space<hbm>>, %arg4: memref<320000xi32, #tpu.memory_space<hbm>>, %arg5: memref<80x128xf32, #tpu.memory_space<hbm>>, %arg6: memref<20480x128xf32, #tpu.memory_space<hbm>>, %arg7: memref<10240x128xf32, #tpu.memory_space<vmem_shared>>, %arg8: memref<80x128xf32, #tpu.memory_space<vmem>>, %arg9: memref<80x128xf32, #tpu.memory_space<vmem>>, %arg10: memref<80x128xf32, #tpu.memory_space<vmem>>, %arg11: memref<80xi32, #tpu.memory_space<vmem>>, %arg12: memref<80xi32, #tpu.memory_space<vmem>>, %arg13: memref<80xi32, #tpu.memory_space<vmem>>, %arg14: memref<80xi32, #tpu.memory_space<vmem>>, %arg15: memref<80xi32, #tpu.memory_space<vmem>>, %arg16: memref<80xi32, #tpu.memory_space<vmem>>, %arg17: memref<!tpu.dma_semaphore, #tpu.memory_space<semaphore_mem>>, %arg18: memref<!tpu.dma_semaphore, #tpu.memory_space<semaphore_mem>>, %arg19: memref<!tpu.dma_semaphore, #tpu.memory_space<semaphore_mem>>, %arg20: memref<!tpu.dma_semaphore, #tpu.memory_space<semaphore_mem>>, %arg21: memref<!tpu.dma_semaphore, #tpu.memory_space<semaphore_mem>>, %arg22: memref<!tpu.dma_semaphore, #tpu.memory_space<semaphore_mem>>, %arg23: memref<!tpu.dma_semaphore, #tpu.memory_space<semaphore_mem>>, %arg24: memref<!tpu.dma_semaphore, #tpu.memory_space<semaphore_mem>>, %arg25: memref<!tpu.dma_semaphore, #tpu.memory_space<semaphore_mem>>) attributes {dimension_semantics = [#tpu.dimension_semantics<core_parallel>, #tpu.dimension_semantics<subcore_parallel>], iteration_bounds = array<i64: 2, 16>, scalar_prefetch = 0 : i64, scratch_operands = 19 : i64, tpu.core_type = #tpu.core_type<sc_vector_subcore>, window_params = [{transform_indices = #map}, {transform_indices = #map1}, {transform_indices = #map1}, {transform_indices = #map}, {transform_indices = #map}]} {
    %mul3A = arith.constant 16 : i32
    %mul3A_0 = arith.muli %arg0, %mul3A : i32
    %add3A = arith.addi %mul3A_0, %arg1 : i32
    "tpu.region"() ({
      %run_scoped3A = tpu.sem_alloc : memref<!tpu.dma_semaphore, #tpu.memory_space<semaphore_mem>>
      tpu.enqueue_dma source(%arg5 : memref<80x128xf32, #tpu.memory_space<hbm>>) target(%arg8 : memref<80x128xf32, #tpu.memory_space<vmem>>) target_semaphore(%run_scoped3A : memref<!tpu.dma_semaphore, #tpu.memory_space<semaphore_mem>>)
      tpu.wait_dma2 semaphore(%run_scoped3A : memref<!tpu.dma_semaphore, #tpu.memory_space<semaphore_mem>>) src(%arg5 : memref<80x128xf32, #tpu.memory_space<hbm>>) dst(%arg8 : memref<80x128xf32, #tpu.memory_space<vmem>>)
      tpu.yield
    }) : () -> ()
    %mul3A_1 = arith.constant 640 : i32
    %mul3A_2 = arith.muli %arg1, %mul3A_1 : i32
    %add3A_3 = arith.constant 0 : i32
    %add3A_4 = arith.addi %mul3A_2, %add3A_3 : i32
    %mul3A_5 = arith.constant 640 : i32
    %mul3A_6 = arith.muli %arg1, %mul3A_5 : i32
    %add3A_7 = arith.constant 80 : i32
    %add3A_8 = arith.addi %mul3A_6, %add3A_7 : i32
    %mul3A_9 = arith.constant 640 : i32
    %mul3A_10 = arith.muli %arg1, %mul3A_9 : i32
    %add3A_11 = arith.constant 160 : i32
    %add3A_12 = arith.addi %mul3A_10, %add3A_11 : i32
    %mul3A_13 = arith.constant 640 : i32
    %mul3A_14 = arith.muli %arg1, %mul3A_13 : i32
    %add3A_15 = arith.constant 240 : i32
    %add3A_16 = arith.addi %mul3A_14, %add3A_15 : i32
    %mul3A_17 = arith.constant 640 : i32
    %mul3A_18 = arith.muli %arg1, %mul3A_17 : i32
    %add3A_19 = arith.constant 320 : i32
    %add3A_20 = arith.addi %mul3A_18, %add3A_19 : i32
    %mul3A_21 = arith.constant 640 : i32
    %mul3A_22 = arith.muli %arg1, %mul3A_21 : i32
    %add3A_23 = arith.constant 400 : i32
    %add3A_24 = arith.addi %mul3A_22, %add3A_23 : i32
    %mul3A_25 = arith.constant 640 : i32
    %mul3A_26 = arith.muli %arg1, %mul3A_25 : i32
    %add3A_27 = arith.constant 480 : i32
    %add3A_28 = arith.addi %mul3A_26, %add3A_27 : i32
    %mul3A_29 = arith.constant 640 : i32
    %mul3A_30 = arith.muli %arg1, %mul3A_29 : i32
    %add3A_31 = arith.constant 560 : i32
    %add3A_32 = arith.addi %mul3A_30, %add3A_31 : i32
    %dma_start3A = arith.constant 0 : i32
    %dma_start3A_33 = tpu.memref_slice %arg7[%add3A_4, %dma_start3A] : memref<10240x128xf32, #tpu.memory_space<vmem_shared>> -> memref<80x128xf32, #tpu.memory_space<vmem_shared>>
    %dma_start3A_34 = arith.constant 0 : i32
    %dma_start3A_35 = tpu.memref_slice %arg7[%add3A_4, %dma_start3A_34] : memref<10240x128xf32, #tpu.memory_space<vmem_shared>> -> memref<80x128xf32, #tpu.memory_space<vmem_shared>>
    tpu.enqueue_dma source(%arg8 : memref<80x128xf32, #tpu.memory_space<vmem>>) target(%dma_start3A_35 : memref<80x128xf32, #tpu.memory_space<vmem_shared>>) target_semaphore(%arg17 : memref<!tpu.dma_semaphore, #tpu.memory_space<semaphore_mem>>)
    %dma_start3A_36 = arith.constant 0 : i32
    %dma_start3A_37 = tpu.memref_slice %arg7[%add3A_8, %dma_start3A_36] : memref<10240x128xf32, #tpu.memory_space<vmem_shared>> -> memref<80x128xf32, #tpu.memory_space<vmem_shared>>
    %dma_start3A_38 = arith.constant 0 : i32
    %dma_start3A_39 = tpu.memref_slice %arg7[%add3A_8, %dma_start3A_38] : memref<10240x128xf32, #tpu.memory_space<vmem_shared>> -> memref<80x128xf32, #tpu.memory_space<vmem_shared>>
    tpu.enqueue_dma source(%arg8 : memref<80x128xf32, #tpu.memory_space<vmem>>) target(%dma_start3A_39 : memref<80x128xf32, #tpu.memory_space<vmem_shared>>) target_semaphore(%arg18 : memref<!tpu.dma_semaphore, #tpu.memory_space<semaphore_mem>>)
    %dma_start3A_40 = arith.constant 0 : i32
    %dma_start3A_41 = tpu.memref_slice %arg7[%add3A_12, %dma_start3A_40] : memref<10240x128xf32, #tpu.memory_space<vmem_shared>> -> memref<80x128xf32, #tpu.memory_space<vmem_shared>>
    %dma_start3A_42 = arith.constant 0 : i32
    %dma_start3A_43 = tpu.memref_slice %arg7[%add3A_12, %dma_start3A_42] : memref<10240x128xf32, #tpu.memory_space<vmem_shared>> -> memref<80x128xf32, #tpu.memory_space<vmem_shared>>
    tpu.enqueue_dma source(%arg8 : memref<80x128xf32, #tpu.memory_space<vmem>>) target(%dma_start3A_43 : memref<80x128xf32, #tpu.memory_space<vmem_shared>>) target_semaphore(%arg19 : memref<!tpu.dma_semaphore, #tpu.memory_space<semaphore_mem>>)
    %dma_start3A_44 = arith.constant 0 : i32
    %dma_start3A_45 = tpu.memref_slice %arg7[%add3A_16, %dma_start3A_44] : memref<10240x128xf32, #tpu.memory_space<vmem_shared>> -> memref<80x128xf32, #tpu.memory_space<vmem_shared>>
    %dma_start3A_46 = arith.constant 0 : i32
    %dma_start3A_47 = tpu.memref_slice %arg7[%add3A_16, %dma_start3A_46] : memref<10240x128xf32, #tpu.memory_space<vmem_shared>> -> memref<80x128xf32, #tpu.memory_space<vmem_shared>>
    tpu.enqueue_dma source(%arg8 : memref<80x128xf32, #tpu.memory_space<vmem>>) target(%dma_start3A_47 : memref<80x128xf32, #tpu.memory_space<vmem_shared>>) target_semaphore(%arg20 : memref<!tpu.dma_semaphore, #tpu.memory_space<semaphore_mem>>)
    %dma_start3A_48 = arith.constant 0 : i32
    %dma_start3A_49 = tpu.memref_slice %arg7[%add3A_20, %dma_start3A_48] : memref<10240x128xf32, #tpu.memory_space<vmem_shared>> -> memref<80x128xf32, #tpu.memory_space<vmem_shared>>
    %dma_start3A_50 = arith.constant 0 : i32
    %dma_start3A_51 = tpu.memref_slice %arg7[%add3A_20, %dma_start3A_50] : memref<10240x128xf32, #tpu.memory_space<vmem_shared>> -> memref<80x128xf32, #tpu.memory_space<vmem_shared>>
    tpu.enqueue_dma source(%arg8 : memref<80x128xf32, #tpu.memory_space<vmem>>) target(%dma_start3A_51 : memref<80x128xf32, #tpu.memory_space<vmem_shared>>) target_semaphore(%arg21 : memref<!tpu.dma_semaphore, #tpu.memory_space<semaphore_mem>>)
    %dma_start3A_52 = arith.constant 0 : i32
    %dma_start3A_53 = tpu.memref_slice %arg7[%add3A_24, %dma_start3A_52] : memref<10240x128xf32, #tpu.memory_space<vmem_shared>> -> memref<80x128xf32, #tpu.memory_space<vmem_shared>>
    %dma_start3A_54 = arith.constant 0 : i32
    %dma_start3A_55 = tpu.memref_slice %arg7[%add3A_24, %dma_start3A_54] : memref<10240x128xf32, #tpu.memory_space<vmem_shared>> -> memref<80x128xf32, #tpu.memory_space<vmem_shared>>
    tpu.enqueue_dma source(%arg8 : memref<80x128xf32, #tpu.memory_space<vmem>>) target(%dma_start3A_55 : memref<80x128xf32, #tpu.memory_space<vmem_shared>>) target_semaphore(%arg22 : memref<!tpu.dma_semaphore, #tpu.memory_space<semaphore_mem>>)
    %dma_start3A_56 = arith.constant 0 : i32
    %dma_start3A_57 = tpu.memref_slice %arg7[%add3A_28, %dma_start3A_56] : memref<10240x128xf32, #tpu.memory_space<vmem_shared>> -> memref<80x128xf32, #tpu.memory_space<vmem_shared>>
    %dma_start3A_58 = arith.constant 0 : i32
    %dma_start3A_59 = tpu.memref_slice %arg7[%add3A_28, %dma_start3A_58] : memref<10240x128xf32, #tpu.memory_space<vmem_shared>> -> memref<80x128xf32, #tpu.memory_space<vmem_shared>>
    tpu.enqueue_dma source(%arg8 : memref<80x128xf32, #tpu.memory_space<vmem>>) target(%dma_start3A_59 : memref<80x128xf32, #tpu.memory_space<vmem_shared>>) target_semaphore(%arg23 : memref<!tpu.dma_semaphore, #tpu.memory_space<semaphore_mem>>)
    %dma_start3A_60 = arith.constant 0 : i32
    %dma_start3A_61 = tpu.memref_slice %arg7[%add3A_32, %dma_start3A_60] : memref<10240x128xf32, #tpu.memory_space<vmem_shared>> -> memref<80x128xf32, #tpu.memory_space<vmem_shared>>
    %dma_start3A_62 = arith.constant 0 : i32
    %dma_start3A_63 = tpu.memref_slice %arg7[%add3A_32, %dma_start3A_62] : memref<10240x128xf32, #tpu.memory_space<vmem_shared>> -> memref<80x128xf32, #tpu.memory_space<vmem_shared>>
    tpu.enqueue_dma source(%arg8 : memref<80x128xf32, #tpu.memory_space<vmem>>) target(%dma_start3A_63 : memref<80x128xf32, #tpu.memory_space<vmem_shared>>) target_semaphore(%arg24 : memref<!tpu.dma_semaphore, #tpu.memory_space<semaphore_mem>>)
    %dma_wait3A = arith.constant 0 : i32
    %dma_wait3A_64 = tpu.memref_slice %arg7[%add3A_4, %dma_wait3A] : memref<10240x128xf32, #tpu.memory_space<vmem_shared>> -> memref<80x128xf32, #tpu.memory_space<vmem_shared>>
    %dma_wait3A_65 = arith.constant 0 : i32
    %dma_wait3A_66 = tpu.memref_slice %arg7[%add3A_4, %dma_wait3A_65] : memref<10240x128xf32, #tpu.memory_space<vmem_shared>> -> memref<80x128xf32, #tpu.memory_space<vmem_shared>>
    tpu.wait_dma2 semaphore(%arg17 : memref<!tpu.dma_semaphore, #tpu.memory_space<semaphore_mem>>) src(%arg8 : memref<80x128xf32, #tpu.memory_space<vmem>>) dst(%dma_wait3A_66 : memref<80x128xf32, #tpu.memory_space<vmem_shared>>)
    %dma_wait3A_67 = arith.constant 0 : i32
    %dma_wait3A_68 = tpu.memref_slice %arg7[%add3A_8, %dma_wait3A_67] : memref<10240x128xf32, #tpu.memory_space<vmem_shared>> -> memref<80x128xf32, #tpu.memory_space<vmem_shared>>
    %dma_wait3A_69 = arith.constant 0 : i32
    %dma_wait3A_70 = tpu.memref_slice %arg7[%add3A_8, %dma_wait3A_69] : memref<10240x128xf32, #tpu.memory_space<vmem_shared>> -> memref<80x128xf32, #tpu.memory_space<vmem_shared>>
    tpu.wait_dma2 semaphore(%arg18 : memref<!tpu.dma_semaphore, #tpu.memory_space<semaphore_mem>>) src(%arg8 : memref<80x128xf32, #tpu.memory_space<vmem>>) dst(%dma_wait3A_70 : memref<80x128xf32, #tpu.memory_space<vmem_shared>>)
    %dma_wait3A_71 = arith.constant 0 : i32
    %dma_wait3A_72 = tpu.memref_slice %arg7[%add3A_12, %dma_wait3A_71] : memref<10240x128xf32, #tpu.memory_space<vmem_shared>> -> memref<80x128xf32, #tpu.memory_space<vmem_shared>>
    %dma_wait3A_73 = arith.constant 0 : i32
    %dma_wait3A_74 = tpu.memref_slice %arg7[%add3A_12, %dma_wait3A_73] : memref<10240x128xf32, #tpu.memory_space<vmem_shared>> -> memref<80x128xf32, #tpu.memory_space<vmem_shared>>
    tpu.wait_dma2 semaphore(%arg19 : memref<!tpu.dma_semaphore, #tpu.memory_space<semaphore_mem>>) src(%arg8 : memref<80x128xf32, #tpu.memory_space<vmem>>) dst(%dma_wait3A_74 : memref<80x128xf32, #tpu.memory_space<vmem_shared>>)
    %dma_wait3A_75 = arith.constant 0 : i32
    %dma_wait3A_76 = tpu.memref_slice %arg7[%add3A_16, %dma_wait3A_75] : memref<10240x128xf32, #tpu.memory_space<vmem_shared>> -> memref<80x128xf32, #tpu.memory_space<vmem_shared>>
    %dma_wait3A_77 = arith.constant 0 : i32
    %dma_wait3A_78 = tpu.memref_slice %arg7[%add3A_16, %dma_wait3A_77] : memref<10240x128xf32, #tpu.memory_space<vmem_shared>> -> memref<80x128xf32, #tpu.memory_space<vmem_shared>>
    tpu.wait_dma2 semaphore(%arg20 : memref<!tpu.dma_semaphore, #tpu.memory_space<semaphore_mem>>) src(%arg8 : memref<80x128xf32, #tpu.memory_space<vmem>>) dst(%dma_wait3A_78 : memref<80x128xf32, #tpu.memory_space<vmem_shared>>)
    %dma_wait3A_79 = arith.constant 0 : i32
    %dma_wait3A_80 = tpu.memref_slice %arg7[%add3A_20, %dma_wait3A_79] : memref<10240x128xf32, #tpu.memory_space<vmem_shared>> -> memref<80x128xf32, #tpu.memory_space<vmem_shared>>
    %dma_wait3A_81 = arith.constant 0 : i32
    %dma_wait3A_82 = tpu.memref_slice %arg7[%add3A_20, %dma_wait3A_81] : memref<10240x128xf32, #tpu.memory_space<vmem_shared>> -> memref<80x128xf32, #tpu.memory_space<vmem_shared>>
    tpu.wait_dma2 semaphore(%arg21 : memref<!tpu.dma_semaphore, #tpu.memory_space<semaphore_mem>>) src(%arg8 : memref<80x128xf32, #tpu.memory_space<vmem>>) dst(%dma_wait3A_82 : memref<80x128xf32, #tpu.memory_space<vmem_shared>>)
    %dma_wait3A_83 = arith.constant 0 : i32
    %dma_wait3A_84 = tpu.memref_slice %arg7[%add3A_24, %dma_wait3A_83] : memref<10240x128xf32, #tpu.memory_space<vmem_shared>> -> memref<80x128xf32, #tpu.memory_space<vmem_shared>>
    %dma_wait3A_85 = arith.constant 0 : i32
    %dma_wait3A_86 = tpu.memref_slice %arg7[%add3A_24, %dma_wait3A_85] : memref<10240x128xf32, #tpu.memory_space<vmem_shared>> -> memref<80x128xf32, #tpu.memory_space<vmem_shared>>
    tpu.wait_dma2 semaphore(%arg22 : memref<!tpu.dma_semaphore, #tpu.memory_space<semaphore_mem>>) src(%arg8 : memref<80x128xf32, #tpu.memory_space<vmem>>) dst(%dma_wait3A_86 : memref<80x128xf32, #tpu.memory_space<vmem_shared>>)
    %dma_wait3A_87 = arith.constant 0 : i32
    %dma_wait3A_88 = tpu.memref_slice %arg7[%add3A_28, %dma_wait3A_87] : memref<10240x128xf32, #tpu.memory_space<vmem_shared>> -> memref<80x128xf32, #tpu.memory_space<vmem_shared>>
    %dma_wait3A_89 = arith.constant 0 : i32
    %dma_wait3A_90 = tpu.memref_slice %arg7[%add3A_28, %dma_wait3A_89] : memref<10240x128xf32, #tpu.memory_space<vmem_shared>> -> memref<80x128xf32, #tpu.memory_space<vmem_shared>>
    tpu.wait_dma2 semaphore(%arg23 : memref<!tpu.dma_semaphore, #tpu.memory_space<semaphore_mem>>) src(%arg8 : memref<80x128xf32, #tpu.memory_space<vmem>>) dst(%dma_wait3A_90 : memref<80x128xf32, #tpu.memory_space<vmem_shared>>)
    %dma_wait3A_91 = arith.constant 0 : i32
    %dma_wait3A_92 = tpu.memref_slice %arg7[%add3A_32, %dma_wait3A_91] : memref<10240x128xf32, #tpu.memory_space<vmem_shared>> -> memref<80x128xf32, #tpu.memory_space<vmem_shared>>
    %dma_wait3A_93 = arith.constant 0 : i32
    %dma_wait3A_94 = tpu.memref_slice %arg7[%add3A_32, %dma_wait3A_93] : memref<10240x128xf32, #tpu.memory_space<vmem_shared>> -> memref<80x128xf32, #tpu.memory_space<vmem_shared>>
    tpu.wait_dma2 semaphore(%arg24 : memref<!tpu.dma_semaphore, #tpu.memory_space<semaphore_mem>>) src(%arg8 : memref<80x128xf32, #tpu.memory_space<vmem>>) dst(%dma_wait3A_94 : memref<80x128xf32, #tpu.memory_space<vmem_shared>>)
    %barrier3A = arith.constant 0 : index
    tpu.barrier barrier_id(%barrier3A)
    %mul3A_95 = arith.constant 10000 : i32
    %mul3A_96 = arith.muli %add3A, %mul3A_95 : i32
    %add3A_97 = arith.constant 0 : i32
    %add3A_98 = arith.addi %mul3A_96, %add3A_97 : i32
    %dma_start3A_99 = tpu.memref_slice %arg3[%add3A_98] : memref<320000xi32, #tpu.memory_space<hbm>> -> memref<80xi32, #tpu.memory_space<hbm>>
    %dma_start3A_100 = tpu.memref_slice %arg3[%add3A_98] : memref<320000xi32, #tpu.memory_space<hbm>> -> memref<80xi32, #tpu.memory_space<hbm>>
    tpu.enqueue_dma source(%dma_start3A_100 : memref<80xi32, #tpu.memory_space<hbm>>) target(%arg11 : memref<80xi32, #tpu.memory_space<vmem>>) target_semaphore(%arg23 : memref<!tpu.dma_semaphore, #tpu.memory_space<semaphore_mem>>)
    %dma_start3A_101 = tpu.memref_slice %arg4[%add3A_98] : memref<320000xi32, #tpu.memory_space<hbm>> -> memref<80xi32, #tpu.memory_space<hbm>>
    %dma_start3A_102 = tpu.memref_slice %arg4[%add3A_98] : memref<320000xi32, #tpu.memory_space<hbm>> -> memref<80xi32, #tpu.memory_space<hbm>>
    tpu.enqueue_dma source(%dma_start3A_102 : memref<80xi32, #tpu.memory_space<hbm>>) target(%arg14 : memref<80xi32, #tpu.memory_space<vmem>>) target_semaphore(%arg23 : memref<!tpu.dma_semaphore, #tpu.memory_space<semaphore_mem>>)
    %mul3A_103 = arith.constant 10000 : i32
    %mul3A_104 = arith.muli %add3A, %mul3A_103 : i32
    %add3A_105 = arith.constant 80 : i32
    %add3A_106 = arith.addi %mul3A_104, %add3A_105 : i32
    %dma_start3A_107 = tpu.memref_slice %arg3[%add3A_106] : memref<320000xi32, #tpu.memory_space<hbm>> -> memref<80xi32, #tpu.memory_space<hbm>>
    %dma_start3A_108 = tpu.memref_slice %arg3[%add3A_106] : memref<320000xi32, #tpu.memory_space<hbm>> -> memref<80xi32, #tpu.memory_space<hbm>>
    tpu.enqueue_dma source(%dma_start3A_108 : memref<80xi32, #tpu.memory_space<hbm>>) target(%arg12 : memref<80xi32, #tpu.memory_space<vmem>>) target_semaphore(%arg24 : memref<!tpu.dma_semaphore, #tpu.memory_space<semaphore_mem>>)
    %dma_start3A_109 = tpu.memref_slice %arg4[%add3A_106] : memref<320000xi32, #tpu.memory_space<hbm>> -> memref<80xi32, #tpu.memory_space<hbm>>
    %dma_start3A_110 = tpu.memref_slice %arg4[%add3A_106] : memref<320000xi32, #tpu.memory_space<hbm>> -> memref<80xi32, #tpu.memory_space<hbm>>
    tpu.enqueue_dma source(%dma_start3A_110 : memref<80xi32, #tpu.memory_space<hbm>>) target(%arg15 : memref<80xi32, #tpu.memory_space<vmem>>) target_semaphore(%arg24 : memref<!tpu.dma_semaphore, #tpu.memory_space<semaphore_mem>>)
    %mul3A_111 = arith.constant 10000 : i32
    %mul3A_112 = arith.muli %add3A, %mul3A_111 : i32
    %add3A_113 = arith.constant 160 : i32
    %add3A_114 = arith.addi %mul3A_112, %add3A_113 : i32
    %dma_start3A_115 = tpu.memref_slice %arg3[%add3A_114] : memref<320000xi32, #tpu.memory_space<hbm>> -> memref<80xi32, #tpu.memory_space<hbm>>
    %dma_start3A_116 = tpu.memref_slice %arg3[%add3A_114] : memref<320000xi32, #tpu.memory_space<hbm>> -> memref<80xi32, #tpu.memory_space<hbm>>
    tpu.enqueue_dma source(%dma_start3A_116 : memref<80xi32, #tpu.memory_space<hbm>>) target(%arg13 : memref<80xi32, #tpu.memory_space<vmem>>) target_semaphore(%arg25 : memref<!tpu.dma_semaphore, #tpu.memory_space<semaphore_mem>>)
    %dma_start3A_117 = tpu.memref_slice %arg4[%add3A_114] : memref<320000xi32, #tpu.memory_space<hbm>> -> memref<80xi32, #tpu.memory_space<hbm>>
    %dma_start3A_118 = tpu.memref_slice %arg4[%add3A_114] : memref<320000xi32, #tpu.memory_space<hbm>> -> memref<80xi32, #tpu.memory_space<hbm>>
    tpu.enqueue_dma source(%dma_start3A_118 : memref<80xi32, #tpu.memory_space<hbm>>) target(%arg16 : memref<80xi32, #tpu.memory_space<vmem>>) target_semaphore(%arg25 : memref<!tpu.dma_semaphore, #tpu.memory_space<semaphore_mem>>)
    %mul3A_119 = arith.constant 10000 : i32
    %mul3A_120 = arith.muli %add3A, %mul3A_119 : i32
    %add3A_121 = arith.constant 0 : i32
    %add3A_122 = arith.addi %mul3A_120, %add3A_121 : i32
    %dma_wait3A_123 = tpu.memref_slice %arg3[%add3A_122] : memref<320000xi32, #tpu.memory_space<hbm>> -> memref<80xi32, #tpu.memory_space<hbm>>
    %dma_wait3A_124 = tpu.memref_slice %arg3[%add3A_122] : memref<320000xi32, #tpu.memory_space<hbm>> -> memref<80xi32, #tpu.memory_space<hbm>>
    tpu.wait_dma2 semaphore(%arg23 : memref<!tpu.dma_semaphore, #tpu.memory_space<semaphore_mem>>) src(%dma_wait3A_124 : memref<80xi32, #tpu.memory_space<hbm>>) dst(%arg11 : memref<80xi32, #tpu.memory_space<vmem>>)
    %dma_wait3A_125 = tpu.memref_slice %arg4[%add3A_122] : memref<320000xi32, #tpu.memory_space<hbm>> -> memref<80xi32, #tpu.memory_space<hbm>>
    %dma_wait3A_126 = tpu.memref_slice %arg4[%add3A_122] : memref<320000xi32, #tpu.memory_space<hbm>> -> memref<80xi32, #tpu.memory_space<hbm>>
    tpu.wait_dma2 semaphore(%arg23 : memref<!tpu.dma_semaphore, #tpu.memory_space<semaphore_mem>>) src(%dma_wait3A_126 : memref<80xi32, #tpu.memory_space<hbm>>) dst(%arg14 : memref<80xi32, #tpu.memory_space<vmem>>)
    %dma_start3A_127 = arith.constant 0 : i32
    %dma_start3A_128 = arith.constant 0 : i32
    %dma_start3A_129 = tpu.memref_slice %arg2[%dma_start3A_127, %dma_start3A_128] : memref<10000x128xf32, #tpu.memory_space<hbm>> -> memref<10000x128xf32, #tpu.memory_space<hbm>>
    tpu.enqueue_indirect_dma source(%dma_start3A_129 : memref<10000x128xf32, #tpu.memory_space<hbm>>) target(%arg8 : memref<80x128xf32, #tpu.memory_space<vmem>>) offsets(%arg11 : memref<80xi32, #tpu.memory_space<vmem>>) semaphore(%arg17 : memref<!tpu.dma_semaphore, #tpu.memory_space<semaphore_mem>>)
    %mul3A_130 = arith.constant 10000 : i32
    %mul3A_131 = arith.muli %add3A, %mul3A_130 : i32
    %add3A_132 = arith.constant 80 : i32
    %add3A_133 = arith.addi %mul3A_131, %add3A_132 : i32
    %dma_wait3A_134 = tpu.memref_slice %arg3[%add3A_133] : memref<320000xi32, #tpu.memory_space<hbm>> -> memref<80xi32, #tpu.memory_space<hbm>>
    %dma_wait3A_135 = tpu.memref_slice %arg3[%add3A_133] : memref<320000xi32, #tpu.memory_space<hbm>> -> memref<80xi32, #tpu.memory_space<hbm>>
    tpu.wait_dma2 semaphore(%arg24 : memref<!tpu.dma_semaphore, #tpu.memory_space<semaphore_mem>>) src(%dma_wait3A_135 : memref<80xi32, #tpu.memory_space<hbm>>) dst(%arg12 : memref<80xi32, #tpu.memory_space<vmem>>)
    %dma_wait3A_136 = tpu.memref_slice %arg4[%add3A_133] : memref<320000xi32, #tpu.memory_space<hbm>> -> memref<80xi32, #tpu.memory_space<hbm>>
    %dma_wait3A_137 = tpu.memref_slice %arg4[%add3A_133] : memref<320000xi32, #tpu.memory_space<hbm>> -> memref<80xi32, #tpu.memory_space<hbm>>
    tpu.wait_dma2 semaphore(%arg24 : memref<!tpu.dma_semaphore, #tpu.memory_space<semaphore_mem>>) src(%dma_wait3A_137 : memref<80xi32, #tpu.memory_space<hbm>>) dst(%arg15 : memref<80xi32, #tpu.memory_space<vmem>>)
    %dma_start3A_138 = arith.constant 0 : i32
    %dma_start3A_139 = arith.constant 0 : i32
    %dma_start3A_140 = tpu.memref_slice %arg2[%dma_start3A_138, %dma_start3A_139] : memref<10000x128xf32, #tpu.memory_space<hbm>> -> memref<10000x128xf32, #tpu.memory_space<hbm>>
    tpu.enqueue_indirect_dma source(%dma_start3A_140 : memref<10000x128xf32, #tpu.memory_space<hbm>>) target(%arg9 : memref<80x128xf32, #tpu.memory_space<vmem>>) offsets(%arg12 : memref<80xi32, #tpu.memory_space<vmem>>) semaphore(%arg18 : memref<!tpu.dma_semaphore, #tpu.memory_space<semaphore_mem>>)
    %mul3A_141 = arith.constant 10000 : i32
    %mul3A_142 = arith.muli %add3A, %mul3A_141 : i32
    %add3A_143 = arith.constant 160 : i32
    %add3A_144 = arith.addi %mul3A_142, %add3A_143 : i32
    %dma_wait3A_145 = tpu.memref_slice %arg3[%add3A_144] : memref<320000xi32, #tpu.memory_space<hbm>> -> memref<80xi32, #tpu.memory_space<hbm>>
    %dma_wait3A_146 = tpu.memref_slice %arg3[%add3A_144] : memref<320000xi32, #tpu.memory_space<hbm>> -> memref<80xi32, #tpu.memory_space<hbm>>
    tpu.wait_dma2 semaphore(%arg25 : memref<!tpu.dma_semaphore, #tpu.memory_space<semaphore_mem>>) src(%dma_wait3A_146 : memref<80xi32, #tpu.memory_space<hbm>>) dst(%arg13 : memref<80xi32, #tpu.memory_space<vmem>>)
    %dma_wait3A_147 = tpu.memref_slice %arg4[%add3A_144] : memref<320000xi32, #tpu.memory_space<hbm>> -> memref<80xi32, #tpu.memory_space<hbm>>
    %dma_wait3A_148 = tpu.memref_slice %arg4[%add3A_144] : memref<320000xi32, #tpu.memory_space<hbm>> -> memref<80xi32, #tpu.memory_space<hbm>>
    tpu.wait_dma2 semaphore(%arg25 : memref<!tpu.dma_semaphore, #tpu.memory_space<semaphore_mem>>) src(%dma_wait3A_148 : memref<80xi32, #tpu.memory_space<hbm>>) dst(%arg16 : memref<80xi32, #tpu.memory_space<vmem>>)
    %dma_start3A_149 = arith.constant 0 : i32
    %dma_start3A_150 = arith.constant 0 : i32
    %dma_start3A_151 = tpu.memref_slice %arg2[%dma_start3A_149, %dma_start3A_150] : memref<10000x128xf32, #tpu.memory_space<hbm>> -> memref<10000x128xf32, #tpu.memory_space<hbm>>
    tpu.enqueue_indirect_dma source(%dma_start3A_151 : memref<10000x128xf32, #tpu.memory_space<hbm>>) target(%arg10 : memref<80x128xf32, #tpu.memory_space<vmem>>) offsets(%arg13 : memref<80xi32, #tpu.memory_space<vmem>>) semaphore(%arg19 : memref<!tpu.dma_semaphore, #tpu.memory_space<semaphore_mem>>)
    %scan3A = arith.constant 0 : i32
    %scan3A_152 = arith.constant 0 : i32
    %scan3A_153 = arith.constant 41 : i32
    %scan3A_154 = arith.addi %scan3A_152, %scan3A_153 : i32
    %scan3A_155 = arith.constant 1 : i32
    scf.for %scan3A_368 = %scan3A_152 to %scan3A_154 step %scan3A_155  : i32 {
      %mul3A_369 = arith.constant 3 : i32
      %mul3A_370 = arith.muli %scan3A_368, %mul3A_369 : i32
      %dma_wait3A_371 = arith.constant 0 : i32
      %dma_wait3A_372 = arith.constant 0 : i32
      %dma_wait3A_373 = tpu.memref_slice %arg2[%dma_wait3A_371, %dma_wait3A_372] : memref<10000x128xf32, #tpu.memory_space<hbm>> -> memref<10000x128xf32, #tpu.memory_space<hbm>>
      tpu.wait_indirect_dma semaphore(%arg17 : memref<!tpu.dma_semaphore, #tpu.memory_space<semaphore_mem>>) src(%dma_wait3A_373 : memref<10000x128xf32, #tpu.memory_space<hbm>>) dst(%arg8 : memref<80x128xf32, #tpu.memory_space<vmem>>)
      %dma_start3A_374 = arith.constant 0 : i32
      %dma_start3A_375 = arith.constant 0 : i32
      %dma_start3A_376 = tpu.memref_slice %arg7[%dma_start3A_374, %dma_start3A_375] : memref<10240x128xf32, #tpu.memory_space<vmem_shared>> -> memref<10240x128xf32, #tpu.memory_space<vmem_shared>>
      tpu.enqueue_indirect_dma source(%arg8 : memref<80x128xf32, #tpu.memory_space<vmem>>) target(%dma_start3A_376 : memref<10240x128xf32, #tpu.memory_space<vmem_shared>>) offsets(%arg14 : memref<80xi32, #tpu.memory_space<vmem>>) semaphore(%arg20 : memref<!tpu.dma_semaphore, #tpu.memory_space<semaphore_mem>>) {add = true}
      %dma_wait3A_377 = arith.constant 0 : i32
      %dma_wait3A_378 = arith.constant 0 : i32
      %dma_wait3A_379 = tpu.memref_slice %arg2[%dma_wait3A_377, %dma_wait3A_378] : memref<10000x128xf32, #tpu.memory_space<hbm>> -> memref<10000x128xf32, #tpu.memory_space<hbm>>
      tpu.wait_indirect_dma semaphore(%arg18 : memref<!tpu.dma_semaphore, #tpu.memory_space<semaphore_mem>>) src(%dma_wait3A_379 : memref<10000x128xf32, #tpu.memory_space<hbm>>) dst(%arg9 : memref<80x128xf32, #tpu.memory_space<vmem>>)
      %dma_start3A_380 = arith.constant 0 : i32
      %dma_start3A_381 = arith.constant 0 : i32
      %dma_start3A_382 = tpu.memref_slice %arg7[%dma_start3A_380, %dma_start3A_381] : memref<10240x128xf32, #tpu.memory_space<vmem_shared>> -> memref<10240x128xf32, #tpu.memory_space<vmem_shared>>
      tpu.enqueue_indirect_dma source(%arg9 : memref<80x128xf32, #tpu.memory_space<vmem>>) target(%dma_start3A_382 : memref<10240x128xf32, #tpu.memory_space<vmem_shared>>) offsets(%arg15 : memref<80xi32, #tpu.memory_space<vmem>>) semaphore(%arg21 : memref<!tpu.dma_semaphore, #tpu.memory_space<semaphore_mem>>) {add = true}
      %dma_wait3A_383 = arith.constant 0 : i32
      %dma_wait3A_384 = arith.constant 0 : i32
      %dma_wait3A_385 = tpu.memref_slice %arg2[%dma_wait3A_383, %dma_wait3A_384] : memref<10000x128xf32, #tpu.memory_space<hbm>> -> memref<10000x128xf32, #tpu.memory_space<hbm>>
      tpu.wait_indirect_dma semaphore(%arg19 : memref<!tpu.dma_semaphore, #tpu.memory_space<semaphore_mem>>) src(%dma_wait3A_385 : memref<10000x128xf32, #tpu.memory_space<hbm>>) dst(%arg10 : memref<80x128xf32, #tpu.memory_space<vmem>>)
      %dma_start3A_386 = arith.constant 0 : i32
      %dma_start3A_387 = arith.constant 0 : i32
      %dma_start3A_388 = tpu.memref_slice %arg7[%dma_start3A_386, %dma_start3A_387] : memref<10240x128xf32, #tpu.memory_space<vmem_shared>> -> memref<10240x128xf32, #tpu.memory_space<vmem_shared>>
      tpu.enqueue_indirect_dma source(%arg10 : memref<80x128xf32, #tpu.memory_space<vmem>>) target(%dma_start3A_388 : memref<10240x128xf32, #tpu.memory_space<vmem_shared>>) offsets(%arg16 : memref<80xi32, #tpu.memory_space<vmem>>) semaphore(%arg22 : memref<!tpu.dma_semaphore, #tpu.memory_space<semaphore_mem>>) {add = true}
      %dma_wait3A_389 = arith.constant 0 : i32
      %dma_wait3A_390 = arith.constant 0 : i32
      %dma_wait3A_391 = tpu.memref_slice %arg7[%dma_wait3A_389, %dma_wait3A_390] : memref<10240x128xf32, #tpu.memory_space<vmem_shared>> -> memref<10240x128xf32, #tpu.memory_space<vmem_shared>>
      tpu.wait_indirect_dma semaphore(%arg20 : memref<!tpu.dma_semaphore, #tpu.memory_space<semaphore_mem>>) src(%arg8 : memref<80x128xf32, #tpu.memory_space<vmem>>) dst(%dma_wait3A_391 : memref<10240x128xf32, #tpu.memory_space<vmem_shared>>)
      %add3A_392 = arith.constant 0 : i32
      %add3A_393 = arith.addi %mul3A_370, %add3A_392 : i32
      %add3A_394 = arith.constant 3 : i32
      %add3A_395 = arith.addi %add3A_393, %add3A_394 : i32
      %lt3A = arith.constant 125 : i32
      %lt3A_396 = arith.cmpi slt, %add3A_395, %lt3A : i32
      %convert_element_type3A = arith.extui %lt3A_396 : i1 to i32
      %cond3A = arith.constant 0 : i32
      %cond3A_397 = arith.cmpi ne, %convert_element_type3A, %cond3A : i32
      scf.if %cond3A_397 {
        %add3A_422 = arith.constant 0 : i32
        %add3A_423 = arith.addi %mul3A_370, %add3A_422 : i32
        %add3A_424 = arith.constant 3 : i32
        %add3A_425 = arith.addi %add3A_423, %add3A_424 : i32
        %mul3A_426 = arith.constant 10000 : i32
        %mul3A_427 = arith.muli %add3A, %mul3A_426 : i32
        %mul3A_428 = arith.constant 80 : i32
        %mul3A_429 = arith.muli %add3A_425, %mul3A_428 : i32
        %add3A_430 = arith.addi %mul3A_427, %mul3A_429 : i32
        %dma_start3A_431 = tpu.memref_slice %arg3[%add3A_430] : memref<320000xi32, #tpu.memory_space<hbm>> -> memref<80xi32, #tpu.memory_space<hbm>>
        %dma_start3A_432 = tpu.memref_slice %arg3[%add3A_430] : memref<320000xi32, #tpu.memory_space<hbm>> -> memref<80xi32, #tpu.memory_space<hbm>>
        tpu.enqueue_dma source(%dma_start3A_432 : memref<80xi32, #tpu.memory_space<hbm>>) target(%arg11 : memref<80xi32, #tpu.memory_space<vmem>>) target_semaphore(%arg23 : memref<!tpu.dma_semaphore, #tpu.memory_space<semaphore_mem>>)
        %dma_start3A_433 = tpu.memref_slice %arg4[%add3A_430] : memref<320000xi32, #tpu.memory_space<hbm>> -> memref<80xi32, #tpu.memory_space<hbm>>
        %dma_start3A_434 = tpu.memref_slice %arg4[%add3A_430] : memref<320000xi32, #tpu.memory_space<hbm>> -> memref<80xi32, #tpu.memory_space<hbm>>
        tpu.enqueue_dma source(%dma_start3A_434 : memref<80xi32, #tpu.memory_space<hbm>>) target(%arg14 : memref<80xi32, #tpu.memory_space<vmem>>) target_semaphore(%arg23 : memref<!tpu.dma_semaphore, #tpu.memory_space<semaphore_mem>>)
        %add3A_435 = arith.constant 0 : i32
        %add3A_436 = arith.addi %mul3A_370, %add3A_435 : i32
        %add3A_437 = arith.constant 3 : i32
        %add3A_438 = arith.addi %add3A_436, %add3A_437 : i32
        %mul3A_439 = arith.constant 10000 : i32
        %mul3A_440 = arith.muli %add3A, %mul3A_439 : i32
        %mul3A_441 = arith.constant 80 : i32
        %mul3A_442 = arith.muli %add3A_438, %mul3A_441 : i32
        %add3A_443 = arith.addi %mul3A_440, %mul3A_442 : i32
        %dma_wait3A_444 = tpu.memref_slice %arg3[%add3A_443] : memref<320000xi32, #tpu.memory_space<hbm>> -> memref<80xi32, #tpu.memory_space<hbm>>
        %dma_wait3A_445 = tpu.memref_slice %arg3[%add3A_443] : memref<320000xi32, #tpu.memory_space<hbm>> -> memref<80xi32, #tpu.memory_space<hbm>>
        tpu.wait_dma2 semaphore(%arg23 : memref<!tpu.dma_semaphore, #tpu.memory_space<semaphore_mem>>) src(%dma_wait3A_445 : memref<80xi32, #tpu.memory_space<hbm>>) dst(%arg11 : memref<80xi32, #tpu.memory_space<vmem>>)
        %dma_wait3A_446 = tpu.memref_slice %arg4[%add3A_443] : memref<320000xi32, #tpu.memory_space<hbm>> -> memref<80xi32, #tpu.memory_space<hbm>>
        %dma_wait3A_447 = tpu.memref_slice %arg4[%add3A_443] : memref<320000xi32, #tpu.memory_space<hbm>> -> memref<80xi32, #tpu.memory_space<hbm>>
        tpu.wait_dma2 semaphore(%arg23 : memref<!tpu.dma_semaphore, #tpu.memory_space<semaphore_mem>>) src(%dma_wait3A_447 : memref<80xi32, #tpu.memory_space<hbm>>) dst(%arg14 : memref<80xi32, #tpu.memory_space<vmem>>)
        %dma_start3A_448 = arith.constant 0 : i32
        %dma_start3A_449 = arith.constant 0 : i32
        %dma_start3A_450 = tpu.memref_slice %arg2[%dma_start3A_448, %dma_start3A_449] : memref<10000x128xf32, #tpu.memory_space<hbm>> -> memref<10000x128xf32, #tpu.memory_space<hbm>>
        tpu.enqueue_indirect_dma source(%dma_start3A_450 : memref<10000x128xf32, #tpu.memory_space<hbm>>) target(%arg8 : memref<80x128xf32, #tpu.memory_space<vmem>>) offsets(%arg11 : memref<80xi32, #tpu.memory_space<vmem>>) semaphore(%arg17 : memref<!tpu.dma_semaphore, #tpu.memory_space<semaphore_mem>>)
      } else {
      }
      %dma_wait3A_398 = arith.constant 0 : i32
      %dma_wait3A_399 = arith.constant 0 : i32
      %dma_wait3A_400 = tpu.memref_slice %arg7[%dma_wait3A_398, %dma_wait3A_399] : memref<10240x128xf32, #tpu.memory_space<vmem_shared>> -> memref<10240x128xf32, #tpu.memory_space<vmem_shared>>
      tpu.wait_indirect_dma semaphore(%arg21 : memref<!tpu.dma_semaphore, #tpu.memory_space<semaphore_mem>>) src(%arg9 : memref<80x128xf32, #tpu.memory_space<vmem>>) dst(%dma_wait3A_400 : memref<10240x128xf32, #tpu.memory_space<vmem_shared>>)
      %add3A_401 = arith.constant 1 : i32
      %add3A_402 = arith.addi %mul3A_370, %add3A_401 : i32
      %add3A_403 = arith.constant 3 : i32
      %add3A_404 = arith.addi %add3A_402, %add3A_403 : i32
      %lt3A_405 = arith.constant 125 : i32
      %lt3A_406 = arith.cmpi slt, %add3A_404, %lt3A_405 : i32
      %convert_element_type3A_407 = arith.extui %lt3A_406 : i1 to i32
      %cond3A_408 = arith.constant 0 : i32
      %cond3A_409 = arith.cmpi ne, %convert_element_type3A_407, %cond3A_408 : i32
      scf.if %cond3A_409 {
        %add3A_422 = arith.constant 1 : i32
        %add3A_423 = arith.addi %mul3A_370, %add3A_422 : i32
        %add3A_424 = arith.constant 3 : i32
        %add3A_425 = arith.addi %add3A_423, %add3A_424 : i32
        %mul3A_426 = arith.constant 10000 : i32
        %mul3A_427 = arith.muli %add3A, %mul3A_426 : i32
        %mul3A_428 = arith.constant 80 : i32
        %mul3A_429 = arith.muli %add3A_425, %mul3A_428 : i32
        %add3A_430 = arith.addi %mul3A_427, %mul3A_429 : i32
        %dma_start3A_431 = tpu.memref_slice %arg3[%add3A_430] : memref<320000xi32, #tpu.memory_space<hbm>> -> memref<80xi32, #tpu.memory_space<hbm>>
        %dma_start3A_432 = tpu.memref_slice %arg3[%add3A_430] : memref<320000xi32, #tpu.memory_space<hbm>> -> memref<80xi32, #tpu.memory_space<hbm>>
        tpu.enqueue_dma source(%dma_start3A_432 : memref<80xi32, #tpu.memory_space<hbm>>) target(%arg12 : memref<80xi32, #tpu.memory_space<vmem>>) target_semaphore(%arg24 : memref<!tpu.dma_semaphore, #tpu.memory_space<semaphore_mem>>)
        %dma_start3A_433 = tpu.memref_slice %arg4[%add3A_430] : memref<320000xi32, #tpu.memory_space<hbm>> -> memref<80xi32, #tpu.memory_space<hbm>>
        %dma_start3A_434 = tpu.memref_slice %arg4[%add3A_430] : memref<320000xi32, #tpu.memory_space<hbm>> -> memref<80xi32, #tpu.memory_space<hbm>>
        tpu.enqueue_dma source(%dma_start3A_434 : memref<80xi32, #tpu.memory_space<hbm>>) target(%arg15 : memref<80xi32, #tpu.memory_space<vmem>>) target_semaphore(%arg24 : memref<!tpu.dma_semaphore, #tpu.memory_space<semaphore_mem>>)
        %add3A_435 = arith.constant 1 : i32
        %add3A_436 = arith.addi %mul3A_370, %add3A_435 : i32
        %add3A_437 = arith.constant 3 : i32
        %add3A_438 = arith.addi %add3A_436, %add3A_437 : i32
        %mul3A_439 = arith.constant 10000 : i32
        %mul3A_440 = arith.muli %add3A, %mul3A_439 : i32
        %mul3A_441 = arith.constant 80 : i32
        %mul3A_442 = arith.muli %add3A_438, %mul3A_441 : i32
        %add3A_443 = arith.addi %mul3A_440, %mul3A_442 : i32
        %dma_wait3A_444 = tpu.memref_slice %arg3[%add3A_443] : memref<320000xi32, #tpu.memory_space<hbm>> -> memref<80xi32, #tpu.memory_space<hbm>>
        %dma_wait3A_445 = tpu.memref_slice %arg3[%add3A_443] : memref<320000xi32, #tpu.memory_space<hbm>> -> memref<80xi32, #tpu.memory_space<hbm>>
        tpu.wait_dma2 semaphore(%arg24 : memref<!tpu.dma_semaphore, #tpu.memory_space<semaphore_mem>>) src(%dma_wait3A_445 : memref<80xi32, #tpu.memory_space<hbm>>) dst(%arg12 : memref<80xi32, #tpu.memory_space<vmem>>)
        %dma_wait3A_446 = tpu.memref_slice %arg4[%add3A_443] : memref<320000xi32, #tpu.memory_space<hbm>> -> memref<80xi32, #tpu.memory_space<hbm>>
        %dma_wait3A_447 = tpu.memref_slice %arg4[%add3A_443] : memref<320000xi32, #tpu.memory_space<hbm>> -> memref<80xi32, #tpu.memory_space<hbm>>
        tpu.wait_dma2 semaphore(%arg24 : memref<!tpu.dma_semaphore, #tpu.memory_space<semaphore_mem>>) src(%dma_wait3A_447 : memref<80xi32, #tpu.memory_space<hbm>>) dst(%arg15 : memref<80xi32, #tpu.memory_space<vmem>>)
        %dma_start3A_448 = arith.constant 0 : i32
        %dma_start3A_449 = arith.constant 0 : i32
        %dma_start3A_450 = tpu.memref_slice %arg2[%dma_start3A_448, %dma_start3A_449] : memref<10000x128xf32, #tpu.memory_space<hbm>> -> memref<10000x128xf32, #tpu.memory_space<hbm>>
        tpu.enqueue_indirect_dma source(%dma_start3A_450 : memref<10000x128xf32, #tpu.memory_space<hbm>>) target(%arg9 : memref<80x128xf32, #tpu.memory_space<vmem>>) offsets(%arg12 : memref<80xi32, #tpu.memory_space<vmem>>) semaphore(%arg18 : memref<!tpu.dma_semaphore, #tpu.memory_space<semaphore_mem>>)
      } else {
      }
      %dma_wait3A_410 = arith.constant 0 : i32
      %dma_wait3A_411 = arith.constant 0 : i32
      %dma_wait3A_412 = tpu.memref_slice %arg7[%dma_wait3A_410, %dma_wait3A_411] : memref<10240x128xf32, #tpu.memory_space<vmem_shared>> -> memref<10240x128xf32, #tpu.memory_space<vmem_shared>>
      tpu.wait_indirect_dma semaphore(%arg22 : memref<!tpu.dma_semaphore, #tpu.memory_space<semaphore_mem>>) src(%arg10 : memref<80x128xf32, #tpu.memory_space<vmem>>) dst(%dma_wait3A_412 : memref<10240x128xf32, #tpu.memory_space<vmem_shared>>)
      %add3A_413 = arith.constant 2 : i32
      %add3A_414 = arith.addi %mul3A_370, %add3A_413 : i32
      %add3A_415 = arith.constant 3 : i32
      %add3A_416 = arith.addi %add3A_414, %add3A_415 : i32
      %lt3A_417 = arith.constant 125 : i32
      %lt3A_418 = arith.cmpi slt, %add3A_416, %lt3A_417 : i32
      %convert_element_type3A_419 = arith.extui %lt3A_418 : i1 to i32
      %cond3A_420 = arith.constant 0 : i32
      %cond3A_421 = arith.cmpi ne, %convert_element_type3A_419, %cond3A_420 : i32
      scf.if %cond3A_421 {
        %add3A_422 = arith.constant 2 : i32
        %add3A_423 = arith.addi %mul3A_370, %add3A_422 : i32
        %add3A_424 = arith.constant 3 : i32
        %add3A_425 = arith.addi %add3A_423, %add3A_424 : i32
        %mul3A_426 = arith.constant 10000 : i32
        %mul3A_427 = arith.muli %add3A, %mul3A_426 : i32
        %mul3A_428 = arith.constant 80 : i32
        %mul3A_429 = arith.muli %add3A_425, %mul3A_428 : i32
        %add3A_430 = arith.addi %mul3A_427, %mul3A_429 : i32
        %dma_start3A_431 = tpu.memref_slice %arg3[%add3A_430] : memref<320000xi32, #tpu.memory_space<hbm>> -> memref<80xi32, #tpu.memory_space<hbm>>
        %dma_start3A_432 = tpu.memref_slice %arg3[%add3A_430] : memref<320000xi32, #tpu.memory_space<hbm>> -> memref<80xi32, #tpu.memory_space<hbm>>
        tpu.enqueue_dma source(%dma_start3A_432 : memref<80xi32, #tpu.memory_space<hbm>>) target(%arg13 : memref<80xi32, #tpu.memory_space<vmem>>) target_semaphore(%arg25 : memref<!tpu.dma_semaphore, #tpu.memory_space<semaphore_mem>>)
        %dma_start3A_433 = tpu.memref_slice %arg4[%add3A_430] : memref<320000xi32, #tpu.memory_space<hbm>> -> memref<80xi32, #tpu.memory_space<hbm>>
        %dma_start3A_434 = tpu.memref_slice %arg4[%add3A_430] : memref<320000xi32, #tpu.memory_space<hbm>> -> memref<80xi32, #tpu.memory_space<hbm>>
        tpu.enqueue_dma source(%dma_start3A_434 : memref<80xi32, #tpu.memory_space<hbm>>) target(%arg16 : memref<80xi32, #tpu.memory_space<vmem>>) target_semaphore(%arg25 : memref<!tpu.dma_semaphore, #tpu.memory_space<semaphore_mem>>)
        %add3A_435 = arith.constant 2 : i32
        %add3A_436 = arith.addi %mul3A_370, %add3A_435 : i32
        %add3A_437 = arith.constant 3 : i32
        %add3A_438 = arith.addi %add3A_436, %add3A_437 : i32
        %mul3A_439 = arith.constant 10000 : i32
        %mul3A_440 = arith.muli %add3A, %mul3A_439 : i32
        %mul3A_441 = arith.constant 80 : i32
        %mul3A_442 = arith.muli %add3A_438, %mul3A_441 : i32
        %add3A_443 = arith.addi %mul3A_440, %mul3A_442 : i32
        %dma_wait3A_444 = tpu.memref_slice %arg3[%add3A_443] : memref<320000xi32, #tpu.memory_space<hbm>> -> memref<80xi32, #tpu.memory_space<hbm>>
        %dma_wait3A_445 = tpu.memref_slice %arg3[%add3A_443] : memref<320000xi32, #tpu.memory_space<hbm>> -> memref<80xi32, #tpu.memory_space<hbm>>
        tpu.wait_dma2 semaphore(%arg25 : memref<!tpu.dma_semaphore, #tpu.memory_space<semaphore_mem>>) src(%dma_wait3A_445 : memref<80xi32, #tpu.memory_space<hbm>>) dst(%arg13 : memref<80xi32, #tpu.memory_space<vmem>>)
        %dma_wait3A_446 = tpu.memref_slice %arg4[%add3A_443] : memref<320000xi32, #tpu.memory_space<hbm>> -> memref<80xi32, #tpu.memory_space<hbm>>
        %dma_wait3A_447 = tpu.memref_slice %arg4[%add3A_443] : memref<320000xi32, #tpu.memory_space<hbm>> -> memref<80xi32, #tpu.memory_space<hbm>>
        tpu.wait_dma2 semaphore(%arg25 : memref<!tpu.dma_semaphore, #tpu.memory_space<semaphore_mem>>) src(%dma_wait3A_447 : memref<80xi32, #tpu.memory_space<hbm>>) dst(%arg16 : memref<80xi32, #tpu.memory_space<vmem>>)
        %dma_start3A_448 = arith.constant 0 : i32
        %dma_start3A_449 = arith.constant 0 : i32
        %dma_start3A_450 = tpu.memref_slice %arg2[%dma_start3A_448, %dma_start3A_449] : memref<10000x128xf32, #tpu.memory_space<hbm>> -> memref<10000x128xf32, #tpu.memory_space<hbm>>
        tpu.enqueue_indirect_dma source(%dma_start3A_450 : memref<10000x128xf32, #tpu.memory_space<hbm>>) target(%arg10 : memref<80x128xf32, #tpu.memory_space<vmem>>) offsets(%arg13 : memref<80xi32, #tpu.memory_space<vmem>>) semaphore(%arg19 : memref<!tpu.dma_semaphore, #tpu.memory_space<semaphore_mem>>)
      } else {
      }
    }
    %scan3A_156 = arith.constant 41 : i32
    %dma_wait3A_157 = arith.constant 0 : i32
    %dma_wait3A_158 = arith.constant 0 : i32
    %dma_wait3A_159 = tpu.memref_slice %arg2[%dma_wait3A_157, %dma_wait3A_158] : memref<10000x128xf32, #tpu.memory_space<hbm>> -> memref<10000x128xf32, #tpu.memory_space<hbm>>
    tpu.wait_indirect_dma semaphore(%arg17 : memref<!tpu.dma_semaphore, #tpu.memory_space<semaphore_mem>>) src(%dma_wait3A_159 : memref<10000x128xf32, #tpu.memory_space<hbm>>) dst(%arg8 : memref<80x128xf32, #tpu.memory_space<vmem>>)
    %dma_start3A_160 = arith.constant 0 : i32
    %dma_start3A_161 = arith.constant 0 : i32
    %dma_start3A_162 = tpu.memref_slice %arg7[%dma_start3A_160, %dma_start3A_161] : memref<10240x128xf32, #tpu.memory_space<vmem_shared>> -> memref<10240x128xf32, #tpu.memory_space<vmem_shared>>
    tpu.enqueue_indirect_dma source(%arg8 : memref<80x128xf32, #tpu.memory_space<vmem>>) target(%dma_start3A_162 : memref<10240x128xf32, #tpu.memory_space<vmem_shared>>) offsets(%arg14 : memref<80xi32, #tpu.memory_space<vmem>>) semaphore(%arg20 : memref<!tpu.dma_semaphore, #tpu.memory_space<semaphore_mem>>) {add = true}
    %dma_wait3A_163 = arith.constant 0 : i32
    %dma_wait3A_164 = arith.constant 0 : i32
    %dma_wait3A_165 = tpu.memref_slice %arg2[%dma_wait3A_163, %dma_wait3A_164] : memref<10000x128xf32, #tpu.memory_space<hbm>> -> memref<10000x128xf32, #tpu.memory_space<hbm>>
    tpu.wait_indirect_dma semaphore(%arg18 : memref<!tpu.dma_semaphore, #tpu.memory_space<semaphore_mem>>) src(%dma_wait3A_165 : memref<10000x128xf32, #tpu.memory_space<hbm>>) dst(%arg9 : memref<80x128xf32, #tpu.memory_space<vmem>>)
    %dma_start3A_166 = arith.constant 0 : i32
    %dma_start3A_167 = arith.constant 0 : i32
    %dma_start3A_168 = tpu.memref_slice %arg7[%dma_start3A_166, %dma_start3A_167] : memref<10240x128xf32, #tpu.memory_space<vmem_shared>> -> memref<10240x128xf32, #tpu.memory_space<vmem_shared>>
    tpu.enqueue_indirect_dma source(%arg9 : memref<80x128xf32, #tpu.memory_space<vmem>>) target(%dma_start3A_168 : memref<10240x128xf32, #tpu.memory_space<vmem_shared>>) offsets(%arg15 : memref<80xi32, #tpu.memory_space<vmem>>) semaphore(%arg21 : memref<!tpu.dma_semaphore, #tpu.memory_space<semaphore_mem>>) {add = true}
    %dma_wait3A_169 = arith.constant 0 : i32
    %dma_wait3A_170 = arith.constant 0 : i32
    %dma_wait3A_171 = tpu.memref_slice %arg7[%dma_wait3A_169, %dma_wait3A_170] : memref<10240x128xf32, #tpu.memory_space<vmem_shared>> -> memref<10240x128xf32, #tpu.memory_space<vmem_shared>>
    tpu.wait_indirect_dma semaphore(%arg20 : memref<!tpu.dma_semaphore, #tpu.memory_space<semaphore_mem>>) src(%arg8 : memref<80x128xf32, #tpu.memory_space<vmem>>) dst(%dma_wait3A_171 : memref<10240x128xf32, #tpu.memory_space<vmem_shared>>)
    %dma_wait3A_172 = arith.constant 0 : i32
    %dma_wait3A_173 = arith.constant 0 : i32
    %dma_wait3A_174 = tpu.memref_slice %arg7[%dma_wait3A_172, %dma_wait3A_173] : memref<10240x128xf32, #tpu.memory_space<vmem_shared>> -> memref<10240x128xf32, #tpu.memory_space<vmem_shared>>
    tpu.wait_indirect_dma semaphore(%arg21 : memref<!tpu.dma_semaphore, #tpu.memory_space<semaphore_mem>>) src(%arg9 : memref<80x128xf32, #tpu.memory_space<vmem>>) dst(%dma_wait3A_174 : memref<10240x128xf32, #tpu.memory_space<vmem_shared>>)
    %barrier3A_175 = arith.constant 0 : index
    tpu.barrier barrier_id(%barrier3A_175)
    %mul3A_176 = arith.constant 640 : i32
    %mul3A_177 = arith.muli %arg1, %mul3A_176 : i32
    %add3A_178 = arith.constant 0 : i32
    %add3A_179 = arith.addi %mul3A_177, %add3A_178 : i32
    %mul3A_180 = arith.constant 640 : i32
    %mul3A_181 = arith.muli %arg1, %mul3A_180 : i32
    %add3A_182 = arith.constant 80 : i32
    %add3A_183 = arith.addi %mul3A_181, %add3A_182 : i32
    %mul3A_184 = arith.constant 640 : i32
    %mul3A_185 = arith.muli %arg1, %mul3A_184 : i32
    %add3A_186 = arith.constant 160 : i32
    %add3A_187 = arith.addi %mul3A_185, %add3A_186 : i32
    %mul3A_188 = arith.constant 640 : i32
    %mul3A_189 = arith.muli %arg1, %mul3A_188 : i32
    %add3A_190 = arith.constant 240 : i32
    %add3A_191 = arith.addi %mul3A_189, %add3A_190 : i32
    %mul3A_192 = arith.constant 640 : i32
    %mul3A_193 = arith.muli %arg1, %mul3A_192 : i32
    %add3A_194 = arith.constant 320 : i32
    %add3A_195 = arith.addi %mul3A_193, %add3A_194 : i32
    %mul3A_196 = arith.constant 640 : i32
    %mul3A_197 = arith.muli %arg1, %mul3A_196 : i32
    %add3A_198 = arith.constant 400 : i32
    %add3A_199 = arith.addi %mul3A_197, %add3A_198 : i32
    %mul3A_200 = arith.constant 640 : i32
    %mul3A_201 = arith.muli %arg1, %mul3A_200 : i32
    %add3A_202 = arith.constant 480 : i32
    %add3A_203 = arith.addi %mul3A_201, %add3A_202 : i32
    %mul3A_204 = arith.constant 640 : i32
    %mul3A_205 = arith.muli %arg1, %mul3A_204 : i32
    %add3A_206 = arith.constant 560 : i32
    %add3A_207 = arith.addi %mul3A_205, %add3A_206 : i32
    %mul3A_208 = arith.constant 640 : i32
    %mul3A_209 = arith.muli %add3A, %mul3A_208 : i32
    %add3A_210 = arith.constant 0 : i32
    %add3A_211 = arith.addi %mul3A_209, %add3A_210 : i32
    %mul3A_212 = arith.constant 640 : i32
    %mul3A_213 = arith.muli %add3A, %mul3A_212 : i32
    %add3A_214 = arith.constant 80 : i32
    %add3A_215 = arith.addi %mul3A_213, %add3A_214 : i32
    %mul3A_216 = arith.constant 640 : i32
    %mul3A_217 = arith.muli %add3A, %mul3A_216 : i32
    %add3A_218 = arith.constant 160 : i32
    %add3A_219 = arith.addi %mul3A_217, %add3A_218 : i32
    %mul3A_220 = arith.constant 640 : i32
    %mul3A_221 = arith.muli %add3A, %mul3A_220 : i32
    %add3A_222 = arith.constant 240 : i32
    %add3A_223 = arith.addi %mul3A_221, %add3A_222 : i32
    %mul3A_224 = arith.constant 640 : i32
    %mul3A_225 = arith.muli %add3A, %mul3A_224 : i32
    %add3A_226 = arith.constant 320 : i32
    %add3A_227 = arith.addi %mul3A_225, %add3A_226 : i32
    %mul3A_228 = arith.constant 640 : i32
    %mul3A_229 = arith.muli %add3A, %mul3A_228 : i32
    %add3A_230 = arith.constant 400 : i32
    %add3A_231 = arith.addi %mul3A_229, %add3A_230 : i32
    %mul3A_232 = arith.constant 640 : i32
    %mul3A_233 = arith.muli %add3A, %mul3A_232 : i32
    %add3A_234 = arith.constant 480 : i32
    %add3A_235 = arith.addi %mul3A_233, %add3A_234 : i32
    %mul3A_236 = arith.constant 640 : i32
    %mul3A_237 = arith.muli %add3A, %mul3A_236 : i32
    %add3A_238 = arith.constant 560 : i32
    %add3A_239 = arith.addi %mul3A_237, %add3A_238 : i32
    %dma_start3A_240 = arith.constant 0 : i32
    %dma_start3A_241 = tpu.memref_slice %arg7[%add3A_179, %dma_start3A_240] : memref<10240x128xf32, #tpu.memory_space<vmem_shared>> -> memref<80x128xf32, #tpu.memory_space<vmem_shared>>
    %dma_start3A_242 = arith.constant 0 : i32
    %dma_start3A_243 = tpu.memref_slice %arg7[%add3A_179, %dma_start3A_242] : memref<10240x128xf32, #tpu.memory_space<vmem_shared>> -> memref<80x128xf32, #tpu.memory_space<vmem_shared>>
    tpu.enqueue_dma source(%dma_start3A_243 : memref<80x128xf32, #tpu.memory_space<vmem_shared>>) target(%arg8 : memref<80x128xf32, #tpu.memory_space<vmem>>) target_semaphore(%arg17 : memref<!tpu.dma_semaphore, #tpu.memory_space<semaphore_mem>>)
    %dma_wait3A_244 = arith.constant 0 : i32
    %dma_wait3A_245 = tpu.memref_slice %arg7[%add3A_179, %dma_wait3A_244] : memref<10240x128xf32, #tpu.memory_space<vmem_shared>> -> memref<80x128xf32, #tpu.memory_space<vmem_shared>>
    %dma_wait3A_246 = arith.constant 0 : i32
    %dma_wait3A_247 = tpu.memref_slice %arg7[%add3A_179, %dma_wait3A_246] : memref<10240x128xf32, #tpu.memory_space<vmem_shared>> -> memref<80x128xf32, #tpu.memory_space<vmem_shared>>
    tpu.wait_dma2 semaphore(%arg17 : memref<!tpu.dma_semaphore, #tpu.memory_space<semaphore_mem>>) src(%dma_wait3A_247 : memref<80x128xf32, #tpu.memory_space<vmem_shared>>) dst(%arg8 : memref<80x128xf32, #tpu.memory_space<vmem>>)
    %dma_start3A_248 = arith.constant 0 : i32
    %dma_start3A_249 = tpu.memref_slice %arg6[%add3A_211, %dma_start3A_248] : memref<20480x128xf32, #tpu.memory_space<hbm>> -> memref<80x128xf32, #tpu.memory_space<hbm>>
    %dma_start3A_250 = arith.constant 0 : i32
    %dma_start3A_251 = tpu.memref_slice %arg6[%add3A_211, %dma_start3A_250] : memref<20480x128xf32, #tpu.memory_space<hbm>> -> memref<80x128xf32, #tpu.memory_space<hbm>>
    tpu.enqueue_dma source(%arg8 : memref<80x128xf32, #tpu.memory_space<vmem>>) target(%dma_start3A_251 : memref<80x128xf32, #tpu.memory_space<hbm>>) target_semaphore(%arg20 : memref<!tpu.dma_semaphore, #tpu.memory_space<semaphore_mem>>)
    %dma_start3A_252 = arith.constant 0 : i32
    %dma_start3A_253 = tpu.memref_slice %arg7[%add3A_183, %dma_start3A_252] : memref<10240x128xf32, #tpu.memory_space<vmem_shared>> -> memref<80x128xf32, #tpu.memory_space<vmem_shared>>
    %dma_start3A_254 = arith.constant 0 : i32
    %dma_start3A_255 = tpu.memref_slice %arg7[%add3A_183, %dma_start3A_254] : memref<10240x128xf32, #tpu.memory_space<vmem_shared>> -> memref<80x128xf32, #tpu.memory_space<vmem_shared>>
    tpu.enqueue_dma source(%dma_start3A_255 : memref<80x128xf32, #tpu.memory_space<vmem_shared>>) target(%arg9 : memref<80x128xf32, #tpu.memory_space<vmem>>) target_semaphore(%arg18 : memref<!tpu.dma_semaphore, #tpu.memory_space<semaphore_mem>>)
    %dma_wait3A_256 = arith.constant 0 : i32
    %dma_wait3A_257 = tpu.memref_slice %arg7[%add3A_183, %dma_wait3A_256] : memref<10240x128xf32, #tpu.memory_space<vmem_shared>> -> memref<80x128xf32, #tpu.memory_space<vmem_shared>>
    %dma_wait3A_258 = arith.constant 0 : i32
    %dma_wait3A_259 = tpu.memref_slice %arg7[%add3A_183, %dma_wait3A_258] : memref<10240x128xf32, #tpu.memory_space<vmem_shared>> -> memref<80x128xf32, #tpu.memory_space<vmem_shared>>
    tpu.wait_dma2 semaphore(%arg18 : memref<!tpu.dma_semaphore, #tpu.memory_space<semaphore_mem>>) src(%dma_wait3A_259 : memref<80x128xf32, #tpu.memory_space<vmem_shared>>) dst(%arg9 : memref<80x128xf32, #tpu.memory_space<vmem>>)
    %dma_start3A_260 = arith.constant 0 : i32
    %dma_start3A_261 = tpu.memref_slice %arg6[%add3A_215, %dma_start3A_260] : memref<20480x128xf32, #tpu.memory_space<hbm>> -> memref<80x128xf32, #tpu.memory_space<hbm>>
    %dma_start3A_262 = arith.constant 0 : i32
    %dma_start3A_263 = tpu.memref_slice %arg6[%add3A_215, %dma_start3A_262] : memref<20480x128xf32, #tpu.memory_space<hbm>> -> memref<80x128xf32, #tpu.memory_space<hbm>>
    tpu.enqueue_dma source(%arg9 : memref<80x128xf32, #tpu.memory_space<vmem>>) target(%dma_start3A_263 : memref<80x128xf32, #tpu.memory_space<hbm>>) target_semaphore(%arg21 : memref<!tpu.dma_semaphore, #tpu.memory_space<semaphore_mem>>)
    %dma_wait3A_264 = arith.constant 0 : i32
    %dma_wait3A_265 = tpu.memref_slice %arg6[%add3A_211, %dma_wait3A_264] : memref<20480x128xf32, #tpu.memory_space<hbm>> -> memref<80x128xf32, #tpu.memory_space<hbm>>
    %dma_wait3A_266 = arith.constant 0 : i32
    %dma_wait3A_267 = tpu.memref_slice %arg6[%add3A_211, %dma_wait3A_266] : memref<20480x128xf32, #tpu.memory_space<hbm>> -> memref<80x128xf32, #tpu.memory_space<hbm>>
    tpu.wait_dma2 semaphore(%arg20 : memref<!tpu.dma_semaphore, #tpu.memory_space<semaphore_mem>>) src(%arg8 : memref<80x128xf32, #tpu.memory_space<vmem>>) dst(%dma_wait3A_267 : memref<80x128xf32, #tpu.memory_space<hbm>>)
    %dma_start3A_268 = arith.constant 0 : i32
    %dma_start3A_269 = tpu.memref_slice %arg7[%add3A_187, %dma_start3A_268] : memref<10240x128xf32, #tpu.memory_space<vmem_shared>> -> memref<80x128xf32, #tpu.memory_space<vmem_shared>>
    %dma_start3A_270 = arith.constant 0 : i32
    %dma_start3A_271 = tpu.memref_slice %arg7[%add3A_187, %dma_start3A_270] : memref<10240x128xf32, #tpu.memory_space<vmem_shared>> -> memref<80x128xf32, #tpu.memory_space<vmem_shared>>
    tpu.enqueue_dma source(%dma_start3A_271 : memref<80x128xf32, #tpu.memory_space<vmem_shared>>) target(%arg8 : memref<80x128xf32, #tpu.memory_space<vmem>>) target_semaphore(%arg17 : memref<!tpu.dma_semaphore, #tpu.memory_space<semaphore_mem>>)
    %dma_wait3A_272 = arith.constant 0 : i32
    %dma_wait3A_273 = tpu.memref_slice %arg7[%add3A_187, %dma_wait3A_272] : memref<10240x128xf32, #tpu.memory_space<vmem_shared>> -> memref<80x128xf32, #tpu.memory_space<vmem_shared>>
    %dma_wait3A_274 = arith.constant 0 : i32
    %dma_wait3A_275 = tpu.memref_slice %arg7[%add3A_187, %dma_wait3A_274] : memref<10240x128xf32, #tpu.memory_space<vmem_shared>> -> memref<80x128xf32, #tpu.memory_space<vmem_shared>>
    tpu.wait_dma2 semaphore(%arg17 : memref<!tpu.dma_semaphore, #tpu.memory_space<semaphore_mem>>) src(%dma_wait3A_275 : memref<80x128xf32, #tpu.memory_space<vmem_shared>>) dst(%arg8 : memref<80x128xf32, #tpu.memory_space<vmem>>)
    %dma_start3A_276 = arith.constant 0 : i32
    %dma_start3A_277 = tpu.memref_slice %arg6[%add3A_219, %dma_start3A_276] : memref<20480x128xf32, #tpu.memory_space<hbm>> -> memref<80x128xf32, #tpu.memory_space<hbm>>
    %dma_start3A_278 = arith.constant 0 : i32
    %dma_start3A_279 = tpu.memref_slice %arg6[%add3A_219, %dma_start3A_278] : memref<20480x128xf32, #tpu.memory_space<hbm>> -> memref<80x128xf32, #tpu.memory_space<hbm>>
    tpu.enqueue_dma source(%arg8 : memref<80x128xf32, #tpu.memory_space<vmem>>) target(%dma_start3A_279 : memref<80x128xf32, #tpu.memory_space<hbm>>) target_semaphore(%arg20 : memref<!tpu.dma_semaphore, #tpu.memory_space<semaphore_mem>>)
    %dma_wait3A_280 = arith.constant 0 : i32
    %dma_wait3A_281 = tpu.memref_slice %arg6[%add3A_215, %dma_wait3A_280] : memref<20480x128xf32, #tpu.memory_space<hbm>> -> memref<80x128xf32, #tpu.memory_space<hbm>>
    %dma_wait3A_282 = arith.constant 0 : i32
    %dma_wait3A_283 = tpu.memref_slice %arg6[%add3A_215, %dma_wait3A_282] : memref<20480x128xf32, #tpu.memory_space<hbm>> -> memref<80x128xf32, #tpu.memory_space<hbm>>
    tpu.wait_dma2 semaphore(%arg21 : memref<!tpu.dma_semaphore, #tpu.memory_space<semaphore_mem>>) src(%arg9 : memref<80x128xf32, #tpu.memory_space<vmem>>) dst(%dma_wait3A_283 : memref<80x128xf32, #tpu.memory_space<hbm>>)
    %dma_start3A_284 = arith.constant 0 : i32
    %dma_start3A_285 = tpu.memref_slice %arg7[%add3A_191, %dma_start3A_284] : memref<10240x128xf32, #tpu.memory_space<vmem_shared>> -> memref<80x128xf32, #tpu.memory_space<vmem_shared>>
    %dma_start3A_286 = arith.constant 0 : i32
    %dma_start3A_287 = tpu.memref_slice %arg7[%add3A_191, %dma_start3A_286] : memref<10240x128xf32, #tpu.memory_space<vmem_shared>> -> memref<80x128xf32, #tpu.memory_space<vmem_shared>>
    tpu.enqueue_dma source(%dma_start3A_287 : memref<80x128xf32, #tpu.memory_space<vmem_shared>>) target(%arg9 : memref<80x128xf32, #tpu.memory_space<vmem>>) target_semaphore(%arg18 : memref<!tpu.dma_semaphore, #tpu.memory_space<semaphore_mem>>)
    %dma_wait3A_288 = arith.constant 0 : i32
    %dma_wait3A_289 = tpu.memref_slice %arg7[%add3A_191, %dma_wait3A_288] : memref<10240x128xf32, #tpu.memory_space<vmem_shared>> -> memref<80x128xf32, #tpu.memory_space<vmem_shared>>
    %dma_wait3A_290 = arith.constant 0 : i32
    %dma_wait3A_291 = tpu.memref_slice %arg7[%add3A_191, %dma_wait3A_290] : memref<10240x128xf32, #tpu.memory_space<vmem_shared>> -> memref<80x128xf32, #tpu.memory_space<vmem_shared>>
    tpu.wait_dma2 semaphore(%arg18 : memref<!tpu.dma_semaphore, #tpu.memory_space<semaphore_mem>>) src(%dma_wait3A_291 : memref<80x128xf32, #tpu.memory_space<vmem_shared>>) dst(%arg9 : memref<80x128xf32, #tpu.memory_space<vmem>>)
    %dma_start3A_292 = arith.constant 0 : i32
    %dma_start3A_293 = tpu.memref_slice %arg6[%add3A_223, %dma_start3A_292] : memref<20480x128xf32, #tpu.memory_space<hbm>> -> memref<80x128xf32, #tpu.memory_space<hbm>>
    %dma_start3A_294 = arith.constant 0 : i32
    %dma_start3A_295 = tpu.memref_slice %arg6[%add3A_223, %dma_start3A_294] : memref<20480x128xf32, #tpu.memory_space<hbm>> -> memref<80x128xf32, #tpu.memory_space<hbm>>
    tpu.enqueue_dma source(%arg9 : memref<80x128xf32, #tpu.memory_space<vmem>>) target(%dma_start3A_295 : memref<80x128xf32, #tpu.memory_space<hbm>>) target_semaphore(%arg21 : memref<!tpu.dma_semaphore, #tpu.memory_space<semaphore_mem>>)
    %dma_wait3A_296 = arith.constant 0 : i32
    %dma_wait3A_297 = tpu.memref_slice %arg6[%add3A_219, %dma_wait3A_296] : memref<20480x128xf32, #tpu.memory_space<hbm>> -> memref<80x128xf32, #tpu.memory_space<hbm>>
    %dma_wait3A_298 = arith.constant 0 : i32
    %dma_wait3A_299 = tpu.memref_slice %arg6[%add3A_219, %dma_wait3A_298] : memref<20480x128xf32, #tpu.memory_space<hbm>> -> memref<80x128xf32, #tpu.memory_space<hbm>>
    tpu.wait_dma2 semaphore(%arg20 : memref<!tpu.dma_semaphore, #tpu.memory_space<semaphore_mem>>) src(%arg8 : memref<80x128xf32, #tpu.memory_space<vmem>>) dst(%dma_wait3A_299 : memref<80x128xf32, #tpu.memory_space<hbm>>)
    %dma_start3A_300 = arith.constant 0 : i32
    %dma_start3A_301 = tpu.memref_slice %arg7[%add3A_195, %dma_start3A_300] : memref<10240x128xf32, #tpu.memory_space<vmem_shared>> -> memref<80x128xf32, #tpu.memory_space<vmem_shared>>
    %dma_start3A_302 = arith.constant 0 : i32
    %dma_start3A_303 = tpu.memref_slice %arg7[%add3A_195, %dma_start3A_302] : memref<10240x128xf32, #tpu.memory_space<vmem_shared>> -> memref<80x128xf32, #tpu.memory_space<vmem_shared>>
    tpu.enqueue_dma source(%dma_start3A_303 : memref<80x128xf32, #tpu.memory_space<vmem_shared>>) target(%arg8 : memref<80x128xf32, #tpu.memory_space<vmem>>) target_semaphore(%arg17 : memref<!tpu.dma_semaphore, #tpu.memory_space<semaphore_mem>>)
    %dma_wait3A_304 = arith.constant 0 : i32
    %dma_wait3A_305 = tpu.memref_slice %arg7[%add3A_195, %dma_wait3A_304] : memref<10240x128xf32, #tpu.memory_space<vmem_shared>> -> memref<80x128xf32, #tpu.memory_space<vmem_shared>>
    %dma_wait3A_306 = arith.constant 0 : i32
    %dma_wait3A_307 = tpu.memref_slice %arg7[%add3A_195, %dma_wait3A_306] : memref<10240x128xf32, #tpu.memory_space<vmem_shared>> -> memref<80x128xf32, #tpu.memory_space<vmem_shared>>
    tpu.wait_dma2 semaphore(%arg17 : memref<!tpu.dma_semaphore, #tpu.memory_space<semaphore_mem>>) src(%dma_wait3A_307 : memref<80x128xf32, #tpu.memory_space<vmem_shared>>) dst(%arg8 : memref<80x128xf32, #tpu.memory_space<vmem>>)
    %dma_start3A_308 = arith.constant 0 : i32
    %dma_start3A_309 = tpu.memref_slice %arg6[%add3A_227, %dma_start3A_308] : memref<20480x128xf32, #tpu.memory_space<hbm>> -> memref<80x128xf32, #tpu.memory_space<hbm>>
    %dma_start3A_310 = arith.constant 0 : i32
    %dma_start3A_311 = tpu.memref_slice %arg6[%add3A_227, %dma_start3A_310] : memref<20480x128xf32, #tpu.memory_space<hbm>> -> memref<80x128xf32, #tpu.memory_space<hbm>>
    tpu.enqueue_dma source(%arg8 : memref<80x128xf32, #tpu.memory_space<vmem>>) target(%dma_start3A_311 : memref<80x128xf32, #tpu.memory_space<hbm>>) target_semaphore(%arg20 : memref<!tpu.dma_semaphore, #tpu.memory_space<semaphore_mem>>)
    %dma_wait3A_312 = arith.constant 0 : i32
    %dma_wait3A_313 = tpu.memref_slice %arg6[%add3A_223, %dma_wait3A_312] : memref<20480x128xf32, #tpu.memory_space<hbm>> -> memref<80x128xf32, #tpu.memory_space<hbm>>
    %dma_wait3A_314 = arith.constant 0 : i32
    %dma_wait3A_315 = tpu.memref_slice %arg6[%add3A_223, %dma_wait3A_314] : memref<20480x128xf32, #tpu.memory_space<hbm>> -> memref<80x128xf32, #tpu.memory_space<hbm>>
    tpu.wait_dma2 semaphore(%arg21 : memref<!tpu.dma_semaphore, #tpu.memory_space<semaphore_mem>>) src(%arg9 : memref<80x128xf32, #tpu.memory_space<vmem>>) dst(%dma_wait3A_315 : memref<80x128xf32, #tpu.memory_space<hbm>>)
    %dma_start3A_316 = arith.constant 0 : i32
    %dma_start3A_317 = tpu.memref_slice %arg7[%add3A_199, %dma_start3A_316] : memref<10240x128xf32, #tpu.memory_space<vmem_shared>> -> memref<80x128xf32, #tpu.memory_space<vmem_shared>>
    %dma_start3A_318 = arith.constant 0 : i32
    %dma_start3A_319 = tpu.memref_slice %arg7[%add3A_199, %dma_start3A_318] : memref<10240x128xf32, #tpu.memory_space<vmem_shared>> -> memref<80x128xf32, #tpu.memory_space<vmem_shared>>
    tpu.enqueue_dma source(%dma_start3A_319 : memref<80x128xf32, #tpu.memory_space<vmem_shared>>) target(%arg9 : memref<80x128xf32, #tpu.memory_space<vmem>>) target_semaphore(%arg18 : memref<!tpu.dma_semaphore, #tpu.memory_space<semaphore_mem>>)
    %dma_wait3A_320 = arith.constant 0 : i32
    %dma_wait3A_321 = tpu.memref_slice %arg7[%add3A_199, %dma_wait3A_320] : memref<10240x128xf32, #tpu.memory_space<vmem_shared>> -> memref<80x128xf32, #tpu.memory_space<vmem_shared>>
    %dma_wait3A_322 = arith.constant 0 : i32
    %dma_wait3A_323 = tpu.memref_slice %arg7[%add3A_199, %dma_wait3A_322] : memref<10240x128xf32, #tpu.memory_space<vmem_shared>> -> memref<80x128xf32, #tpu.memory_space<vmem_shared>>
    tpu.wait_dma2 semaphore(%arg18 : memref<!tpu.dma_semaphore, #tpu.memory_space<semaphore_mem>>) src(%dma_wait3A_323 : memref<80x128xf32, #tpu.memory_space<vmem_shared>>) dst(%arg9 : memref<80x128xf32, #tpu.memory_space<vmem>>)
    %dma_start3A_324 = arith.constant 0 : i32
    %dma_start3A_325 = tpu.memref_slice %arg6[%add3A_231, %dma_start3A_324] : memref<20480x128xf32, #tpu.memory_space<hbm>> -> memref<80x128xf32, #tpu.memory_space<hbm>>
    %dma_start3A_326 = arith.constant 0 : i32
    %dma_start3A_327 = tpu.memref_slice %arg6[%add3A_231, %dma_start3A_326] : memref<20480x128xf32, #tpu.memory_space<hbm>> -> memref<80x128xf32, #tpu.memory_space<hbm>>
    tpu.enqueue_dma source(%arg9 : memref<80x128xf32, #tpu.memory_space<vmem>>) target(%dma_start3A_327 : memref<80x128xf32, #tpu.memory_space<hbm>>) target_semaphore(%arg21 : memref<!tpu.dma_semaphore, #tpu.memory_space<semaphore_mem>>)
    %dma_wait3A_328 = arith.constant 0 : i32
    %dma_wait3A_329 = tpu.memref_slice %arg6[%add3A_227, %dma_wait3A_328] : memref<20480x128xf32, #tpu.memory_space<hbm>> -> memref<80x128xf32, #tpu.memory_space<hbm>>
    %dma_wait3A_330 = arith.constant 0 : i32
    %dma_wait3A_331 = tpu.memref_slice %arg6[%add3A_227, %dma_wait3A_330] : memref<20480x128xf32, #tpu.memory_space<hbm>> -> memref<80x128xf32, #tpu.memory_space<hbm>>
    tpu.wait_dma2 semaphore(%arg20 : memref<!tpu.dma_semaphore, #tpu.memory_space<semaphore_mem>>) src(%arg8 : memref<80x128xf32, #tpu.memory_space<vmem>>) dst(%dma_wait3A_331 : memref<80x128xf32, #tpu.memory_space<hbm>>)
    %dma_start3A_332 = arith.constant 0 : i32
    %dma_start3A_333 = tpu.memref_slice %arg7[%add3A_203, %dma_start3A_332] : memref<10240x128xf32, #tpu.memory_space<vmem_shared>> -> memref<80x128xf32, #tpu.memory_space<vmem_shared>>
    %dma_start3A_334 = arith.constant 0 : i32
    %dma_start3A_335 = tpu.memref_slice %arg7[%add3A_203, %dma_start3A_334] : memref<10240x128xf32, #tpu.memory_space<vmem_shared>> -> memref<80x128xf32, #tpu.memory_space<vmem_shared>>
    tpu.enqueue_dma source(%dma_start3A_335 : memref<80x128xf32, #tpu.memory_space<vmem_shared>>) target(%arg8 : memref<80x128xf32, #tpu.memory_space<vmem>>) target_semaphore(%arg17 : memref<!tpu.dma_semaphore, #tpu.memory_space<semaphore_mem>>)
    %dma_wait3A_336 = arith.constant 0 : i32
    %dma_wait3A_337 = tpu.memref_slice %arg7[%add3A_203, %dma_wait3A_336] : memref<10240x128xf32, #tpu.memory_space<vmem_shared>> -> memref<80x128xf32, #tpu.memory_space<vmem_shared>>
    %dma_wait3A_338 = arith.constant 0 : i32
    %dma_wait3A_339 = tpu.memref_slice %arg7[%add3A_203, %dma_wait3A_338] : memref<10240x128xf32, #tpu.memory_space<vmem_shared>> -> memref<80x128xf32, #tpu.memory_space<vmem_shared>>
    tpu.wait_dma2 semaphore(%arg17 : memref<!tpu.dma_semaphore, #tpu.memory_space<semaphore_mem>>) src(%dma_wait3A_339 : memref<80x128xf32, #tpu.memory_space<vmem_shared>>) dst(%arg8 : memref<80x128xf32, #tpu.memory_space<vmem>>)
    %dma_start3A_340 = arith.constant 0 : i32
    %dma_start3A_341 = tpu.memref_slice %arg6[%add3A_235, %dma_start3A_340] : memref<20480x128xf32, #tpu.memory_space<hbm>> -> memref<80x128xf32, #tpu.memory_space<hbm>>
    %dma_start3A_342 = arith.constant 0 : i32
    %dma_start3A_343 = tpu.memref_slice %arg6[%add3A_235, %dma_start3A_342] : memref<20480x128xf32, #tpu.memory_space<hbm>> -> memref<80x128xf32, #tpu.memory_space<hbm>>
    tpu.enqueue_dma source(%arg8 : memref<80x128xf32, #tpu.memory_space<vmem>>) target(%dma_start3A_343 : memref<80x128xf32, #tpu.memory_space<hbm>>) target_semaphore(%arg20 : memref<!tpu.dma_semaphore, #tpu.memory_space<semaphore_mem>>)
    %dma_wait3A_344 = arith.constant 0 : i32
    %dma_wait3A_345 = tpu.memref_slice %arg6[%add3A_231, %dma_wait3A_344] : memref<20480x128xf32, #tpu.memory_space<hbm>> -> memref<80x128xf32, #tpu.memory_space<hbm>>
    %dma_wait3A_346 = arith.constant 0 : i32
    %dma_wait3A_347 = tpu.memref_slice %arg6[%add3A_231, %dma_wait3A_346] : memref<20480x128xf32, #tpu.memory_space<hbm>> -> memref<80x128xf32, #tpu.memory_space<hbm>>
    tpu.wait_dma2 semaphore(%arg21 : memref<!tpu.dma_semaphore, #tpu.memory_space<semaphore_mem>>) src(%arg9 : memref<80x128xf32, #tpu.memory_space<vmem>>) dst(%dma_wait3A_347 : memref<80x128xf32, #tpu.memory_space<hbm>>)
    %dma_start3A_348 = arith.constant 0 : i32
    %dma_start3A_349 = tpu.memref_slice %arg7[%add3A_207, %dma_start3A_348] : memref<10240x128xf32, #tpu.memory_space<vmem_shared>> -> memref<80x128xf32, #tpu.memory_space<vmem_shared>>
    %dma_start3A_350 = arith.constant 0 : i32
    %dma_start3A_351 = tpu.memref_slice %arg7[%add3A_207, %dma_start3A_350] : memref<10240x128xf32, #tpu.memory_space<vmem_shared>> -> memref<80x128xf32, #tpu.memory_space<vmem_shared>>
    tpu.enqueue_dma source(%dma_start3A_351 : memref<80x128xf32, #tpu.memory_space<vmem_shared>>) target(%arg9 : memref<80x128xf32, #tpu.memory_space<vmem>>) target_semaphore(%arg18 : memref<!tpu.dma_semaphore, #tpu.memory_space<semaphore_mem>>)
    %dma_wait3A_352 = arith.constant 0 : i32
    %dma_wait3A_353 = tpu.memref_slice %arg7[%add3A_207, %dma_wait3A_352] : memref<10240x128xf32, #tpu.memory_space<vmem_shared>> -> memref<80x128xf32, #tpu.memory_space<vmem_shared>>
    %dma_wait3A_354 = arith.constant 0 : i32
    %dma_wait3A_355 = tpu.memref_slice %arg7[%add3A_207, %dma_wait3A_354] : memref<10240x128xf32, #tpu.memory_space<vmem_shared>> -> memref<80x128xf32, #tpu.memory_space<vmem_shared>>
    tpu.wait_dma2 semaphore(%arg18 : memref<!tpu.dma_semaphore, #tpu.memory_space<semaphore_mem>>) src(%dma_wait3A_355 : memref<80x128xf32, #tpu.memory_space<vmem_shared>>) dst(%arg9 : memref<80x128xf32, #tpu.memory_space<vmem>>)
    %dma_start3A_356 = arith.constant 0 : i32
    %dma_start3A_357 = tpu.memref_slice %arg6[%add3A_239, %dma_start3A_356] : memref<20480x128xf32, #tpu.memory_space<hbm>> -> memref<80x128xf32, #tpu.memory_space<hbm>>
    %dma_start3A_358 = arith.constant 0 : i32
    %dma_start3A_359 = tpu.memref_slice %arg6[%add3A_239, %dma_start3A_358] : memref<20480x128xf32, #tpu.memory_space<hbm>> -> memref<80x128xf32, #tpu.memory_space<hbm>>
    tpu.enqueue_dma source(%arg9 : memref<80x128xf32, #tpu.memory_space<vmem>>) target(%dma_start3A_359 : memref<80x128xf32, #tpu.memory_space<hbm>>) target_semaphore(%arg21 : memref<!tpu.dma_semaphore, #tpu.memory_space<semaphore_mem>>)
    %dma_wait3A_360 = arith.constant 0 : i32
    %dma_wait3A_361 = tpu.memref_slice %arg6[%add3A_235, %dma_wait3A_360] : memref<20480x128xf32, #tpu.memory_space<hbm>> -> memref<80x128xf32, #tpu.memory_space<hbm>>
    %dma_wait3A_362 = arith.constant 0 : i32
    %dma_wait3A_363 = tpu.memref_slice %arg6[%add3A_235, %dma_wait3A_362] : memref<20480x128xf32, #tpu.memory_space<hbm>> -> memref<80x128xf32, #tpu.memory_space<hbm>>
    tpu.wait_dma2 semaphore(%arg20 : memref<!tpu.dma_semaphore, #tpu.memory_space<semaphore_mem>>) src(%arg8 : memref<80x128xf32, #tpu.memory_space<vmem>>) dst(%dma_wait3A_363 : memref<80x128xf32, #tpu.memory_space<hbm>>)
    %dma_wait3A_364 = arith.constant 0 : i32
    %dma_wait3A_365 = tpu.memref_slice %arg6[%add3A_239, %dma_wait3A_364] : memref<20480x128xf32, #tpu.memory_space<hbm>> -> memref<80x128xf32, #tpu.memory_space<hbm>>
    %dma_wait3A_366 = arith.constant 0 : i32
    %dma_wait3A_367 = tpu.memref_slice %arg6[%add3A_239, %dma_wait3A_366] : memref<20480x128xf32, #tpu.memory_space<hbm>> -> memref<80x128xf32, #tpu.memory_space<hbm>>
    tpu.wait_dma2 semaphore(%arg21 : memref<!tpu.dma_semaphore, #tpu.memory_space<semaphore_mem>>) src(%arg9 : memref<80x128xf32, #tpu.memory_space<vmem>>) dst(%dma_wait3A_367 : memref<80x128xf32, #tpu.memory_space<hbm>>)
    return
  }
}

#map = affine_map<(d0, d1) -> (0, 0)>
#map1 = affine_map<(d0, d1) -> (0)>
module attributes {stable_mosaic.version = 14 : i64} {
  func.func @body(%arg0: i32, %arg1: i32, %arg2: memref<10000x128xf32, #tpu.memory_space<hbm>>, %arg3: memref<320000xi32, #tpu.memory_space<hbm>>, %arg4: memref<320000xi32, #tpu.memory_space<hbm>>, %arg5: memref<80x128xf32, #tpu.memory_space<hbm>>, %arg6: memref<20480x128xf32, #tpu.memory_space<hbm>>, %arg7: memref<10240x128xf32, #tpu.memory_space<vmem_shared>>, %arg8: memref<80x128xf32, #tpu.memory_space<vmem>>, %arg9: memref<80x128xf32, #tpu.memory_space<vmem>>, %arg10: memref<80x128xf32, #tpu.memory_space<vmem>>, %arg11: memref<80xi32, #tpu.memory_space<vmem>>, %arg12: memref<80xi32, #tpu.memory_space<vmem>>, %arg13: memref<80xi32, #tpu.memory_space<vmem>>, %arg14: memref<80xi32, #tpu.memory_space<vmem>>, %arg15: memref<80xi32, #tpu.memory_space<vmem>>, %arg16: memref<80xi32, #tpu.memory_space<vmem>>, %arg17: memref<!tpu.dma_semaphore, #tpu.memory_space<semaphore_mem>>, %arg18: memref<!tpu.dma_semaphore, #tpu.memory_space<semaphore_mem>>, %arg19: memref<!tpu.dma_semaphore, #tpu.memory_space<semaphore_mem>>, %arg20: memref<!tpu.dma_semaphore, #tpu.memory_space<semaphore_mem>>, %arg21: memref<!tpu.dma_semaphore, #tpu.memory_space<semaphore_mem>>, %arg22: memref<!tpu.dma_semaphore, #tpu.memory_space<semaphore_mem>>, %arg23: memref<!tpu.dma_semaphore, #tpu.memory_space<semaphore_mem>>, %arg24: memref<!tpu.dma_semaphore, #tpu.memory_space<semaphore_mem>>, %arg25: memref<!tpu.dma_semaphore, #tpu.memory_space<semaphore_mem>>) attributes {dimension_semantics = [#tpu.dimension_semantics<core_parallel>, #tpu.dimension_semantics<subcore_parallel>], iteration_bounds = array<i64: 2, 16>, scalar_prefetch = 0 : i64, scratch_operands = 19 : i64, tpu.core_type = #tpu.core_type<sc_vector_subcore>, window_params = [{transform_indices = #map}, {transform_indices = #map1}, {transform_indices = #map1}, {transform_indices = #map}, {transform_indices = #map}]} {
    %mul3A = arith.constant 16 : i32
    %mul3A_0 = arith.muli %arg0, %mul3A : i32
    %add3A = arith.addi %mul3A_0, %arg1 : i32
    "tpu.region"() ({
      %run_scoped3A = tpu.sem_alloc : memref<!tpu.dma_semaphore, #tpu.memory_space<semaphore_mem>>
      tpu.enqueue_dma source(%arg5 : memref<80x128xf32, #tpu.memory_space<hbm>>) target(%arg8 : memref<80x128xf32, #tpu.memory_space<vmem>>) target_semaphore(%run_scoped3A : memref<!tpu.dma_semaphore, #tpu.memory_space<semaphore_mem>>)
      tpu.wait_dma2 semaphore(%run_scoped3A : memref<!tpu.dma_semaphore, #tpu.memory_space<semaphore_mem>>) src(%arg5 : memref<80x128xf32, #tpu.memory_space<hbm>>) dst(%arg8 : memref<80x128xf32, #tpu.memory_space<vmem>>)
      tpu.yield
    }) : () -> ()
    %mul3A_1 = arith.constant 640 : i32
    %mul3A_2 = arith.muli %arg1, %mul3A_1 : i32
    %add3A_3 = arith.constant 0 : i32
    %add3A_4 = arith.addi %mul3A_2, %add3A_3 : i32
    %mul3A_5 = arith.constant 640 : i32
    %mul3A_6 = arith.muli %arg1, %mul3A_5 : i32
    %add3A_7 = arith.constant 80 : i32
    %add3A_8 = arith.addi %mul3A_6, %add3A_7 : i32
    %mul3A_9 = arith.constant 640 : i32
    %mul3A_10 = arith.muli %arg1, %mul3A_9 : i32
    %add3A_11 = arith.constant 160 : i32
    %add3A_12 = arith.addi %mul3A_10, %add3A_11 : i32
    %mul3A_13 = arith.constant 640 : i32
    %mul3A_14 = arith.muli %arg1, %mul3A_13 : i32
    %add3A_15 = arith.constant 240 : i32
    %add3A_16 = arith.addi %mul3A_14, %add3A_15 : i32
    %mul3A_17 = arith.constant 640 : i32
    %mul3A_18 = arith.muli %arg1, %mul3A_17 : i32
    %add3A_19 = arith.constant 320 : i32
    %add3A_20 = arith.addi %mul3A_18, %add3A_19 : i32
    %mul3A_21 = arith.constant 640 : i32
    %mul3A_22 = arith.muli %arg1, %mul3A_21 : i32
    %add3A_23 = arith.constant 400 : i32
    %add3A_24 = arith.addi %mul3A_22, %add3A_23 : i32
    %mul3A_25 = arith.constant 640 : i32
    %mul3A_26 = arith.muli %arg1, %mul3A_25 : i32
    %add3A_27 = arith.constant 480 : i32
    %add3A_28 = arith.addi %mul3A_26, %add3A_27 : i32
    %mul3A_29 = arith.constant 640 : i32
    %mul3A_30 = arith.muli %arg1, %mul3A_29 : i32
    %add3A_31 = arith.constant 560 : i32
    %add3A_32 = arith.addi %mul3A_30, %add3A_31 : i32
    %dma_start3A = arith.constant 0 : i32
    %dma_start3A_33 = tpu.memref_slice %arg7[%add3A_4, %dma_start3A] : memref<10240x128xf32, #tpu.memory_space<vmem_shared>> -> memref<80x128xf32, #tpu.memory_space<vmem_shared>>
    %dma_start3A_34 = arith.constant 0 : i32
    %dma_start3A_35 = tpu.memref_slice %arg7[%add3A_4, %dma_start3A_34] : memref<10240x128xf32, #tpu.memory_space<vmem_shared>> -> memref<80x128xf32, #tpu.memory_space<vmem_shared>>
    tpu.enqueue_dma source(%arg8 : memref<80x128xf32, #tpu.memory_space<vmem>>) target(%dma_start3A_35 : memref<80x128xf32, #tpu.memory_space<vmem_shared>>) target_semaphore(%arg17 : memref<!tpu.dma_semaphore, #tpu.memory_space<semaphore_mem>>)
    %dma_start3A_36 = arith.constant 0 : i32
    %dma_start3A_37 = tpu.memref_slice %arg7[%add3A_8, %dma_start3A_36] : memref<10240x128xf32, #tpu.memory_space<vmem_shared>> -> memref<80x128xf32, #tpu.memory_space<vmem_shared>>
    %dma_start3A_38 = arith.constant 0 : i32
    %dma_start3A_39 = tpu.memref_slice %arg7[%add3A_8, %dma_start3A_38] : memref<10240x128xf32, #tpu.memory_space<vmem_shared>> -> memref<80x128xf32, #tpu.memory_space<vmem_shared>>
    tpu.enqueue_dma source(%arg8 : memref<80x128xf32, #tpu.memory_space<vmem>>) target(%dma_start3A_39 : memref<80x128xf32, #tpu.memory_space<vmem_shared>>) target_semaphore(%arg18 : memref<!tpu.dma_semaphore, #tpu.memory_space<semaphore_mem>>)
    %dma_start3A_40 = arith.constant 0 : i32
    %dma_start3A_41 = tpu.memref_slice %arg7[%add3A_12, %dma_start3A_40] : memref<10240x128xf32, #tpu.memory_space<vmem_shared>> -> memref<80x128xf32, #tpu.memory_space<vmem_shared>>
    %dma_start3A_42 = arith.constant 0 : i32
    %dma_start3A_43 = tpu.memref_slice %arg7[%add3A_12, %dma_start3A_42] : memref<10240x128xf32, #tpu.memory_space<vmem_shared>> -> memref<80x128xf32, #tpu.memory_space<vmem_shared>>
    tpu.enqueue_dma source(%arg8 : memref<80x128xf32, #tpu.memory_space<vmem>>) target(%dma_start3A_43 : memref<80x128xf32, #tpu.memory_space<vmem_shared>>) target_semaphore(%arg19 : memref<!tpu.dma_semaphore, #tpu.memory_space<semaphore_mem>>)
    %dma_start3A_44 = arith.constant 0 : i32
    %dma_start3A_45 = tpu.memref_slice %arg7[%add3A_16, %dma_start3A_44] : memref<10240x128xf32, #tpu.memory_space<vmem_shared>> -> memref<80x128xf32, #tpu.memory_space<vmem_shared>>
    %dma_start3A_46 = arith.constant 0 : i32
    %dma_start3A_47 = tpu.memref_slice %arg7[%add3A_16, %dma_start3A_46] : memref<10240x128xf32, #tpu.memory_space<vmem_shared>> -> memref<80x128xf32, #tpu.memory_space<vmem_shared>>
    tpu.enqueue_dma source(%arg8 : memref<80x128xf32, #tpu.memory_space<vmem>>) target(%dma_start3A_47 : memref<80x128xf32, #tpu.memory_space<vmem_shared>>) target_semaphore(%arg20 : memref<!tpu.dma_semaphore, #tpu.memory_space<semaphore_mem>>)
    %dma_start3A_48 = arith.constant 0 : i32
    %dma_start3A_49 = tpu.memref_slice %arg7[%add3A_20, %dma_start3A_48] : memref<10240x128xf32, #tpu.memory_space<vmem_shared>> -> memref<80x128xf32, #tpu.memory_space<vmem_shared>>
    %dma_start3A_50 = arith.constant 0 : i32
    %dma_start3A_51 = tpu.memref_slice %arg7[%add3A_20, %dma_start3A_50] : memref<10240x128xf32, #tpu.memory_space<vmem_shared>> -> memref<80x128xf32, #tpu.memory_space<vmem_shared>>
    tpu.enqueue_dma source(%arg8 : memref<80x128xf32, #tpu.memory_space<vmem>>) target(%dma_start3A_51 : memref<80x128xf32, #tpu.memory_space<vmem_shared>>) target_semaphore(%arg21 : memref<!tpu.dma_semaphore, #tpu.memory_space<semaphore_mem>>)
    %dma_start3A_52 = arith.constant 0 : i32
    %dma_start3A_53 = tpu.memref_slice %arg7[%add3A_24, %dma_start3A_52] : memref<10240x128xf32, #tpu.memory_space<vmem_shared>> -> memref<80x128xf32, #tpu.memory_space<vmem_shared>>
    %dma_start3A_54 = arith.constant 0 : i32
    %dma_start3A_55 = tpu.memref_slice %arg7[%add3A_24, %dma_start3A_54] : memref<10240x128xf32, #tpu.memory_space<vmem_shared>> -> memref<80x128xf32, #tpu.memory_space<vmem_shared>>
    tpu.enqueue_dma source(%arg8 : memref<80x128xf32, #tpu.memory_space<vmem>>) target(%dma_start3A_55 : memref<80x128xf32, #tpu.memory_space<vmem_shared>>) target_semaphore(%arg22 : memref<!tpu.dma_semaphore, #tpu.memory_space<semaphore_mem>>)
    %dma_start3A_56 = arith.constant 0 : i32
    %dma_start3A_57 = tpu.memref_slice %arg7[%add3A_28, %dma_start3A_56] : memref<10240x128xf32, #tpu.memory_space<vmem_shared>> -> memref<80x128xf32, #tpu.memory_space<vmem_shared>>
    %dma_start3A_58 = arith.constant 0 : i32
    %dma_start3A_59 = tpu.memref_slice %arg7[%add3A_28, %dma_start3A_58] : memref<10240x128xf32, #tpu.memory_space<vmem_shared>> -> memref<80x128xf32, #tpu.memory_space<vmem_shared>>
    tpu.enqueue_dma source(%arg8 : memref<80x128xf32, #tpu.memory_space<vmem>>) target(%dma_start3A_59 : memref<80x128xf32, #tpu.memory_space<vmem_shared>>) target_semaphore(%arg23 : memref<!tpu.dma_semaphore, #tpu.memory_space<semaphore_mem>>)
    %dma_start3A_60 = arith.constant 0 : i32
    %dma_start3A_61 = tpu.memref_slice %arg7[%add3A_32, %dma_start3A_60] : memref<10240x128xf32, #tpu.memory_space<vmem_shared>> -> memref<80x128xf32, #tpu.memory_space<vmem_shared>>
    %dma_start3A_62 = arith.constant 0 : i32
    %dma_start3A_63 = tpu.memref_slice %arg7[%add3A_32, %dma_start3A_62] : memref<10240x128xf32, #tpu.memory_space<vmem_shared>> -> memref<80x128xf32, #tpu.memory_space<vmem_shared>>
    tpu.enqueue_dma source(%arg8 : memref<80x128xf32, #tpu.memory_space<vmem>>) target(%dma_start3A_63 : memref<80x128xf32, #tpu.memory_space<vmem_shared>>) target_semaphore(%arg24 : memref<!tpu.dma_semaphore, #tpu.memory_space<semaphore_mem>>)
    %dma_wait3A = arith.constant 0 : i32
    %dma_wait3A_64 = tpu.memref_slice %arg7[%add3A_4, %dma_wait3A] : memref<10240x128xf32, #tpu.memory_space<vmem_shared>> -> memref<80x128xf32, #tpu.memory_space<vmem_shared>>
    %dma_wait3A_65 = arith.constant 0 : i32
    %dma_wait3A_66 = tpu.memref_slice %arg7[%add3A_4, %dma_wait3A_65] : memref<10240x128xf32, #tpu.memory_space<vmem_shared>> -> memref<80x128xf32, #tpu.memory_space<vmem_shared>>
    tpu.wait_dma2 semaphore(%arg17 : memref<!tpu.dma_semaphore, #tpu.memory_space<semaphore_mem>>) src(%arg8 : memref<80x128xf32, #tpu.memory_space<vmem>>) dst(%dma_wait3A_66 : memref<80x128xf32, #tpu.memory_space<vmem_shared>>)
    %dma_wait3A_67 = arith.constant 0 : i32
    %dma_wait3A_68 = tpu.memref_slice %arg7[%add3A_8, %dma_wait3A_67] : memref<10240x128xf32, #tpu.memory_space<vmem_shared>> -> memref<80x128xf32, #tpu.memory_space<vmem_shared>>
    %dma_wait3A_69 = arith.constant 0 : i32
    %dma_wait3A_70 = tpu.memref_slice %arg7[%add3A_8, %dma_wait3A_69] : memref<10240x128xf32, #tpu.memory_space<vmem_shared>> -> memref<80x128xf32, #tpu.memory_space<vmem_shared>>
    tpu.wait_dma2 semaphore(%arg18 : memref<!tpu.dma_semaphore, #tpu.memory_space<semaphore_mem>>) src(%arg8 : memref<80x128xf32, #tpu.memory_space<vmem>>) dst(%dma_wait3A_70 : memref<80x128xf32, #tpu.memory_space<vmem_shared>>)
    %dma_wait3A_71 = arith.constant 0 : i32
    %dma_wait3A_72 = tpu.memref_slice %arg7[%add3A_12, %dma_wait3A_71] : memref<10240x128xf32, #tpu.memory_space<vmem_shared>> -> memref<80x128xf32, #tpu.memory_space<vmem_shared>>
    %dma_wait3A_73 = arith.constant 0 : i32
    %dma_wait3A_74 = tpu.memref_slice %arg7[%add3A_12, %dma_wait3A_73] : memref<10240x128xf32, #tpu.memory_space<vmem_shared>> -> memref<80x128xf32, #tpu.memory_space<vmem_shared>>
    tpu.wait_dma2 semaphore(%arg19 : memref<!tpu.dma_semaphore, #tpu.memory_space<semaphore_mem>>) src(%arg8 : memref<80x128xf32, #tpu.memory_space<vmem>>) dst(%dma_wait3A_74 : memref<80x128xf32, #tpu.memory_space<vmem_shared>>)
    %dma_wait3A_75 = arith.constant 0 : i32
    %dma_wait3A_76 = tpu.memref_slice %arg7[%add3A_16, %dma_wait3A_75] : memref<10240x128xf32, #tpu.memory_space<vmem_shared>> -> memref<80x128xf32, #tpu.memory_space<vmem_shared>>
    %dma_wait3A_77 = arith.constant 0 : i32
    %dma_wait3A_78 = tpu.memref_slice %arg7[%add3A_16, %dma_wait3A_77] : memref<10240x128xf32, #tpu.memory_space<vmem_shared>> -> memref<80x128xf32, #tpu.memory_space<vmem_shared>>
    tpu.wait_dma2 semaphore(%arg20 : memref<!tpu.dma_semaphore, #tpu.memory_space<semaphore_mem>>) src(%arg8 : memref<80x128xf32, #tpu.memory_space<vmem>>) dst(%dma_wait3A_78 : memref<80x128xf32, #tpu.memory_space<vmem_shared>>)
    %dma_wait3A_79 = arith.constant 0 : i32
    %dma_wait3A_80 = tpu.memref_slice %arg7[%add3A_20, %dma_wait3A_79] : memref<10240x128xf32, #tpu.memory_space<vmem_shared>> -> memref<80x128xf32, #tpu.memory_space<vmem_shared>>
    %dma_wait3A_81 = arith.constant 0 : i32
    %dma_wait3A_82 = tpu.memref_slice %arg7[%add3A_20, %dma_wait3A_81] : memref<10240x128xf32, #tpu.memory_space<vmem_shared>> -> memref<80x128xf32, #tpu.memory_space<vmem_shared>>
    tpu.wait_dma2 semaphore(%arg21 : memref<!tpu.dma_semaphore, #tpu.memory_space<semaphore_mem>>) src(%arg8 : memref<80x128xf32, #tpu.memory_space<vmem>>) dst(%dma_wait3A_82 : memref<80x128xf32, #tpu.memory_space<vmem_shared>>)
    %dma_wait3A_83 = arith.constant 0 : i32
    %dma_wait3A_84 = tpu.memref_slice %arg7[%add3A_24, %dma_wait3A_83] : memref<10240x128xf32, #tpu.memory_space<vmem_shared>> -> memref<80x128xf32, #tpu.memory_space<vmem_shared>>
    %dma_wait3A_85 = arith.constant 0 : i32
    %dma_wait3A_86 = tpu.memref_slice %arg7[%add3A_24, %dma_wait3A_85] : memref<10240x128xf32, #tpu.memory_space<vmem_shared>> -> memref<80x128xf32, #tpu.memory_space<vmem_shared>>
    tpu.wait_dma2 semaphore(%arg22 : memref<!tpu.dma_semaphore, #tpu.memory_space<semaphore_mem>>) src(%arg8 : memref<80x128xf32, #tpu.memory_space<vmem>>) dst(%dma_wait3A_86 : memref<80x128xf32, #tpu.memory_space<vmem_shared>>)
    %dma_wait3A_87 = arith.constant 0 : i32
    %dma_wait3A_88 = tpu.memref_slice %arg7[%add3A_28, %dma_wait3A_87] : memref<10240x128xf32, #tpu.memory_space<vmem_shared>> -> memref<80x128xf32, #tpu.memory_space<vmem_shared>>
    %dma_wait3A_89 = arith.constant 0 : i32
    %dma_wait3A_90 = tpu.memref_slice %arg7[%add3A_28, %dma_wait3A_89] : memref<10240x128xf32, #tpu.memory_space<vmem_shared>> -> memref<80x128xf32, #tpu.memory_space<vmem_shared>>
    tpu.wait_dma2 semaphore(%arg23 : memref<!tpu.dma_semaphore, #tpu.memory_space<semaphore_mem>>) src(%arg8 : memref<80x128xf32, #tpu.memory_space<vmem>>) dst(%dma_wait3A_90 : memref<80x128xf32, #tpu.memory_space<vmem_shared>>)
    %dma_wait3A_91 = arith.constant 0 : i32
    %dma_wait3A_92 = tpu.memref_slice %arg7[%add3A_32, %dma_wait3A_91] : memref<10240x128xf32, #tpu.memory_space<vmem_shared>> -> memref<80x128xf32, #tpu.memory_space<vmem_shared>>
    %dma_wait3A_93 = arith.constant 0 : i32
    %dma_wait3A_94 = tpu.memref_slice %arg7[%add3A_32, %dma_wait3A_93] : memref<10240x128xf32, #tpu.memory_space<vmem_shared>> -> memref<80x128xf32, #tpu.memory_space<vmem_shared>>
    tpu.wait_dma2 semaphore(%arg24 : memref<!tpu.dma_semaphore, #tpu.memory_space<semaphore_mem>>) src(%arg8 : memref<80x128xf32, #tpu.memory_space<vmem>>) dst(%dma_wait3A_94 : memref<80x128xf32, #tpu.memory_space<vmem_shared>>)
    %barrier3A = arith.constant 0 : index
    tpu.barrier barrier_id(%barrier3A)
    %mul3A_95 = arith.constant 10000 : i32
    %mul3A_96 = arith.muli %add3A, %mul3A_95 : i32
    %add3A_97 = arith.constant 0 : i32
    %add3A_98 = arith.addi %mul3A_96, %add3A_97 : i32
    %dma_start3A_99 = tpu.memref_slice %arg3[%add3A_98] : memref<320000xi32, #tpu.memory_space<hbm>> -> memref<80xi32, #tpu.memory_space<hbm>>
    %dma_start3A_100 = tpu.memref_slice %arg3[%add3A_98] : memref<320000xi32, #tpu.memory_space<hbm>> -> memref<80xi32, #tpu.memory_space<hbm>>
    tpu.enqueue_dma source(%dma_start3A_100 : memref<80xi32, #tpu.memory_space<hbm>>) target(%arg11 : memref<80xi32, #tpu.memory_space<vmem>>) target_semaphore(%arg23 : memref<!tpu.dma_semaphore, #tpu.memory_space<semaphore_mem>>)
    %dma_start3A_101 = tpu.memref_slice %arg4[%add3A_98] : memref<320000xi32, #tpu.memory_space<hbm>> -> memref<80xi32, #tpu.memory_space<hbm>>
    %dma_start3A_102 = tpu.memref_slice %arg4[%add3A_98] : memref<320000xi32, #tpu.memory_space<hbm>> -> memref<80xi32, #tpu.memory_space<hbm>>
    tpu.enqueue_dma source(%dma_start3A_102 : memref<80xi32, #tpu.memory_space<hbm>>) target(%arg14 : memref<80xi32, #tpu.memory_space<vmem>>) target_semaphore(%arg23 : memref<!tpu.dma_semaphore, #tpu.memory_space<semaphore_mem>>)
    %mul3A_103 = arith.constant 10000 : i32
    %mul3A_104 = arith.muli %add3A, %mul3A_103 : i32
    %add3A_105 = arith.constant 80 : i32
    %add3A_106 = arith.addi %mul3A_104, %add3A_105 : i32
    %dma_start3A_107 = tpu.memref_slice %arg3[%add3A_106] : memref<320000xi32, #tpu.memory_space<hbm>> -> memref<80xi32, #tpu.memory_space<hbm>>
    %dma_start3A_108 = tpu.memref_slice %arg3[%add3A_106] : memref<320000xi32, #tpu.memory_space<hbm>> -> memref<80xi32, #tpu.memory_space<hbm>>
    tpu.enqueue_dma source(%dma_start3A_108 : memref<80xi32, #tpu.memory_space<hbm>>) target(%arg12 : memref<80xi32, #tpu.memory_space<vmem>>) target_semaphore(%arg24 : memref<!tpu.dma_semaphore, #tpu.memory_space<semaphore_mem>>)
    %dma_start3A_109 = tpu.memref_slice %arg4[%add3A_106] : memref<320000xi32, #tpu.memory_space<hbm>> -> memref<80xi32, #tpu.memory_space<hbm>>
    %dma_start3A_110 = tpu.memref_slice %arg4[%add3A_106] : memref<320000xi32, #tpu.memory_space<hbm>> -> memref<80xi32, #tpu.memory_space<hbm>>
    tpu.enqueue_dma source(%dma_start3A_110 : memref<80xi32, #tpu.memory_space<hbm>>) target(%arg15 : memref<80xi32, #tpu.memory_space<vmem>>) target_semaphore(%arg24 : memref<!tpu.dma_semaphore, #tpu.memory_space<semaphore_mem>>)
    %mul3A_111 = arith.constant 10000 : i32
    %mul3A_112 = arith.muli %add3A, %mul3A_111 : i32
    %add3A_113 = arith.constant 160 : i32
    %add3A_114 = arith.addi %mul3A_112, %add3A_113 : i32
    %dma_start3A_115 = tpu.memref_slice %arg3[%add3A_114] : memref<320000xi32, #tpu.memory_space<hbm>> -> memref<80xi32, #tpu.memory_space<hbm>>
    %dma_start3A_116 = tpu.memref_slice %arg3[%add3A_114] : memref<320000xi32, #tpu.memory_space<hbm>> -> memref<80xi32, #tpu.memory_space<hbm>>
    tpu.enqueue_dma source(%dma_start3A_116 : memref<80xi32, #tpu.memory_space<hbm>>) target(%arg13 : memref<80xi32, #tpu.memory_space<vmem>>) target_semaphore(%arg25 : memref<!tpu.dma_semaphore, #tpu.memory_space<semaphore_mem>>)
    %dma_start3A_117 = tpu.memref_slice %arg4[%add3A_114] : memref<320000xi32, #tpu.memory_space<hbm>> -> memref<80xi32, #tpu.memory_space<hbm>>
    %dma_start3A_118 = tpu.memref_slice %arg4[%add3A_114] : memref<320000xi32, #tpu.memory_space<hbm>> -> memref<80xi32, #tpu.memory_space<hbm>>
    tpu.enqueue_dma source(%dma_start3A_118 : memref<80xi32, #tpu.memory_space<hbm>>) target(%arg16 : memref<80xi32, #tpu.memory_space<vmem>>) target_semaphore(%arg25 : memref<!tpu.dma_semaphore, #tpu.memory_space<semaphore_mem>>)
    %mul3A_119 = arith.constant 10000 : i32
    %mul3A_120 = arith.muli %add3A, %mul3A_119 : i32
    %add3A_121 = arith.constant 0 : i32
    %add3A_122 = arith.addi %mul3A_120, %add3A_121 : i32
    %dma_wait3A_123 = tpu.memref_slice %arg3[%add3A_122] : memref<320000xi32, #tpu.memory_space<hbm>> -> memref<80xi32, #tpu.memory_space<hbm>>
    %dma_wait3A_124 = tpu.memref_slice %arg3[%add3A_122] : memref<320000xi32, #tpu.memory_space<hbm>> -> memref<80xi32, #tpu.memory_space<hbm>>
    tpu.wait_dma2 semaphore(%arg23 : memref<!tpu.dma_semaphore, #tpu.memory_space<semaphore_mem>>) src(%dma_wait3A_124 : memref<80xi32, #tpu.memory_space<hbm>>) dst(%arg11 : memref<80xi32, #tpu.memory_space<vmem>>)
    %dma_wait3A_125 = tpu.memref_slice %arg4[%add3A_122] : memref<320000xi32, #tpu.memory_space<hbm>> -> memref<80xi32, #tpu.memory_space<hbm>>
    %dma_wait3A_126 = tpu.memref_slice %arg4[%add3A_122] : memref<320000xi32, #tpu.memory_space<hbm>> -> memref<80xi32, #tpu.memory_space<hbm>>
    tpu.wait_dma2 semaphore(%arg23 : memref<!tpu.dma_semaphore, #tpu.memory_space<semaphore_mem>>) src(%dma_wait3A_126 : memref<80xi32, #tpu.memory_space<hbm>>) dst(%arg14 : memref<80xi32, #tpu.memory_space<vmem>>)
    %dma_start3A_127 = arith.constant 0 : i32
    %dma_start3A_128 = arith.constant 0 : i32
    %dma_start3A_129 = tpu.memref_slice %arg2[%dma_start3A_127, %dma_start3A_128] : memref<10000x128xf32, #tpu.memory_space<hbm>> -> memref<10000x128xf32, #tpu.memory_space<hbm>>
    tpu.enqueue_indirect_dma source(%dma_start3A_129 : memref<10000x128xf32, #tpu.memory_space<hbm>>) target(%arg8 : memref<80x128xf32, #tpu.memory_space<vmem>>) offsets(%arg11 : memref<80xi32, #tpu.memory_space<vmem>>) semaphore(%arg17 : memref<!tpu.dma_semaphore, #tpu.memory_space<semaphore_mem>>)
    %mul3A_130 = arith.constant 10000 : i32
    %mul3A_131 = arith.muli %add3A, %mul3A_130 : i32
    %add3A_132 = arith.constant 80 : i32
    %add3A_133 = arith.addi %mul3A_131, %add3A_132 : i32
    %dma_wait3A_134 = tpu.memref_slice %arg3[%add3A_133] : memref<320000xi32, #tpu.memory_space<hbm>> -> memref<80xi32, #tpu.memory_space<hbm>>
    %dma_wait3A_135 = tpu.memref_slice %arg3[%add3A_133] : memref<320000xi32, #tpu.memory_space<hbm>> -> memref<80xi32, #tpu.memory_space<hbm>>
    tpu.wait_dma2 semaphore(%arg24 : memref<!tpu.dma_semaphore, #tpu.memory_space<semaphore_mem>>) src(%dma_wait3A_135 : memref<80xi32, #tpu.memory_space<hbm>>) dst(%arg12 : memref<80xi32, #tpu.memory_space<vmem>>)
    %dma_wait3A_136 = tpu.memref_slice %arg4[%add3A_133] : memref<320000xi32, #tpu.memory_space<hbm>> -> memref<80xi32, #tpu.memory_space<hbm>>
    %dma_wait3A_137 = tpu.memref_slice %arg4[%add3A_133] : memref<320000xi32, #tpu.memory_space<hbm>> -> memref<80xi32, #tpu.memory_space<hbm>>
    tpu.wait_dma2 semaphore(%arg24 : memref<!tpu.dma_semaphore, #tpu.memory_space<semaphore_mem>>) src(%dma_wait3A_137 : memref<80xi32, #tpu.memory_space<hbm>>) dst(%arg15 : memref<80xi32, #tpu.memory_space<vmem>>)
    %dma_start3A_138 = arith.constant 0 : i32
    %dma_start3A_139 = arith.constant 0 : i32
    %dma_start3A_140 = tpu.memref_slice %arg2[%dma_start3A_138, %dma_start3A_139] : memref<10000x128xf32, #tpu.memory_space<hbm>> -> memref<10000x128xf32, #tpu.memory_space<hbm>>
    tpu.enqueue_indirect_dma source(%dma_start3A_140 : memref<10000x128xf32, #tpu.memory_space<hbm>>) target(%arg9 : memref<80x128xf32, #tpu.memory_space<vmem>>) offsets(%arg12 : memref<80xi32, #tpu.memory_space<vmem>>) semaphore(%arg18 : memref<!tpu.dma_semaphore, #tpu.memory_space<semaphore_mem>>)
    %mul3A_141 = arith.constant 10000 : i32
    %mul3A_142 = arith.muli %add3A, %mul3A_141 : i32
    %add3A_143 = arith.constant 160 : i32
    %add3A_144 = arith.addi %mul3A_142, %add3A_143 : i32
    %dma_wait3A_145 = tpu.memref_slice %arg3[%add3A_144] : memref<320000xi32, #tpu.memory_space<hbm>> -> memref<80xi32, #tpu.memory_space<hbm>>
    %dma_wait3A_146 = tpu.memref_slice %arg3[%add3A_144] : memref<320000xi32, #tpu.memory_space<hbm>> -> memref<80xi32, #tpu.memory_space<hbm>>
    tpu.wait_dma2 semaphore(%arg25 : memref<!tpu.dma_semaphore, #tpu.memory_space<semaphore_mem>>) src(%dma_wait3A_146 : memref<80xi32, #tpu.memory_space<hbm>>) dst(%arg13 : memref<80xi32, #tpu.memory_space<vmem>>)
    %dma_wait3A_147 = tpu.memref_slice %arg4[%add3A_144] : memref<320000xi32, #tpu.memory_space<hbm>> -> memref<80xi32, #tpu.memory_space<hbm>>
    %dma_wait3A_148 = tpu.memref_slice %arg4[%add3A_144] : memref<320000xi32, #tpu.memory_space<hbm>> -> memref<80xi32, #tpu.memory_space<hbm>>
    tpu.wait_dma2 semaphore(%arg25 : memref<!tpu.dma_semaphore, #tpu.memory_space<semaphore_mem>>) src(%dma_wait3A_148 : memref<80xi32, #tpu.memory_space<hbm>>) dst(%arg16 : memref<80xi32, #tpu.memory_space<vmem>>)
    %dma_start3A_149 = arith.constant 0 : i32
    %dma_start3A_150 = arith.constant 0 : i32
    %dma_start3A_151 = tpu.memref_slice %arg2[%dma_start3A_149, %dma_start3A_150] : memref<10000x128xf32, #tpu.memory_space<hbm>> -> memref<10000x128xf32, #tpu.memory_space<hbm>>
    tpu.enqueue_indirect_dma source(%dma_start3A_151 : memref<10000x128xf32, #tpu.memory_space<hbm>>) target(%arg10 : memref<80x128xf32, #tpu.memory_space<vmem>>) offsets(%arg13 : memref<80xi32, #tpu.memory_space<vmem>>) semaphore(%arg19 : memref<!tpu.dma_semaphore, #tpu.memory_space<semaphore_mem>>)
    %scan3A = arith.constant 0 : i32
    %scan3A_152 = arith.constant 0 : i32
    %scan3A_153 = arith.constant 41 : i32
    %scan3A_154 = arith.addi %scan3A_152, %scan3A_153 : i32
    %scan3A_155 = arith.constant 1 : i32
    scf.for %scan3A_368 = %scan3A_152 to %scan3A_154 step %scan3A_155  : i32 {
      %mul3A_369 = arith.constant 3 : i32
      %mul3A_370 = arith.muli %scan3A_368, %mul3A_369 : i32
      %dma_wait3A_371 = arith.constant 0 : i32
      %dma_wait3A_372 = arith.constant 0 : i32
      %dma_wait3A_373 = tpu.memref_slice %arg2[%dma_wait3A_371, %dma_wait3A_372] : memref<10000x128xf32, #tpu.memory_space<hbm>> -> memref<10000x128xf32, #tpu.memory_space<hbm>>
      tpu.wait_indirect_dma semaphore(%arg17 : memref<!tpu.dma_semaphore, #tpu.memory_space<semaphore_mem>>) src(%dma_wait3A_373 : memref<10000x128xf32, #tpu.memory_space<hbm>>) dst(%arg8 : memref<80x128xf32, #tpu.memory_space<vmem>>)
      %dma_start3A_374 = arith.constant 0 : i32
      %dma_start3A_375 = arith.constant 0 : i32
      %dma_start3A_376 = tpu.memref_slice %arg7[%dma_start3A_374, %dma_start3A_375] : memref<10240x128xf32, #tpu.memory_space<vmem_shared>> -> memref<10240x128xf32, #tpu.memory_space<vmem_shared>>
      tpu.enqueue_indirect_dma source(%arg8 : memref<80x128xf32, #tpu.memory_space<vmem>>) target(%dma_start3A_376 : memref<10240x128xf32, #tpu.memory_space<vmem_shared>>) offsets(%arg14 : memref<80xi32, #tpu.memory_space<vmem>>) semaphore(%arg20 : memref<!tpu.dma_semaphore, #tpu.memory_space<semaphore_mem>>) {add = true}
      %dma_wait3A_377 = arith.constant 0 : i32
      %dma_wait3A_378 = arith.constant 0 : i32
      %dma_wait3A_379 = tpu.memref_slice %arg2[%dma_wait3A_377, %dma_wait3A_378] : memref<10000x128xf32, #tpu.memory_space<hbm>> -> memref<10000x128xf32, #tpu.memory_space<hbm>>
      tpu.wait_indirect_dma semaphore(%arg18 : memref<!tpu.dma_semaphore, #tpu.memory_space<semaphore_mem>>) src(%dma_wait3A_379 : memref<10000x128xf32, #tpu.memory_space<hbm>>) dst(%arg9 : memref<80x128xf32, #tpu.memory_space<vmem>>)
      %dma_start3A_380 = arith.constant 0 : i32
      %dma_start3A_381 = arith.constant 0 : i32
      %dma_start3A_382 = tpu.memref_slice %arg7[%dma_start3A_380, %dma_start3A_381] : memref<10240x128xf32, #tpu.memory_space<vmem_shared>> -> memref<10240x128xf32, #tpu.memory_space<vmem_shared>>
      tpu.enqueue_indirect_dma source(%arg9 : memref<80x128xf32, #tpu.memory_space<vmem>>) target(%dma_start3A_382 : memref<10240x128xf32, #tpu.memory_space<vmem_shared>>) offsets(%arg15 : memref<80xi32, #tpu.memory_space<vmem>>) semaphore(%arg21 : memref<!tpu.dma_semaphore, #tpu.memory_space<semaphore_mem>>) {add = true}
      %dma_wait3A_383 = arith.constant 0 : i32
      %dma_wait3A_384 = arith.constant 0 : i32
      %dma_wait3A_385 = tpu.memref_slice %arg2[%dma_wait3A_383, %dma_wait3A_384] : memref<10000x128xf32, #tpu.memory_space<hbm>> -> memref<10000x128xf32, #tpu.memory_space<hbm>>
      tpu.wait_indirect_dma semaphore(%arg19 : memref<!tpu.dma_semaphore, #tpu.memory_space<semaphore_mem>>) src(%dma_wait3A_385 : memref<10000x128xf32, #tpu.memory_space<hbm>>) dst(%arg10 : memref<80x128xf32, #tpu.memory_space<vmem>>)
      %dma_start3A_386 = arith.constant 0 : i32
      %dma_start3A_387 = arith.constant 0 : i32
      %dma_start3A_388 = tpu.memref_slice %arg7[%dma_start3A_386, %dma_start3A_387] : memref<10240x128xf32, #tpu.memory_space<vmem_shared>> -> memref<10240x128xf32, #tpu.memory_space<vmem_shared>>
      tpu.enqueue_indirect_dma source(%arg10 : memref<80x128xf32, #tpu.memory_space<vmem>>) target(%dma_start3A_388 : memref<10240x128xf32, #tpu.memory_space<vmem_shared>>) offsets(%arg16 : memref<80xi32, #tpu.memory_space<vmem>>) semaphore(%arg22 : memref<!tpu.dma_semaphore, #tpu.memory_space<semaphore_mem>>) {add = true}
      %dma_wait3A_389 = arith.constant 0 : i32
      %dma_wait3A_390 = arith.constant 0 : i32
      %dma_wait3A_391 = tpu.memref_slice %arg7[%dma_wait3A_389, %dma_wait3A_390] : memref<10240x128xf32, #tpu.memory_space<vmem_shared>> -> memref<10240x128xf32, #tpu.memory_space<vmem_shared>>
      tpu.wait_indirect_dma semaphore(%arg20 : memref<!tpu.dma_semaphore, #tpu.memory_space<semaphore_mem>>) src(%arg8 : memref<80x128xf32, #tpu.memory_space<vmem>>) dst(%dma_wait3A_391 : memref<10240x128xf32, #tpu.memory_space<vmem_shared>>)
      %add3A_392 = arith.constant 0 : i32
      %add3A_393 = arith.addi %mul3A_370, %add3A_392 : i32
      %add3A_394 = arith.constant 3 : i32
      %add3A_395 = arith.addi %add3A_393, %add3A_394 : i32
      %lt3A = arith.constant 125 : i32
      %lt3A_396 = arith.cmpi slt, %add3A_395, %lt3A : i32
      %convert_element_type3A = arith.extui %lt3A_396 : i1 to i32
      %cond3A = arith.constant 0 : i32
      %cond3A_397 = arith.cmpi ne, %convert_element_type3A, %cond3A : i32
      scf.if %cond3A_397 {
        %add3A_422 = arith.constant 0 : i32
        %add3A_423 = arith.addi %mul3A_370, %add3A_422 : i32
        %add3A_424 = arith.constant 3 : i32
        %add3A_425 = arith.addi %add3A_423, %add3A_424 : i32
        %mul3A_426 = arith.constant 10000 : i32
        %mul3A_427 = arith.muli %add3A, %mul3A_426 : i32
        %mul3A_428 = arith.constant 80 : i32
        %mul3A_429 = arith.muli %add3A_425, %mul3A_428 : i32
        %add3A_430 = arith.addi %mul3A_427, %mul3A_429 : i32
        %dma_start3A_431 = tpu.memref_slice %arg3[%add3A_430] : memref<320000xi32, #tpu.memory_space<hbm>> -> memref<80xi32, #tpu.memory_space<hbm>>
        %dma_start3A_432 = tpu.memref_slice %arg3[%add3A_430] : memref<320000xi32, #tpu.memory_space<hbm>> -> memref<80xi32, #tpu.memory_space<hbm>>
        tpu.enqueue_dma source(%dma_start3A_432 : memref<80xi32, #tpu.memory_space<hbm>>) target(%arg11 : memref<80xi32, #tpu.memory_space<vmem>>) target_semaphore(%arg23 : memref<!tpu.dma_semaphore, #tpu.memory_space<semaphore_mem>>)
        %dma_start3A_433 = tpu.memref_slice %arg4[%add3A_430] : memref<320000xi32, #tpu.memory_space<hbm>> -> memref<80xi32, #tpu.memory_space<hbm>>
        %dma_start3A_434 = tpu.memref_slice %arg4[%add3A_430] : memref<320000xi32, #tpu.memory_space<hbm>> -> memref<80xi32, #tpu.memory_space<hbm>>
        tpu.enqueue_dma source(%dma_start3A_434 : memref<80xi32, #tpu.memory_space<hbm>>) target(%arg14 : memref<80xi32, #tpu.memory_space<vmem>>) target_semaphore(%arg23 : memref<!tpu.dma_semaphore, #tpu.memory_space<semaphore_mem>>)
        %add3A_435 = arith.constant 0 : i32
        %add3A_436 = arith.addi %mul3A_370, %add3A_435 : i32
        %add3A_437 = arith.constant 3 : i32
        %add3A_438 = arith.addi %add3A_436, %add3A_437 : i32
        %mul3A_439 = arith.constant 10000 : i32
        %mul3A_440 = arith.muli %add3A, %mul3A_439 : i32
        %mul3A_441 = arith.constant 80 : i32
        %mul3A_442 = arith.muli %add3A_438, %mul3A_441 : i32
        %add3A_443 = arith.addi %mul3A_440, %mul3A_442 : i32
        %dma_wait3A_444 = tpu.memref_slice %arg3[%add3A_443] : memref<320000xi32, #tpu.memory_space<hbm>> -> memref<80xi32, #tpu.memory_space<hbm>>
        %dma_wait3A_445 = tpu.memref_slice %arg3[%add3A_443] : memref<320000xi32, #tpu.memory_space<hbm>> -> memref<80xi32, #tpu.memory_space<hbm>>
        tpu.wait_dma2 semaphore(%arg23 : memref<!tpu.dma_semaphore, #tpu.memory_space<semaphore_mem>>) src(%dma_wait3A_445 : memref<80xi32, #tpu.memory_space<hbm>>) dst(%arg11 : memref<80xi32, #tpu.memory_space<vmem>>)
        %dma_wait3A_446 = tpu.memref_slice %arg4[%add3A_443] : memref<320000xi32, #tpu.memory_space<hbm>> -> memref<80xi32, #tpu.memory_space<hbm>>
        %dma_wait3A_447 = tpu.memref_slice %arg4[%add3A_443] : memref<320000xi32, #tpu.memory_space<hbm>> -> memref<80xi32, #tpu.memory_space<hbm>>
        tpu.wait_dma2 semaphore(%arg23 : memref<!tpu.dma_semaphore, #tpu.memory_space<semaphore_mem>>) src(%dma_wait3A_447 : memref<80xi32, #tpu.memory_space<hbm>>) dst(%arg14 : memref<80xi32, #tpu.memory_space<vmem>>)
        %dma_start3A_448 = arith.constant 0 : i32
        %dma_start3A_449 = arith.constant 0 : i32
        %dma_start3A_450 = tpu.memref_slice %arg2[%dma_start3A_448, %dma_start3A_449] : memref<10000x128xf32, #tpu.memory_space<hbm>> -> memref<10000x128xf32, #tpu.memory_space<hbm>>
        tpu.enqueue_indirect_dma source(%dma_start3A_450 : memref<10000x128xf32, #tpu.memory_space<hbm>>) target(%arg8 : memref<80x128xf32, #tpu.memory_space<vmem>>) offsets(%arg11 : memref<80xi32, #tpu.memory_space<vmem>>) semaphore(%arg17 : memref<!tpu.dma_semaphore, #tpu.memory_space<semaphore_mem>>)
      } else {
      }
      %dma_wait3A_398 = arith.constant 0 : i32
      %dma_wait3A_399 = arith.constant 0 : i32
      %dma_wait3A_400 = tpu.memref_slice %arg7[%dma_wait3A_398, %dma_wait3A_399] : memref<10240x128xf32, #tpu.memory_space<vmem_shared>> -> memref<10240x128xf32, #tpu.memory_space<vmem_shared>>
      tpu.wait_indirect_dma semaphore(%arg21 : memref<!tpu.dma_semaphore, #tpu.memory_space<semaphore_mem>>) src(%arg9 : memref<80x128xf32, #tpu.memory_space<vmem>>) dst(%dma_wait3A_400 : memref<10240x128xf32, #tpu.memory_space<vmem_shared>>)
      %add3A_401 = arith.constant 1 : i32
      %add3A_402 = arith.addi %mul3A_370, %add3A_401 : i32
      %add3A_403 = arith.constant 3 : i32
      %add3A_404 = arith.addi %add3A_402, %add3A_403 : i32
      %lt3A_405 = arith.constant 125 : i32
      %lt3A_406 = arith.cmpi slt, %add3A_404, %lt3A_405 : i32
      %convert_element_type3A_407 = arith.extui %lt3A_406 : i1 to i32
      %cond3A_408 = arith.constant 0 : i32
      %cond3A_409 = arith.cmpi ne, %convert_element_type3A_407, %cond3A_408 : i32
      scf.if %cond3A_409 {
        %add3A_422 = arith.constant 1 : i32
        %add3A_423 = arith.addi %mul3A_370, %add3A_422 : i32
        %add3A_424 = arith.constant 3 : i32
        %add3A_425 = arith.addi %add3A_423, %add3A_424 : i32
        %mul3A_426 = arith.constant 10000 : i32
        %mul3A_427 = arith.muli %add3A, %mul3A_426 : i32
        %mul3A_428 = arith.constant 80 : i32
        %mul3A_429 = arith.muli %add3A_425, %mul3A_428 : i32
        %add3A_430 = arith.addi %mul3A_427, %mul3A_429 : i32
        %dma_start3A_431 = tpu.memref_slice %arg3[%add3A_430] : memref<320000xi32, #tpu.memory_space<hbm>> -> memref<80xi32, #tpu.memory_space<hbm>>
        %dma_start3A_432 = tpu.memref_slice %arg3[%add3A_430] : memref<320000xi32, #tpu.memory_space<hbm>> -> memref<80xi32, #tpu.memory_space<hbm>>
        tpu.enqueue_dma source(%dma_start3A_432 : memref<80xi32, #tpu.memory_space<hbm>>) target(%arg12 : memref<80xi32, #tpu.memory_space<vmem>>) target_semaphore(%arg24 : memref<!tpu.dma_semaphore, #tpu.memory_space<semaphore_mem>>)
        %dma_start3A_433 = tpu.memref_slice %arg4[%add3A_430] : memref<320000xi32, #tpu.memory_space<hbm>> -> memref<80xi32, #tpu.memory_space<hbm>>
        %dma_start3A_434 = tpu.memref_slice %arg4[%add3A_430] : memref<320000xi32, #tpu.memory_space<hbm>> -> memref<80xi32, #tpu.memory_space<hbm>>
        tpu.enqueue_dma source(%dma_start3A_434 : memref<80xi32, #tpu.memory_space<hbm>>) target(%arg15 : memref<80xi32, #tpu.memory_space<vmem>>) target_semaphore(%arg24 : memref<!tpu.dma_semaphore, #tpu.memory_space<semaphore_mem>>)
        %add3A_435 = arith.constant 1 : i32
        %add3A_436 = arith.addi %mul3A_370, %add3A_435 : i32
        %add3A_437 = arith.constant 3 : i32
        %add3A_438 = arith.addi %add3A_436, %add3A_437 : i32
        %mul3A_439 = arith.constant 10000 : i32
        %mul3A_440 = arith.muli %add3A, %mul3A_439 : i32
        %mul3A_441 = arith.constant 80 : i32
        %mul3A_442 = arith.muli %add3A_438, %mul3A_441 : i32
        %add3A_443 = arith.addi %mul3A_440, %mul3A_442 : i32
        %dma_wait3A_444 = tpu.memref_slice %arg3[%add3A_443] : memref<320000xi32, #tpu.memory_space<hbm>> -> memref<80xi32, #tpu.memory_space<hbm>>
        %dma_wait3A_445 = tpu.memref_slice %arg3[%add3A_443] : memref<320000xi32, #tpu.memory_space<hbm>> -> memref<80xi32, #tpu.memory_space<hbm>>
        tpu.wait_dma2 semaphore(%arg24 : memref<!tpu.dma_semaphore, #tpu.memory_space<semaphore_mem>>) src(%dma_wait3A_445 : memref<80xi32, #tpu.memory_space<hbm>>) dst(%arg12 : memref<80xi32, #tpu.memory_space<vmem>>)
        %dma_wait3A_446 = tpu.memref_slice %arg4[%add3A_443] : memref<320000xi32, #tpu.memory_space<hbm>> -> memref<80xi32, #tpu.memory_space<hbm>>
        %dma_wait3A_447 = tpu.memref_slice %arg4[%add3A_443] : memref<320000xi32, #tpu.memory_space<hbm>> -> memref<80xi32, #tpu.memory_space<hbm>>
        tpu.wait_dma2 semaphore(%arg24 : memref<!tpu.dma_semaphore, #tpu.memory_space<semaphore_mem>>) src(%dma_wait3A_447 : memref<80xi32, #tpu.memory_space<hbm>>) dst(%arg15 : memref<80xi32, #tpu.memory_space<vmem>>)
        %dma_start3A_448 = arith.constant 0 : i32
        %dma_start3A_449 = arith.constant 0 : i32
        %dma_start3A_450 = tpu.memref_slice %arg2[%dma_start3A_448, %dma_start3A_449] : memref<10000x128xf32, #tpu.memory_space<hbm>> -> memref<10000x128xf32, #tpu.memory_space<hbm>>
        tpu.enqueue_indirect_dma source(%dma_start3A_450 : memref<10000x128xf32, #tpu.memory_space<hbm>>) target(%arg9 : memref<80x128xf32, #tpu.memory_space<vmem>>) offsets(%arg12 : memref<80xi32, #tpu.memory_space<vmem>>) semaphore(%arg18 : memref<!tpu.dma_semaphore, #tpu.memory_space<semaphore_mem>>)
      } else {
      }
      %dma_wait3A_410 = arith.constant 0 : i32
      %dma_wait3A_411 = arith.constant 0 : i32
      %dma_wait3A_412 = tpu.memref_slice %arg7[%dma_wait3A_410, %dma_wait3A_411] : memref<10240x128xf32, #tpu.memory_space<vmem_shared>> -> memref<10240x128xf32, #tpu.memory_space<vmem_shared>>
      tpu.wait_indirect_dma semaphore(%arg22 : memref<!tpu.dma_semaphore, #tpu.memory_space<semaphore_mem>>) src(%arg10 : memref<80x128xf32, #tpu.memory_space<vmem>>) dst(%dma_wait3A_412 : memref<10240x128xf32, #tpu.memory_space<vmem_shared>>)
      %add3A_413 = arith.constant 2 : i32
      %add3A_414 = arith.addi %mul3A_370, %add3A_413 : i32
      %add3A_415 = arith.constant 3 : i32
      %add3A_416 = arith.addi %add3A_414, %add3A_415 : i32
      %lt3A_417 = arith.constant 125 : i32
      %lt3A_418 = arith.cmpi slt, %add3A_416, %lt3A_417 : i32
      %convert_element_type3A_419 = arith.extui %lt3A_418 : i1 to i32
      %cond3A_420 = arith.constant 0 : i32
      %cond3A_421 = arith.cmpi ne, %convert_element_type3A_419, %cond3A_420 : i32
      scf.if %cond3A_421 {
        %add3A_422 = arith.constant 2 : i32
        %add3A_423 = arith.addi %mul3A_370, %add3A_422 : i32
        %add3A_424 = arith.constant 3 : i32
        %add3A_425 = arith.addi %add3A_423, %add3A_424 : i32
        %mul3A_426 = arith.constant 10000 : i32
        %mul3A_427 = arith.muli %add3A, %mul3A_426 : i32
        %mul3A_428 = arith.constant 80 : i32
        %mul3A_429 = arith.muli %add3A_425, %mul3A_428 : i32
        %add3A_430 = arith.addi %mul3A_427, %mul3A_429 : i32
        %dma_start3A_431 = tpu.memref_slice %arg3[%add3A_430] : memref<320000xi32, #tpu.memory_space<hbm>> -> memref<80xi32, #tpu.memory_space<hbm>>
        %dma_start3A_432 = tpu.memref_slice %arg3[%add3A_430] : memref<320000xi32, #tpu.memory_space<hbm>> -> memref<80xi32, #tpu.memory_space<hbm>>
        tpu.enqueue_dma source(%dma_start3A_432 : memref<80xi32, #tpu.memory_space<hbm>>) target(%arg13 : memref<80xi32, #tpu.memory_space<vmem>>) target_semaphore(%arg25 : memref<!tpu.dma_semaphore, #tpu.memory_space<semaphore_mem>>)
        %dma_start3A_433 = tpu.memref_slice %arg4[%add3A_430] : memref<320000xi32, #tpu.memory_space<hbm>> -> memref<80xi32, #tpu.memory_space<hbm>>
        %dma_start3A_434 = tpu.memref_slice %arg4[%add3A_430] : memref<320000xi32, #tpu.memory_space<hbm>> -> memref<80xi32, #tpu.memory_space<hbm>>
        tpu.enqueue_dma source(%dma_start3A_434 : memref<80xi32, #tpu.memory_space<hbm>>) target(%arg16 : memref<80xi32, #tpu.memory_space<vmem>>) target_semaphore(%arg25 : memref<!tpu.dma_semaphore, #tpu.memory_space<semaphore_mem>>)
        %add3A_435 = arith.constant 2 : i32
        %add3A_436 = arith.addi %mul3A_370, %add3A_435 : i32
        %add3A_437 = arith.constant 3 : i32
        %add3A_438 = arith.addi %add3A_436, %add3A_437 : i32
        %mul3A_439 = arith.constant 10000 : i32
        %mul3A_440 = arith.muli %add3A, %mul3A_439 : i32
        %mul3A_441 = arith.constant 80 : i32
        %mul3A_442 = arith.muli %add3A_438, %mul3A_441 : i32
        %add3A_443 = arith.addi %mul3A_440, %mul3A_442 : i32
        %dma_wait3A_444 = tpu.memref_slice %arg3[%add3A_443] : memref<320000xi32, #tpu.memory_space<hbm>> -> memref<80xi32, #tpu.memory_space<hbm>>
        %dma_wait3A_445 = tpu.memref_slice %arg3[%add3A_443] : memref<320000xi32, #tpu.memory_space<hbm>> -> memref<80xi32, #tpu.memory_space<hbm>>
        tpu.wait_dma2 semaphore(%arg25 : memref<!tpu.dma_semaphore, #tpu.memory_space<semaphore_mem>>) src(%dma_wait3A_445 : memref<80xi32, #tpu.memory_space<hbm>>) dst(%arg13 : memref<80xi32, #tpu.memory_space<vmem>>)
        %dma_wait3A_446 = tpu.memref_slice %arg4[%add3A_443] : memref<320000xi32, #tpu.memory_space<hbm>> -> memref<80xi32, #tpu.memory_space<hbm>>
        %dma_wait3A_447 = tpu.memref_slice %arg4[%add3A_443] : memref<320000xi32, #tpu.memory_space<hbm>> -> memref<80xi32, #tpu.memory_space<hbm>>
        tpu.wait_dma2 semaphore(%arg25 : memref<!tpu.dma_semaphore, #tpu.memory_space<semaphore_mem>>) src(%dma_wait3A_447 : memref<80xi32, #tpu.memory_space<hbm>>) dst(%arg16 : memref<80xi32, #tpu.memory_space<vmem>>)
        %dma_start3A_448 = arith.constant 0 : i32
        %dma_start3A_449 = arith.constant 0 : i32
        %dma_start3A_450 = tpu.memref_slice %arg2[%dma_start3A_448, %dma_start3A_449] : memref<10000x128xf32, #tpu.memory_space<hbm>> -> memref<10000x128xf32, #tpu.memory_space<hbm>>
        tpu.enqueue_indirect_dma source(%dma_start3A_450 : memref<10000x128xf32, #tpu.memory_space<hbm>>) target(%arg10 : memref<80x128xf32, #tpu.memory_space<vmem>>) offsets(%arg13 : memref<80xi32, #tpu.memory_space<vmem>>) semaphore(%arg19 : memref<!tpu.dma_semaphore, #tpu.memory_space<semaphore_mem>>)
      } else {
      }
    }
    %scan3A_156 = arith.constant 41 : i32
    %dma_wait3A_157 = arith.constant 0 : i32
    %dma_wait3A_158 = arith.constant 0 : i32
    %dma_wait3A_159 = tpu.memref_slice %arg2[%dma_wait3A_157, %dma_wait3A_158] : memref<10000x128xf32, #tpu.memory_space<hbm>> -> memref<10000x128xf32, #tpu.memory_space<hbm>>
    tpu.wait_indirect_dma semaphore(%arg17 : memref<!tpu.dma_semaphore, #tpu.memory_space<semaphore_mem>>) src(%dma_wait3A_159 : memref<10000x128xf32, #tpu.memory_space<hbm>>) dst(%arg8 : memref<80x128xf32, #tpu.memory_space<vmem>>)
    %dma_start3A_160 = arith.constant 0 : i32
    %dma_start3A_161 = arith.constant 0 : i32
    %dma_start3A_162 = tpu.memref_slice %arg7[%dma_start3A_160, %dma_start3A_161] : memref<10240x128xf32, #tpu.memory_space<vmem_shared>> -> memref<10240x128xf32, #tpu.memory_space<vmem_shared>>
    tpu.enqueue_indirect_dma source(%arg8 : memref<80x128xf32, #tpu.memory_space<vmem>>) target(%dma_start3A_162 : memref<10240x128xf32, #tpu.memory_space<vmem_shared>>) offsets(%arg14 : memref<80xi32, #tpu.memory_space<vmem>>) semaphore(%arg20 : memref<!tpu.dma_semaphore, #tpu.memory_space<semaphore_mem>>) {add = true}
    %dma_wait3A_163 = arith.constant 0 : i32
    %dma_wait3A_164 = arith.constant 0 : i32
    %dma_wait3A_165 = tpu.memref_slice %arg2[%dma_wait3A_163, %dma_wait3A_164] : memref<10000x128xf32, #tpu.memory_space<hbm>> -> memref<10000x128xf32, #tpu.memory_space<hbm>>
    tpu.wait_indirect_dma semaphore(%arg18 : memref<!tpu.dma_semaphore, #tpu.memory_space<semaphore_mem>>) src(%dma_wait3A_165 : memref<10000x128xf32, #tpu.memory_space<hbm>>) dst(%arg9 : memref<80x128xf32, #tpu.memory_space<vmem>>)
    %dma_start3A_166 = arith.constant 0 : i32
    %dma_start3A_167 = arith.constant 0 : i32
    %dma_start3A_168 = tpu.memref_slice %arg7[%dma_start3A_166, %dma_start3A_167] : memref<10240x128xf32, #tpu.memory_space<vmem_shared>> -> memref<10240x128xf32, #tpu.memory_space<vmem_shared>>
    tpu.enqueue_indirect_dma source(%arg9 : memref<80x128xf32, #tpu.memory_space<vmem>>) target(%dma_start3A_168 : memref<10240x128xf32, #tpu.memory_space<vmem_shared>>) offsets(%arg15 : memref<80xi32, #tpu.memory_space<vmem>>) semaphore(%arg21 : memref<!tpu.dma_semaphore, #tpu.memory_space<semaphore_mem>>) {add = true}
    %dma_wait3A_169 = arith.constant 0 : i32
    %dma_wait3A_170 = arith.constant 0 : i32
    %dma_wait3A_171 = tpu.memref_slice %arg7[%dma_wait3A_169, %dma_wait3A_170] : memref<10240x128xf32, #tpu.memory_space<vmem_shared>> -> memref<10240x128xf32, #tpu.memory_space<vmem_shared>>
    tpu.wait_indirect_dma semaphore(%arg20 : memref<!tpu.dma_semaphore, #tpu.memory_space<semaphore_mem>>) src(%arg8 : memref<80x128xf32, #tpu.memory_space<vmem>>) dst(%dma_wait3A_171 : memref<10240x128xf32, #tpu.memory_space<vmem_shared>>)
    %dma_wait3A_172 = arith.constant 0 : i32
    %dma_wait3A_173 = arith.constant 0 : i32
    %dma_wait3A_174 = tpu.memref_slice %arg7[%dma_wait3A_172, %dma_wait3A_173] : memref<10240x128xf32, #tpu.memory_space<vmem_shared>> -> memref<10240x128xf32, #tpu.memory_space<vmem_shared>>
    tpu.wait_indirect_dma semaphore(%arg21 : memref<!tpu.dma_semaphore, #tpu.memory_space<semaphore_mem>>) src(%arg9 : memref<80x128xf32, #tpu.memory_space<vmem>>) dst(%dma_wait3A_174 : memref<10240x128xf32, #tpu.memory_space<vmem_shared>>)
    %barrier3A_175 = arith.constant 0 : index
    tpu.barrier barrier_id(%barrier3A_175)
    %mul3A_176 = arith.constant 640 : i32
    %mul3A_177 = arith.muli %arg1, %mul3A_176 : i32
    %add3A_178 = arith.constant 0 : i32
    %add3A_179 = arith.addi %mul3A_177, %add3A_178 : i32
    %mul3A_180 = arith.constant 640 : i32
    %mul3A_181 = arith.muli %arg1, %mul3A_180 : i32
    %add3A_182 = arith.constant 80 : i32
    %add3A_183 = arith.addi %mul3A_181, %add3A_182 : i32
    %mul3A_184 = arith.constant 640 : i32
    %mul3A_185 = arith.muli %arg1, %mul3A_184 : i32
    %add3A_186 = arith.constant 160 : i32
    %add3A_187 = arith.addi %mul3A_185, %add3A_186 : i32
    %mul3A_188 = arith.constant 640 : i32
    %mul3A_189 = arith.muli %arg1, %mul3A_188 : i32
    %add3A_190 = arith.constant 240 : i32
    %add3A_191 = arith.addi %mul3A_189, %add3A_190 : i32
    %mul3A_192 = arith.constant 640 : i32
    %mul3A_193 = arith.muli %arg1, %mul3A_192 : i32
    %add3A_194 = arith.constant 320 : i32
    %add3A_195 = arith.addi %mul3A_193, %add3A_194 : i32
    %mul3A_196 = arith.constant 640 : i32
    %mul3A_197 = arith.muli %arg1, %mul3A_196 : i32
    %add3A_198 = arith.constant 400 : i32
    %add3A_199 = arith.addi %mul3A_197, %add3A_198 : i32
    %mul3A_200 = arith.constant 640 : i32
    %mul3A_201 = arith.muli %arg1, %mul3A_200 : i32
    %add3A_202 = arith.constant 480 : i32
    %add3A_203 = arith.addi %mul3A_201, %add3A_202 : i32
    %mul3A_204 = arith.constant 640 : i32
    %mul3A_205 = arith.muli %arg1, %mul3A_204 : i32
    %add3A_206 = arith.constant 560 : i32
    %add3A_207 = arith.addi %mul3A_205, %add3A_206 : i32
    %mul3A_208 = arith.constant 640 : i32
    %mul3A_209 = arith.muli %add3A, %mul3A_208 : i32
    %add3A_210 = arith.constant 0 : i32
    %add3A_211 = arith.addi %mul3A_209, %add3A_210 : i32
    %mul3A_212 = arith.constant 640 : i32
    %mul3A_213 = arith.muli %add3A, %mul3A_212 : i32
    %add3A_214 = arith.constant 80 : i32
    %add3A_215 = arith.addi %mul3A_213, %add3A_214 : i32
    %mul3A_216 = arith.constant 640 : i32
    %mul3A_217 = arith.muli %add3A, %mul3A_216 : i32
    %add3A_218 = arith.constant 160 : i32
    %add3A_219 = arith.addi %mul3A_217, %add3A_218 : i32
    %mul3A_220 = arith.constant 640 : i32
    %mul3A_221 = arith.muli %add3A, %mul3A_220 : i32
    %add3A_222 = arith.constant 240 : i32
    %add3A_223 = arith.addi %mul3A_221, %add3A_222 : i32
    %mul3A_224 = arith.constant 640 : i32
    %mul3A_225 = arith.muli %add3A, %mul3A_224 : i32
    %add3A_226 = arith.constant 320 : i32
    %add3A_227 = arith.addi %mul3A_225, %add3A_226 : i32
    %mul3A_228 = arith.constant 640 : i32
    %mul3A_229 = arith.muli %add3A, %mul3A_228 : i32
    %add3A_230 = arith.constant 400 : i32
    %add3A_231 = arith.addi %mul3A_229, %add3A_230 : i32
    %mul3A_232 = arith.constant 640 : i32
    %mul3A_233 = arith.muli %add3A, %mul3A_232 : i32
    %add3A_234 = arith.constant 480 : i32
    %add3A_235 = arith.addi %mul3A_233, %add3A_234 : i32
    %mul3A_236 = arith.constant 640 : i32
    %mul3A_237 = arith.muli %add3A, %mul3A_236 : i32
    %add3A_238 = arith.constant 560 : i32
    %add3A_239 = arith.addi %mul3A_237, %add3A_238 : i32
    %dma_start3A_240 = arith.constant 0 : i32
    %dma_start3A_241 = tpu.memref_slice %arg7[%add3A_179, %dma_start3A_240] : memref<10240x128xf32, #tpu.memory_space<vmem_shared>> -> memref<80x128xf32, #tpu.memory_space<vmem_shared>>
    %dma_start3A_242 = arith.constant 0 : i32
    %dma_start3A_243 = tpu.memref_slice %arg7[%add3A_179, %dma_start3A_242] : memref<10240x128xf32, #tpu.memory_space<vmem_shared>> -> memref<80x128xf32, #tpu.memory_space<vmem_shared>>
    tpu.enqueue_dma source(%dma_start3A_243 : memref<80x128xf32, #tpu.memory_space<vmem_shared>>) target(%arg8 : memref<80x128xf32, #tpu.memory_space<vmem>>) target_semaphore(%arg17 : memref<!tpu.dma_semaphore, #tpu.memory_space<semaphore_mem>>)
    %dma_wait3A_244 = arith.constant 0 : i32
    %dma_wait3A_245 = tpu.memref_slice %arg7[%add3A_179, %dma_wait3A_244] : memref<10240x128xf32, #tpu.memory_space<vmem_shared>> -> memref<80x128xf32, #tpu.memory_space<vmem_shared>>
    %dma_wait3A_246 = arith.constant 0 : i32
    %dma_wait3A_247 = tpu.memref_slice %arg7[%add3A_179, %dma_wait3A_246] : memref<10240x128xf32, #tpu.memory_space<vmem_shared>> -> memref<80x128xf32, #tpu.memory_space<vmem_shared>>
    tpu.wait_dma2 semaphore(%arg17 : memref<!tpu.dma_semaphore, #tpu.memory_space<semaphore_mem>>) src(%dma_wait3A_247 : memref<80x128xf32, #tpu.memory_space<vmem_shared>>) dst(%arg8 : memref<80x128xf32, #tpu.memory_space<vmem>>)
    %dma_start3A_248 = arith.constant 0 : i32
    %dma_start3A_249 = tpu.memref_slice %arg6[%add3A_211, %dma_start3A_248] : memref<20480x128xf32, #tpu.memory_space<hbm>> -> memref<80x128xf32, #tpu.memory_space<hbm>>
    %dma_start3A_250 = arith.constant 0 : i32
    %dma_start3A_251 = tpu.memref_slice %arg6[%add3A_211, %dma_start3A_250] : memref<20480x128xf32, #tpu.memory_space<hbm>> -> memref<80x128xf32, #tpu.memory_space<hbm>>
    tpu.enqueue_dma source(%arg8 : memref<80x128xf32, #tpu.memory_space<vmem>>) target(%dma_start3A_251 : memref<80x128xf32, #tpu.memory_space<hbm>>) target_semaphore(%arg20 : memref<!tpu.dma_semaphore, #tpu.memory_space<semaphore_mem>>)
    %dma_start3A_252 = arith.constant 0 : i32
    %dma_start3A_253 = tpu.memref_slice %arg7[%add3A_183, %dma_start3A_252] : memref<10240x128xf32, #tpu.memory_space<vmem_shared>> -> memref<80x128xf32, #tpu.memory_space<vmem_shared>>
    %dma_start3A_254 = arith.constant 0 : i32
    %dma_start3A_255 = tpu.memref_slice %arg7[%add3A_183, %dma_start3A_254] : memref<10240x128xf32, #tpu.memory_space<vmem_shared>> -> memref<80x128xf32, #tpu.memory_space<vmem_shared>>
    tpu.enqueue_dma source(%dma_start3A_255 : memref<80x128xf32, #tpu.memory_space<vmem_shared>>) target(%arg9 : memref<80x128xf32, #tpu.memory_space<vmem>>) target_semaphore(%arg18 : memref<!tpu.dma_semaphore, #tpu.memory_space<semaphore_mem>>)
    %dma_wait3A_256 = arith.constant 0 : i32
    %dma_wait3A_257 = tpu.memref_slice %arg7[%add3A_183, %dma_wait3A_256] : memref<10240x128xf32, #tpu.memory_space<vmem_shared>> -> memref<80x128xf32, #tpu.memory_space<vmem_shared>>
    %dma_wait3A_258 = arith.constant 0 : i32
    %dma_wait3A_259 = tpu.memref_slice %arg7[%add3A_183, %dma_wait3A_258] : memref<10240x128xf32, #tpu.memory_space<vmem_shared>> -> memref<80x128xf32, #tpu.memory_space<vmem_shared>>
    tpu.wait_dma2 semaphore(%arg18 : memref<!tpu.dma_semaphore, #tpu.memory_space<semaphore_mem>>) src(%dma_wait3A_259 : memref<80x128xf32, #tpu.memory_space<vmem_shared>>) dst(%arg9 : memref<80x128xf32, #tpu.memory_space<vmem>>)
    %dma_start3A_260 = arith.constant 0 : i32
    %dma_start3A_261 = tpu.memref_slice %arg6[%add3A_215, %dma_start3A_260] : memref<20480x128xf32, #tpu.memory_space<hbm>> -> memref<80x128xf32, #tpu.memory_space<hbm>>
    %dma_start3A_262 = arith.constant 0 : i32
    %dma_start3A_263 = tpu.memref_slice %arg6[%add3A_215, %dma_start3A_262] : memref<20480x128xf32, #tpu.memory_space<hbm>> -> memref<80x128xf32, #tpu.memory_space<hbm>>
    tpu.enqueue_dma source(%arg9 : memref<80x128xf32, #tpu.memory_space<vmem>>) target(%dma_start3A_263 : memref<80x128xf32, #tpu.memory_space<hbm>>) target_semaphore(%arg21 : memref<!tpu.dma_semaphore, #tpu.memory_space<semaphore_mem>>)
    %dma_wait3A_264 = arith.constant 0 : i32
    %dma_wait3A_265 = tpu.memref_slice %arg6[%add3A_211, %dma_wait3A_264] : memref<20480x128xf32, #tpu.memory_space<hbm>> -> memref<80x128xf32, #tpu.memory_space<hbm>>
    %dma_wait3A_266 = arith.constant 0 : i32
    %dma_wait3A_267 = tpu.memref_slice %arg6[%add3A_211, %dma_wait3A_266] : memref<20480x128xf32, #tpu.memory_space<hbm>> -> memref<80x128xf32, #tpu.memory_space<hbm>>
    tpu.wait_dma2 semaphore(%arg20 : memref<!tpu.dma_semaphore, #tpu.memory_space<semaphore_mem>>) src(%arg8 : memref<80x128xf32, #tpu.memory_space<vmem>>) dst(%dma_wait3A_267 : memref<80x128xf32, #tpu.memory_space<hbm>>)
    %dma_start3A_268 = arith.constant 0 : i32
    %dma_start3A_269 = tpu.memref_slice %arg7[%add3A_187, %dma_start3A_268] : memref<10240x128xf32, #tpu.memory_space<vmem_shared>> -> memref<80x128xf32, #tpu.memory_space<vmem_shared>>
    %dma_start3A_270 = arith.constant 0 : i32
    %dma_start3A_271 = tpu.memref_slice %arg7[%add3A_187, %dma_start3A_270] : memref<10240x128xf32, #tpu.memory_space<vmem_shared>> -> memref<80x128xf32, #tpu.memory_space<vmem_shared>>
    tpu.enqueue_dma source(%dma_start3A_271 : memref<80x128xf32, #tpu.memory_space<vmem_shared>>) target(%arg8 : memref<80x128xf32, #tpu.memory_space<vmem>>) target_semaphore(%arg17 : memref<!tpu.dma_semaphore, #tpu.memory_space<semaphore_mem>>)
    %dma_wait3A_272 = arith.constant 0 : i32
    %dma_wait3A_273 = tpu.memref_slice %arg7[%add3A_187, %dma_wait3A_272] : memref<10240x128xf32, #tpu.memory_space<vmem_shared>> -> memref<80x128xf32, #tpu.memory_space<vmem_shared>>
    %dma_wait3A_274 = arith.constant 0 : i32
    %dma_wait3A_275 = tpu.memref_slice %arg7[%add3A_187, %dma_wait3A_274] : memref<10240x128xf32, #tpu.memory_space<vmem_shared>> -> memref<80x128xf32, #tpu.memory_space<vmem_shared>>
    tpu.wait_dma2 semaphore(%arg17 : memref<!tpu.dma_semaphore, #tpu.memory_space<semaphore_mem>>) src(%dma_wait3A_275 : memref<80x128xf32, #tpu.memory_space<vmem_shared>>) dst(%arg8 : memref<80x128xf32, #tpu.memory_space<vmem>>)
    %dma_start3A_276 = arith.constant 0 : i32
    %dma_start3A_277 = tpu.memref_slice %arg6[%add3A_219, %dma_start3A_276] : memref<20480x128xf32, #tpu.memory_space<hbm>> -> memref<80x128xf32, #tpu.memory_space<hbm>>
    %dma_start3A_278 = arith.constant 0 : i32
    %dma_start3A_279 = tpu.memref_slice %arg6[%add3A_219, %dma_start3A_278] : memref<20480x128xf32, #tpu.memory_space<hbm>> -> memref<80x128xf32, #tpu.memory_space<hbm>>
    tpu.enqueue_dma source(%arg8 : memref<80x128xf32, #tpu.memory_space<vmem>>) target(%dma_start3A_279 : memref<80x128xf32, #tpu.memory_space<hbm>>) target_semaphore(%arg20 : memref<!tpu.dma_semaphore, #tpu.memory_space<semaphore_mem>>)
    %dma_wait3A_280 = arith.constant 0 : i32
    %dma_wait3A_281 = tpu.memref_slice %arg6[%add3A_215, %dma_wait3A_280] : memref<20480x128xf32, #tpu.memory_space<hbm>> -> memref<80x128xf32, #tpu.memory_space<hbm>>
    %dma_wait3A_282 = arith.constant 0 : i32
    %dma_wait3A_283 = tpu.memref_slice %arg6[%add3A_215, %dma_wait3A_282] : memref<20480x128xf32, #tpu.memory_space<hbm>> -> memref<80x128xf32, #tpu.memory_space<hbm>>
    tpu.wait_dma2 semaphore(%arg21 : memref<!tpu.dma_semaphore, #tpu.memory_space<semaphore_mem>>) src(%arg9 : memref<80x128xf32, #tpu.memory_space<vmem>>) dst(%dma_wait3A_283 : memref<80x128xf32, #tpu.memory_space<hbm>>)
    %dma_start3A_284 = arith.constant 0 : i32
    %dma_start3A_285 = tpu.memref_slice %arg7[%add3A_191, %dma_start3A_284] : memref<10240x128xf32, #tpu.memory_space<vmem_shared>> -> memref<80x128xf32, #tpu.memory_space<vmem_shared>>
    %dma_start3A_286 = arith.constant 0 : i32
    %dma_start3A_287 = tpu.memref_slice %arg7[%add3A_191, %dma_start3A_286] : memref<10240x128xf32, #tpu.memory_space<vmem_shared>> -> memref<80x128xf32, #tpu.memory_space<vmem_shared>>
    tpu.enqueue_dma source(%dma_start3A_287 : memref<80x128xf32, #tpu.memory_space<vmem_shared>>) target(%arg9 : memref<80x128xf32, #tpu.memory_space<vmem>>) target_semaphore(%arg18 : memref<!tpu.dma_semaphore, #tpu.memory_space<semaphore_mem>>)
    %dma_wait3A_288 = arith.constant 0 : i32
    %dma_wait3A_289 = tpu.memref_slice %arg7[%add3A_191, %dma_wait3A_288] : memref<10240x128xf32, #tpu.memory_space<vmem_shared>> -> memref<80x128xf32, #tpu.memory_space<vmem_shared>>
    %dma_wait3A_290 = arith.constant 0 : i32
    %dma_wait3A_291 = tpu.memref_slice %arg7[%add3A_191, %dma_wait3A_290] : memref<10240x128xf32, #tpu.memory_space<vmem_shared>> -> memref<80x128xf32, #tpu.memory_space<vmem_shared>>
    tpu.wait_dma2 semaphore(%arg18 : memref<!tpu.dma_semaphore, #tpu.memory_space<semaphore_mem>>) src(%dma_wait3A_291 : memref<80x128xf32, #tpu.memory_space<vmem_shared>>) dst(%arg9 : memref<80x128xf32, #tpu.memory_space<vmem>>)
    %dma_start3A_292 = arith.constant 0 : i32
    %dma_start3A_293 = tpu.memref_slice %arg6[%add3A_223, %dma_start3A_292] : memref<20480x128xf32, #tpu.memory_space<hbm>> -> memref<80x128xf32, #tpu.memory_space<hbm>>
    %dma_start3A_294 = arith.constant 0 : i32
    %dma_start3A_295 = tpu.memref_slice %arg6[%add3A_223, %dma_start3A_294] : memref<20480x128xf32, #tpu.memory_space<hbm>> -> memref<80x128xf32, #tpu.memory_space<hbm>>
    tpu.enqueue_dma source(%arg9 : memref<80x128xf32, #tpu.memory_space<vmem>>) target(%dma_start3A_295 : memref<80x128xf32, #tpu.memory_space<hbm>>) target_semaphore(%arg21 : memref<!tpu.dma_semaphore, #tpu.memory_space<semaphore_mem>>)
    %dma_wait3A_296 = arith.constant 0 : i32
    %dma_wait3A_297 = tpu.memref_slice %arg6[%add3A_219, %dma_wait3A_296] : memref<20480x128xf32, #tpu.memory_space<hbm>> -> memref<80x128xf32, #tpu.memory_space<hbm>>
    %dma_wait3A_298 = arith.constant 0 : i32
    %dma_wait3A_299 = tpu.memref_slice %arg6[%add3A_219, %dma_wait3A_298] : memref<20480x128xf32, #tpu.memory_space<hbm>> -> memref<80x128xf32, #tpu.memory_space<hbm>>
    tpu.wait_dma2 semaphore(%arg20 : memref<!tpu.dma_semaphore, #tpu.memory_space<semaphore_mem>>) src(%arg8 : memref<80x128xf32, #tpu.memory_space<vmem>>) dst(%dma_wait3A_299 : memref<80x128xf32, #tpu.memory_space<hbm>>)
    %dma_start3A_300 = arith.constant 0 : i32
    %dma_start3A_301 = tpu.memref_slice %arg7[%add3A_195, %dma_start3A_300] : memref<10240x128xf32, #tpu.memory_space<vmem_shared>> -> memref<80x128xf32, #tpu.memory_space<vmem_shared>>
    %dma_start3A_302 = arith.constant 0 : i32
    %dma_start3A_303 = tpu.memref_slice %arg7[%add3A_195, %dma_start3A_302] : memref<10240x128xf32, #tpu.memory_space<vmem_shared>> -> memref<80x128xf32, #tpu.memory_space<vmem_shared>>
    tpu.enqueue_dma source(%dma_start3A_303 : memref<80x128xf32, #tpu.memory_space<vmem_shared>>) target(%arg8 : memref<80x128xf32, #tpu.memory_space<vmem>>) target_semaphore(%arg17 : memref<!tpu.dma_semaphore, #tpu.memory_space<semaphore_mem>>)
    %dma_wait3A_304 = arith.constant 0 : i32
    %dma_wait3A_305 = tpu.memref_slice %arg7[%add3A_195, %dma_wait3A_304] : memref<10240x128xf32, #tpu.memory_space<vmem_shared>> -> memref<80x128xf32, #tpu.memory_space<vmem_shared>>
    %dma_wait3A_306 = arith.constant 0 : i32
    %dma_wait3A_307 = tpu.memref_slice %arg7[%add3A_195, %dma_wait3A_306] : memref<10240x128xf32, #tpu.memory_space<vmem_shared>> -> memref<80x128xf32, #tpu.memory_space<vmem_shared>>
    tpu.wait_dma2 semaphore(%arg17 : memref<!tpu.dma_semaphore, #tpu.memory_space<semaphore_mem>>) src(%dma_wait3A_307 : memref<80x128xf32, #tpu.memory_space<vmem_shared>>) dst(%arg8 : memref<80x128xf32, #tpu.memory_space<vmem>>)
    %dma_start3A_308 = arith.constant 0 : i32
    %dma_start3A_309 = tpu.memref_slice %arg6[%add3A_227, %dma_start3A_308] : memref<20480x128xf32, #tpu.memory_space<hbm>> -> memref<80x128xf32, #tpu.memory_space<hbm>>
    %dma_start3A_310 = arith.constant 0 : i32
    %dma_start3A_311 = tpu.memref_slice %arg6[%add3A_227, %dma_start3A_310] : memref<20480x128xf32, #tpu.memory_space<hbm>> -> memref<80x128xf32, #tpu.memory_space<hbm>>
    tpu.enqueue_dma source(%arg8 : memref<80x128xf32, #tpu.memory_space<vmem>>) target(%dma_start3A_311 : memref<80x128xf32, #tpu.memory_space<hbm>>) target_semaphore(%arg20 : memref<!tpu.dma_semaphore, #tpu.memory_space<semaphore_mem>>)
    %dma_wait3A_312 = arith.constant 0 : i32
    %dma_wait3A_313 = tpu.memref_slice %arg6[%add3A_223, %dma_wait3A_312] : memref<20480x128xf32, #tpu.memory_space<hbm>> -> memref<80x128xf32, #tpu.memory_space<hbm>>
    %dma_wait3A_314 = arith.constant 0 : i32
    %dma_wait3A_315 = tpu.memref_slice %arg6[%add3A_223, %dma_wait3A_314] : memref<20480x128xf32, #tpu.memory_space<hbm>> -> memref<80x128xf32, #tpu.memory_space<hbm>>
    tpu.wait_dma2 semaphore(%arg21 : memref<!tpu.dma_semaphore, #tpu.memory_space<semaphore_mem>>) src(%arg9 : memref<80x128xf32, #tpu.memory_space<vmem>>) dst(%dma_wait3A_315 : memref<80x128xf32, #tpu.memory_space<hbm>>)
    %dma_start3A_316 = arith.constant 0 : i32
    %dma_start3A_317 = tpu.memref_slice %arg7[%add3A_199, %dma_start3A_316] : memref<10240x128xf32, #tpu.memory_space<vmem_shared>> -> memref<80x128xf32, #tpu.memory_space<vmem_shared>>
    %dma_start3A_318 = arith.constant 0 : i32
    %dma_start3A_319 = tpu.memref_slice %arg7[%add3A_199, %dma_start3A_318] : memref<10240x128xf32, #tpu.memory_space<vmem_shared>> -> memref<80x128xf32, #tpu.memory_space<vmem_shared>>
    tpu.enqueue_dma source(%dma_start3A_319 : memref<80x128xf32, #tpu.memory_space<vmem_shared>>) target(%arg9 : memref<80x128xf32, #tpu.memory_space<vmem>>) target_semaphore(%arg18 : memref<!tpu.dma_semaphore, #tpu.memory_space<semaphore_mem>>)
    %dma_wait3A_320 = arith.constant 0 : i32
    %dma_wait3A_321 = tpu.memref_slice %arg7[%add3A_199, %dma_wait3A_320] : memref<10240x128xf32, #tpu.memory_space<vmem_shared>> -> memref<80x128xf32, #tpu.memory_space<vmem_shared>>
    %dma_wait3A_322 = arith.constant 0 : i32
    %dma_wait3A_323 = tpu.memref_slice %arg7[%add3A_199, %dma_wait3A_322] : memref<10240x128xf32, #tpu.memory_space<vmem_shared>> -> memref<80x128xf32, #tpu.memory_space<vmem_shared>>
    tpu.wait_dma2 semaphore(%arg18 : memref<!tpu.dma_semaphore, #tpu.memory_space<semaphore_mem>>) src(%dma_wait3A_323 : memref<80x128xf32, #tpu.memory_space<vmem_shared>>) dst(%arg9 : memref<80x128xf32, #tpu.memory_space<vmem>>)
    %dma_start3A_324 = arith.constant 0 : i32
    %dma_start3A_325 = tpu.memref_slice %arg6[%add3A_231, %dma_start3A_324] : memref<20480x128xf32, #tpu.memory_space<hbm>> -> memref<80x128xf32, #tpu.memory_space<hbm>>
    %dma_start3A_326 = arith.constant 0 : i32
    %dma_start3A_327 = tpu.memref_slice %arg6[%add3A_231, %dma_start3A_326] : memref<20480x128xf32, #tpu.memory_space<hbm>> -> memref<80x128xf32, #tpu.memory_space<hbm>>
    tpu.enqueue_dma source(%arg9 : memref<80x128xf32, #tpu.memory_space<vmem>>) target(%dma_start3A_327 : memref<80x128xf32, #tpu.memory_space<hbm>>) target_semaphore(%arg21 : memref<!tpu.dma_semaphore, #tpu.memory_space<semaphore_mem>>)
    %dma_wait3A_328 = arith.constant 0 : i32
    %dma_wait3A_329 = tpu.memref_slice %arg6[%add3A_227, %dma_wait3A_328] : memref<20480x128xf32, #tpu.memory_space<hbm>> -> memref<80x128xf32, #tpu.memory_space<hbm>>
    %dma_wait3A_330 = arith.constant 0 : i32
    %dma_wait3A_331 = tpu.memref_slice %arg6[%add3A_227, %dma_wait3A_330] : memref<20480x128xf32, #tpu.memory_space<hbm>> -> memref<80x128xf32, #tpu.memory_space<hbm>>
    tpu.wait_dma2 semaphore(%arg20 : memref<!tpu.dma_semaphore, #tpu.memory_space<semaphore_mem>>) src(%arg8 : memref<80x128xf32, #tpu.memory_space<vmem>>) dst(%dma_wait3A_331 : memref<80x128xf32, #tpu.memory_space<hbm>>)
    %dma_start3A_332 = arith.constant 0 : i32
    %dma_start3A_333 = tpu.memref_slice %arg7[%add3A_203, %dma_start3A_332] : memref<10240x128xf32, #tpu.memory_space<vmem_shared>> -> memref<80x128xf32, #tpu.memory_space<vmem_shared>>
    %dma_start3A_334 = arith.constant 0 : i32
    %dma_start3A_335 = tpu.memref_slice %arg7[%add3A_203, %dma_start3A_334] : memref<10240x128xf32, #tpu.memory_space<vmem_shared>> -> memref<80x128xf32, #tpu.memory_space<vmem_shared>>
    tpu.enqueue_dma source(%dma_start3A_335 : memref<80x128xf32, #tpu.memory_space<vmem_shared>>) target(%arg8 : memref<80x128xf32, #tpu.memory_space<vmem>>) target_semaphore(%arg17 : memref<!tpu.dma_semaphore, #tpu.memory_space<semaphore_mem>>)
    %dma_wait3A_336 = arith.constant 0 : i32
    %dma_wait3A_337 = tpu.memref_slice %arg7[%add3A_203, %dma_wait3A_336] : memref<10240x128xf32, #tpu.memory_space<vmem_shared>> -> memref<80x128xf32, #tpu.memory_space<vmem_shared>>
    %dma_wait3A_338 = arith.constant 0 : i32
    %dma_wait3A_339 = tpu.memref_slice %arg7[%add3A_203, %dma_wait3A_338] : memref<10240x128xf32, #tpu.memory_space<vmem_shared>> -> memref<80x128xf32, #tpu.memory_space<vmem_shared>>
    tpu.wait_dma2 semaphore(%arg17 : memref<!tpu.dma_semaphore, #tpu.memory_space<semaphore_mem>>) src(%dma_wait3A_339 : memref<80x128xf32, #tpu.memory_space<vmem_shared>>) dst(%arg8 : memref<80x128xf32, #tpu.memory_space<vmem>>)
    %dma_start3A_340 = arith.constant 0 : i32
    %dma_start3A_341 = tpu.memref_slice %arg6[%add3A_235, %dma_start3A_340] : memref<20480x128xf32, #tpu.memory_space<hbm>> -> memref<80x128xf32, #tpu.memory_space<hbm>>
    %dma_start3A_342 = arith.constant 0 : i32
    %dma_start3A_343 = tpu.memref_slice %arg6[%add3A_235, %dma_start3A_342] : memref<20480x128xf32, #tpu.memory_space<hbm>> -> memref<80x128xf32, #tpu.memory_space<hbm>>
    tpu.enqueue_dma source(%arg8 : memref<80x128xf32, #tpu.memory_space<vmem>>) target(%dma_start3A_343 : memref<80x128xf32, #tpu.memory_space<hbm>>) target_semaphore(%arg20 : memref<!tpu.dma_semaphore, #tpu.memory_space<semaphore_mem>>)
    %dma_wait3A_344 = arith.constant 0 : i32
    %dma_wait3A_345 = tpu.memref_slice %arg6[%add3A_231, %dma_wait3A_344] : memref<20480x128xf32, #tpu.memory_space<hbm>> -> memref<80x128xf32, #tpu.memory_space<hbm>>
    %dma_wait3A_346 = arith.constant 0 : i32
    %dma_wait3A_347 = tpu.memref_slice %arg6[%add3A_231, %dma_wait3A_346] : memref<20480x128xf32, #tpu.memory_space<hbm>> -> memref<80x128xf32, #tpu.memory_space<hbm>>
    tpu.wait_dma2 semaphore(%arg21 : memref<!tpu.dma_semaphore, #tpu.memory_space<semaphore_mem>>) src(%arg9 : memref<80x128xf32, #tpu.memory_space<vmem>>) dst(%dma_wait3A_347 : memref<80x128xf32, #tpu.memory_space<hbm>>)
    %dma_start3A_348 = arith.constant 0 : i32
    %dma_start3A_349 = tpu.memref_slice %arg7[%add3A_207, %dma_start3A_348] : memref<10240x128xf32, #tpu.memory_space<vmem_shared>> -> memref<80x128xf32, #tpu.memory_space<vmem_shared>>
    %dma_start3A_350 = arith.constant 0 : i32
    %dma_start3A_351 = tpu.memref_slice %arg7[%add3A_207, %dma_start3A_350] : memref<10240x128xf32, #tpu.memory_space<vmem_shared>> -> memref<80x128xf32, #tpu.memory_space<vmem_shared>>
    tpu.enqueue_dma source(%dma_start3A_351 : memref<80x128xf32, #tpu.memory_space<vmem_shared>>) target(%arg9 : memref<80x128xf32, #tpu.memory_space<vmem>>) target_semaphore(%arg18 : memref<!tpu.dma_semaphore, #tpu.memory_space<semaphore_mem>>)
    %dma_wait3A_352 = arith.constant 0 : i32
    %dma_wait3A_353 = tpu.memref_slice %arg7[%add3A_207, %dma_wait3A_352] : memref<10240x128xf32, #tpu.memory_space<vmem_shared>> -> memref<80x128xf32, #tpu.memory_space<vmem_shared>>
    %dma_wait3A_354 = arith.constant 0 : i32
    %dma_wait3A_355 = tpu.memref_slice %arg7[%add3A_207, %dma_wait3A_354] : memref<10240x128xf32, #tpu.memory_space<vmem_shared>> -> memref<80x128xf32, #tpu.memory_space<vmem_shared>>
    tpu.wait_dma2 semaphore(%arg18 : memref<!tpu.dma_semaphore, #tpu.memory_space<semaphore_mem>>) src(%dma_wait3A_355 : memref<80x128xf32, #tpu.memory_space<vmem_shared>>) dst(%arg9 : memref<80x128xf32, #tpu.memory_space<vmem>>)
    %dma_start3A_356 = arith.constant 0 : i32
    %dma_start3A_357 = tpu.memref_slice %arg6[%add3A_239, %dma_start3A_356] : memref<20480x128xf32, #tpu.memory_space<hbm>> -> memref<80x128xf32, #tpu.memory_space<hbm>>
    %dma_start3A_358 = arith.constant 0 : i32
    %dma_start3A_359 = tpu.memref_slice %arg6[%add3A_239, %dma_start3A_358] : memref<20480x128xf32, #tpu.memory_space<hbm>> -> memref<80x128xf32, #tpu.memory_space<hbm>>
    tpu.enqueue_dma source(%arg9 : memref<80x128xf32, #tpu.memory_space<vmem>>) target(%dma_start3A_359 : memref<80x128xf32, #tpu.memory_space<hbm>>) target_semaphore(%arg21 : memref<!tpu.dma_semaphore, #tpu.memory_space<semaphore_mem>>)
    %dma_wait3A_360 = arith.constant 0 : i32
    %dma_wait3A_361 = tpu.memref_slice %arg6[%add3A_235, %dma_wait3A_360] : memref<20480x128xf32, #tpu.memory_space<hbm>> -> memref<80x128xf32, #tpu.memory_space<hbm>>
    %dma_wait3A_362 = arith.constant 0 : i32
    %dma_wait3A_363 = tpu.memref_slice %arg6[%add3A_235, %dma_wait3A_362] : memref<20480x128xf32, #tpu.memory_space<hbm>> -> memref<80x128xf32, #tpu.memory_space<hbm>>
    tpu.wait_dma2 semaphore(%arg20 : memref<!tpu.dma_semaphore, #tpu.memory_space<semaphore_mem>>) src(%arg8 : memref<80x128xf32, #tpu.memory_space<vmem>>) dst(%dma_wait3A_363 : memref<80x128xf32, #tpu.memory_space<hbm>>)
    %dma_wait3A_364 = arith.constant 0 : i32
    %dma_wait3A_365 = tpu.memref_slice %arg6[%add3A_239, %dma_wait3A_364] : memref<20480x128xf32, #tpu.memory_space<hbm>> -> memref<80x128xf32, #tpu.memory_space<hbm>>
    %dma_wait3A_366 = arith.constant 0 : i32
    %dma_wait3A_367 = tpu.memref_slice %arg6[%add3A_239, %dma_wait3A_366] : memref<20480x128xf32, #tpu.memory_space<hbm>> -> memref<80x128xf32, #tpu.memory_space<hbm>>
    tpu.wait_dma2 semaphore(%arg21 : memref<!tpu.dma_semaphore, #tpu.memory_space<semaphore_mem>>) src(%arg9 : memref<80x128xf32, #tpu.memory_space<vmem>>) dst(%dma_wait3A_367 : memref<80x128xf32, #tpu.memory_space<hbm>>)
    return
  }
}

#map = affine_map<(d0, d1) -> (0, 0)>
#map1 = affine_map<(d0, d1) -> (0)>
module attributes {stable_mosaic.version = 14 : i64} {
  func.func @body(%arg0: i32, %arg1: i32, %arg2: memref<10000x128xf32, #tpu.memory_space<hbm>>, %arg3: memref<320000xi32, #tpu.memory_space<hbm>>, %arg4: memref<320000xi32, #tpu.memory_space<hbm>>, %arg5: memref<80x128xf32, #tpu.memory_space<hbm>>, %arg6: memref<20480x128xf32, #tpu.memory_space<hbm>>, %arg7: memref<10240x128xf32, #tpu.memory_space<vmem_shared>>, %arg8: memref<80x128xf32, #tpu.memory_space<vmem>>, %arg9: memref<80x128xf32, #tpu.memory_space<vmem>>, %arg10: memref<80x128xf32, #tpu.memory_space<vmem>>, %arg11: memref<80xi32, #tpu.memory_space<vmem>>, %arg12: memref<80xi32, #tpu.memory_space<vmem>>, %arg13: memref<80xi32, #tpu.memory_space<vmem>>, %arg14: memref<80xi32, #tpu.memory_space<vmem>>, %arg15: memref<80xi32, #tpu.memory_space<vmem>>, %arg16: memref<80xi32, #tpu.memory_space<vmem>>, %arg17: memref<!tpu.dma_semaphore, #tpu.memory_space<semaphore_mem>>, %arg18: memref<!tpu.dma_semaphore, #tpu.memory_space<semaphore_mem>>, %arg19: memref<!tpu.dma_semaphore, #tpu.memory_space<semaphore_mem>>, %arg20: memref<!tpu.dma_semaphore, #tpu.memory_space<semaphore_mem>>, %arg21: memref<!tpu.dma_semaphore, #tpu.memory_space<semaphore_mem>>, %arg22: memref<!tpu.dma_semaphore, #tpu.memory_space<semaphore_mem>>, %arg23: memref<!tpu.dma_semaphore, #tpu.memory_space<semaphore_mem>>, %arg24: memref<!tpu.dma_semaphore, #tpu.memory_space<semaphore_mem>>, %arg25: memref<!tpu.dma_semaphore, #tpu.memory_space<semaphore_mem>>) attributes {dimension_semantics = [#tpu.dimension_semantics<core_parallel>, #tpu.dimension_semantics<subcore_parallel>], iteration_bounds = array<i64: 2, 16>, scalar_prefetch = 0 : i64, scratch_operands = 19 : i64, tpu.core_type = #tpu.core_type<sc_vector_subcore>, window_params = [{transform_indices = #map}, {transform_indices = #map1}, {transform_indices = #map1}, {transform_indices = #map}, {transform_indices = #map}]} {
    %mul3A = arith.constant 16 : i32
    %mul3A_0 = arith.muli %arg0, %mul3A : i32
    %add3A = arith.addi %mul3A_0, %arg1 : i32
    "tpu.region"() ({
      %run_scoped3A = tpu.sem_alloc : memref<!tpu.dma_semaphore, #tpu.memory_space<semaphore_mem>>
      tpu.enqueue_dma source(%arg5 : memref<80x128xf32, #tpu.memory_space<hbm>>) target(%arg8 : memref<80x128xf32, #tpu.memory_space<vmem>>) target_semaphore(%run_scoped3A : memref<!tpu.dma_semaphore, #tpu.memory_space<semaphore_mem>>)
      tpu.wait_dma2 semaphore(%run_scoped3A : memref<!tpu.dma_semaphore, #tpu.memory_space<semaphore_mem>>) src(%arg5 : memref<80x128xf32, #tpu.memory_space<hbm>>) dst(%arg8 : memref<80x128xf32, #tpu.memory_space<vmem>>)
      tpu.yield
    }) : () -> ()
    %mul3A_1 = arith.constant 640 : i32
    %mul3A_2 = arith.muli %arg1, %mul3A_1 : i32
    %add3A_3 = arith.constant 0 : i32
    %add3A_4 = arith.addi %mul3A_2, %add3A_3 : i32
    %mul3A_5 = arith.constant 640 : i32
    %mul3A_6 = arith.muli %arg1, %mul3A_5 : i32
    %add3A_7 = arith.constant 80 : i32
    %add3A_8 = arith.addi %mul3A_6, %add3A_7 : i32
    %mul3A_9 = arith.constant 640 : i32
    %mul3A_10 = arith.muli %arg1, %mul3A_9 : i32
    %add3A_11 = arith.constant 160 : i32
    %add3A_12 = arith.addi %mul3A_10, %add3A_11 : i32
    %mul3A_13 = arith.constant 640 : i32
    %mul3A_14 = arith.muli %arg1, %mul3A_13 : i32
    %add3A_15 = arith.constant 240 : i32
    %add3A_16 = arith.addi %mul3A_14, %add3A_15 : i32
    %mul3A_17 = arith.constant 640 : i32
    %mul3A_18 = arith.muli %arg1, %mul3A_17 : i32
    %add3A_19 = arith.constant 320 : i32
    %add3A_20 = arith.addi %mul3A_18, %add3A_19 : i32
    %mul3A_21 = arith.constant 640 : i32
    %mul3A_22 = arith.muli %arg1, %mul3A_21 : i32
    %add3A_23 = arith.constant 400 : i32
    %add3A_24 = arith.addi %mul3A_22, %add3A_23 : i32
    %mul3A_25 = arith.constant 640 : i32
    %mul3A_26 = arith.muli %arg1, %mul3A_25 : i32
    %add3A_27 = arith.constant 480 : i32
    %add3A_28 = arith.addi %mul3A_26, %add3A_27 : i32
    %mul3A_29 = arith.constant 640 : i32
    %mul3A_30 = arith.muli %arg1, %mul3A_29 : i32
    %add3A_31 = arith.constant 560 : i32
    %add3A_32 = arith.addi %mul3A_30, %add3A_31 : i32
    %dma_start3A = arith.constant 0 : i32
    %dma_start3A_33 = tpu.memref_slice %arg7[%add3A_4, %dma_start3A] : memref<10240x128xf32, #tpu.memory_space<vmem_shared>> -> memref<80x128xf32, #tpu.memory_space<vmem_shared>>
    %dma_start3A_34 = arith.constant 0 : i32
    %dma_start3A_35 = tpu.memref_slice %arg7[%add3A_4, %dma_start3A_34] : memref<10240x128xf32, #tpu.memory_space<vmem_shared>> -> memref<80x128xf32, #tpu.memory_space<vmem_shared>>
    tpu.enqueue_dma source(%arg8 : memref<80x128xf32, #tpu.memory_space<vmem>>) target(%dma_start3A_35 : memref<80x128xf32, #tpu.memory_space<vmem_shared>>) target_semaphore(%arg17 : memref<!tpu.dma_semaphore, #tpu.memory_space<semaphore_mem>>)
    %dma_start3A_36 = arith.constant 0 : i32
    %dma_start3A_37 = tpu.memref_slice %arg7[%add3A_8, %dma_start3A_36] : memref<10240x128xf32, #tpu.memory_space<vmem_shared>> -> memref<80x128xf32, #tpu.memory_space<vmem_shared>>
    %dma_start3A_38 = arith.constant 0 : i32
    %dma_start3A_39 = tpu.memref_slice %arg7[%add3A_8, %dma_start3A_38] : memref<10240x128xf32, #tpu.memory_space<vmem_shared>> -> memref<80x128xf32, #tpu.memory_space<vmem_shared>>
    tpu.enqueue_dma source(%arg8 : memref<80x128xf32, #tpu.memory_space<vmem>>) target(%dma_start3A_39 : memref<80x128xf32, #tpu.memory_space<vmem_shared>>) target_semaphore(%arg18 : memref<!tpu.dma_semaphore, #tpu.memory_space<semaphore_mem>>)
    %dma_start3A_40 = arith.constant 0 : i32
    %dma_start3A_41 = tpu.memref_slice %arg7[%add3A_12, %dma_start3A_40] : memref<10240x128xf32, #tpu.memory_space<vmem_shared>> -> memref<80x128xf32, #tpu.memory_space<vmem_shared>>
    %dma_start3A_42 = arith.constant 0 : i32
    %dma_start3A_43 = tpu.memref_slice %arg7[%add3A_12, %dma_start3A_42] : memref<10240x128xf32, #tpu.memory_space<vmem_shared>> -> memref<80x128xf32, #tpu.memory_space<vmem_shared>>
    tpu.enqueue_dma source(%arg8 : memref<80x128xf32, #tpu.memory_space<vmem>>) target(%dma_start3A_43 : memref<80x128xf32, #tpu.memory_space<vmem_shared>>) target_semaphore(%arg19 : memref<!tpu.dma_semaphore, #tpu.memory_space<semaphore_mem>>)
    %dma_start3A_44 = arith.constant 0 : i32
    %dma_start3A_45 = tpu.memref_slice %arg7[%add3A_16, %dma_start3A_44] : memref<10240x128xf32, #tpu.memory_space<vmem_shared>> -> memref<80x128xf32, #tpu.memory_space<vmem_shared>>
    %dma_start3A_46 = arith.constant 0 : i32
    %dma_start3A_47 = tpu.memref_slice %arg7[%add3A_16, %dma_start3A_46] : memref<10240x128xf32, #tpu.memory_space<vmem_shared>> -> memref<80x128xf32, #tpu.memory_space<vmem_shared>>
    tpu.enqueue_dma source(%arg8 : memref<80x128xf32, #tpu.memory_space<vmem>>) target(%dma_start3A_47 : memref<80x128xf32, #tpu.memory_space<vmem_shared>>) target_semaphore(%arg20 : memref<!tpu.dma_semaphore, #tpu.memory_space<semaphore_mem>>)
    %dma_start3A_48 = arith.constant 0 : i32
    %dma_start3A_49 = tpu.memref_slice %arg7[%add3A_20, %dma_start3A_48] : memref<10240x128xf32, #tpu.memory_space<vmem_shared>> -> memref<80x128xf32, #tpu.memory_space<vmem_shared>>
    %dma_start3A_50 = arith.constant 0 : i32
    %dma_start3A_51 = tpu.memref_slice %arg7[%add3A_20, %dma_start3A_50] : memref<10240x128xf32, #tpu.memory_space<vmem_shared>> -> memref<80x128xf32, #tpu.memory_space<vmem_shared>>
    tpu.enqueue_dma source(%arg8 : memref<80x128xf32, #tpu.memory_space<vmem>>) target(%dma_start3A_51 : memref<80x128xf32, #tpu.memory_space<vmem_shared>>) target_semaphore(%arg21 : memref<!tpu.dma_semaphore, #tpu.memory_space<semaphore_mem>>)
    %dma_start3A_52 = arith.constant 0 : i32
    %dma_start3A_53 = tpu.memref_slice %arg7[%add3A_24, %dma_start3A_52] : memref<10240x128xf32, #tpu.memory_space<vmem_shared>> -> memref<80x128xf32, #tpu.memory_space<vmem_shared>>
    %dma_start3A_54 = arith.constant 0 : i32
    %dma_start3A_55 = tpu.memref_slice %arg7[%add3A_24, %dma_start3A_54] : memref<10240x128xf32, #tpu.memory_space<vmem_shared>> -> memref<80x128xf32, #tpu.memory_space<vmem_shared>>
    tpu.enqueue_dma source(%arg8 : memref<80x128xf32, #tpu.memory_space<vmem>>) target(%dma_start3A_55 : memref<80x128xf32, #tpu.memory_space<vmem_shared>>) target_semaphore(%arg22 : memref<!tpu.dma_semaphore, #tpu.memory_space<semaphore_mem>>)
    %dma_start3A_56 = arith.constant 0 : i32
    %dma_start3A_57 = tpu.memref_slice %arg7[%add3A_28, %dma_start3A_56] : memref<10240x128xf32, #tpu.memory_space<vmem_shared>> -> memref<80x128xf32, #tpu.memory_space<vmem_shared>>
    %dma_start3A_58 = arith.constant 0 : i32
    %dma_start3A_59 = tpu.memref_slice %arg7[%add3A_28, %dma_start3A_58] : memref<10240x128xf32, #tpu.memory_space<vmem_shared>> -> memref<80x128xf32, #tpu.memory_space<vmem_shared>>
    tpu.enqueue_dma source(%arg8 : memref<80x128xf32, #tpu.memory_space<vmem>>) target(%dma_start3A_59 : memref<80x128xf32, #tpu.memory_space<vmem_shared>>) target_semaphore(%arg23 : memref<!tpu.dma_semaphore, #tpu.memory_space<semaphore_mem>>)
    %dma_start3A_60 = arith.constant 0 : i32
    %dma_start3A_61 = tpu.memref_slice %arg7[%add3A_32, %dma_start3A_60] : memref<10240x128xf32, #tpu.memory_space<vmem_shared>> -> memref<80x128xf32, #tpu.memory_space<vmem_shared>>
    %dma_start3A_62 = arith.constant 0 : i32
    %dma_start3A_63 = tpu.memref_slice %arg7[%add3A_32, %dma_start3A_62] : memref<10240x128xf32, #tpu.memory_space<vmem_shared>> -> memref<80x128xf32, #tpu.memory_space<vmem_shared>>
    tpu.enqueue_dma source(%arg8 : memref<80x128xf32, #tpu.memory_space<vmem>>) target(%dma_start3A_63 : memref<80x128xf32, #tpu.memory_space<vmem_shared>>) target_semaphore(%arg24 : memref<!tpu.dma_semaphore, #tpu.memory_space<semaphore_mem>>)
    %dma_wait3A = arith.constant 0 : i32
    %dma_wait3A_64 = tpu.memref_slice %arg7[%add3A_4, %dma_wait3A] : memref<10240x128xf32, #tpu.memory_space<vmem_shared>> -> memref<80x128xf32, #tpu.memory_space<vmem_shared>>
    %dma_wait3A_65 = arith.constant 0 : i32
    %dma_wait3A_66 = tpu.memref_slice %arg7[%add3A_4, %dma_wait3A_65] : memref<10240x128xf32, #tpu.memory_space<vmem_shared>> -> memref<80x128xf32, #tpu.memory_space<vmem_shared>>
    tpu.wait_dma2 semaphore(%arg17 : memref<!tpu.dma_semaphore, #tpu.memory_space<semaphore_mem>>) src(%arg8 : memref<80x128xf32, #tpu.memory_space<vmem>>) dst(%dma_wait3A_66 : memref<80x128xf32, #tpu.memory_space<vmem_shared>>)
    %dma_wait3A_67 = arith.constant 0 : i32
    %dma_wait3A_68 = tpu.memref_slice %arg7[%add3A_8, %dma_wait3A_67] : memref<10240x128xf32, #tpu.memory_space<vmem_shared>> -> memref<80x128xf32, #tpu.memory_space<vmem_shared>>
    %dma_wait3A_69 = arith.constant 0 : i32
    %dma_wait3A_70 = tpu.memref_slice %arg7[%add3A_8, %dma_wait3A_69] : memref<10240x128xf32, #tpu.memory_space<vmem_shared>> -> memref<80x128xf32, #tpu.memory_space<vmem_shared>>
    tpu.wait_dma2 semaphore(%arg18 : memref<!tpu.dma_semaphore, #tpu.memory_space<semaphore_mem>>) src(%arg8 : memref<80x128xf32, #tpu.memory_space<vmem>>) dst(%dma_wait3A_70 : memref<80x128xf32, #tpu.memory_space<vmem_shared>>)
    %dma_wait3A_71 = arith.constant 0 : i32
    %dma_wait3A_72 = tpu.memref_slice %arg7[%add3A_12, %dma_wait3A_71] : memref<10240x128xf32, #tpu.memory_space<vmem_shared>> -> memref<80x128xf32, #tpu.memory_space<vmem_shared>>
    %dma_wait3A_73 = arith.constant 0 : i32
    %dma_wait3A_74 = tpu.memref_slice %arg7[%add3A_12, %dma_wait3A_73] : memref<10240x128xf32, #tpu.memory_space<vmem_shared>> -> memref<80x128xf32, #tpu.memory_space<vmem_shared>>
    tpu.wait_dma2 semaphore(%arg19 : memref<!tpu.dma_semaphore, #tpu.memory_space<semaphore_mem>>) src(%arg8 : memref<80x128xf32, #tpu.memory_space<vmem>>) dst(%dma_wait3A_74 : memref<80x128xf32, #tpu.memory_space<vmem_shared>>)
    %dma_wait3A_75 = arith.constant 0 : i32
    %dma_wait3A_76 = tpu.memref_slice %arg7[%add3A_16, %dma_wait3A_75] : memref<10240x128xf32, #tpu.memory_space<vmem_shared>> -> memref<80x128xf32, #tpu.memory_space<vmem_shared>>
    %dma_wait3A_77 = arith.constant 0 : i32
    %dma_wait3A_78 = tpu.memref_slice %arg7[%add3A_16, %dma_wait3A_77] : memref<10240x128xf32, #tpu.memory_space<vmem_shared>> -> memref<80x128xf32, #tpu.memory_space<vmem_shared>>
    tpu.wait_dma2 semaphore(%arg20 : memref<!tpu.dma_semaphore, #tpu.memory_space<semaphore_mem>>) src(%arg8 : memref<80x128xf32, #tpu.memory_space<vmem>>) dst(%dma_wait3A_78 : memref<80x128xf32, #tpu.memory_space<vmem_shared>>)
    %dma_wait3A_79 = arith.constant 0 : i32
    %dma_wait3A_80 = tpu.memref_slice %arg7[%add3A_20, %dma_wait3A_79] : memref<10240x128xf32, #tpu.memory_space<vmem_shared>> -> memref<80x128xf32, #tpu.memory_space<vmem_shared>>
    %dma_wait3A_81 = arith.constant 0 : i32
    %dma_wait3A_82 = tpu.memref_slice %arg7[%add3A_20, %dma_wait3A_81] : memref<10240x128xf32, #tpu.memory_space<vmem_shared>> -> memref<80x128xf32, #tpu.memory_space<vmem_shared>>
    tpu.wait_dma2 semaphore(%arg21 : memref<!tpu.dma_semaphore, #tpu.memory_space<semaphore_mem>>) src(%arg8 : memref<80x128xf32, #tpu.memory_space<vmem>>) dst(%dma_wait3A_82 : memref<80x128xf32, #tpu.memory_space<vmem_shared>>)
    %dma_wait3A_83 = arith.constant 0 : i32
    %dma_wait3A_84 = tpu.memref_slice %arg7[%add3A_24, %dma_wait3A_83] : memref<10240x128xf32, #tpu.memory_space<vmem_shared>> -> memref<80x128xf32, #tpu.memory_space<vmem_shared>>
    %dma_wait3A_85 = arith.constant 0 : i32
    %dma_wait3A_86 = tpu.memref_slice %arg7[%add3A_24, %dma_wait3A_85] : memref<10240x128xf32, #tpu.memory_space<vmem_shared>> -> memref<80x128xf32, #tpu.memory_space<vmem_shared>>
    tpu.wait_dma2 semaphore(%arg22 : memref<!tpu.dma_semaphore, #tpu.memory_space<semaphore_mem>>) src(%arg8 : memref<80x128xf32, #tpu.memory_space<vmem>>) dst(%dma_wait3A_86 : memref<80x128xf32, #tpu.memory_space<vmem_shared>>)
    %dma_wait3A_87 = arith.constant 0 : i32
    %dma_wait3A_88 = tpu.memref_slice %arg7[%add3A_28, %dma_wait3A_87] : memref<10240x128xf32, #tpu.memory_space<vmem_shared>> -> memref<80x128xf32, #tpu.memory_space<vmem_shared>>
    %dma_wait3A_89 = arith.constant 0 : i32
    %dma_wait3A_90 = tpu.memref_slice %arg7[%add3A_28, %dma_wait3A_89] : memref<10240x128xf32, #tpu.memory_space<vmem_shared>> -> memref<80x128xf32, #tpu.memory_space<vmem_shared>>
    tpu.wait_dma2 semaphore(%arg23 : memref<!tpu.dma_semaphore, #tpu.memory_space<semaphore_mem>>) src(%arg8 : memref<80x128xf32, #tpu.memory_space<vmem>>) dst(%dma_wait3A_90 : memref<80x128xf32, #tpu.memory_space<vmem_shared>>)
    %dma_wait3A_91 = arith.constant 0 : i32
    %dma_wait3A_92 = tpu.memref_slice %arg7[%add3A_32, %dma_wait3A_91] : memref<10240x128xf32, #tpu.memory_space<vmem_shared>> -> memref<80x128xf32, #tpu.memory_space<vmem_shared>>
    %dma_wait3A_93 = arith.constant 0 : i32
    %dma_wait3A_94 = tpu.memref_slice %arg7[%add3A_32, %dma_wait3A_93] : memref<10240x128xf32, #tpu.memory_space<vmem_shared>> -> memref<80x128xf32, #tpu.memory_space<vmem_shared>>
    tpu.wait_dma2 semaphore(%arg24 : memref<!tpu.dma_semaphore, #tpu.memory_space<semaphore_mem>>) src(%arg8 : memref<80x128xf32, #tpu.memory_space<vmem>>) dst(%dma_wait3A_94 : memref<80x128xf32, #tpu.memory_space<vmem_shared>>)
    %barrier3A = arith.constant 0 : index
    tpu.barrier barrier_id(%barrier3A)
    %mul3A_95 = arith.constant 10000 : i32
    %mul3A_96 = arith.muli %add3A, %mul3A_95 : i32
    %add3A_97 = arith.constant 0 : i32
    %add3A_98 = arith.addi %mul3A_96, %add3A_97 : i32
    %dma_start3A_99 = tpu.memref_slice %arg3[%add3A_98] : memref<320000xi32, #tpu.memory_space<hbm>> -> memref<80xi32, #tpu.memory_space<hbm>>
    %dma_start3A_100 = tpu.memref_slice %arg3[%add3A_98] : memref<320000xi32, #tpu.memory_space<hbm>> -> memref<80xi32, #tpu.memory_space<hbm>>
    tpu.enqueue_dma source(%dma_start3A_100 : memref<80xi32, #tpu.memory_space<hbm>>) target(%arg11 : memref<80xi32, #tpu.memory_space<vmem>>) target_semaphore(%arg23 : memref<!tpu.dma_semaphore, #tpu.memory_space<semaphore_mem>>)
    %dma_start3A_101 = tpu.memref_slice %arg4[%add3A_98] : memref<320000xi32, #tpu.memory_space<hbm>> -> memref<80xi32, #tpu.memory_space<hbm>>
    %dma_start3A_102 = tpu.memref_slice %arg4[%add3A_98] : memref<320000xi32, #tpu.memory_space<hbm>> -> memref<80xi32, #tpu.memory_space<hbm>>
    tpu.enqueue_dma source(%dma_start3A_102 : memref<80xi32, #tpu.memory_space<hbm>>) target(%arg14 : memref<80xi32, #tpu.memory_space<vmem>>) target_semaphore(%arg23 : memref<!tpu.dma_semaphore, #tpu.memory_space<semaphore_mem>>)
    %mul3A_103 = arith.constant 10000 : i32
    %mul3A_104 = arith.muli %add3A, %mul3A_103 : i32
    %add3A_105 = arith.constant 80 : i32
    %add3A_106 = arith.addi %mul3A_104, %add3A_105 : i32
    %dma_start3A_107 = tpu.memref_slice %arg3[%add3A_106] : memref<320000xi32, #tpu.memory_space<hbm>> -> memref<80xi32, #tpu.memory_space<hbm>>
    %dma_start3A_108 = tpu.memref_slice %arg3[%add3A_106] : memref<320000xi32, #tpu.memory_space<hbm>> -> memref<80xi32, #tpu.memory_space<hbm>>
    tpu.enqueue_dma source(%dma_start3A_108 : memref<80xi32, #tpu.memory_space<hbm>>) target(%arg12 : memref<80xi32, #tpu.memory_space<vmem>>) target_semaphore(%arg24 : memref<!tpu.dma_semaphore, #tpu.memory_space<semaphore_mem>>)
    %dma_start3A_109 = tpu.memref_slice %arg4[%add3A_106] : memref<320000xi32, #tpu.memory_space<hbm>> -> memref<80xi32, #tpu.memory_space<hbm>>
    %dma_start3A_110 = tpu.memref_slice %arg4[%add3A_106] : memref<320000xi32, #tpu.memory_space<hbm>> -> memref<80xi32, #tpu.memory_space<hbm>>
    tpu.enqueue_dma source(%dma_start3A_110 : memref<80xi32, #tpu.memory_space<hbm>>) target(%arg15 : memref<80xi32, #tpu.memory_space<vmem>>) target_semaphore(%arg24 : memref<!tpu.dma_semaphore, #tpu.memory_space<semaphore_mem>>)
    %mul3A_111 = arith.constant 10000 : i32
    %mul3A_112 = arith.muli %add3A, %mul3A_111 : i32
    %add3A_113 = arith.constant 160 : i32
    %add3A_114 = arith.addi %mul3A_112, %add3A_113 : i32
    %dma_start3A_115 = tpu.memref_slice %arg3[%add3A_114] : memref<320000xi32, #tpu.memory_space<hbm>> -> memref<80xi32, #tpu.memory_space<hbm>>
    %dma_start3A_116 = tpu.memref_slice %arg3[%add3A_114] : memref<320000xi32, #tpu.memory_space<hbm>> -> memref<80xi32, #tpu.memory_space<hbm>>
    tpu.enqueue_dma source(%dma_start3A_116 : memref<80xi32, #tpu.memory_space<hbm>>) target(%arg13 : memref<80xi32, #tpu.memory_space<vmem>>) target_semaphore(%arg25 : memref<!tpu.dma_semaphore, #tpu.memory_space<semaphore_mem>>)
    %dma_start3A_117 = tpu.memref_slice %arg4[%add3A_114] : memref<320000xi32, #tpu.memory_space<hbm>> -> memref<80xi32, #tpu.memory_space<hbm>>
    %dma_start3A_118 = tpu.memref_slice %arg4[%add3A_114] : memref<320000xi32, #tpu.memory_space<hbm>> -> memref<80xi32, #tpu.memory_space<hbm>>
    tpu.enqueue_dma source(%dma_start3A_118 : memref<80xi32, #tpu.memory_space<hbm>>) target(%arg16 : memref<80xi32, #tpu.memory_space<vmem>>) target_semaphore(%arg25 : memref<!tpu.dma_semaphore, #tpu.memory_space<semaphore_mem>>)
    %mul3A_119 = arith.constant 10000 : i32
    %mul3A_120 = arith.muli %add3A, %mul3A_119 : i32
    %add3A_121 = arith.constant 0 : i32
    %add3A_122 = arith.addi %mul3A_120, %add3A_121 : i32
    %dma_wait3A_123 = tpu.memref_slice %arg3[%add3A_122] : memref<320000xi32, #tpu.memory_space<hbm>> -> memref<80xi32, #tpu.memory_space<hbm>>
    %dma_wait3A_124 = tpu.memref_slice %arg3[%add3A_122] : memref<320000xi32, #tpu.memory_space<hbm>> -> memref<80xi32, #tpu.memory_space<hbm>>
    tpu.wait_dma2 semaphore(%arg23 : memref<!tpu.dma_semaphore, #tpu.memory_space<semaphore_mem>>) src(%dma_wait3A_124 : memref<80xi32, #tpu.memory_space<hbm>>) dst(%arg11 : memref<80xi32, #tpu.memory_space<vmem>>)
    %dma_wait3A_125 = tpu.memref_slice %arg4[%add3A_122] : memref<320000xi32, #tpu.memory_space<hbm>> -> memref<80xi32, #tpu.memory_space<hbm>>
    %dma_wait3A_126 = tpu.memref_slice %arg4[%add3A_122] : memref<320000xi32, #tpu.memory_space<hbm>> -> memref<80xi32, #tpu.memory_space<hbm>>
    tpu.wait_dma2 semaphore(%arg23 : memref<!tpu.dma_semaphore, #tpu.memory_space<semaphore_mem>>) src(%dma_wait3A_126 : memref<80xi32, #tpu.memory_space<hbm>>) dst(%arg14 : memref<80xi32, #tpu.memory_space<vmem>>)
    %dma_start3A_127 = arith.constant 0 : i32
    %dma_start3A_128 = arith.constant 0 : i32
    %dma_start3A_129 = tpu.memref_slice %arg2[%dma_start3A_127, %dma_start3A_128] : memref<10000x128xf32, #tpu.memory_space<hbm>> -> memref<10000x128xf32, #tpu.memory_space<hbm>>
    tpu.enqueue_indirect_dma source(%dma_start3A_129 : memref<10000x128xf32, #tpu.memory_space<hbm>>) target(%arg8 : memref<80x128xf32, #tpu.memory_space<vmem>>) offsets(%arg11 : memref<80xi32, #tpu.memory_space<vmem>>) semaphore(%arg17 : memref<!tpu.dma_semaphore, #tpu.memory_space<semaphore_mem>>)
    %mul3A_130 = arith.constant 10000 : i32
    %mul3A_131 = arith.muli %add3A, %mul3A_130 : i32
    %add3A_132 = arith.constant 80 : i32
    %add3A_133 = arith.addi %mul3A_131, %add3A_132 : i32
    %dma_wait3A_134 = tpu.memref_slice %arg3[%add3A_133] : memref<320000xi32, #tpu.memory_space<hbm>> -> memref<80xi32, #tpu.memory_space<hbm>>
    %dma_wait3A_135 = tpu.memref_slice %arg3[%add3A_133] : memref<320000xi32, #tpu.memory_space<hbm>> -> memref<80xi32, #tpu.memory_space<hbm>>
    tpu.wait_dma2 semaphore(%arg24 : memref<!tpu.dma_semaphore, #tpu.memory_space<semaphore_mem>>) src(%dma_wait3A_135 : memref<80xi32, #tpu.memory_space<hbm>>) dst(%arg12 : memref<80xi32, #tpu.memory_space<vmem>>)
    %dma_wait3A_136 = tpu.memref_slice %arg4[%add3A_133] : memref<320000xi32, #tpu.memory_space<hbm>> -> memref<80xi32, #tpu.memory_space<hbm>>
    %dma_wait3A_137 = tpu.memref_slice %arg4[%add3A_133] : memref<320000xi32, #tpu.memory_space<hbm>> -> memref<80xi32, #tpu.memory_space<hbm>>
    tpu.wait_dma2 semaphore(%arg24 : memref<!tpu.dma_semaphore, #tpu.memory_space<semaphore_mem>>) src(%dma_wait3A_137 : memref<80xi32, #tpu.memory_space<hbm>>) dst(%arg15 : memref<80xi32, #tpu.memory_space<vmem>>)
    %dma_start3A_138 = arith.constant 0 : i32
    %dma_start3A_139 = arith.constant 0 : i32
    %dma_start3A_140 = tpu.memref_slice %arg2[%dma_start3A_138, %dma_start3A_139] : memref<10000x128xf32, #tpu.memory_space<hbm>> -> memref<10000x128xf32, #tpu.memory_space<hbm>>
    tpu.enqueue_indirect_dma source(%dma_start3A_140 : memref<10000x128xf32, #tpu.memory_space<hbm>>) target(%arg9 : memref<80x128xf32, #tpu.memory_space<vmem>>) offsets(%arg12 : memref<80xi32, #tpu.memory_space<vmem>>) semaphore(%arg18 : memref<!tpu.dma_semaphore, #tpu.memory_space<semaphore_mem>>)
    %mul3A_141 = arith.constant 10000 : i32
    %mul3A_142 = arith.muli %add3A, %mul3A_141 : i32
    %add3A_143 = arith.constant 160 : i32
    %add3A_144 = arith.addi %mul3A_142, %add3A_143 : i32
    %dma_wait3A_145 = tpu.memref_slice %arg3[%add3A_144] : memref<320000xi32, #tpu.memory_space<hbm>> -> memref<80xi32, #tpu.memory_space<hbm>>
    %dma_wait3A_146 = tpu.memref_slice %arg3[%add3A_144] : memref<320000xi32, #tpu.memory_space<hbm>> -> memref<80xi32, #tpu.memory_space<hbm>>
    tpu.wait_dma2 semaphore(%arg25 : memref<!tpu.dma_semaphore, #tpu.memory_space<semaphore_mem>>) src(%dma_wait3A_146 : memref<80xi32, #tpu.memory_space<hbm>>) dst(%arg13 : memref<80xi32, #tpu.memory_space<vmem>>)
    %dma_wait3A_147 = tpu.memref_slice %arg4[%add3A_144] : memref<320000xi32, #tpu.memory_space<hbm>> -> memref<80xi32, #tpu.memory_space<hbm>>
    %dma_wait3A_148 = tpu.memref_slice %arg4[%add3A_144] : memref<320000xi32, #tpu.memory_space<hbm>> -> memref<80xi32, #tpu.memory_space<hbm>>
    tpu.wait_dma2 semaphore(%arg25 : memref<!tpu.dma_semaphore, #tpu.memory_space<semaphore_mem>>) src(%dma_wait3A_148 : memref<80xi32, #tpu.memory_space<hbm>>) dst(%arg16 : memref<80xi32, #tpu.memory_space<vmem>>)
    %dma_start3A_149 = arith.constant 0 : i32
    %dma_start3A_150 = arith.constant 0 : i32
    %dma_start3A_151 = tpu.memref_slice %arg2[%dma_start3A_149, %dma_start3A_150] : memref<10000x128xf32, #tpu.memory_space<hbm>> -> memref<10000x128xf32, #tpu.memory_space<hbm>>
    tpu.enqueue_indirect_dma source(%dma_start3A_151 : memref<10000x128xf32, #tpu.memory_space<hbm>>) target(%arg10 : memref<80x128xf32, #tpu.memory_space<vmem>>) offsets(%arg13 : memref<80xi32, #tpu.memory_space<vmem>>) semaphore(%arg19 : memref<!tpu.dma_semaphore, #tpu.memory_space<semaphore_mem>>)
    %scan3A = arith.constant 0 : i32
    %scan3A_152 = arith.constant 0 : i32
    %scan3A_153 = arith.constant 41 : i32
    %scan3A_154 = arith.addi %scan3A_152, %scan3A_153 : i32
    %scan3A_155 = arith.constant 1 : i32
    scf.for %scan3A_368 = %scan3A_152 to %scan3A_154 step %scan3A_155  : i32 {
      %mul3A_369 = arith.constant 3 : i32
      %mul3A_370 = arith.muli %scan3A_368, %mul3A_369 : i32
      %dma_wait3A_371 = arith.constant 0 : i32
      %dma_wait3A_372 = arith.constant 0 : i32
      %dma_wait3A_373 = tpu.memref_slice %arg2[%dma_wait3A_371, %dma_wait3A_372] : memref<10000x128xf32, #tpu.memory_space<hbm>> -> memref<10000x128xf32, #tpu.memory_space<hbm>>
      tpu.wait_indirect_dma semaphore(%arg17 : memref<!tpu.dma_semaphore, #tpu.memory_space<semaphore_mem>>) src(%dma_wait3A_373 : memref<10000x128xf32, #tpu.memory_space<hbm>>) dst(%arg8 : memref<80x128xf32, #tpu.memory_space<vmem>>)
      %dma_start3A_374 = arith.constant 0 : i32
      %dma_start3A_375 = arith.constant 0 : i32
      %dma_start3A_376 = tpu.memref_slice %arg7[%dma_start3A_374, %dma_start3A_375] : memref<10240x128xf32, #tpu.memory_space<vmem_shared>> -> memref<10240x128xf32, #tpu.memory_space<vmem_shared>>
      tpu.enqueue_indirect_dma source(%arg8 : memref<80x128xf32, #tpu.memory_space<vmem>>) target(%dma_start3A_376 : memref<10240x128xf32, #tpu.memory_space<vmem_shared>>) offsets(%arg14 : memref<80xi32, #tpu.memory_space<vmem>>) semaphore(%arg20 : memref<!tpu.dma_semaphore, #tpu.memory_space<semaphore_mem>>) {add = true}
      %dma_wait3A_377 = arith.constant 0 : i32
      %dma_wait3A_378 = arith.constant 0 : i32
      %dma_wait3A_379 = tpu.memref_slice %arg2[%dma_wait3A_377, %dma_wait3A_378] : memref<10000x128xf32, #tpu.memory_space<hbm>> -> memref<10000x128xf32, #tpu.memory_space<hbm>>
      tpu.wait_indirect_dma semaphore(%arg18 : memref<!tpu.dma_semaphore, #tpu.memory_space<semaphore_mem>>) src(%dma_wait3A_379 : memref<10000x128xf32, #tpu.memory_space<hbm>>) dst(%arg9 : memref<80x128xf32, #tpu.memory_space<vmem>>)
      %dma_start3A_380 = arith.constant 0 : i32
      %dma_start3A_381 = arith.constant 0 : i32
      %dma_start3A_382 = tpu.memref_slice %arg7[%dma_start3A_380, %dma_start3A_381] : memref<10240x128xf32, #tpu.memory_space<vmem_shared>> -> memref<10240x128xf32, #tpu.memory_space<vmem_shared>>
      tpu.enqueue_indirect_dma source(%arg9 : memref<80x128xf32, #tpu.memory_space<vmem>>) target(%dma_start3A_382 : memref<10240x128xf32, #tpu.memory_space<vmem_shared>>) offsets(%arg15 : memref<80xi32, #tpu.memory_space<vmem>>) semaphore(%arg21 : memref<!tpu.dma_semaphore, #tpu.memory_space<semaphore_mem>>) {add = true}
      %dma_wait3A_383 = arith.constant 0 : i32
      %dma_wait3A_384 = arith.constant 0 : i32
      %dma_wait3A_385 = tpu.memref_slice %arg2[%dma_wait3A_383, %dma_wait3A_384] : memref<10000x128xf32, #tpu.memory_space<hbm>> -> memref<10000x128xf32, #tpu.memory_space<hbm>>
      tpu.wait_indirect_dma semaphore(%arg19 : memref<!tpu.dma_semaphore, #tpu.memory_space<semaphore_mem>>) src(%dma_wait3A_385 : memref<10000x128xf32, #tpu.memory_space<hbm>>) dst(%arg10 : memref<80x128xf32, #tpu.memory_space<vmem>>)
      %dma_start3A_386 = arith.constant 0 : i32
      %dma_start3A_387 = arith.constant 0 : i32
      %dma_start3A_388 = tpu.memref_slice %arg7[%dma_start3A_386, %dma_start3A_387] : memref<10240x128xf32, #tpu.memory_space<vmem_shared>> -> memref<10240x128xf32, #tpu.memory_space<vmem_shared>>
      tpu.enqueue_indirect_dma source(%arg10 : memref<80x128xf32, #tpu.memory_space<vmem>>) target(%dma_start3A_388 : memref<10240x128xf32, #tpu.memory_space<vmem_shared>>) offsets(%arg16 : memref<80xi32, #tpu.memory_space<vmem>>) semaphore(%arg22 : memref<!tpu.dma_semaphore, #tpu.memory_space<semaphore_mem>>) {add = true}
      %dma_wait3A_389 = arith.constant 0 : i32
      %dma_wait3A_390 = arith.constant 0 : i32
      %dma_wait3A_391 = tpu.memref_slice %arg7[%dma_wait3A_389, %dma_wait3A_390] : memref<10240x128xf32, #tpu.memory_space<vmem_shared>> -> memref<10240x128xf32, #tpu.memory_space<vmem_shared>>
      tpu.wait_indirect_dma semaphore(%arg20 : memref<!tpu.dma_semaphore, #tpu.memory_space<semaphore_mem>>) src(%arg8 : memref<80x128xf32, #tpu.memory_space<vmem>>) dst(%dma_wait3A_391 : memref<10240x128xf32, #tpu.memory_space<vmem_shared>>)
      %add3A_392 = arith.constant 0 : i32
      %add3A_393 = arith.addi %mul3A_370, %add3A_392 : i32
      %add3A_394 = arith.constant 3 : i32
      %add3A_395 = arith.addi %add3A_393, %add3A_394 : i32
      %lt3A = arith.constant 125 : i32
      %lt3A_396 = arith.cmpi slt, %add3A_395, %lt3A : i32
      %convert_element_type3A = arith.extui %lt3A_396 : i1 to i32
      %cond3A = arith.constant 0 : i32
      %cond3A_397 = arith.cmpi ne, %convert_element_type3A, %cond3A : i32
      scf.if %cond3A_397 {
        %add3A_422 = arith.constant 0 : i32
        %add3A_423 = arith.addi %mul3A_370, %add3A_422 : i32
        %add3A_424 = arith.constant 3 : i32
        %add3A_425 = arith.addi %add3A_423, %add3A_424 : i32
        %mul3A_426 = arith.constant 10000 : i32
        %mul3A_427 = arith.muli %add3A, %mul3A_426 : i32
        %mul3A_428 = arith.constant 80 : i32
        %mul3A_429 = arith.muli %add3A_425, %mul3A_428 : i32
        %add3A_430 = arith.addi %mul3A_427, %mul3A_429 : i32
        %dma_start3A_431 = tpu.memref_slice %arg3[%add3A_430] : memref<320000xi32, #tpu.memory_space<hbm>> -> memref<80xi32, #tpu.memory_space<hbm>>
        %dma_start3A_432 = tpu.memref_slice %arg3[%add3A_430] : memref<320000xi32, #tpu.memory_space<hbm>> -> memref<80xi32, #tpu.memory_space<hbm>>
        tpu.enqueue_dma source(%dma_start3A_432 : memref<80xi32, #tpu.memory_space<hbm>>) target(%arg11 : memref<80xi32, #tpu.memory_space<vmem>>) target_semaphore(%arg23 : memref<!tpu.dma_semaphore, #tpu.memory_space<semaphore_mem>>)
        %dma_start3A_433 = tpu.memref_slice %arg4[%add3A_430] : memref<320000xi32, #tpu.memory_space<hbm>> -> memref<80xi32, #tpu.memory_space<hbm>>
        %dma_start3A_434 = tpu.memref_slice %arg4[%add3A_430] : memref<320000xi32, #tpu.memory_space<hbm>> -> memref<80xi32, #tpu.memory_space<hbm>>
        tpu.enqueue_dma source(%dma_start3A_434 : memref<80xi32, #tpu.memory_space<hbm>>) target(%arg14 : memref<80xi32, #tpu.memory_space<vmem>>) target_semaphore(%arg23 : memref<!tpu.dma_semaphore, #tpu.memory_space<semaphore_mem>>)
        %add3A_435 = arith.constant 0 : i32
        %add3A_436 = arith.addi %mul3A_370, %add3A_435 : i32
        %add3A_437 = arith.constant 3 : i32
        %add3A_438 = arith.addi %add3A_436, %add3A_437 : i32
        %mul3A_439 = arith.constant 10000 : i32
        %mul3A_440 = arith.muli %add3A, %mul3A_439 : i32
        %mul3A_441 = arith.constant 80 : i32
        %mul3A_442 = arith.muli %add3A_438, %mul3A_441 : i32
        %add3A_443 = arith.addi %mul3A_440, %mul3A_442 : i32
        %dma_wait3A_444 = tpu.memref_slice %arg3[%add3A_443] : memref<320000xi32, #tpu.memory_space<hbm>> -> memref<80xi32, #tpu.memory_space<hbm>>
        %dma_wait3A_445 = tpu.memref_slice %arg3[%add3A_443] : memref<320000xi32, #tpu.memory_space<hbm>> -> memref<80xi32, #tpu.memory_space<hbm>>
        tpu.wait_dma2 semaphore(%arg23 : memref<!tpu.dma_semaphore, #tpu.memory_space<semaphore_mem>>) src(%dma_wait3A_445 : memref<80xi32, #tpu.memory_space<hbm>>) dst(%arg11 : memref<80xi32, #tpu.memory_space<vmem>>)
        %dma_wait3A_446 = tpu.memref_slice %arg4[%add3A_443] : memref<320000xi32, #tpu.memory_space<hbm>> -> memref<80xi32, #tpu.memory_space<hbm>>
        %dma_wait3A_447 = tpu.memref_slice %arg4[%add3A_443] : memref<320000xi32, #tpu.memory_space<hbm>> -> memref<80xi32, #tpu.memory_space<hbm>>
        tpu.wait_dma2 semaphore(%arg23 : memref<!tpu.dma_semaphore, #tpu.memory_space<semaphore_mem>>) src(%dma_wait3A_447 : memref<80xi32, #tpu.memory_space<hbm>>) dst(%arg14 : memref<80xi32, #tpu.memory_space<vmem>>)
        %dma_start3A_448 = arith.constant 0 : i32
        %dma_start3A_449 = arith.constant 0 : i32
        %dma_start3A_450 = tpu.memref_slice %arg2[%dma_start3A_448, %dma_start3A_449] : memref<10000x128xf32, #tpu.memory_space<hbm>> -> memref<10000x128xf32, #tpu.memory_space<hbm>>
        tpu.enqueue_indirect_dma source(%dma_start3A_450 : memref<10000x128xf32, #tpu.memory_space<hbm>>) target(%arg8 : memref<80x128xf32, #tpu.memory_space<vmem>>) offsets(%arg11 : memref<80xi32, #tpu.memory_space<vmem>>) semaphore(%arg17 : memref<!tpu.dma_semaphore, #tpu.memory_space<semaphore_mem>>)
      } else {
      }
      %dma_wait3A_398 = arith.constant 0 : i32
      %dma_wait3A_399 = arith.constant 0 : i32
      %dma_wait3A_400 = tpu.memref_slice %arg7[%dma_wait3A_398, %dma_wait3A_399] : memref<10240x128xf32, #tpu.memory_space<vmem_shared>> -> memref<10240x128xf32, #tpu.memory_space<vmem_shared>>
      tpu.wait_indirect_dma semaphore(%arg21 : memref<!tpu.dma_semaphore, #tpu.memory_space<semaphore_mem>>) src(%arg9 : memref<80x128xf32, #tpu.memory_space<vmem>>) dst(%dma_wait3A_400 : memref<10240x128xf32, #tpu.memory_space<vmem_shared>>)
      %add3A_401 = arith.constant 1 : i32
      %add3A_402 = arith.addi %mul3A_370, %add3A_401 : i32
      %add3A_403 = arith.constant 3 : i32
      %add3A_404 = arith.addi %add3A_402, %add3A_403 : i32
      %lt3A_405 = arith.constant 125 : i32
      %lt3A_406 = arith.cmpi slt, %add3A_404, %lt3A_405 : i32
      %convert_element_type3A_407 = arith.extui %lt3A_406 : i1 to i32
      %cond3A_408 = arith.constant 0 : i32
      %cond3A_409 = arith.cmpi ne, %convert_element_type3A_407, %cond3A_408 : i32
      scf.if %cond3A_409 {
        %add3A_422 = arith.constant 1 : i32
        %add3A_423 = arith.addi %mul3A_370, %add3A_422 : i32
        %add3A_424 = arith.constant 3 : i32
        %add3A_425 = arith.addi %add3A_423, %add3A_424 : i32
        %mul3A_426 = arith.constant 10000 : i32
        %mul3A_427 = arith.muli %add3A, %mul3A_426 : i32
        %mul3A_428 = arith.constant 80 : i32
        %mul3A_429 = arith.muli %add3A_425, %mul3A_428 : i32
        %add3A_430 = arith.addi %mul3A_427, %mul3A_429 : i32
        %dma_start3A_431 = tpu.memref_slice %arg3[%add3A_430] : memref<320000xi32, #tpu.memory_space<hbm>> -> memref<80xi32, #tpu.memory_space<hbm>>
        %dma_start3A_432 = tpu.memref_slice %arg3[%add3A_430] : memref<320000xi32, #tpu.memory_space<hbm>> -> memref<80xi32, #tpu.memory_space<hbm>>
        tpu.enqueue_dma source(%dma_start3A_432 : memref<80xi32, #tpu.memory_space<hbm>>) target(%arg12 : memref<80xi32, #tpu.memory_space<vmem>>) target_semaphore(%arg24 : memref<!tpu.dma_semaphore, #tpu.memory_space<semaphore_mem>>)
        %dma_start3A_433 = tpu.memref_slice %arg4[%add3A_430] : memref<320000xi32, #tpu.memory_space<hbm>> -> memref<80xi32, #tpu.memory_space<hbm>>
        %dma_start3A_434 = tpu.memref_slice %arg4[%add3A_430] : memref<320000xi32, #tpu.memory_space<hbm>> -> memref<80xi32, #tpu.memory_space<hbm>>
        tpu.enqueue_dma source(%dma_start3A_434 : memref<80xi32, #tpu.memory_space<hbm>>) target(%arg15 : memref<80xi32, #tpu.memory_space<vmem>>) target_semaphore(%arg24 : memref<!tpu.dma_semaphore, #tpu.memory_space<semaphore_mem>>)
        %add3A_435 = arith.constant 1 : i32
        %add3A_436 = arith.addi %mul3A_370, %add3A_435 : i32
        %add3A_437 = arith.constant 3 : i32
        %add3A_438 = arith.addi %add3A_436, %add3A_437 : i32
        %mul3A_439 = arith.constant 10000 : i32
        %mul3A_440 = arith.muli %add3A, %mul3A_439 : i32
        %mul3A_441 = arith.constant 80 : i32
        %mul3A_442 = arith.muli %add3A_438, %mul3A_441 : i32
        %add3A_443 = arith.addi %mul3A_440, %mul3A_442 : i32
        %dma_wait3A_444 = tpu.memref_slice %arg3[%add3A_443] : memref<320000xi32, #tpu.memory_space<hbm>> -> memref<80xi32, #tpu.memory_space<hbm>>
        %dma_wait3A_445 = tpu.memref_slice %arg3[%add3A_443] : memref<320000xi32, #tpu.memory_space<hbm>> -> memref<80xi32, #tpu.memory_space<hbm>>
        tpu.wait_dma2 semaphore(%arg24 : memref<!tpu.dma_semaphore, #tpu.memory_space<semaphore_mem>>) src(%dma_wait3A_445 : memref<80xi32, #tpu.memory_space<hbm>>) dst(%arg12 : memref<80xi32, #tpu.memory_space<vmem>>)
        %dma_wait3A_446 = tpu.memref_slice %arg4[%add3A_443] : memref<320000xi32, #tpu.memory_space<hbm>> -> memref<80xi32, #tpu.memory_space<hbm>>
        %dma_wait3A_447 = tpu.memref_slice %arg4[%add3A_443] : memref<320000xi32, #tpu.memory_space<hbm>> -> memref<80xi32, #tpu.memory_space<hbm>>
        tpu.wait_dma2 semaphore(%arg24 : memref<!tpu.dma_semaphore, #tpu.memory_space<semaphore_mem>>) src(%dma_wait3A_447 : memref<80xi32, #tpu.memory_space<hbm>>) dst(%arg15 : memref<80xi32, #tpu.memory_space<vmem>>)
        %dma_start3A_448 = arith.constant 0 : i32
        %dma_start3A_449 = arith.constant 0 : i32
        %dma_start3A_450 = tpu.memref_slice %arg2[%dma_start3A_448, %dma_start3A_449] : memref<10000x128xf32, #tpu.memory_space<hbm>> -> memref<10000x128xf32, #tpu.memory_space<hbm>>
        tpu.enqueue_indirect_dma source(%dma_start3A_450 : memref<10000x128xf32, #tpu.memory_space<hbm>>) target(%arg9 : memref<80x128xf32, #tpu.memory_space<vmem>>) offsets(%arg12 : memref<80xi32, #tpu.memory_space<vmem>>) semaphore(%arg18 : memref<!tpu.dma_semaphore, #tpu.memory_space<semaphore_mem>>)
      } else {
      }
      %dma_wait3A_410 = arith.constant 0 : i32
      %dma_wait3A_411 = arith.constant 0 : i32
      %dma_wait3A_412 = tpu.memref_slice %arg7[%dma_wait3A_410, %dma_wait3A_411] : memref<10240x128xf32, #tpu.memory_space<vmem_shared>> -> memref<10240x128xf32, #tpu.memory_space<vmem_shared>>
      tpu.wait_indirect_dma semaphore(%arg22 : memref<!tpu.dma_semaphore, #tpu.memory_space<semaphore_mem>>) src(%arg10 : memref<80x128xf32, #tpu.memory_space<vmem>>) dst(%dma_wait3A_412 : memref<10240x128xf32, #tpu.memory_space<vmem_shared>>)
      %add3A_413 = arith.constant 2 : i32
      %add3A_414 = arith.addi %mul3A_370, %add3A_413 : i32
      %add3A_415 = arith.constant 3 : i32
      %add3A_416 = arith.addi %add3A_414, %add3A_415 : i32
      %lt3A_417 = arith.constant 125 : i32
      %lt3A_418 = arith.cmpi slt, %add3A_416, %lt3A_417 : i32
      %convert_element_type3A_419 = arith.extui %lt3A_418 : i1 to i32
      %cond3A_420 = arith.constant 0 : i32
      %cond3A_421 = arith.cmpi ne, %convert_element_type3A_419, %cond3A_420 : i32
      scf.if %cond3A_421 {
        %add3A_422 = arith.constant 2 : i32
        %add3A_423 = arith.addi %mul3A_370, %add3A_422 : i32
        %add3A_424 = arith.constant 3 : i32
        %add3A_425 = arith.addi %add3A_423, %add3A_424 : i32
        %mul3A_426 = arith.constant 10000 : i32
        %mul3A_427 = arith.muli %add3A, %mul3A_426 : i32
        %mul3A_428 = arith.constant 80 : i32
        %mul3A_429 = arith.muli %add3A_425, %mul3A_428 : i32
        %add3A_430 = arith.addi %mul3A_427, %mul3A_429 : i32
        %dma_start3A_431 = tpu.memref_slice %arg3[%add3A_430] : memref<320000xi32, #tpu.memory_space<hbm>> -> memref<80xi32, #tpu.memory_space<hbm>>
        %dma_start3A_432 = tpu.memref_slice %arg3[%add3A_430] : memref<320000xi32, #tpu.memory_space<hbm>> -> memref<80xi32, #tpu.memory_space<hbm>>
        tpu.enqueue_dma source(%dma_start3A_432 : memref<80xi32, #tpu.memory_space<hbm>>) target(%arg13 : memref<80xi32, #tpu.memory_space<vmem>>) target_semaphore(%arg25 : memref<!tpu.dma_semaphore, #tpu.memory_space<semaphore_mem>>)
        %dma_start3A_433 = tpu.memref_slice %arg4[%add3A_430] : memref<320000xi32, #tpu.memory_space<hbm>> -> memref<80xi32, #tpu.memory_space<hbm>>
        %dma_start3A_434 = tpu.memref_slice %arg4[%add3A_430] : memref<320000xi32, #tpu.memory_space<hbm>> -> memref<80xi32, #tpu.memory_space<hbm>>
        tpu.enqueue_dma source(%dma_start3A_434 : memref<80xi32, #tpu.memory_space<hbm>>) target(%arg16 : memref<80xi32, #tpu.memory_space<vmem>>) target_semaphore(%arg25 : memref<!tpu.dma_semaphore, #tpu.memory_space<semaphore_mem>>)
        %add3A_435 = arith.constant 2 : i32
        %add3A_436 = arith.addi %mul3A_370, %add3A_435 : i32
        %add3A_437 = arith.constant 3 : i32
        %add3A_438 = arith.addi %add3A_436, %add3A_437 : i32
        %mul3A_439 = arith.constant 10000 : i32
        %mul3A_440 = arith.muli %add3A, %mul3A_439 : i32
        %mul3A_441 = arith.constant 80 : i32
        %mul3A_442 = arith.muli %add3A_438, %mul3A_441 : i32
        %add3A_443 = arith.addi %mul3A_440, %mul3A_442 : i32
        %dma_wait3A_444 = tpu.memref_slice %arg3[%add3A_443] : memref<320000xi32, #tpu.memory_space<hbm>> -> memref<80xi32, #tpu.memory_space<hbm>>
        %dma_wait3A_445 = tpu.memref_slice %arg3[%add3A_443] : memref<320000xi32, #tpu.memory_space<hbm>> -> memref<80xi32, #tpu.memory_space<hbm>>
        tpu.wait_dma2 semaphore(%arg25 : memref<!tpu.dma_semaphore, #tpu.memory_space<semaphore_mem>>) src(%dma_wait3A_445 : memref<80xi32, #tpu.memory_space<hbm>>) dst(%arg13 : memref<80xi32, #tpu.memory_space<vmem>>)
        %dma_wait3A_446 = tpu.memref_slice %arg4[%add3A_443] : memref<320000xi32, #tpu.memory_space<hbm>> -> memref<80xi32, #tpu.memory_space<hbm>>
        %dma_wait3A_447 = tpu.memref_slice %arg4[%add3A_443] : memref<320000xi32, #tpu.memory_space<hbm>> -> memref<80xi32, #tpu.memory_space<hbm>>
        tpu.wait_dma2 semaphore(%arg25 : memref<!tpu.dma_semaphore, #tpu.memory_space<semaphore_mem>>) src(%dma_wait3A_447 : memref<80xi32, #tpu.memory_space<hbm>>) dst(%arg16 : memref<80xi32, #tpu.memory_space<vmem>>)
        %dma_start3A_448 = arith.constant 0 : i32
        %dma_start3A_449 = arith.constant 0 : i32
        %dma_start3A_450 = tpu.memref_slice %arg2[%dma_start3A_448, %dma_start3A_449] : memref<10000x128xf32, #tpu.memory_space<hbm>> -> memref<10000x128xf32, #tpu.memory_space<hbm>>
        tpu.enqueue_indirect_dma source(%dma_start3A_450 : memref<10000x128xf32, #tpu.memory_space<hbm>>) target(%arg10 : memref<80x128xf32, #tpu.memory_space<vmem>>) offsets(%arg13 : memref<80xi32, #tpu.memory_space<vmem>>) semaphore(%arg19 : memref<!tpu.dma_semaphore, #tpu.memory_space<semaphore_mem>>)
      } else {
      }
    }
    %scan3A_156 = arith.constant 41 : i32
    %dma_wait3A_157 = arith.constant 0 : i32
    %dma_wait3A_158 = arith.constant 0 : i32
    %dma_wait3A_159 = tpu.memref_slice %arg2[%dma_wait3A_157, %dma_wait3A_158] : memref<10000x128xf32, #tpu.memory_space<hbm>> -> memref<10000x128xf32, #tpu.memory_space<hbm>>
    tpu.wait_indirect_dma semaphore(%arg17 : memref<!tpu.dma_semaphore, #tpu.memory_space<semaphore_mem>>) src(%dma_wait3A_159 : memref<10000x128xf32, #tpu.memory_space<hbm>>) dst(%arg8 : memref<80x128xf32, #tpu.memory_space<vmem>>)
    %dma_start3A_160 = arith.constant 0 : i32
    %dma_start3A_161 = arith.constant 0 : i32
    %dma_start3A_162 = tpu.memref_slice %arg7[%dma_start3A_160, %dma_start3A_161] : memref<10240x128xf32, #tpu.memory_space<vmem_shared>> -> memref<10240x128xf32, #tpu.memory_space<vmem_shared>>
    tpu.enqueue_indirect_dma source(%arg8 : memref<80x128xf32, #tpu.memory_space<vmem>>) target(%dma_start3A_162 : memref<10240x128xf32, #tpu.memory_space<vmem_shared>>) offsets(%arg14 : memref<80xi32, #tpu.memory_space<vmem>>) semaphore(%arg20 : memref<!tpu.dma_semaphore, #tpu.memory_space<semaphore_mem>>) {add = true}
    %dma_wait3A_163 = arith.constant 0 : i32
    %dma_wait3A_164 = arith.constant 0 : i32
    %dma_wait3A_165 = tpu.memref_slice %arg2[%dma_wait3A_163, %dma_wait3A_164] : memref<10000x128xf32, #tpu.memory_space<hbm>> -> memref<10000x128xf32, #tpu.memory_space<hbm>>
    tpu.wait_indirect_dma semaphore(%arg18 : memref<!tpu.dma_semaphore, #tpu.memory_space<semaphore_mem>>) src(%dma_wait3A_165 : memref<10000x128xf32, #tpu.memory_space<hbm>>) dst(%arg9 : memref<80x128xf32, #tpu.memory_space<vmem>>)
    %dma_start3A_166 = arith.constant 0 : i32
    %dma_start3A_167 = arith.constant 0 : i32
    %dma_start3A_168 = tpu.memref_slice %arg7[%dma_start3A_166, %dma_start3A_167] : memref<10240x128xf32, #tpu.memory_space<vmem_shared>> -> memref<10240x128xf32, #tpu.memory_space<vmem_shared>>
    tpu.enqueue_indirect_dma source(%arg9 : memref<80x128xf32, #tpu.memory_space<vmem>>) target(%dma_start3A_168 : memref<10240x128xf32, #tpu.memory_space<vmem_shared>>) offsets(%arg15 : memref<80xi32, #tpu.memory_space<vmem>>) semaphore(%arg21 : memref<!tpu.dma_semaphore, #tpu.memory_space<semaphore_mem>>) {add = true}
    %dma_wait3A_169 = arith.constant 0 : i32
    %dma_wait3A_170 = arith.constant 0 : i32
    %dma_wait3A_171 = tpu.memref_slice %arg7[%dma_wait3A_169, %dma_wait3A_170] : memref<10240x128xf32, #tpu.memory_space<vmem_shared>> -> memref<10240x128xf32, #tpu.memory_space<vmem_shared>>
    tpu.wait_indirect_dma semaphore(%arg20 : memref<!tpu.dma_semaphore, #tpu.memory_space<semaphore_mem>>) src(%arg8 : memref<80x128xf32, #tpu.memory_space<vmem>>) dst(%dma_wait3A_171 : memref<10240x128xf32, #tpu.memory_space<vmem_shared>>)
    %dma_wait3A_172 = arith.constant 0 : i32
    %dma_wait3A_173 = arith.constant 0 : i32
    %dma_wait3A_174 = tpu.memref_slice %arg7[%dma_wait3A_172, %dma_wait3A_173] : memref<10240x128xf32, #tpu.memory_space<vmem_shared>> -> memref<10240x128xf32, #tpu.memory_space<vmem_shared>>
    tpu.wait_indirect_dma semaphore(%arg21 : memref<!tpu.dma_semaphore, #tpu.memory_space<semaphore_mem>>) src(%arg9 : memref<80x128xf32, #tpu.memory_space<vmem>>) dst(%dma_wait3A_174 : memref<10240x128xf32, #tpu.memory_space<vmem_shared>>)
    %barrier3A_175 = arith.constant 0 : index
    tpu.barrier barrier_id(%barrier3A_175)
    %mul3A_176 = arith.constant 640 : i32
    %mul3A_177 = arith.muli %arg1, %mul3A_176 : i32
    %add3A_178 = arith.constant 0 : i32
    %add3A_179 = arith.addi %mul3A_177, %add3A_178 : i32
    %mul3A_180 = arith.constant 640 : i32
    %mul3A_181 = arith.muli %arg1, %mul3A_180 : i32
    %add3A_182 = arith.constant 80 : i32
    %add3A_183 = arith.addi %mul3A_181, %add3A_182 : i32
    %mul3A_184 = arith.constant 640 : i32
    %mul3A_185 = arith.muli %arg1, %mul3A_184 : i32
    %add3A_186 = arith.constant 160 : i32
    %add3A_187 = arith.addi %mul3A_185, %add3A_186 : i32
    %mul3A_188 = arith.constant 640 : i32
    %mul3A_189 = arith.muli %arg1, %mul3A_188 : i32
    %add3A_190 = arith.constant 240 : i32
    %add3A_191 = arith.addi %mul3A_189, %add3A_190 : i32
    %mul3A_192 = arith.constant 640 : i32
    %mul3A_193 = arith.muli %arg1, %mul3A_192 : i32
    %add3A_194 = arith.constant 320 : i32
    %add3A_195 = arith.addi %mul3A_193, %add3A_194 : i32
    %mul3A_196 = arith.constant 640 : i32
    %mul3A_197 = arith.muli %arg1, %mul3A_196 : i32
    %add3A_198 = arith.constant 400 : i32
    %add3A_199 = arith.addi %mul3A_197, %add3A_198 : i32
    %mul3A_200 = arith.constant 640 : i32
    %mul3A_201 = arith.muli %arg1, %mul3A_200 : i32
    %add3A_202 = arith.constant 480 : i32
    %add3A_203 = arith.addi %mul3A_201, %add3A_202 : i32
    %mul3A_204 = arith.constant 640 : i32
    %mul3A_205 = arith.muli %arg1, %mul3A_204 : i32
    %add3A_206 = arith.constant 560 : i32
    %add3A_207 = arith.addi %mul3A_205, %add3A_206 : i32
    %mul3A_208 = arith.constant 640 : i32
    %mul3A_209 = arith.muli %add3A, %mul3A_208 : i32
    %add3A_210 = arith.constant 0 : i32
    %add3A_211 = arith.addi %mul3A_209, %add3A_210 : i32
    %mul3A_212 = arith.constant 640 : i32
    %mul3A_213 = arith.muli %add3A, %mul3A_212 : i32
    %add3A_214 = arith.constant 80 : i32
    %add3A_215 = arith.addi %mul3A_213, %add3A_214 : i32
    %mul3A_216 = arith.constant 640 : i32
    %mul3A_217 = arith.muli %add3A, %mul3A_216 : i32
    %add3A_218 = arith.constant 160 : i32
    %add3A_219 = arith.addi %mul3A_217, %add3A_218 : i32
    %mul3A_220 = arith.constant 640 : i32
    %mul3A_221 = arith.muli %add3A, %mul3A_220 : i32
    %add3A_222 = arith.constant 240 : i32
    %add3A_223 = arith.addi %mul3A_221, %add3A_222 : i32
    %mul3A_224 = arith.constant 640 : i32
    %mul3A_225 = arith.muli %add3A, %mul3A_224 : i32
    %add3A_226 = arith.constant 320 : i32
    %add3A_227 = arith.addi %mul3A_225, %add3A_226 : i32
    %mul3A_228 = arith.constant 640 : i32
    %mul3A_229 = arith.muli %add3A, %mul3A_228 : i32
    %add3A_230 = arith.constant 400 : i32
    %add3A_231 = arith.addi %mul3A_229, %add3A_230 : i32
    %mul3A_232 = arith.constant 640 : i32
    %mul3A_233 = arith.muli %add3A, %mul3A_232 : i32
    %add3A_234 = arith.constant 480 : i32
    %add3A_235 = arith.addi %mul3A_233, %add3A_234 : i32
    %mul3A_236 = arith.constant 640 : i32
    %mul3A_237 = arith.muli %add3A, %mul3A_236 : i32
    %add3A_238 = arith.constant 560 : i32
    %add3A_239 = arith.addi %mul3A_237, %add3A_238 : i32
    %dma_start3A_240 = arith.constant 0 : i32
    %dma_start3A_241 = tpu.memref_slice %arg7[%add3A_179, %dma_start3A_240] : memref<10240x128xf32, #tpu.memory_space<vmem_shared>> -> memref<80x128xf32, #tpu.memory_space<vmem_shared>>
    %dma_start3A_242 = arith.constant 0 : i32
    %dma_start3A_243 = tpu.memref_slice %arg7[%add3A_179, %dma_start3A_242] : memref<10240x128xf32, #tpu.memory_space<vmem_shared>> -> memref<80x128xf32, #tpu.memory_space<vmem_shared>>
    tpu.enqueue_dma source(%dma_start3A_243 : memref<80x128xf32, #tpu.memory_space<vmem_shared>>) target(%arg8 : memref<80x128xf32, #tpu.memory_space<vmem>>) target_semaphore(%arg17 : memref<!tpu.dma_semaphore, #tpu.memory_space<semaphore_mem>>)
    %dma_wait3A_244 = arith.constant 0 : i32
    %dma_wait3A_245 = tpu.memref_slice %arg7[%add3A_179, %dma_wait3A_244] : memref<10240x128xf32, #tpu.memory_space<vmem_shared>> -> memref<80x128xf32, #tpu.memory_space<vmem_shared>>
    %dma_wait3A_246 = arith.constant 0 : i32
    %dma_wait3A_247 = tpu.memref_slice %arg7[%add3A_179, %dma_wait3A_246] : memref<10240x128xf32, #tpu.memory_space<vmem_shared>> -> memref<80x128xf32, #tpu.memory_space<vmem_shared>>
    tpu.wait_dma2 semaphore(%arg17 : memref<!tpu.dma_semaphore, #tpu.memory_space<semaphore_mem>>) src(%dma_wait3A_247 : memref<80x128xf32, #tpu.memory_space<vmem_shared>>) dst(%arg8 : memref<80x128xf32, #tpu.memory_space<vmem>>)
    %dma_start3A_248 = arith.constant 0 : i32
    %dma_start3A_249 = tpu.memref_slice %arg6[%add3A_211, %dma_start3A_248] : memref<20480x128xf32, #tpu.memory_space<hbm>> -> memref<80x128xf32, #tpu.memory_space<hbm>>
    %dma_start3A_250 = arith.constant 0 : i32
    %dma_start3A_251 = tpu.memref_slice %arg6[%add3A_211, %dma_start3A_250] : memref<20480x128xf32, #tpu.memory_space<hbm>> -> memref<80x128xf32, #tpu.memory_space<hbm>>
    tpu.enqueue_dma source(%arg8 : memref<80x128xf32, #tpu.memory_space<vmem>>) target(%dma_start3A_251 : memref<80x128xf32, #tpu.memory_space<hbm>>) target_semaphore(%arg20 : memref<!tpu.dma_semaphore, #tpu.memory_space<semaphore_mem>>)
    %dma_start3A_252 = arith.constant 0 : i32
    %dma_start3A_253 = tpu.memref_slice %arg7[%add3A_183, %dma_start3A_252] : memref<10240x128xf32, #tpu.memory_space<vmem_shared>> -> memref<80x128xf32, #tpu.memory_space<vmem_shared>>
    %dma_start3A_254 = arith.constant 0 : i32
    %dma_start3A_255 = tpu.memref_slice %arg7[%add3A_183, %dma_start3A_254] : memref<10240x128xf32, #tpu.memory_space<vmem_shared>> -> memref<80x128xf32, #tpu.memory_space<vmem_shared>>
    tpu.enqueue_dma source(%dma_start3A_255 : memref<80x128xf32, #tpu.memory_space<vmem_shared>>) target(%arg9 : memref<80x128xf32, #tpu.memory_space<vmem>>) target_semaphore(%arg18 : memref<!tpu.dma_semaphore, #tpu.memory_space<semaphore_mem>>)
    %dma_wait3A_256 = arith.constant 0 : i32
    %dma_wait3A_257 = tpu.memref_slice %arg7[%add3A_183, %dma_wait3A_256] : memref<10240x128xf32, #tpu.memory_space<vmem_shared>> -> memref<80x128xf32, #tpu.memory_space<vmem_shared>>
    %dma_wait3A_258 = arith.constant 0 : i32
    %dma_wait3A_259 = tpu.memref_slice %arg7[%add3A_183, %dma_wait3A_258] : memref<10240x128xf32, #tpu.memory_space<vmem_shared>> -> memref<80x128xf32, #tpu.memory_space<vmem_shared>>
    tpu.wait_dma2 semaphore(%arg18 : memref<!tpu.dma_semaphore, #tpu.memory_space<semaphore_mem>>) src(%dma_wait3A_259 : memref<80x128xf32, #tpu.memory_space<vmem_shared>>) dst(%arg9 : memref<80x128xf32, #tpu.memory_space<vmem>>)
    %dma_start3A_260 = arith.constant 0 : i32
    %dma_start3A_261 = tpu.memref_slice %arg6[%add3A_215, %dma_start3A_260] : memref<20480x128xf32, #tpu.memory_space<hbm>> -> memref<80x128xf32, #tpu.memory_space<hbm>>
    %dma_start3A_262 = arith.constant 0 : i32
    %dma_start3A_263 = tpu.memref_slice %arg6[%add3A_215, %dma_start3A_262] : memref<20480x128xf32, #tpu.memory_space<hbm>> -> memref<80x128xf32, #tpu.memory_space<hbm>>
    tpu.enqueue_dma source(%arg9 : memref<80x128xf32, #tpu.memory_space<vmem>>) target(%dma_start3A_263 : memref<80x128xf32, #tpu.memory_space<hbm>>) target_semaphore(%arg21 : memref<!tpu.dma_semaphore, #tpu.memory_space<semaphore_mem>>)
    %dma_wait3A_264 = arith.constant 0 : i32
    %dma_wait3A_265 = tpu.memref_slice %arg6[%add3A_211, %dma_wait3A_264] : memref<20480x128xf32, #tpu.memory_space<hbm>> -> memref<80x128xf32, #tpu.memory_space<hbm>>
    %dma_wait3A_266 = arith.constant 0 : i32
    %dma_wait3A_267 = tpu.memref_slice %arg6[%add3A_211, %dma_wait3A_266] : memref<20480x128xf32, #tpu.memory_space<hbm>> -> memref<80x128xf32, #tpu.memory_space<hbm>>
    tpu.wait_dma2 semaphore(%arg20 : memref<!tpu.dma_semaphore, #tpu.memory_space<semaphore_mem>>) src(%arg8 : memref<80x128xf32, #tpu.memory_space<vmem>>) dst(%dma_wait3A_267 : memref<80x128xf32, #tpu.memory_space<hbm>>)
    %dma_start3A_268 = arith.constant 0 : i32
    %dma_start3A_269 = tpu.memref_slice %arg7[%add3A_187, %dma_start3A_268] : memref<10240x128xf32, #tpu.memory_space<vmem_shared>> -> memref<80x128xf32, #tpu.memory_space<vmem_shared>>
    %dma_start3A_270 = arith.constant 0 : i32
    %dma_start3A_271 = tpu.memref_slice %arg7[%add3A_187, %dma_start3A_270] : memref<10240x128xf32, #tpu.memory_space<vmem_shared>> -> memref<80x128xf32, #tpu.memory_space<vmem_shared>>
    tpu.enqueue_dma source(%dma_start3A_271 : memref<80x128xf32, #tpu.memory_space<vmem_shared>>) target(%arg8 : memref<80x128xf32, #tpu.memory_space<vmem>>) target_semaphore(%arg17 : memref<!tpu.dma_semaphore, #tpu.memory_space<semaphore_mem>>)
    %dma_wait3A_272 = arith.constant 0 : i32
    %dma_wait3A_273 = tpu.memref_slice %arg7[%add3A_187, %dma_wait3A_272] : memref<10240x128xf32, #tpu.memory_space<vmem_shared>> -> memref<80x128xf32, #tpu.memory_space<vmem_shared>>
    %dma_wait3A_274 = arith.constant 0 : i32
    %dma_wait3A_275 = tpu.memref_slice %arg7[%add3A_187, %dma_wait3A_274] : memref<10240x128xf32, #tpu.memory_space<vmem_shared>> -> memref<80x128xf32, #tpu.memory_space<vmem_shared>>
    tpu.wait_dma2 semaphore(%arg17 : memref<!tpu.dma_semaphore, #tpu.memory_space<semaphore_mem>>) src(%dma_wait3A_275 : memref<80x128xf32, #tpu.memory_space<vmem_shared>>) dst(%arg8 : memref<80x128xf32, #tpu.memory_space<vmem>>)
    %dma_start3A_276 = arith.constant 0 : i32
    %dma_start3A_277 = tpu.memref_slice %arg6[%add3A_219, %dma_start3A_276] : memref<20480x128xf32, #tpu.memory_space<hbm>> -> memref<80x128xf32, #tpu.memory_space<hbm>>
    %dma_start3A_278 = arith.constant 0 : i32
    %dma_start3A_279 = tpu.memref_slice %arg6[%add3A_219, %dma_start3A_278] : memref<20480x128xf32, #tpu.memory_space<hbm>> -> memref<80x128xf32, #tpu.memory_space<hbm>>
    tpu.enqueue_dma source(%arg8 : memref<80x128xf32, #tpu.memory_space<vmem>>) target(%dma_start3A_279 : memref<80x128xf32, #tpu.memory_space<hbm>>) target_semaphore(%arg20 : memref<!tpu.dma_semaphore, #tpu.memory_space<semaphore_mem>>)
    %dma_wait3A_280 = arith.constant 0 : i32
    %dma_wait3A_281 = tpu.memref_slice %arg6[%add3A_215, %dma_wait3A_280] : memref<20480x128xf32, #tpu.memory_space<hbm>> -> memref<80x128xf32, #tpu.memory_space<hbm>>
    %dma_wait3A_282 = arith.constant 0 : i32
    %dma_wait3A_283 = tpu.memref_slice %arg6[%add3A_215, %dma_wait3A_282] : memref<20480x128xf32, #tpu.memory_space<hbm>> -> memref<80x128xf32, #tpu.memory_space<hbm>>
    tpu.wait_dma2 semaphore(%arg21 : memref<!tpu.dma_semaphore, #tpu.memory_space<semaphore_mem>>) src(%arg9 : memref<80x128xf32, #tpu.memory_space<vmem>>) dst(%dma_wait3A_283 : memref<80x128xf32, #tpu.memory_space<hbm>>)
    %dma_start3A_284 = arith.constant 0 : i32
    %dma_start3A_285 = tpu.memref_slice %arg7[%add3A_191, %dma_start3A_284] : memref<10240x128xf32, #tpu.memory_space<vmem_shared>> -> memref<80x128xf32, #tpu.memory_space<vmem_shared>>
    %dma_start3A_286 = arith.constant 0 : i32
    %dma_start3A_287 = tpu.memref_slice %arg7[%add3A_191, %dma_start3A_286] : memref<10240x128xf32, #tpu.memory_space<vmem_shared>> -> memref<80x128xf32, #tpu.memory_space<vmem_shared>>
    tpu.enqueue_dma source(%dma_start3A_287 : memref<80x128xf32, #tpu.memory_space<vmem_shared>>) target(%arg9 : memref<80x128xf32, #tpu.memory_space<vmem>>) target_semaphore(%arg18 : memref<!tpu.dma_semaphore, #tpu.memory_space<semaphore_mem>>)
    %dma_wait3A_288 = arith.constant 0 : i32
    %dma_wait3A_289 = tpu.memref_slice %arg7[%add3A_191, %dma_wait3A_288] : memref<10240x128xf32, #tpu.memory_space<vmem_shared>> -> memref<80x128xf32, #tpu.memory_space<vmem_shared>>
    %dma_wait3A_290 = arith.constant 0 : i32
    %dma_wait3A_291 = tpu.memref_slice %arg7[%add3A_191, %dma_wait3A_290] : memref<10240x128xf32, #tpu.memory_space<vmem_shared>> -> memref<80x128xf32, #tpu.memory_space<vmem_shared>>
    tpu.wait_dma2 semaphore(%arg18 : memref<!tpu.dma_semaphore, #tpu.memory_space<semaphore_mem>>) src(%dma_wait3A_291 : memref<80x128xf32, #tpu.memory_space<vmem_shared>>) dst(%arg9 : memref<80x128xf32, #tpu.memory_space<vmem>>)
    %dma_start3A_292 = arith.constant 0 : i32
    %dma_start3A_293 = tpu.memref_slice %arg6[%add3A_223, %dma_start3A_292] : memref<20480x128xf32, #tpu.memory_space<hbm>> -> memref<80x128xf32, #tpu.memory_space<hbm>>
    %dma_start3A_294 = arith.constant 0 : i32
    %dma_start3A_295 = tpu.memref_slice %arg6[%add3A_223, %dma_start3A_294] : memref<20480x128xf32, #tpu.memory_space<hbm>> -> memref<80x128xf32, #tpu.memory_space<hbm>>
    tpu.enqueue_dma source(%arg9 : memref<80x128xf32, #tpu.memory_space<vmem>>) target(%dma_start3A_295 : memref<80x128xf32, #tpu.memory_space<hbm>>) target_semaphore(%arg21 : memref<!tpu.dma_semaphore, #tpu.memory_space<semaphore_mem>>)
    %dma_wait3A_296 = arith.constant 0 : i32
    %dma_wait3A_297 = tpu.memref_slice %arg6[%add3A_219, %dma_wait3A_296] : memref<20480x128xf32, #tpu.memory_space<hbm>> -> memref<80x128xf32, #tpu.memory_space<hbm>>
    %dma_wait3A_298 = arith.constant 0 : i32
    %dma_wait3A_299 = tpu.memref_slice %arg6[%add3A_219, %dma_wait3A_298] : memref<20480x128xf32, #tpu.memory_space<hbm>> -> memref<80x128xf32, #tpu.memory_space<hbm>>
    tpu.wait_dma2 semaphore(%arg20 : memref<!tpu.dma_semaphore, #tpu.memory_space<semaphore_mem>>) src(%arg8 : memref<80x128xf32, #tpu.memory_space<vmem>>) dst(%dma_wait3A_299 : memref<80x128xf32, #tpu.memory_space<hbm>>)
    %dma_start3A_300 = arith.constant 0 : i32
    %dma_start3A_301 = tpu.memref_slice %arg7[%add3A_195, %dma_start3A_300] : memref<10240x128xf32, #tpu.memory_space<vmem_shared>> -> memref<80x128xf32, #tpu.memory_space<vmem_shared>>
    %dma_start3A_302 = arith.constant 0 : i32
    %dma_start3A_303 = tpu.memref_slice %arg7[%add3A_195, %dma_start3A_302] : memref<10240x128xf32, #tpu.memory_space<vmem_shared>> -> memref<80x128xf32, #tpu.memory_space<vmem_shared>>
    tpu.enqueue_dma source(%dma_start3A_303 : memref<80x128xf32, #tpu.memory_space<vmem_shared>>) target(%arg8 : memref<80x128xf32, #tpu.memory_space<vmem>>) target_semaphore(%arg17 : memref<!tpu.dma_semaphore, #tpu.memory_space<semaphore_mem>>)
    %dma_wait3A_304 = arith.constant 0 : i32
    %dma_wait3A_305 = tpu.memref_slice %arg7[%add3A_195, %dma_wait3A_304] : memref<10240x128xf32, #tpu.memory_space<vmem_shared>> -> memref<80x128xf32, #tpu.memory_space<vmem_shared>>
    %dma_wait3A_306 = arith.constant 0 : i32
    %dma_wait3A_307 = tpu.memref_slice %arg7[%add3A_195, %dma_wait3A_306] : memref<10240x128xf32, #tpu.memory_space<vmem_shared>> -> memref<80x128xf32, #tpu.memory_space<vmem_shared>>
    tpu.wait_dma2 semaphore(%arg17 : memref<!tpu.dma_semaphore, #tpu.memory_space<semaphore_mem>>) src(%dma_wait3A_307 : memref<80x128xf32, #tpu.memory_space<vmem_shared>>) dst(%arg8 : memref<80x128xf32, #tpu.memory_space<vmem>>)
    %dma_start3A_308 = arith.constant 0 : i32
    %dma_start3A_309 = tpu.memref_slice %arg6[%add3A_227, %dma_start3A_308] : memref<20480x128xf32, #tpu.memory_space<hbm>> -> memref<80x128xf32, #tpu.memory_space<hbm>>
    %dma_start3A_310 = arith.constant 0 : i32
    %dma_start3A_311 = tpu.memref_slice %arg6[%add3A_227, %dma_start3A_310] : memref<20480x128xf32, #tpu.memory_space<hbm>> -> memref<80x128xf32, #tpu.memory_space<hbm>>
    tpu.enqueue_dma source(%arg8 : memref<80x128xf32, #tpu.memory_space<vmem>>) target(%dma_start3A_311 : memref<80x128xf32, #tpu.memory_space<hbm>>) target_semaphore(%arg20 : memref<!tpu.dma_semaphore, #tpu.memory_space<semaphore_mem>>)
    %dma_wait3A_312 = arith.constant 0 : i32
    %dma_wait3A_313 = tpu.memref_slice %arg6[%add3A_223, %dma_wait3A_312] : memref<20480x128xf32, #tpu.memory_space<hbm>> -> memref<80x128xf32, #tpu.memory_space<hbm>>
    %dma_wait3A_314 = arith.constant 0 : i32
    %dma_wait3A_315 = tpu.memref_slice %arg6[%add3A_223, %dma_wait3A_314] : memref<20480x128xf32, #tpu.memory_space<hbm>> -> memref<80x128xf32, #tpu.memory_space<hbm>>
    tpu.wait_dma2 semaphore(%arg21 : memref<!tpu.dma_semaphore, #tpu.memory_space<semaphore_mem>>) src(%arg9 : memref<80x128xf32, #tpu.memory_space<vmem>>) dst(%dma_wait3A_315 : memref<80x128xf32, #tpu.memory_space<hbm>>)
    %dma_start3A_316 = arith.constant 0 : i32
    %dma_start3A_317 = tpu.memref_slice %arg7[%add3A_199, %dma_start3A_316] : memref<10240x128xf32, #tpu.memory_space<vmem_shared>> -> memref<80x128xf32, #tpu.memory_space<vmem_shared>>
    %dma_start3A_318 = arith.constant 0 : i32
    %dma_start3A_319 = tpu.memref_slice %arg7[%add3A_199, %dma_start3A_318] : memref<10240x128xf32, #tpu.memory_space<vmem_shared>> -> memref<80x128xf32, #tpu.memory_space<vmem_shared>>
    tpu.enqueue_dma source(%dma_start3A_319 : memref<80x128xf32, #tpu.memory_space<vmem_shared>>) target(%arg9 : memref<80x128xf32, #tpu.memory_space<vmem>>) target_semaphore(%arg18 : memref<!tpu.dma_semaphore, #tpu.memory_space<semaphore_mem>>)
    %dma_wait3A_320 = arith.constant 0 : i32
    %dma_wait3A_321 = tpu.memref_slice %arg7[%add3A_199, %dma_wait3A_320] : memref<10240x128xf32, #tpu.memory_space<vmem_shared>> -> memref<80x128xf32, #tpu.memory_space<vmem_shared>>
    %dma_wait3A_322 = arith.constant 0 : i32
    %dma_wait3A_323 = tpu.memref_slice %arg7[%add3A_199, %dma_wait3A_322] : memref<10240x128xf32, #tpu.memory_space<vmem_shared>> -> memref<80x128xf32, #tpu.memory_space<vmem_shared>>
    tpu.wait_dma2 semaphore(%arg18 : memref<!tpu.dma_semaphore, #tpu.memory_space<semaphore_mem>>) src(%dma_wait3A_323 : memref<80x128xf32, #tpu.memory_space<vmem_shared>>) dst(%arg9 : memref<80x128xf32, #tpu.memory_space<vmem>>)
    %dma_start3A_324 = arith.constant 0 : i32
    %dma_start3A_325 = tpu.memref_slice %arg6[%add3A_231, %dma_start3A_324] : memref<20480x128xf32, #tpu.memory_space<hbm>> -> memref<80x128xf32, #tpu.memory_space<hbm>>
    %dma_start3A_326 = arith.constant 0 : i32
    %dma_start3A_327 = tpu.memref_slice %arg6[%add3A_231, %dma_start3A_326] : memref<20480x128xf32, #tpu.memory_space<hbm>> -> memref<80x128xf32, #tpu.memory_space<hbm>>
    tpu.enqueue_dma source(%arg9 : memref<80x128xf32, #tpu.memory_space<vmem>>) target(%dma_start3A_327 : memref<80x128xf32, #tpu.memory_space<hbm>>) target_semaphore(%arg21 : memref<!tpu.dma_semaphore, #tpu.memory_space<semaphore_mem>>)
    %dma_wait3A_328 = arith.constant 0 : i32
    %dma_wait3A_329 = tpu.memref_slice %arg6[%add3A_227, %dma_wait3A_328] : memref<20480x128xf32, #tpu.memory_space<hbm>> -> memref<80x128xf32, #tpu.memory_space<hbm>>
    %dma_wait3A_330 = arith.constant 0 : i32
    %dma_wait3A_331 = tpu.memref_slice %arg6[%add3A_227, %dma_wait3A_330] : memref<20480x128xf32, #tpu.memory_space<hbm>> -> memref<80x128xf32, #tpu.memory_space<hbm>>
    tpu.wait_dma2 semaphore(%arg20 : memref<!tpu.dma_semaphore, #tpu.memory_space<semaphore_mem>>) src(%arg8 : memref<80x128xf32, #tpu.memory_space<vmem>>) dst(%dma_wait3A_331 : memref<80x128xf32, #tpu.memory_space<hbm>>)
    %dma_start3A_332 = arith.constant 0 : i32
    %dma_start3A_333 = tpu.memref_slice %arg7[%add3A_203, %dma_start3A_332] : memref<10240x128xf32, #tpu.memory_space<vmem_shared>> -> memref<80x128xf32, #tpu.memory_space<vmem_shared>>
    %dma_start3A_334 = arith.constant 0 : i32
    %dma_start3A_335 = tpu.memref_slice %arg7[%add3A_203, %dma_start3A_334] : memref<10240x128xf32, #tpu.memory_space<vmem_shared>> -> memref<80x128xf32, #tpu.memory_space<vmem_shared>>
    tpu.enqueue_dma source(%dma_start3A_335 : memref<80x128xf32, #tpu.memory_space<vmem_shared>>) target(%arg8 : memref<80x128xf32, #tpu.memory_space<vmem>>) target_semaphore(%arg17 : memref<!tpu.dma_semaphore, #tpu.memory_space<semaphore_mem>>)
    %dma_wait3A_336 = arith.constant 0 : i32
    %dma_wait3A_337 = tpu.memref_slice %arg7[%add3A_203, %dma_wait3A_336] : memref<10240x128xf32, #tpu.memory_space<vmem_shared>> -> memref<80x128xf32, #tpu.memory_space<vmem_shared>>
    %dma_wait3A_338 = arith.constant 0 : i32
    %dma_wait3A_339 = tpu.memref_slice %arg7[%add3A_203, %dma_wait3A_338] : memref<10240x128xf32, #tpu.memory_space<vmem_shared>> -> memref<80x128xf32, #tpu.memory_space<vmem_shared>>
    tpu.wait_dma2 semaphore(%arg17 : memref<!tpu.dma_semaphore, #tpu.memory_space<semaphore_mem>>) src(%dma_wait3A_339 : memref<80x128xf32, #tpu.memory_space<vmem_shared>>) dst(%arg8 : memref<80x128xf32, #tpu.memory_space<vmem>>)
    %dma_start3A_340 = arith.constant 0 : i32
    %dma_start3A_341 = tpu.memref_slice %arg6[%add3A_235, %dma_start3A_340] : memref<20480x128xf32, #tpu.memory_space<hbm>> -> memref<80x128xf32, #tpu.memory_space<hbm>>
    %dma_start3A_342 = arith.constant 0 : i32
    %dma_start3A_343 = tpu.memref_slice %arg6[%add3A_235, %dma_start3A_342] : memref<20480x128xf32, #tpu.memory_space<hbm>> -> memref<80x128xf32, #tpu.memory_space<hbm>>
    tpu.enqueue_dma source(%arg8 : memref<80x128xf32, #tpu.memory_space<vmem>>) target(%dma_start3A_343 : memref<80x128xf32, #tpu.memory_space<hbm>>) target_semaphore(%arg20 : memref<!tpu.dma_semaphore, #tpu.memory_space<semaphore_mem>>)
    %dma_wait3A_344 = arith.constant 0 : i32
    %dma_wait3A_345 = tpu.memref_slice %arg6[%add3A_231, %dma_wait3A_344] : memref<20480x128xf32, #tpu.memory_space<hbm>> -> memref<80x128xf32, #tpu.memory_space<hbm>>
    %dma_wait3A_346 = arith.constant 0 : i32
    %dma_wait3A_347 = tpu.memref_slice %arg6[%add3A_231, %dma_wait3A_346] : memref<20480x128xf32, #tpu.memory_space<hbm>> -> memref<80x128xf32, #tpu.memory_space<hbm>>
    tpu.wait_dma2 semaphore(%arg21 : memref<!tpu.dma_semaphore, #tpu.memory_space<semaphore_mem>>) src(%arg9 : memref<80x128xf32, #tpu.memory_space<vmem>>) dst(%dma_wait3A_347 : memref<80x128xf32, #tpu.memory_space<hbm>>)
    %dma_start3A_348 = arith.constant 0 : i32
    %dma_start3A_349 = tpu.memref_slice %arg7[%add3A_207, %dma_start3A_348] : memref<10240x128xf32, #tpu.memory_space<vmem_shared>> -> memref<80x128xf32, #tpu.memory_space<vmem_shared>>
    %dma_start3A_350 = arith.constant 0 : i32
    %dma_start3A_351 = tpu.memref_slice %arg7[%add3A_207, %dma_start3A_350] : memref<10240x128xf32, #tpu.memory_space<vmem_shared>> -> memref<80x128xf32, #tpu.memory_space<vmem_shared>>
    tpu.enqueue_dma source(%dma_start3A_351 : memref<80x128xf32, #tpu.memory_space<vmem_shared>>) target(%arg9 : memref<80x128xf32, #tpu.memory_space<vmem>>) target_semaphore(%arg18 : memref<!tpu.dma_semaphore, #tpu.memory_space<semaphore_mem>>)
    %dma_wait3A_352 = arith.constant 0 : i32
    %dma_wait3A_353 = tpu.memref_slice %arg7[%add3A_207, %dma_wait3A_352] : memref<10240x128xf32, #tpu.memory_space<vmem_shared>> -> memref<80x128xf32, #tpu.memory_space<vmem_shared>>
    %dma_wait3A_354 = arith.constant 0 : i32
    %dma_wait3A_355 = tpu.memref_slice %arg7[%add3A_207, %dma_wait3A_354] : memref<10240x128xf32, #tpu.memory_space<vmem_shared>> -> memref<80x128xf32, #tpu.memory_space<vmem_shared>>
    tpu.wait_dma2 semaphore(%arg18 : memref<!tpu.dma_semaphore, #tpu.memory_space<semaphore_mem>>) src(%dma_wait3A_355 : memref<80x128xf32, #tpu.memory_space<vmem_shared>>) dst(%arg9 : memref<80x128xf32, #tpu.memory_space<vmem>>)
    %dma_start3A_356 = arith.constant 0 : i32
    %dma_start3A_357 = tpu.memref_slice %arg6[%add3A_239, %dma_start3A_356] : memref<20480x128xf32, #tpu.memory_space<hbm>> -> memref<80x128xf32, #tpu.memory_space<hbm>>
    %dma_start3A_358 = arith.constant 0 : i32
    %dma_start3A_359 = tpu.memref_slice %arg6[%add3A_239, %dma_start3A_358] : memref<20480x128xf32, #tpu.memory_space<hbm>> -> memref<80x128xf32, #tpu.memory_space<hbm>>
    tpu.enqueue_dma source(%arg9 : memref<80x128xf32, #tpu.memory_space<vmem>>) target(%dma_start3A_359 : memref<80x128xf32, #tpu.memory_space<hbm>>) target_semaphore(%arg21 : memref<!tpu.dma_semaphore, #tpu.memory_space<semaphore_mem>>)
    %dma_wait3A_360 = arith.constant 0 : i32
    %dma_wait3A_361 = tpu.memref_slice %arg6[%add3A_235, %dma_wait3A_360] : memref<20480x128xf32, #tpu.memory_space<hbm>> -> memref<80x128xf32, #tpu.memory_space<hbm>>
    %dma_wait3A_362 = arith.constant 0 : i32
    %dma_wait3A_363 = tpu.memref_slice %arg6[%add3A_235, %dma_wait3A_362] : memref<20480x128xf32, #tpu.memory_space<hbm>> -> memref<80x128xf32, #tpu.memory_space<hbm>>
    tpu.wait_dma2 semaphore(%arg20 : memref<!tpu.dma_semaphore, #tpu.memory_space<semaphore_mem>>) src(%arg8 : memref<80x128xf32, #tpu.memory_space<vmem>>) dst(%dma_wait3A_363 : memref<80x128xf32, #tpu.memory_space<hbm>>)
    %dma_wait3A_364 = arith.constant 0 : i32
    %dma_wait3A_365 = tpu.memref_slice %arg6[%add3A_239, %dma_wait3A_364] : memref<20480x128xf32, #tpu.memory_space<hbm>> -> memref<80x128xf32, #tpu.memory_space<hbm>>
    %dma_wait3A_366 = arith.constant 0 : i32
    %dma_wait3A_367 = tpu.memref_slice %arg6[%add3A_239, %dma_wait3A_366] : memref<20480x128xf32, #tpu.memory_space<hbm>> -> memref<80x128xf32, #tpu.memory_space<hbm>>
    tpu.wait_dma2 semaphore(%arg21 : memref<!tpu.dma_semaphore, #tpu.memory_space<semaphore_mem>>) src(%arg9 : memref<80x128xf32, #tpu.memory_space<vmem>>) dst(%dma_wait3A_367 : memref<80x128xf32, #tpu.memory_space<hbm>>)
    return
  }
}

module attributes {stable_mosaic.version = 14 : i64} {
  func.func @_mid_body(%arg0: i32, %arg1: memref<1x1000x128xf32, #tpu.memory_space<vmem>>, %arg2: memref<1x1000x128xf32, #tpu.memory_space<vmem>>, %arg3: memref<1000x1xf32, #tpu.memory_space<vmem>>, %arg4: memref<128x128xf32, #tpu.memory_space<vmem>>, %arg5: memref<1x128xf32, #tpu.memory_space<vmem>>, %arg6: memref<1000x128xf32, #tpu.memory_space<vmem>>, %arg7: memref<1000x128xf32, #tpu.memory_space<vmem>>) attributes {dimension_semantics = [#tpu.dimension_semantics<arbitrary>], iteration_bounds = array<i64: 10>, scalar_prefetch = 0 : i64, scratch_operands = 0 : i64, tpu.core_type = #tpu.core_type<tc>, window_params = [{transform_indices = @transform_0, window_bounds = array<i64: 1, 1000, 128>}, {transform_indices = @transform_1, window_bounds = array<i64: 1, 1000, 128>}, {transform_indices = @transform_2, window_bounds = array<i64: 1000, 1>}, {pipeline_mode = #tpu.pipeline_mode<synchronous>, transform_indices = @transform_3, window_bounds = array<i64: 128, 128>}, {pipeline_mode = #tpu.pipeline_mode<synchronous>, transform_indices = @transform_4, window_bounds = array<i64: 1, 128>}, {transform_indices = @transform_5, window_bounds = array<i64: 1000, 128>}, {transform_indices = @transform_6, window_bounds = array<i64: 1000, 128>}]} {
    %get3A = arith.constant 0 : index
    %get3A_0 = arith.constant 0 : index
    %get3A_1 = arith.constant 0 : index
    %get3A_2 = vector.load %arg1[%get3A, %get3A_0, %get3A_1] : memref<1x1000x128xf32, #tpu.memory_space<vmem>>, vector<1x1000x128xf32>
    %get3A_3 = vector.shape_cast %get3A_2 : vector<1x1000x128xf32> to vector<1000x128xf32>
    %get3A_4 = arith.constant 0 : index
    %get3A_5 = arith.constant 0 : index
    %get3A_6 = arith.constant 0 : index
    %get3A_7 = vector.load %arg2[%get3A_4, %get3A_5, %get3A_6] : memref<1x1000x128xf32, #tpu.memory_space<vmem>>, vector<1x1000x128xf32>
    %get3A_8 = vector.shape_cast %get3A_7 : vector<1x1000x128xf32> to vector<1000x128xf32>
    %add3A = arith.addf %get3A_3, %get3A_8 : vector<1000x128xf32>
    %get3A_9 = arith.constant 0 : index
    %get3A_10 = arith.constant 0 : index
    %get3A_11 = vector.load %arg3[%get3A_9, %get3A_10] : memref<1000x1xf32, #tpu.memory_space<vmem>>, vector<1000x1xf32>
    %mul3A = vector.broadcast %get3A_11 : vector<1000x1xf32> to vector<1000x128xf32>
    %mul3A_12 = arith.mulf %add3A, %mul3A : vector<1000x128xf32>
    %get3A_13 = arith.constant 0 : index
    %get3A_14 = arith.constant 0 : index
    %get3A_15 = vector.load %arg4[%get3A_13, %get3A_14] : memref<128x128xf32, #tpu.memory_space<vmem>>, vector<128x128xf32>
    %dot_general3A = arith.constant dense<0.000000e+00> : vector<1000x128xf32>
    %dot_general3A_16 = tpu.matmul %mul3A_12, %get3A_15, %dot_general3A {dimension_numbers = #tpu.dot_dimension_numbers<[1], [0], [0], [1], [0, 0, 1, 1], [], []>, transpose_lhs_hint = false} : vector<1000x128xf32>, vector<128x128xf32>, vector<1000x128xf32> -> vector<1000x128xf32>
    %get3A_17 = arith.constant 0 : index
    %get3A_18 = arith.constant 0 : index
    %get3A_19 = vector.load %arg5[%get3A_17, %get3A_18] : memref<1x128xf32, #tpu.memory_space<vmem>>, vector<1x128xf32>
    %add3A_20 = vector.broadcast %get3A_19 : vector<1x128xf32> to vector<1000x128xf32>
    %add3A_21 = arith.addf %dot_general3A_16, %add3A_20 : vector<1000x128xf32>
    %max3A = arith.constant 0.000000e+00 : f32
    %max3A_22 = vector.broadcast %max3A : f32 to vector<1000x128xf32>
    %max3A_23 = arith.maximumf %add3A_21, %max3A_22 : vector<1000x128xf32>
    %get3A_24 = arith.constant 0 : index
    %get3A_25 = arith.constant 0 : index
    %get3A_26 = vector.load %arg6[%get3A_24, %get3A_25] : memref<1000x128xf32, #tpu.memory_space<vmem>>, vector<1000x128xf32>
    %add3A_27 = arith.addf %max3A_23, %get3A_26 : vector<1000x128xf32>
    %swap3A = arith.constant 0 : index
    %swap3A_28 = arith.constant 0 : index
    %swap3A_29 = vector.load %arg7[%swap3A, %swap3A_28] : memref<1000x128xf32, #tpu.memory_space<vmem>>, vector<1000x128xf32>
    tpu.vector_store %arg7[%swap3A, %swap3A_28], %add3A_27 {strides = array<i32>} : memref<1000x128xf32, #tpu.memory_space<vmem>>, vector<1000x128xf32>,
    return
  }
  func.func @transform_0(%arg0: i32) -> (i32, i32, i32) {
    %c0_i32 = arith.constant 0 : i32
    %c0_i32_0 = arith.constant 0 : i32
    %c0_i32_1 = arith.constant 0 : i32
    return %c0_i32, %arg0, %c0_i32_0 : i32, i32, i32
  }
  func.func @transform_1(%arg0: i32) -> (i32, i32, i32) {
    %c1_i32 = arith.constant 1 : i32
    %c0_i32 = arith.constant 0 : i32
    %c0_i32_0 = arith.constant 0 : i32
    return %c1_i32, %arg0, %c0_i32 : i32, i32, i32
  }
  func.func @transform_2(%arg0: i32) -> (i32, i32) {
    %c0_i32 = arith.constant 0 : i32
    %c0_i32_0 = arith.constant 0 : i32
    return %arg0, %c0_i32 : i32, i32
  }
  func.func @transform_3(%arg0: i32) -> (i32, i32) {
    %c0_i32 = arith.constant 0 : i32
    %c0_i32_0 = arith.constant 0 : i32
    %c0_i32_1 = arith.constant 0 : i32
    return %c0_i32, %c0_i32_0 : i32, i32
  }
  func.func @transform_4(%arg0: i32) -> (i32, i32) {
    %c0_i32 = arith.constant 0 : i32
    %c0_i32_0 = arith.constant 0 : i32
    %c0_i32_1 = arith.constant 0 : i32
    return %c0_i32, %c0_i32_0 : i32, i32
  }
  func.func @transform_5(%arg0: i32) -> (i32, i32) {
    %c0_i32 = arith.constant 0 : i32
    %c0_i32_0 = arith.constant 0 : i32
    return %arg0, %c0_i32 : i32, i32
  }
  func.func @transform_6(%arg0: i32) -> (i32, i32) {
    %c0_i32 = arith.constant 0 : i32
    %c0_i32_0 = arith.constant 0 : i32
    return %arg0, %c0_i32 : i32, i32
  }
}

module attributes {stable_mosaic.version = 14 : i64} {
  func.func @_first_body(%arg0: i32, %arg1: memref<1x1000x128xf32, #tpu.memory_space<vmem>>, %arg2: memref<1x1000x128xf32, #tpu.memory_space<vmem>>, %arg3: memref<1x1000x128xf32, #tpu.memory_space<vmem>>, %arg4: memref<1x1000x128xf32, #tpu.memory_space<vmem>>, %arg5: memref<128x128xf32, #tpu.memory_space<vmem>>, %arg6: memref<1x128xf32, #tpu.memory_space<vmem>>, %arg7: memref<1000x128xf32, #tpu.memory_space<vmem>>, %arg8: memref<1000x128xf32, #tpu.memory_space<vmem>>, %arg9: memref<1000x1xf32, #tpu.memory_space<vmem>>) attributes {dimension_semantics = [#tpu.dimension_semantics<arbitrary>], iteration_bounds = array<i64: 10>, scalar_prefetch = 0 : i64, scratch_operands = 0 : i64, tpu.core_type = #tpu.core_type<tc>, window_params = [{transform_indices = @transform_0, window_bounds = array<i64: 1, 1000, 128>}, {transform_indices = @transform_1, window_bounds = array<i64: 1, 1000, 128>}, {transform_indices = @transform_2, window_bounds = array<i64: 1, 1000, 128>}, {transform_indices = @transform_3, window_bounds = array<i64: 1, 1000, 128>}, {pipeline_mode = #tpu.pipeline_mode<synchronous>, transform_indices = @transform_4, window_bounds = array<i64: 128, 128>}, {pipeline_mode = #tpu.pipeline_mode<synchronous>, transform_indices = @transform_5, window_bounds = array<i64: 1, 128>}, {transform_indices = @transform_6, window_bounds = array<i64: 1000, 128>}, {transform_indices = @transform_7, window_bounds = array<i64: 1000, 128>}, {transform_indices = @transform_8, window_bounds = array<i64: 1000, 1>}]} {
    %get3A = arith.constant 0 : index
    %get3A_0 = arith.constant 0 : index
    %get3A_1 = arith.constant 0 : index
    %get3A_2 = vector.load %arg3[%get3A, %get3A_0, %get3A_1] : memref<1x1000x128xf32, #tpu.memory_space<vmem>>, vector<1x1000x128xf32>
    %get3A_3 = vector.shape_cast %get3A_2 : vector<1x1000x128xf32> to vector<1000x128xf32>
    %slice3A = vector.extract_strided_slice %get3A_3 {offsets = [0, 0], sizes = [1000, 1], strides = [1, 1]} : vector<1000x128xf32> to vector<1000x1xf32>
    %squeeze3A = vector.shape_cast %slice3A : vector<1000x1xf32> to vector<1000xf32>
    %get3A_4 = arith.constant 0 : index
    %get3A_5 = arith.constant 0 : index
    %get3A_6 = arith.constant 0 : index
    %get3A_7 = vector.load %arg4[%get3A_4, %get3A_5, %get3A_6] : memref<1x1000x128xf32, #tpu.memory_space<vmem>>, vector<1x1000x128xf32>
    %get3A_8 = vector.shape_cast %get3A_7 : vector<1x1000x128xf32> to vector<1000x128xf32>
    %slice3A_9 = vector.extract_strided_slice %get3A_8 {offsets = [0, 0], sizes = [1000, 1], strides = [1, 1]} : vector<1000x128xf32> to vector<1000x1xf32>
    %squeeze3A_10 = vector.shape_cast %slice3A_9 : vector<1000x1xf32> to vector<1000xf32>
    %add3A = arith.addf %squeeze3A, %squeeze3A_10 : vector<1000xf32>
    %max3A = arith.constant 1.000000e+00 : f32
    %max3A_11 = vector.broadcast %max3A : f32 to vector<1000xf32>
    %max3A_12 = arith.maximumf %add3A, %max3A_11 : vector<1000xf32>
    %div3A = arith.constant 1.000000e+00 : f32
    %div3A_13 = vector.broadcast %div3A : f32 to vector<1000xf32>
    %div3A_14 = arith.divf %div3A_13, %max3A_12 : vector<1000xf32>
    %get3A_15 = arith.constant 0 : index
    %get3A_16 = arith.constant 0 : index
    %get3A_17 = arith.constant 0 : index
    %get3A_18 = vector.load %arg1[%get3A_15, %get3A_16, %get3A_17] : memref<1x1000x128xf32, #tpu.memory_space<vmem>>, vector<1x1000x128xf32>
    %get3A_19 = vector.shape_cast %get3A_18 : vector<1x1000x128xf32> to vector<1000x128xf32>
    %get3A_20 = arith.constant 0 : index
    %get3A_21 = arith.constant 0 : index
    %get3A_22 = arith.constant 0 : index
    %get3A_23 = vector.load %arg2[%get3A_20, %get3A_21, %get3A_22] : memref<1x1000x128xf32, #tpu.memory_space<vmem>>, vector<1x1000x128xf32>
    %get3A_24 = vector.shape_cast %get3A_23 : vector<1x1000x128xf32> to vector<1000x128xf32>
    %add3A_25 = arith.addf %get3A_19, %get3A_24 : vector<1000x128xf32>
    %broadcast_in_dim3A = vector.shape_cast %div3A_14 : vector<1000xf32> to vector<1000x1xf32>
    %mul3A = vector.broadcast %broadcast_in_dim3A : vector<1000x1xf32> to vector<1000x128xf32>
    %mul3A_26 = arith.mulf %add3A_25, %mul3A : vector<1000x128xf32>
    %get3A_27 = arith.constant 0 : index
    %get3A_28 = arith.constant 0 : index
    %get3A_29 = vector.load %arg5[%get3A_27, %get3A_28] : memref<128x128xf32, #tpu.memory_space<vmem>>, vector<128x128xf32>
    %dot_general3A = arith.constant dense<0.000000e+00> : vector<1000x128xf32>
    %dot_general3A_30 = tpu.matmul %mul3A_26, %get3A_29, %dot_general3A {dimension_numbers = #tpu.dot_dimension_numbers<[1], [0], [0], [1], [0, 0, 1, 1], [], []>, transpose_lhs_hint = false} : vector<1000x128xf32>, vector<128x128xf32>, vector<1000x128xf32> -> vector<1000x128xf32>
    %get3A_31 = arith.constant 0 : index
    %get3A_32 = arith.constant 0 : index
    %get3A_33 = vector.load %arg6[%get3A_31, %get3A_32] : memref<1x128xf32, #tpu.memory_space<vmem>>, vector<1x128xf32>
    %add3A_34 = vector.broadcast %get3A_33 : vector<1x128xf32> to vector<1000x128xf32>
    %add3A_35 = arith.addf %dot_general3A_30, %add3A_34 : vector<1000x128xf32>
    %max3A_36 = arith.constant 0.000000e+00 : f32
    %max3A_37 = vector.broadcast %max3A_36 : f32 to vector<1000x128xf32>
    %max3A_38 = arith.maximumf %add3A_35, %max3A_37 : vector<1000x128xf32>
    %get3A_39 = arith.constant 0 : index
    %get3A_40 = arith.constant 0 : index
    %get3A_41 = vector.load %arg7[%get3A_39, %get3A_40] : memref<1000x128xf32, #tpu.memory_space<vmem>>, vector<1000x128xf32>
    %add3A_42 = arith.addf %max3A_38, %get3A_41 : vector<1000x128xf32>
    %swap3A = arith.constant 0 : index
    %swap3A_43 = arith.constant 0 : index
    %swap3A_44 = vector.load %arg8[%swap3A, %swap3A_43] : memref<1000x128xf32, #tpu.memory_space<vmem>>, vector<1000x128xf32>
    tpu.vector_store %arg8[%swap3A, %swap3A_43], %add3A_42 {strides = array<i32>} : memref<1000x128xf32, #tpu.memory_space<vmem>>, vector<1000x128xf32>,
    %broadcast_in_dim3A_45 = vector.shape_cast %div3A_14 : vector<1000xf32> to vector<1000x1xf32>
    %swap3A_46 = arith.constant 0 : index
    %swap3A_47 = arith.constant 0 : index
    %swap3A_48 = vector.load %arg9[%swap3A_46, %swap3A_47] : memref<1000x1xf32, #tpu.memory_space<vmem>>, vector<1000x1xf32>
    tpu.vector_store %arg9[%swap3A_46, %swap3A_47], %broadcast_in_dim3A_45 {strides = array<i32>} : memref<1000x1xf32, #tpu.memory_space<vmem>>, vector<1000x1xf32>,
    return
  }
  func.func @transform_0(%arg0: i32) -> (i32, i32, i32) {
    %c0_i32 = arith.constant 0 : i32
    %c0_i32_0 = arith.constant 0 : i32
    %c0_i32_1 = arith.constant 0 : i32
    return %c0_i32, %arg0, %c0_i32_0 : i32, i32, i32
  }
  func.func @transform_1(%arg0: i32) -> (i32, i32, i32) {
    %c1_i32 = arith.constant 1 : i32
    %c0_i32 = arith.constant 0 : i32
    %c0_i32_0 = arith.constant 0 : i32
    return %c1_i32, %arg0, %c0_i32 : i32, i32, i32
  }
  func.func @transform_2(%arg0: i32) -> (i32, i32, i32) {
    %c0_i32 = arith.constant 0 : i32
    %c0_i32_0 = arith.constant 0 : i32
    %c0_i32_1 = arith.constant 0 : i32
    return %c0_i32, %arg0, %c0_i32_0 : i32, i32, i32
  }
  func.func @transform_3(%arg0: i32) -> (i32, i32, i32) {
    %c1_i32 = arith.constant 1 : i32
    %c0_i32 = arith.constant 0 : i32
    %c0_i32_0 = arith.constant 0 : i32
    return %c1_i32, %arg0, %c0_i32 : i32, i32, i32
  }
  func.func @transform_4(%arg0: i32) -> (i32, i32) {
    %c0_i32 = arith.constant 0 : i32
    %c0_i32_0 = arith.constant 0 : i32
    %c0_i32_1 = arith.constant 0 : i32
    return %c0_i32, %c0_i32_0 : i32, i32
  }
  func.func @transform_5(%arg0: i32) -> (i32, i32) {
    %c0_i32 = arith.constant 0 : i32
    %c0_i32_0 = arith.constant 0 : i32
    %c0_i32_1 = arith.constant 0 : i32
    return %c0_i32, %c0_i32_0 : i32, i32
  }
  func.func @transform_6(%arg0: i32) -> (i32, i32) {
    %c0_i32 = arith.constant 0 : i32
    %c0_i32_0 = arith.constant 0 : i32
    return %arg0, %c0_i32 : i32, i32
  }
  func.func @transform_7(%arg0: i32) -> (i32, i32) {
    %c0_i32 = arith.constant 0 : i32
    %c0_i32_0 = arith.constant 0 : i32
    return %arg0, %c0_i32 : i32, i32
  }
  func.func @transform_8(%arg0: i32) -> (i32, i32) {
    %c0_i32 = arith.constant 0 : i32
    %c0_i32_0 = arith.constant 0 : i32
    return %arg0, %c0_i32 : i32, i32
  }
}

module attributes {stable_mosaic.version = 14 : i64} {
  func.func @_final_body(%arg0: i32, %arg1: memref<1x1000x128xf32, #tpu.memory_space<vmem>>, %arg2: memref<1x1000x128xf32, #tpu.memory_space<vmem>>, %arg3: memref<1000x1xf32, #tpu.memory_space<vmem>>, %arg4: memref<128x128xf32, #tpu.memory_space<vmem>>, %arg5: memref<1x128xf32, #tpu.memory_space<vmem>>, %arg6: memref<1000x128xf32, #tpu.memory_space<vmem>>, %arg7: memref<1x128xf32, #tpu.memory_space<vmem>>, %arg8: memref<1x1xf32, #tpu.memory_space<vmem>>, %arg9: memref<1000x1xf32, #tpu.memory_space<vmem>>) attributes {dimension_semantics = [#tpu.dimension_semantics<arbitrary>], iteration_bounds = array<i64: 10>, scalar_prefetch = 0 : i64, scratch_operands = 0 : i64, tpu.core_type = #tpu.core_type<tc>, window_params = [{transform_indices = @transform_0, window_bounds = array<i64: 1, 1000, 128>}, {transform_indices = @transform_1, window_bounds = array<i64: 1, 1000, 128>}, {transform_indices = @transform_2, window_bounds = array<i64: 1000, 1>}, {pipeline_mode = #tpu.pipeline_mode<synchronous>, transform_indices = @transform_3, window_bounds = array<i64: 128, 128>}, {pipeline_mode = #tpu.pipeline_mode<synchronous>, transform_indices = @transform_4, window_bounds = array<i64: 1, 128>}, {transform_indices = @transform_5, window_bounds = array<i64: 1000, 128>}, {pipeline_mode = #tpu.pipeline_mode<synchronous>, transform_indices = @transform_6, window_bounds = array<i64: 1, 128>}, {pipeline_mode = #tpu.pipeline_mode<synchronous>, transform_indices = @transform_7, window_bounds = array<i64: 1, 1>}, {transform_indices = @transform_8, window_bounds = array<i64: 1000, 1>}]} {
    %get3A = arith.constant 0 : index
    %get3A_0 = arith.constant 0 : index
    %get3A_1 = arith.constant 0 : index
    %get3A_2 = vector.load %arg1[%get3A, %get3A_0, %get3A_1] : memref<1x1000x128xf32, #tpu.memory_space<vmem>>, vector<1x1000x128xf32>
    %get3A_3 = vector.shape_cast %get3A_2 : vector<1x1000x128xf32> to vector<1000x128xf32>
    %get3A_4 = arith.constant 0 : index
    %get3A_5 = arith.constant 0 : index
    %get3A_6 = arith.constant 0 : index
    %get3A_7 = vector.load %arg2[%get3A_4, %get3A_5, %get3A_6] : memref<1x1000x128xf32, #tpu.memory_space<vmem>>, vector<1x1000x128xf32>
    %get3A_8 = vector.shape_cast %get3A_7 : vector<1x1000x128xf32> to vector<1000x128xf32>
    %add3A = arith.addf %get3A_3, %get3A_8 : vector<1000x128xf32>
    %get3A_9 = arith.constant 0 : index
    %get3A_10 = arith.constant 0 : index
    %get3A_11 = vector.load %arg3[%get3A_9, %get3A_10] : memref<1000x1xf32, #tpu.memory_space<vmem>>, vector<1000x1xf32>
    %mul3A = vector.broadcast %get3A_11 : vector<1000x1xf32> to vector<1000x128xf32>
    %mul3A_12 = arith.mulf %add3A, %mul3A : vector<1000x128xf32>
    %get3A_13 = arith.constant 0 : index
    %get3A_14 = arith.constant 0 : index
    %get3A_15 = vector.load %arg4[%get3A_13, %get3A_14] : memref<128x128xf32, #tpu.memory_space<vmem>>, vector<128x128xf32>
    %dot_general3A = arith.constant dense<0.000000e+00> : vector<1000x128xf32>
    %dot_general3A_16 = tpu.matmul %mul3A_12, %get3A_15, %dot_general3A {dimension_numbers = #tpu.dot_dimension_numbers<[1], [0], [0], [1], [0, 0, 1, 1], [], []>, transpose_lhs_hint = false} : vector<1000x128xf32>, vector<128x128xf32>, vector<1000x128xf32> -> vector<1000x128xf32>
    %get3A_17 = arith.constant 0 : index
    %get3A_18 = arith.constant 0 : index
    %get3A_19 = vector.load %arg5[%get3A_17, %get3A_18] : memref<1x128xf32, #tpu.memory_space<vmem>>, vector<1x128xf32>
    %add3A_20 = vector.broadcast %get3A_19 : vector<1x128xf32> to vector<1000x128xf32>
    %add3A_21 = arith.addf %dot_general3A_16, %add3A_20 : vector<1000x128xf32>
    %max3A = arith.constant 0.000000e+00 : f32
    %max3A_22 = vector.broadcast %max3A : f32 to vector<1000x128xf32>
    %max3A_23 = arith.maximumf %add3A_21, %max3A_22 : vector<1000x128xf32>
    %get3A_24 = arith.constant 0 : index
    %get3A_25 = arith.constant 0 : index
    %get3A_26 = vector.load %arg6[%get3A_24, %get3A_25] : memref<1000x128xf32, #tpu.memory_space<vmem>>, vector<1000x128xf32>
    %add3A_27 = arith.addf %max3A_23, %get3A_26 : vector<1000x128xf32>
    %get3A_28 = arith.constant 0 : index
    %get3A_29 = arith.constant 0 : index
    %get3A_30 = vector.load %arg7[%get3A_28, %get3A_29] : memref<1x128xf32, #tpu.memory_space<vmem>>, vector<1x128xf32>
    %mul3A_31 = vector.broadcast %get3A_30 : vector<1x128xf32> to vector<1000x128xf32>
    %mul3A_32 = arith.mulf %add3A_27, %mul3A_31 : vector<1000x128xf32>
    %reduce_sum3A = arith.constant dense<0.000000e+00> : vector<1000xf32>
    %reduce_sum3A_33 = vector.multi_reduction <add>, %mul3A_32, %reduce_sum3A [1] : vector<1000x128xf32> to vector<1000xf32>
    %broadcast_in_dim3A = vector.shape_cast %reduce_sum3A_33 : vector<1000xf32> to vector<1000x1xf32>
    %get3A_34 = arith.constant 0 : index
    %get3A_35 = arith.constant 0 : index
    %get3A_36 = vector.load %arg8[%get3A_34, %get3A_35] : memref<1x1xf32, #tpu.memory_space<vmem>>, vector<1x1xf32>
    %add3A_37 = vector.broadcast %get3A_36 : vector<1x1xf32> to vector<1000x1xf32>
    %add3A_38 = arith.addf %broadcast_in_dim3A, %add3A_37 : vector<1000x1xf32>
    %swap3A = arith.constant 0 : index
    %swap3A_39 = arith.constant 0 : index
    %swap3A_40 = vector.load %arg9[%swap3A, %swap3A_39] : memref<1000x1xf32, #tpu.memory_space<vmem>>, vector<1000x1xf32>
    tpu.vector_store %arg9[%swap3A, %swap3A_39], %add3A_38 {strides = array<i32>} : memref<1000x1xf32, #tpu.memory_space<vmem>>, vector<1000x1xf32>,
    return
  }
  func.func @transform_0(%arg0: i32) -> (i32, i32, i32) {
    %c0_i32 = arith.constant 0 : i32
    %c0_i32_0 = arith.constant 0 : i32
    %c0_i32_1 = arith.constant 0 : i32
    return %c0_i32, %arg0, %c0_i32_0 : i32, i32, i32
  }
  func.func @transform_1(%arg0: i32) -> (i32, i32, i32) {
    %c1_i32 = arith.constant 1 : i32
    %c0_i32 = arith.constant 0 : i32
    %c0_i32_0 = arith.constant 0 : i32
    return %c1_i32, %arg0, %c0_i32 : i32, i32, i32
  }
  func.func @transform_2(%arg0: i32) -> (i32, i32) {
    %c0_i32 = arith.constant 0 : i32
    %c0_i32_0 = arith.constant 0 : i32
    return %arg0, %c0_i32 : i32, i32
  }
  func.func @transform_3(%arg0: i32) -> (i32, i32) {
    %c0_i32 = arith.constant 0 : i32
    %c0_i32_0 = arith.constant 0 : i32
    %c0_i32_1 = arith.constant 0 : i32
    return %c0_i32, %c0_i32_0 : i32, i32
  }
  func.func @transform_4(%arg0: i32) -> (i32, i32) {
    %c0_i32 = arith.constant 0 : i32
    %c0_i32_0 = arith.constant 0 : i32
    %c0_i32_1 = arith.constant 0 : i32
    return %c0_i32, %c0_i32_0 : i32, i32
  }
  func.func @transform_5(%arg0: i32) -> (i32, i32) {
    %c0_i32 = arith.constant 0 : i32
    %c0_i32_0 = arith.constant 0 : i32
    return %arg0, %c0_i32 : i32, i32
  }
  func.func @transform_6(%arg0: i32) -> (i32, i32) {
    %c0_i32 = arith.constant 0 : i32
    %c0_i32_0 = arith.constant 0 : i32
    %c0_i32_1 = arith.constant 0 : i32
    return %c0_i32, %c0_i32_0 : i32, i32
  }
  func.func @transform_7(%arg0: i32) -> (i32, i32) {
    %c0_i32 = arith.constant 0 : i32
    %c0_i32_0 = arith.constant 0 : i32
    %c0_i32_1 = arith.constant 0 : i32
    return %c0_i32, %c0_i32_0 : i32, i32
  }
  func.func @transform_8(%arg0: i32) -> (i32, i32) {
    %c0_i32 = arith.constant 0 : i32
    %c0_i32_0 = arith.constant 0 : i32
    return %arg0, %c0_i32 : i32, i32
  }
}

</mosaic_0001>

<sc_bundles>
// kernel: kernel.10.cloned.1.call-start
scs
__scs_entry_jumppad:
0x0: {  	(pc) =	sbr.rel $0x88, $3  }
0x1: {  	(tag) =	ssettag $0x0;
	lr =	simm.s32 $0x1  }
0x2: {  	[smem:$0x3F95] =	sst lr;
	_ =	strace $0xD0000000  }
0x3: {  	_ = 	snop  }
0x4: {  	_ = 	snop  }
0x5: {  	_ = 	snop  }
0x6: {  	_ = 	snop  }
0x7: {  	_ = 	snop  }
__scs_overlays_trampoline_lowered:
0x8: {  	[smem:$0x3FA4] =	sst s0  }
0x9: {  	[smem:$0x3FA5] =	sst s1  }
0xa: {  	[smem:$0x3FA6] =	sst s2  }
0xb: {  	[smem:$0x3FA7] =	sst s3  }
0xc: {  	[smem:$0x3FA8] =	sst s4  }
0xd: {  	[smem:$0x3FA9] =	sst s5  }
0xe: {  	[smem:$0x3FAA] =	sst s6  }
0xf: {  	[smem:$0x3FAB] =	sst s7  }
0x10: {  	[smem:$0x3FAC] =	sst s8  }
0x11: {  	[smem:$0x3FAD] =	sst s9;
	s0 =	simm.s32 @!p0 $0x0  }
0x12: {  	s1 =	sld [smem:$0x3F93];
	s0 =	simm.s32 @p0 $0x1  }
0x13: {  	[smem:$0x3FAE] =	sst s0;
	s0 =	simm.s32 @!p1 $0x0  }
0x14: {  	s2 =	sld [smem:$0x3F92];
	s0 =	simm.s32 @p1 $0x1  }
0x15: {  	[smem:$0x3FAF] =	sst s0;
	s0 =	simm.s32 @!p2 $0x0  }
0x16: {  	s3 =	sld [smem:$0x3FDB];
	s0 =	simm.s32 @p2 $0x1  }
0x17: {  	s4 =	simm.s32 $0x1BF5;
	[smem:$0x3FB1] =	sst s0  }
0x18: {  	s0 =	sld [smem:$0x3F94];
	_ =	swait.ge [sflag:s4], $0x0  }
0x19: {  	s7 =	sld [smem:$0x3F95]  }
0x1a: {  	s8 =	sadd.s32 $0xFFFFE003, lr  }
0x1b: {  	s9 =	sadd.s32 $0xFFFFFEF7, lr;
	s5 =	simm.s32 $0xFFFFFFFF;
	p2 =	slt.u32 s8, $0xFFFFF086  }
0x1c: {  	p1 =	slt.u32 s9, $0xF7A;
	s5 =	simm.s32 @!p2 $0x0  }
0x1d: {  	s5 =	simm.s32 @p1 $0x1;
	p0 =	seq.s32 s7, s2  }
0x1e: {  	s7 =	smul.u32 @!p0 $0xF7A, s2;
	p2 =	seq.s32 @!p0 s5, $0x0  }
0x1f: {  	s9 =	smul.u32 $0xF7A, s1;
	s8 =	simm.s32 @!p0 $0x1BF5;
	p2 =	por !p2, p0  }
0x20: {  	[sflag:s8] =	ssyncset.s32 @!p0 $0xFFFFF086;
	s6 =	sadd.s32 @!p0 s3, s7;
	s7 =	simm.s32 @!p0 $0x108  }
0x21: {  	s3 =	sadd.s32 s3, s9;
	s6 =	sadd.s32 @!p0 $0x88, s6;
	s7 =	simm.s32 @p2 $0x1082  }
0x22: {  	[simem:s7], [sflag:s8] =	dma.local @!p0 [hbm:s6], $0xF7A  }
0x23: {  	s9 =	sor.u32 $0xD0000000, s2;
	s6 =	simm.s32 $0x108;
	_ =	swait.ge @!p0 [sflag:s8], $0x0  }
0x24: {  	s3 =	sadd.s32 $0x88, s3;
	s6 =	simm.s32 @!p1 $0x1082;
	[sflag:s4] =	ssyncset.s32 $0xFFFFF086  }
0x25: {  	[simem:s6], [sflag:s4] =	dma.local [hbm:s3], $0xF7A  }
0x26: {  	[smem:$0x3F95] =	sst s1;
	(tag) =	ssettag s2;
	_ =	strace s9  }
0x27: {  	s1 =	sld [smem:$0x3FA5]  }
0x28: {  	s2 =	sld [smem:$0x3FA6]  }
0x29: {  	s4 =	sld [smem:$0x3FA8]  }
0x2a: {  	p0 =	seq.s32 s5, $0x0;
	s5 =	sld [smem:$0x3FA9]  }
0x2b: {  	s6 =	sld [smem:$0x3FAA]  }
0x2c: {  	s7 =	sld [smem:$0x3FAB]  }
0x2d: {  	s3 =	simm.s32 $0x108;
	s8 =	sld [smem:$0x3FAC]  }
0x2e: {  	s3 =	simm.s32 @!p0 $0x1082;
	s9 =	sld [smem:$0x3FAD]  }
0x2f: {  	lr =	sadd.s32 s0, s3;
	s0 =	sld [smem:$0x3FA4]  }
0x30: {  	s3 =	sld [smem:$0x3FA7]  }
0x31: {  	[smem:$0x3FB0] =	sst s10  }
0x32: {  	s10 =	sld [smem:$0x3FAE];
	_ =	sdelay $0x3  }
0x33: {  	p0 =	seq.s32 s10, $0x1;
	s10 =	sld [smem:$0x3FB0];
	_ =	sdelay $0x3  }
0x34: {  	[smem:$0x3FB0] =	sst s10  }
0x35: {  	s10 =	sld [smem:$0x3FAF];
	_ =	sdelay $0x3  }
0x36: {  	p1 =	seq.s32 s10, $0x1;
	s10 =	sld [smem:$0x3FB0];
	_ =	sdelay $0x3  }
0x37: {  	[smem:$0x3FB0] =	sst s10  }
0x38: {  	s10 =	sld [smem:$0x3FB1]  }
0x39: {  	_ = 	snop;
	(pc) =	sbr.ind lr, $3  }
0x3a: {  	_ = 	snop  }
0x3b: {  	_ = 	snop  }
0x3c: {  	p2 =	seq.s32 s10, $0x1;
	s10 =	sld [smem:$0x3FB0]  }
0x3d: {  	_ =	shalt  }
0x3e: {  	_ =	shalt  }
0x3f: {  	_ =	shalt  }
0x40: {  	_ =	shalt  }
0x41: {  	_ =	shalt  }
0x42: {  	_ =	shalt  }
0x43: {  	_ =	shalt  }
0x44: {  	_ =	shalt  }
0x45: {  	_ =	shalt  }
0x46: {  	_ =	shalt  }
0x47: {  	_ =	shalt  }
0x48: {  	_ =	shalt  }
0x49: {  	_ =	shalt  }
0x4a: {  	_ =	shalt  }
0x4b: {  	_ =	shalt  }
0x4c: {  	_ =	shalt  }
0x4d: {  	_ =	shalt  }
0x4e: {  	_ =	shalt  }
0x4f: {  	_ =	shalt  }
0x50: {  	_ =	shalt  }
0x51: {  	_ =	shalt  }
0x52: {  	_ =	shalt  }
0x53: {  	_ =	shalt  }
0x54: {  	_ =	shalt  }
0x55: {  	_ =	shalt  }
0x56: {  	_ =	shalt  }
0x57: {  	_ =	shalt  }
0x58: {  	_ =	shalt  }
0x59: {  	_ =	shalt  }
0x5a: {  	_ =	shalt  }
0x5b: {  	_ =	shalt  }
0x5c: {  	_ =	shalt  }
0x5d: {  	_ =	shalt  }
0x5e: {  	_ =	shalt  }
0x5f: {  	_ =	shalt  }
0x60: {  	_ =	shalt  }
0x61: {  	_ =	shalt  }
0x62: {  	_ =	shalt  }
0x63: {  	_ =	shalt  }
0x64: {  	_ =	shalt  }
0x65: {  	_ =	shalt  }
0x66: {  	_ =	shalt  }
0x67: {  	_ =	shalt  }
0x68: {  	_ =	shalt  }
0x69: {  	_ =	shalt  }
0x6a: {  	_ =	shalt  }
0x6b: {  	_ =	shalt  }
0x6c: {  	_ =	shalt  }
0x6d: {  	_ =	shalt  }
0x6e: {  	_ =	shalt  }
0x6f: {  	_ =	shalt  }
0x70: {  	_ =	shalt  }
0x71: {  	_ =	shalt  }
0x72: {  	_ =	shalt  }
0x73: {  	_ =	shalt  }
0x74: {  	_ =	shalt  }
0x75: {  	_ =	shalt  }
0x76: {  	_ =	shalt  }
0x77: {  	_ =	shalt  }
0x78: {  	_ =	shalt  }
0x79: {  	_ =	shalt  }
0x7a: {  	_ =	shalt  }
0x7b: {  	_ =	shalt  }
0x7c: {  	_ =	shalt  }
0x7d: {  	_ =	shalt  }
0x7e: {  	_ =	shalt  }
0x7f: {  	_ =	shalt  }
0x80: {  	_ =	shalt  }
0x81: {  	_ =	shalt  }
0x82: {  	_ =	shalt  }
0x83: {  	_ =	shalt  }
0x84: {  	_ =	shalt  }
0x85: {  	_ =	shalt  }
0x86: {  	_ =	shalt  }
0x87: {  	_ =	shalt  }
.Lfunc_end0:
.L_simem_size_0:
called_computation_lowered:
.L_overlay_start_0:
0x88: {  	s2 =	sld [smem:$0x3FD9]  }
0x89: {  	s3 =	sld [smem:$0x3FFE];
	_ =	sdelay $0x1  }
0x8a: {  	s1 =	srdreg.scid  }
0x8b: {  	s0 =	sand.u32 $0x1, s1  }
0x8c: {  	s17 =	sshll.u32 s0, $0xA;
	s2 =	sadd.s32 s3, s2  }
0x8d: {  	s2 =	sadd.s32 s2, s17  }
0x8e: {  	[smem:$0x3FBC] =	sst s2  }
0x8f: {  	_ = 	snop  }
0x90: {  	s2 =	sld [smem:$0x3FC9]  }
0x91: {  	s18 =	sld [smem:$0x3FD0];
	(tm) =	ssettm $0x1  }
0x92: {  	s4 =	sld [smem:$0x3FFB];
	_ =	sdelay $0x3  }
0x93: {  	_ =	strace s4  }
0x94: {  	s4 =	sld [smem:$0x3FFC];
	_ =	sdelay $0x3  }
0x95: {  	_ =	strace s4  }
0x96: {  	s4 =	sld [smem:$0x3FFD];
	_ =	sdelay $0x3  }
0x97: {  	_ =	strace s4  }
0x98: {  	_ =	strace $0x8FFFFFFF  }
0x99: {  	s19 =	sld [smem:$0x3FDB];
	_ =	sdelay $0x1  }
0x9a: {  	s5 =	simm.s32 $_scs_section_size  }
0x9b: {  	s6 =	simm.s32 $_size__tile_overlayer_lowered;
	s7 =	simm.s32 $_tile_overlayer_lowered  }
0x9c: {  	s22 =	simm.s32 $0x1BFF;
	s21 =	sshll.u32 s7, $0x1;
	s4 =	sadd.s32 s5, s19  }
0x9d: {  	s8 =	simm.s32 $0x0;
	s20 =	sshll.u32 s6, $0x1;
	s6 =	sadd.s32 s21, s4  }
0x9e: {  	[timem:s8], [sflag:s22] =	dma.local [hbm:s6], s20  }
0x9f: {  	_ =	swait.ge [sflag:s22], s20  }
0xa0: {  	s5 =	ssub.s32 $0x0, s20;
	[sflag:s22] =	ssyncset.done $0x0  }
0xa1: {  	[sflag:s22] =	ssyncadd.s32 s5;
	_ =	sdelay $0x1  }
0xa2: {  	s23 =	simm.s32 $0x1B8B  }
0xa3: {  	_ =	swait.ge [sflag:s23], $0x1  }
0xa4: {  	[sflag:s23] =	ssyncset.done $0x0  }
0xa5: {  	s25 =	simm.s32 $0x1B8E;
	s24 =	sld [smem:$0x3FFE];
	[sflag:s23] =	ssyncadd.s32 $0xFFFFFFFF  }
0xa6: {  	s26 =	simm.s32 $execute0_lowered;
	[smem:$0x3FD2] =	sst s25  }
0xa7: {  	s6 =	sshll.u32 s26, $0x1;
	_ =	strace $0x80000046;
	[dreg:$0x1] =	wrdreg $0xFFFFFFFF  }
0xa8: {  	s28 =	simm.s32 $_size_execute0_lowered;
	s4 =	sadd.s32 s4, s6;
	[dreg:$0x0] =	wrdreg $0x0  }
0xa9: {  	s6 =	sshll.u32 s28, $0x1;
	[dreg:$0x2] =	wrdreg s4  }
0xaa: {  	[dreg:$0x3] =	wrdreg s6  }
0xab: {  	[dreg:$0x4] =	wrdreg $0xC0  }
0xac: {  	_ =	task [dreg:s8], $0x5FFFF  }
0xad: {  	[dreg:$0x1] =	wrdreg $0xFFFFFFFF  }
0xae: {  	[dreg:$0x0] =	wrdreg $0x60  }
0xaf: {  	[dreg:$0x2] =	wrdreg s2  }
0xb0: {  	[dreg:$0x3] =	wrdreg s24  }
0xb1: {  	[dreg:$0x4] =	wrdreg s18  }
0xb2: {  	[dreg:$0x5] =	wrdreg $0x0  }
0xb3: {  	[dreg:$0x6] =	wrdreg $0x9  }
0xb4: {  	_ =	task.clear_ibuf [dreg:s8], $0x7FFFF;
	_ =	strace $0x90000046  }
0xb5: {  	s29 =	simm.s32 $0x9;
	_ =	strace $0x80000048  }
0xb6: {  	_ =	swait.ge [sflag:s29], $0x1  }
0xb7: {  	[sflag:s29] =	ssyncadd.s32 $0xFFFFFFFF  }
0xb8: {  	_ =	strace $0x90000048  }
0xb9: {  	_ =	sfence  }
0xba: {  	s30 =	sld [smem:$0x0];
	_ =	sdelay $0x2  }
0xbb: {  	s31 =	sshll.u32 s1, $0xD;
	s1 =	sshrl.u32 s1, $0x2  }
0xbc: {  	s3 =	sand.u32 $0x4000, s31;
	s1 =	sadd.s32 s1, s30  }
0xbd: {  	s0 =	sor.u32 s3, s0;
	s1 =	sshll.u32 s1, $0x11  }
0xbe: {  	s0 =	sor.u32 s1, s0  }
0xbf: {  	s0 =	sadd.s32 $0x8F2B, s0  }
0xc0: {  	[sflag:s0] =	ssyncadd.remote.s32 $0x1  }
0xc1: {  	_ =	sfence.sel $0xFFFF  }
0xc2: {  	[dreg:$0x0] =	wrdreg $0xFFFFFFFF;
	(pc) =	sbr.abs _section_cstart, $3  }
0xc3: {  	[dreg:$0x1] =	wrdreg $0xFFFFFFFF  }
0xc4: {  	_ =	task.clear_ibuf [dreg:s8], $0x2FFFF;
	_ =	strace $0x9FFFFFFF  }
0xc5: {  	(tm) =	ssettm $0x7FFFFFFF  }
tec
execute0_lowered:
.L_overlay_start_1:
0x0: {  	(tag) =	ssettag $0x1  }
0x1: {  	s0 =	rddreg [dreg:$0x0];
	s1 =	srdreg.scid  }
0x2: {  	s2 =	rddreg [dreg:$0x1];
	s17 =	stileid.u32  }
0x3: {  	s3 =	rddreg [dreg:$0x3];
	s4 =	simm.s32 $0x0;
	s28 =	simm.s32 $0x3  }
0x4: {  	s30 =	simm.s32 $0x4;
	s29 =	simm.s32 $0x1B980;
	s1 =	sand.u32 $0x1, s1  }
0x5: {  	s31 =	simm.s32 $0x1BA00;
	[smem:$0x7FF] =	sst s4;
	s5 =	sshll.u32 s1, $0x4  }
0x6: {  	s6 =	ssub.s32 $0x2, s1;
	s1 =	smul.u32 $0x27100, s1;
	s5 =	sor.u32 s17, s5  }
0x7: {  	s8 =	sadd.s32 $0x16A00, s2;
	s9 =	sshrl.u32 s6, $0x1;
	s7 =	smul.u32 $0x2800, s5  }
0x8: {  	s11 =	sadd.s32 $0x66A00, s2;
	s10 =	smul.u32 $0x14000, s5;
	s6 =	ssub.s32 s6, s9  }
0x9: {  	s5 =	smul.u32 $0x2710, s5;
	s20 =	sor.u32 $0x500, s7;
	s12 =	sadd.s32 s11, s7  }
0xa: {  	s10 =	sshrl.u32 s10, $0x3;
	s7 =	sadd.s32 s8, s7;
	[dreg:$0x5] =	wrdreg s12  }
0xb: {  	s21 =	sadd.s32 s11, s20;
	s22 =	sadd.s32 $0xA00, s10;
	[dreg:$0xd] =	wrdreg s7  }
0xc: {  	s13 =	sadd.s32 $0xF00, s10;
	[dreg:$0x6] =	wrdreg s21;
	s15 =	sadd.s32 s11, s22  }
0xd: {  	s14 =	sadd.s32 $0x1400, s10;
	s23 =	sadd.s32 s11, s13;
	[dreg:$0x7] =	wrdreg s15  }
0xe: {  	s25 =	sadd.s32 $0x1900, s10;
	s24 =	sadd.s32 s11, s14;
	[dreg:$0x8] =	wrdreg s23  }
0xf: {  	s16 =	sadd.s32 $0x1E00, s10;
	s18 =	sadd.s32 s11, s25;
	[dreg:$0x9] =	wrdreg s24  }
0x10: {  	s10 =	sadd.s32 $0x2300, s10;
	s26 =	sadd.s32 s11, s16;
	[dreg:$0xa] =	wrdreg s18  }
0x11: {  	s9 =	simm.s32 $0x9;
	s11 =	sadd.s32 s11, s10;
	[dreg:$0xb] =	wrdreg s26  }
0x12: {  	s7 =	sshrl.u32 s5, $0x3;
	s12 =	sadd.s32 s8, s22;
	[dreg:$0xc] =	wrdreg s11  }
0x13: {  	s19 =	sadd.s32 s8, s14;
	s21 =	sadd.s32 s8, s16;
	[dreg:$0xf] =	wrdreg s12  }
0x14: {  	s22 =	smul.u32 $0x2710, s17;
	s5 =	sadd.s32 $0xA, s7;
	[dreg:$0x11] =	wrdreg s19  }
0x15: {  	s11 =	sadd.s32 s8, s20;
	s18 =	sadd.s32 s8, s13;
	[dreg:$0x13] =	wrdreg s21  }
0x16: {  	s20 =	sadd.s32 s8, s25;
	s8 =	sadd.s32 s8, s10;
	[dreg:$0xe] =	wrdreg s11  }
0x17: {  	s23 =	smul.u32 $0x50000, s17;
	s25 =	sadd.s32 $0xC600, s2;
	[dreg:$0x10] =	wrdreg s18  }
0x18: {  	s17 =	smax.u32 s6, $0x1;
	s6 =	simm.s32 $0x0;
	[dreg:$0x12] =	wrdreg s20  }
0x19: {  	[dreg:$0x14] =	wrdreg s8;
	s1 =	sadd.s32 s22, s1;
	s13 =	sadd.s32 s25, s5  }
0x1a: {  	s8 =	sadd.s32 $0x14, s7;
	_ =	strace $0x80000047;
	[dreg:$0x1a] =	wrdreg s13  }
0x1b: {  	s11 =	simm.s32 $0x1B800;
	s24 =	sshrl.u32 s23, $0x2;
	[dreg:$0x1d] =	wrdreg s17  }
0x1c: {  	s23 =	sadd.s32 $0x2800, s2;
	s2 =	sadd.s32 $0x16400, s2;
	[smem:$0x7F3] =	sst s25  }
0x1d: {  	s15 =	sadd.s32 s25, s8;
	s16 =	sadd.s32 $0x190, s1;
	[smem:$0x7FA] =	sst s6  }
0x1e: {  	s18 =	sadd.s32 $0x140, s1;
	s1 =	sadd.s32 $0xF0, s1;
	[dreg:$0x15] =	wrdreg s2  }
0x1f: {  	s17 =	simm.s32 $0x5;
	s13 =	simm.s32 $0x1B900;
	[dreg:$0x1c] =	wrdreg s15  }
0x20: {  	s26 =	sadd.s32 s24, s3;
	s2 =	sadd.s32 s25, s7;
	[dreg:$0x1e] =	wrdreg s1  }
0x21: {  	s10 =	sadd.s32 s23, s7;
	s12 =	sadd.s32 s23, s5;
	[dreg:$0x18] =	wrdreg s2  }
0x22: {  	s14 =	sadd.s32 s23, s8;
	s19 =	sshrl.u32 s18, $0x3;
	[dreg:$0x19] =	wrdreg s12  }
0x23: {  	s1 =	simm.s32 $0x6;
	s18 =	simm.s32 $0x8;
	[dreg:$0x1b] =	wrdreg s14  }
0x24: {  	s2 =	sshrl.u32 s16, $0x3;
	s7 =	sadd.s32 s19, s23;
	[dreg:$0x16] =	wrdreg s26  }
0x25: {  	s8 =	sadd.s32 s19, s25;
	s21 =	sadd.s32 $0x2800, s26;
	[dreg:$0x17] =	wrdreg s10  }
0x26: {  	s22 =	sadd.s32 $0x5000, s26;
	s24 =	sadd.s32 $0x7800, s26;
	[smem:$0x7F4] =	sst s21  }
0x27: {  	s19 =	simm.s32 $0x14000;
	s16 =	simm.s32 $0x7;
	[smem:$0x7F5] =	sst s22  }
0x28: {  	s12 =	simm.s32 $0x1B880;
	s20 =	sadd.s32 s2, s25;
	[smem:$0x7F6] =	sst s24  }
0x29: {  	s5 =	sadd.s32 s2, s23;
	s25 =	sadd.s32 $0xA000, s26;
	[dreg:$0x1f] =	wrdreg s20  }
0x2a: {  	s22 =	sadd.s32 $0x11800, s26;
	s2 =	sadd.s32 $0x4D8, s10;
	[smem:$0x7F7] =	sst s25  }
.Ltmp0:
0x2b: {  	s25 =	sadd.s32 $0xC800, s26;
	[smem:$0x7F9] =	sst s2;
	(pc) =	sbr.rel .LBB2_1-.Ltmp0, $4  }
0x2c: {  	s20 =	sadd.s32 $0xF000, s26;
	s26 =	sadd.s32 $0x4CE, s10;
	[smem:$0x7FD] =	sst s22  }
0x2d: {  	s14 =	simm.s32 $0x19000;
	s21 =	simm.s32 $0x1;
	[smem:$0x7F8] =	sst s26  }
0x2e: {  	s24 =	simm.s32 $0x2;
	s2 =	simm.s32 $0x50;
	[smem:$0x7FB] =	sst s25  }
0x2f: {  	s10 =	simm.s32 $0x16800;
	s26 =	simm.s32 $0x1BA80;
	[smem:$0x7FC] =	sst s20  }
.LBB2_6:
0x30: {  	_ =	swait.ge [sflag:s21], $0x2800  }
0x31: {  	[sflag:s21] =	ssyncset.done $0x0  }
0x32: {  	[sflag:s21] =	ssyncadd.s32 $0xFFFFD800  }
0x33: {  	[spmem:s3] =	stream.indirect.scatter.add.f32 [tilespmem:s19], [sflag:$0x4], $0x80, s29, s2, $0xb8;
	[tilespmem:$0x1BB00] =	vst v63  }
0x34: {  	_ =	swait.ge [sflag:s24], $0x2800  }
0x35: {  	[sflag:s24] =	ssyncset.done $0x0  }
0x36: {  	[sflag:s24] =	ssyncadd.s32 $0xFFFFD800  }
0x37: {  	[spmem:s3] =	stream.indirect.scatter.add.f32 [tilespmem:s10], [sflag:$0x5], $0x80, s31, s2, $0xb8;
	[tilespmem:$0x1BB00] =	vst v63  }
0x38: {  	_ =	swait.ge [sflag:s30], $0x2800  }
0x39: {  	[sflag:s30] =	ssyncset.done $0x0  }
0x3a: {  	[sflag:s30] =	ssyncadd.s32 $0xFFFFD800  }
0x3b: {  	_ =	swait.ge [sflag:s17], $0x2800  }
0x3c: {  	[sflag:s17] =	ssyncset.done $0x0  }
0x3d: {  	[sflag:s17] =	ssyncadd.s32 $0xFFFFD800  }
0x3e: {  	[bflag:$0x0] =	sbarrier.arrive $0xFFFF  }
0x3f: {  	s6 =	rddreg [dreg:$0x16]  }
0x40: {  	[tilespmem:s19], [sflag:$0x1] =	stream.linear.gather [spmem:s6], $0x2800, $0x38;
	[tilespmem:$0x1BB00] =	vst v63  }
0x41: {  	_ =	swait.ge [sflag:s21], $0x2800  }
0x42: {  	[sflag:s21] =	ssyncset.done $0x0;
	s15 =	rddreg [dreg:$0xd]  }
0x43: {  	s20 =	sld [smem:$0x7F4];
	[sflag:s21] =	ssyncadd.s32 $0xFFFFD800  }
0x44: {  	[hbm4b:s15+s4] =	stream.linear.scatter [tilespmem:s19], [sflag:$0x4], $0x2800, $0x38;
	[tilespmem:$0x1BB00] =	vst v63  }
0x45: {  	_ = 	snop  }
0x46: {  	[tilespmem:s10], [sflag:$0x2] =	stream.linear.gather [spmem:s20], $0x2800, $0x38;
	[tilespmem:$0x1BB00] =	vst v63  }
0x47: {  	_ =	swait.ge [sflag:s24], $0x2800  }
0x48: {  	[sflag:s24] =	ssyncset.done $0x0  }
0x49: {  	s22 =	rddreg [dreg:$0xe];
	[sflag:s24] =	ssyncadd.s32 $0xFFFFD800  }
0x4a: {  	[hbm4b:s22+s4] =	stream.linear.scatter [tilespmem:s10], [sflag:$0x5], $0x2800, $0x38;
	[tilespmem:$0x1BB00] =	vst v63  }
0x4b: {  	_ =	swait.ge [sflag:s30], $0x2800  }
0x4c: {  	s25 =	sld [smem:$0x7F5]  }
0x4d: {  	[sflag:s30] =	ssyncset.done $0x0  }
0x4e: {  	[sflag:s30] =	ssyncadd.s32 $0xFFFFD800  }
0x4f: {  	[tilespmem:s19], [sflag:$0x1] =	stream.linear.gather [spmem:s25], $0x2800, $0x38;
	[tilespmem:$0x1BB00] =	vst v63  }
0x50: {  	_ =	swait.ge [sflag:s21], $0x2800  }
0x51: {  	[sflag:s21] =	ssyncset.done $0x0  }
0x52: {  	s6 =	rddreg [dreg:$0xf];
	[sflag:s21] =	ssyncadd.s32 $0xFFFFD800  }
0x53: {  	[hbm4b:s6+s4] =	stream.linear.scatter [tilespmem:s19], [sflag:$0x4], $0x2800, $0x38;
	[tilespmem:$0x1BB00] =	vst v63  }
0x54: {  	_ =	swait.ge [sflag:s17], $0x2800  }
0x55: {  	s20 =	sld [smem:$0x7F6]  }
0x56: {  	[sflag:s17] =	ssyncset.done $0x0  }
0x57: {  	[sflag:s17] =	ssyncadd.s32 $0xFFFFD800  }
0x58: {  	[tilespmem:s10], [sflag:$0x2] =	stream.linear.gather [spmem:s20], $0x2800, $0x38;
	[tilespmem:$0x1BB00] =	vst v63  }
0x59: {  	_ =	swait.ge [sflag:s24], $0x2800  }
0x5a: {  	[sflag:s24] =	ssyncset.done $0x0  }
0x5b: {  	s22 =	rddreg [dreg:$0x10];
	[sflag:s24] =	ssyncadd.s32 $0xFFFFD800  }
0x5c: {  	[hbm4b:s22+s4] =	stream.linear.scatter [tilespmem:s10], [sflag:$0x5], $0x2800, $0x38;
	[tilespmem:$0x1BB00] =	vst v63  }
0x5d: {  	_ =	swait.ge [sflag:s30], $0x2800  }
0x5e: {  	s25 =	sld [smem:$0x7F7]  }
0x5f: {  	[sflag:s30] =	ssyncset.done $0x0  }
0x60: {  	[sflag:s30] =	ssyncadd.s32 $0xFFFFD800  }
0x61: {  	[tilespmem:s19], [sflag:$0x1] =	stream.linear.gather [spmem:s25], $0x2800, $0x38;
	[tilespmem:$0x1BB00] =	vst v63  }
0x62: {  	_ =	swait.ge [sflag:s21], $0x2800  }
0x63: {  	[sflag:s21] =	ssyncset.done $0x0  }
0x64: {  	s6 =	rddreg [dreg:$0x11];
	[sflag:s21] =	ssyncadd.s32 $0xFFFFD800  }
0x65: {  	[hbm4b:s6+s4] =	stream.linear.scatter [tilespmem:s19], [sflag:$0x4], $0x2800, $0x38;
	[tilespmem:$0x1BB00] =	vst v63  }
0x66: {  	_ =	swait.ge [sflag:s17], $0x2800  }
0x67: {  	s25 =	sld [smem:$0x7FB]  }
0x68: {  	[sflag:s17] =	ssyncset.done $0x0  }
0x69: {  	[sflag:s17] =	ssyncadd.s32 $0xFFFFD800  }
0x6a: {  	[tilespmem:s10], [sflag:$0x2] =	stream.linear.gather [spmem:s25], $0x2800, $0x38;
	[tilespmem:$0x1BB00] =	vst v63  }
0x6b: {  	_ =	swait.ge [sflag:s24], $0x2800  }
0x6c: {  	[sflag:s24] =	ssyncset.done $0x0  }
0x6d: {  	s20 =	rddreg [dreg:$0x12];
	[sflag:s24] =	ssyncadd.s32 $0xFFFFD800  }
0x6e: {  	[hbm4b:s20+s4] =	stream.linear.scatter [tilespmem:s10], [sflag:$0x5], $0x2800, $0x38;
	[tilespmem:$0x1BB00] =	vst v63  }
0x6f: {  	_ =	swait.ge [sflag:s30], $0x2800  }
0x70: {  	s20 =	sld [smem:$0x7FC]  }
0x71: {  	[sflag:s30] =	ssyncset.done $0x0  }
0x72: {  	[sflag:s30] =	ssyncadd.s32 $0xFFFFD800  }
0x73: {  	[tilespmem:s19], [sflag:$0x1] =	stream.linear.gather [spmem:s20], $0x2800, $0x38;
	[tilespmem:$0x1BB00] =	vst v63  }
0x74: {  	_ =	swait.ge [sflag:s21], $0x2800  }
0x75: {  	[sflag:s21] =	ssyncset.done $0x0  }
0x76: {  	s22 =	rddreg [dreg:$0x13];
	[sflag:s21] =	ssyncadd.s32 $0xFFFFD800  }
0x77: {  	[hbm4b:s22+s4] =	stream.linear.scatter [tilespmem:s19], [sflag:$0x4], $0x2800, $0x38;
	[tilespmem:$0x1BB00] =	vst v63  }
0x78: {  	_ =	swait.ge [sflag:s17], $0x2800  }
0x79: {  	s22 =	sld [smem:$0x7FD]  }
0x7a: {  	[sflag:s17] =	ssyncset.done $0x0  }
0x7b: {  	[sflag:s17] =	ssyncadd.s32 $0xFFFFD800  }
0x7c: {  	[tilespmem:s10], [sflag:$0x2] =	stream.linear.gather [spmem:s22], $0x2800, $0x38;
	[tilespmem:$0x1BB00] =	vst v63  }
0x7d: {  	_ =	swait.ge [sflag:s24], $0x2800  }
0x7e: {  	[sflag:s24] =	ssyncset.done $0x0  }
0x7f: {  	s6 =	rddreg [dreg:$0x14];
	[sflag:s24] =	ssyncadd.s32 $0xFFFFD800  }
0x80: {  	[hbm4b:s6+s4] =	stream.linear.scatter [tilespmem:s10], [sflag:$0x5], $0x2800, $0x38;
	[tilespmem:$0x1BB00] =	vst v63  }
0x81: {  	_ =	swait.ge [sflag:s30], $0x2800  }
0x82: {  	[sflag:s30] =	ssyncset.done $0x0  }
0x83: {  	[sflag:s30] =	ssyncadd.s32 $0xFFFFD800  }
0x84: {  	_ =	swait.ge [sflag:s17], $0x2800  }
0x85: {  	s15 =	sld [smem:$0x7FA];
	_ =	sdelay $0x2  }
0x86: {  	s6 =	smov.u32 s8;
	s8 =	sadd.s32 $0x1, s15;
	s15 =	rddreg [dreg:$0x1d]  }
0x87: {  	p0 =	sne.s32 s8, s15  }
.Ltmp1:
0x88: {  	_ = 	snop;
	(pc) =	sbr.rel @!p0 .LBB2_7-.Ltmp1, $3  }
0x89: {  	_ =	sdelay $0x1  }
0x8a: {  	[sflag:s17] =	ssyncset.done $0x0  }
0x8b: {  	[sflag:s17] =	ssyncadd.s32 $0xFFFFD800;
	[smem:$0x7FA] =	sst s8;
	s8 =	smov.u32 s6  }
.LBB2_1:
0x8c: {  	s15 =	rddreg [dreg:$0x2];
	s6 =	simm.s32 $0xA  }
0x8d: {  	[tilespmem:s19], [sflag:$0xA] =	stream.linear.gather [hbm4b:s15+s4], $0x2800, $0x38;
	[tilespmem:$0x1BB00] =	vst v63  }
0x8e: {  	_ =	swait.ge [sflag:s6], $0x2800  }
0x8f: {  	[sflag:s6] =	ssyncset.done $0x0  }
0x90: {  	s15 =	rddreg [dreg:$0x16];
	[sflag:s6] =	ssyncadd.s32 $0xFFFFD800  }
0x91: {  	[spmem:s15] =	stream.linear.scatter [tilespmem:s19], [sflag:$0x1], $0x2800, $0x38;
	[tilespmem:$0x1BB00] =	vst v63  }
0x92: {  	s15 =	sld [smem:$0x7F4];
	_ =	sdelay $0x2  }
0x93: {  	[spmem:s15] =	stream.linear.scatter [tilespmem:s19], [sflag:$0x2], $0x2800, $0x38;
	[tilespmem:$0x1BB00] =	vst v63  }
0x94: {  	s15 =	sld [smem:$0x7F5];
	_ =	sdelay $0x2  }
0x95: {  	[spmem:s15] =	stream.linear.scatter [tilespmem:s19], [sflag:$0x3], $0x2800, $0x38;
	[tilespmem:$0x1BB00] =	vst v63  }
0x96: {  	s15 =	sld [smem:$0x7F6];
	_ =	sdelay $0x2  }
0x97: {  	[spmem:s15] =	stream.linear.scatter [tilespmem:s19], [sflag:$0x4], $0x2800, $0x38;
	[tilespmem:$0x1BB00] =	vst v63  }
0x98: {  	s15 =	sld [smem:$0x7F7];
	_ =	sdelay $0x2  }
0x99: {  	[spmem:s15] =	stream.linear.scatter [tilespmem:s19], [sflag:$0x5], $0x2800, $0x38;
	[tilespmem:$0x1BB00] =	vst v63  }
0x9a: {  	_ = 	snop  }
0x9b: {  	[spmem:s25] =	stream.linear.scatter [tilespmem:s19], [sflag:$0x6], $0x2800, $0x38;
	[tilespmem:$0x1BB00] =	vst v63  }
0x9c: {  	_ = 	snop  }
0x9d: {  	[spmem:s20] =	stream.linear.scatter [tilespmem:s19], [sflag:$0x7], $0x2800, $0x38;
	[tilespmem:$0x1BB00] =	vst v63  }
0x9e: {  	_ = 	snop  }
0x9f: {  	[spmem:s22] =	stream.linear.scatter [tilespmem:s19], [sflag:$0x8], $0x2800, $0x38;
	[tilespmem:$0x1BB00] =	vst v63  }
0xa0: {  	_ =	swait.ge [sflag:s21], $0x2800  }
0xa1: {  	[sflag:s21] =	ssyncset.done $0x0  }
0xa2: {  	[sflag:s21] =	ssyncadd.s32 $0xFFFFD800  }
0xa3: {  	_ =	swait.ge [sflag:s24], $0x2800  }
0xa4: {  	[sflag:s24] =	ssyncset.done $0x0  }
0xa5: {  	[sflag:s24] =	ssyncadd.s32 $0xFFFFD800  }
0xa6: {  	_ =	swait.ge [sflag:s28], $0x2800  }
0xa7: {  	[sflag:s28] =	ssyncset.done $0x0  }
0xa8: {  	[sflag:s28] =	ssyncadd.s32 $0xFFFFD800  }
0xa9: {  	_ =	swait.ge [sflag:s30], $0x2800  }
0xaa: {  	[sflag:s30] =	ssyncset.done $0x0  }
0xab: {  	[sflag:s30] =	ssyncadd.s32 $0xFFFFD800  }
0xac: {  	_ =	swait.ge [sflag:s17], $0x2800  }
0xad: {  	[sflag:s17] =	ssyncset.done $0x0  }
0xae: {  	[sflag:s17] =	ssyncadd.s32 $0xFFFFD800  }
0xaf: {  	_ =	swait.ge [sflag:s1], $0x2800  }
0xb0: {  	[sflag:s1] =	ssyncset.done $0x0  }
0xb1: {  	[sflag:s1] =	ssyncadd.s32 $0xFFFFD800  }
0xb2: {  	_ =	swait.ge [sflag:s16], $0x2800  }
0xb3: {  	[sflag:s16] =	ssyncset.done $0x0  }
0xb4: {  	[sflag:s16] =	ssyncadd.s32 $0xFFFFD800  }
0xb5: {  	_ =	swait.ge [sflag:s18], $0x2800  }
0xb6: {  	[sflag:s18] =	ssyncset.done $0x0  }
0xb7: {  	s15 =	simm.s32 $0xA;
	s6 =	rddreg [dreg:$0x15];
	[sflag:s18] =	ssyncadd.s32 $0xFFFFD800  }
0xb8: {  	[tilespmem:s19], [sflag:$0xA] =	stream.linear.gather [hbm4b:s6+s4], $0x2800, $0x38;
	[tilespmem:$0x1BB00] =	vst v63  }
0xb9: {  	_ =	swait.ge [sflag:s15], $0x2800  }
0xba: {  	[sflag:s15] =	ssyncset.done $0x0  }
0xbb: {  	[sflag:s15] =	ssyncadd.s32 $0xFFFFD800  }
0xbc: {  	[bflag:$0x0] =	sbarrier.arrive $0xFFFF  }
0xbd: {  	s20 =	rddreg [dreg:$0x17]  }
0xbe: {  	[tilespmem:s29], [sflag:$0x7] =	stream.linear.gather [hbm4b:s20+s4], $0x50, $0x38;
	[tilespmem:$0x1BB00] =	vst v63  }
0xbf: {  	s22 =	rddreg [dreg:$0x19]  }
0xc0: {  	[tilespmem:s31], [sflag:$0x8] =	stream.linear.gather [hbm4b:s22+s4], $0x50, $0x38;
	[tilespmem:$0x1BB00] =	vst v63  }
0xc1: {  	s25 =	rddreg [dreg:$0x1b]  }
0xc2: {  	[tilespmem:s26], [sflag:$0x9] =	stream.linear.gather [hbm4b:s25+s4], $0x50, $0x38;
	[tilespmem:$0x1BB00] =	vst v63  }
0xc3: {  	_ =	swait.ge [sflag:s16], $0x50  }
0xc4: {  	[sflag:s16] =	ssyncset.done $0x0  }
0xc5: {  	[sflag:s16] =	ssyncadd.s32 $0xFFFFFFB0  }
0xc6: {  	[spmem:s3] =	stream.indirect.scatter.add.f32 [tilespmem:s19], [sflag:$0x4], $0x80, s29, s2, $0xb8;
	[tilespmem:$0x1BB00] =	vst v63  }
0xc7: {  	_ =	swait.ge [sflag:s18], $0x50  }
0xc8: {  	[sflag:s18] =	ssyncset.done $0x0  }
0xc9: {  	[sflag:s18] =	ssyncadd.s32 $0xFFFFFFB0  }
0xca: {  	[spmem:s3] =	stream.indirect.scatter.add.f32 [tilespmem:s19], [sflag:$0x5], $0x80, s31, s2, $0xb8;
	[tilespmem:$0x1BB00] =	vst v63  }
0xcb: {  	_ =	swait.ge [sflag:s9], $0x50  }
0xcc: {  	[sflag:s9] =	ssyncset.done $0x0  }
0xcd: {  	[sflag:s9] =	ssyncadd.s32 $0xFFFFFFB0  }
0xce: {  	[spmem:s3] =	stream.indirect.scatter.add.f32 [tilespmem:s19], [sflag:$0x6], $0x80, s26, s2, $0xb8;
	[tilespmem:$0x1BB00] =	vst v63  }
0xcf: {  	_ =	swait.ge [sflag:s30], $0x2800  }
0xd0: {  	s15 =	rddreg [dreg:$0x1e]  }
0xd1: {  	[sflag:s30] =	ssyncset.done $0x0;
	s6 =	sshrl.u32 s15, $0x3  }
0xd2: {  	[sflag:s30] =	ssyncadd.s32 $0xFFFFD800;
	s20 =	sadd.s32 s23, s6  }
0xd3: {  	[tilespmem:s29], [sflag:$0x7] =	stream.linear.gather [hbm4b:s20+s4], $0x50, $0x38;
	[tilespmem:$0x1BB00] =	vst v63  }
0xd4: {  	_ =	swait.ge [sflag:s16], $0x50  }
0xd5: {  	[sflag:s16] =	ssyncset.done $0x0  }
0xd6: {  	[sflag:s16] =	ssyncadd.s32 $0xFFFFFFB0  }
0xd7: {  	[spmem:s3] =	stream.indirect.scatter.add.f32 [tilespmem:s19], [sflag:$0x4], $0x80, s29, s2, $0xb8;
	[tilespmem:$0x1BB00] =	vst v63  }
0xd8: {  	_ =	swait.ge [sflag:s17], $0x2800  }
0xd9: {  	[sflag:s17] =	ssyncset.done $0x0  }
0xda: {  	s22 =	sadd.s32 $0x0, s7;
	[sflag:s17] =	ssyncadd.s32 $0xFFFFD800  }
0xdb: {  	[tilespmem:s31], [sflag:$0x8] =	stream.linear.gather [hbm4b:s22+s4], $0x50, $0x38;
	[tilespmem:$0x1BB00] =	vst v63  }
0xdc: {  	_ =	swait.ge [sflag:s18], $0x50  }
0xdd: {  	[sflag:s18] =	ssyncset.done $0x0  }
0xde: {  	[sflag:s18] =	ssyncadd.s32 $0xFFFFFFB0  }
0xdf: {  	[spmem:s3] =	stream.indirect.scatter.add.f32 [tilespmem:s19], [sflag:$0x5], $0x80, s31, s2, $0xb8;
	[tilespmem:$0x1BB00] =	vst v63  }
0xe0: {  	_ =	swait.ge [sflag:s1], $0x2800  }
0xe1: {  	[sflag:s1] =	ssyncset.done $0x0  }
0xe2: {  	s25 =	sadd.s32 $0x0, s5;
	[sflag:s1] =	ssyncadd.s32 $0xFFFFD800  }
0xe3: {  	[tilespmem:s26], [sflag:$0x9] =	stream.linear.gather [hbm4b:s25+s4], $0x50, $0x38;
	[tilespmem:$0x1BB00] =	vst v63  }
0xe4: {  	_ =	swait.ge [sflag:s9], $0x50  }
0xe5: {  	[sflag:s9] =	ssyncset.done $0x0  }
0xe6: {  	s20 =	simm.s32 $0x1E;
	s25 =	sadd.s32 $0xF0, s15;
	[sflag:s9] =	ssyncadd.s32 $0xFFFFFFB0  }
.LBB2_2:
0xe7: {  	[spmem:s3] =	stream.indirect.scatter.add.f32 [tilespmem:s19], [sflag:$0x6], $0x80, s26, s2, $0xb8;
	[tilespmem:$0x1BB00] =	vst v63  }
0xe8: {  	s15 =	smov.u32 s20  }
0xe9: {  	p0 =	sne.s32 s20, $0x492;
	s20 =	sadd.s32 $0x1E, s20;
	_ =	swait.ge [sflag:s30], $0x2800  }
0xea: {  	s22 =	sshrl.u32 s25, $0x3;
	[sflag:s30] =	ssyncset.done $0x0  }
0xeb: {  	s22 =	sadd.s32 s23, s22;
	[sflag:s30] =	ssyncadd.s32 $0xFFFFD800  }
0xec: {  	[tilespmem:s29], [sflag:$0x7] =	stream.linear.gather [hbm4b:s22+s4], $0x50, $0x38;
	[tilespmem:$0x1BB00] =	vst v63  }
0xed: {  	_ =	swait.ge [sflag:s16], $0x50  }
0xee: {  	[sflag:s16] =	ssyncset.done $0x0  }
0xef: {  	[sflag:s16] =	ssyncadd.s32 $0xFFFFFFB0  }
0xf0: {  	[spmem:s3] =	stream.indirect.scatter.add.f32 [tilespmem:s19], [sflag:$0x4], $0x80, s29, s2, $0xb8;
	[tilespmem:$0x1BB00] =	vst v63  }
0xf1: {  	_ =	swait.ge [sflag:s17], $0x2800  }
0xf2: {  	[sflag:s17] =	ssyncset.done $0x0  }
0xf3: {  	s22 =	sadd.s32 s15, s7;
	[sflag:s17] =	ssyncadd.s32 $0xFFFFD800  }
0xf4: {  	[tilespmem:s31], [sflag:$0x8] =	stream.linear.gather [hbm4b:s22+s4], $0x50, $0x38;
	[tilespmem:$0x1BB00] =	vst v63  }
0xf5: {  	_ =	swait.ge [sflag:s18], $0x50  }
0xf6: {  	[sflag:s18] =	ssyncset.done $0x0  }
0xf7: {  	[sflag:s18] =	ssyncadd.s32 $0xFFFFFFB0  }
0xf8: {  	[spmem:s3] =	stream.indirect.scatter.add.f32 [tilespmem:s19], [sflag:$0x5], $0x80, s31, s2, $0xb8;
	[tilespmem:$0x1BB00] =	vst v63  }
0xf9: {  	_ =	swait.ge [sflag:s1], $0x2800  }
0xfa: {  	[sflag:s1] =	ssyncset.done $0x0  }
.Ltmp2:
0xfb: {  	s15 =	sadd.s32 s15, s5;
	[sflag:s1] =	ssyncadd.s32 $0xFFFFD800;
	(pc) =	sbr.rel @p0 .LBB2_2-.Ltmp2, $4  }
0xfc: {  	[tilespmem:s26], [sflag:$0x9] =	stream.linear.gather [hbm4b:s15+s4], $0x50, $0x38;
	[tilespmem:$0x1BB00] =	vst v63  }
0xfd: {  	_ =	swait.ge [sflag:s9], $0x50  }
0xfe: {  	[sflag:s9] =	ssyncset.done $0x0  }
0xff: {  	s25 =	sadd.s32 $0xF0, s25;
	[sflag:s9] =	ssyncadd.s32 $0xFFFFFFB0  }
0x100: {  	[spmem:s3] =	stream.indirect.scatter.add.f32 [tilespmem:s19], [sflag:$0x6], $0x80, s26, s2, $0xb8;
	[tilespmem:$0x1BB00] =	vst v63  }
0x101: {  	_ =	swait.ge [sflag:s30], $0x2800  }
0x102: {  	s15 =	sld [smem:$0x7F8]  }
0x103: {  	[sflag:s30] =	ssyncset.done $0x0  }
0x104: {  	s25 =	simm.s32 $0x0;
	[sflag:s30] =	ssyncadd.s32 $0xFFFFD800  }
0x105: {  	[tilespmem:s29], [sflag:$0x7] =	stream.linear.gather [hbm4b:s15+s25], $0x50, $0x38;
	[tilespmem:$0x1BB00] =	vst v63  }
0x106: {  	_ =	swait.ge [sflag:s16], $0x50  }
0x107: {  	[sflag:s16] =	ssyncset.done $0x0  }
0x108: {  	[sflag:s16] =	ssyncadd.s32 $0xFFFFFFB0  }
0x109: {  	[spmem:s3] =	stream.indirect.scatter.add.f32 [tilespmem:s19], [sflag:$0x4], $0x80, s29, s2, $0xb8;
	[tilespmem:$0x1BB00] =	vst v63  }
0x10a: {  	_ =	swait.ge [sflag:s17], $0x2800  }
0x10b: {  	s20 =	sld [smem:$0x7F9]  }
0x10c: {  	[sflag:s17] =	ssyncset.done $0x0  }
0x10d: {  	[sflag:s17] =	ssyncadd.s32 $0xFFFFD800  }
0x10e: {  	[tilespmem:s31], [sflag:$0x8] =	stream.linear.gather [hbm4b:s20+s25], $0x50, $0x38;
	[tilespmem:$0x1BB00] =	vst v63  }
0x10f: {  	_ =	swait.ge [sflag:s18], $0x50  }
0x110: {  	[sflag:s18] =	ssyncset.done $0x0  }
0x111: {  	[sflag:s18] =	ssyncadd.s32 $0xFFFFFFB0  }
0x112: {  	[spmem:s3] =	stream.indirect.scatter.add.f32 [tilespmem:s19], [sflag:$0x5], $0x80, s31, s2, $0xb8;
	[tilespmem:$0x1BB00] =	vst v63  }
0x113: {  	_ =	swait.ge [sflag:s1], $0x2800  }
0x114: {  	[sflag:s1] =	ssyncset.done $0x0  }
0x115: {  	[sflag:s1] =	ssyncadd.s32 $0xFFFFD800  }
0x116: {  	_ =	swait.ge [sflag:s30], $0x2800  }
0x117: {  	[sflag:s30] =	ssyncset.done $0x0  }
0x118: {  	[sflag:s30] =	ssyncadd.s32 $0xFFFFD800  }
0x119: {  	_ =	swait.ge [sflag:s17], $0x2800  }
0x11a: {  	[sflag:s17] =	ssyncset.done $0x0  }
0x11b: {  	[sflag:s17] =	ssyncadd.s32 $0xFFFFD800  }
0x11c: {  	[bflag:$0x0] =	sbarrier.arrive $0xFFFF  }
0x11d: {  	s6 =	rddreg [dreg:$0x16]  }
0x11e: {  	[tilespmem:s19], [sflag:$0x1] =	stream.linear.gather [spmem:s6], $0x2800, $0x38;
	[tilespmem:$0x1BB00] =	vst v63  }
0x11f: {  	_ =	swait.ge [sflag:s21], $0x2800  }
0x120: {  	[sflag:s21] =	ssyncset.done $0x0;
	s22 =	rddreg [dreg:$0x5]  }
0x121: {  	s20 =	sld [smem:$0x7F4];
	[sflag:s21] =	ssyncadd.s32 $0xFFFFD800  }
0x122: {  	[hbm4b:s22+s25] =	stream.linear.scatter [tilespmem:s19], [sflag:$0x4], $0x2800, $0x38;
	[tilespmem:$0x1BB00] =	vst v63  }
0x123: {  	_ = 	snop  }
0x124: {  	[tilespmem:s10], [sflag:$0x2] =	stream.linear.gather [spmem:s20], $0x2800, $0x38;
	[tilespmem:$0x1BB00] =	vst v63  }
0x125: {  	_ =	swait.ge [sflag:s24], $0x2800  }
0x126: {  	[sflag:s24] =	ssyncset.done $0x0  }
0x127: {  	s22 =	rddreg [dreg:$0x6];
	[sflag:s24] =	ssyncadd.s32 $0xFFFFD800  }
0x128: {  	[hbm4b:s22+s25] =	stream.linear.scatter [tilespmem:s10], [sflag:$0x5], $0x2800, $0x38;
	[tilespmem:$0x1BB00] =	vst v63  }
0x129: {  	_ =	swait.ge [sflag:s30], $0x2800  }
0x12a: {  	s20 =	sld [smem:$0x7F5]  }
0x12b: {  	[sflag:s30] =	ssyncset.done $0x0  }
0x12c: {  	[sflag:s30] =	ssyncadd.s32 $0xFFFFD800  }
0x12d: {  	[tilespmem:s19], [sflag:$0x1] =	stream.linear.gather [spmem:s20], $0x2800, $0x38;
	[tilespmem:$0x1BB00] =	vst v63  }
0x12e: {  	_ =	swait.ge [sflag:s21], $0x2800  }
0x12f: {  	[sflag:s21] =	ssyncset.done $0x0  }
0x130: {  	s22 =	rddreg [dreg:$0x7];
	[sflag:s21] =	ssyncadd.s32 $0xFFFFD800  }
0x131: {  	[hbm4b:s22+s25] =	stream.linear.scatter [tilespmem:s19], [sflag:$0x4], $0x2800, $0x38;
	[tilespmem:$0x1BB00] =	vst v63  }
0x132: {  	_ =	swait.ge [sflag:s17], $0x2800  }
0x133: {  	s20 =	sld [smem:$0x7F6]  }
0x134: {  	[sflag:s17] =	ssyncset.done $0x0  }
0x135: {  	[sflag:s17] =	ssyncadd.s32 $0xFFFFD800  }
0x136: {  	[tilespmem:s10], [sflag:$0x2] =	stream.linear.gather [spmem:s20], $0x2800, $0x38;
	[tilespmem:$0x1BB00] =	vst v63  }
0x137: {  	_ =	swait.ge [sflag:s24], $0x2800  }
0x138: {  	[sflag:s24] =	ssyncset.done $0x0  }
0x139: {  	s22 =	rddreg [dreg:$0x8];
	[sflag:s24] =	ssyncadd.s32 $0xFFFFD800  }
0x13a: {  	[hbm4b:s22+s25] =	stream.linear.scatter [tilespmem:s10], [sflag:$0x5], $0x2800, $0x38;
	[tilespmem:$0x1BB00] =	vst v63  }
0x13b: {  	_ =	swait.ge [sflag:s30], $0x2800  }
0x13c: {  	s20 =	sld [smem:$0x7F7]  }
0x13d: {  	[sflag:s30] =	ssyncset.done $0x0  }
0x13e: {  	[sflag:s30] =	ssyncadd.s32 $0xFFFFD800  }
0x13f: {  	[tilespmem:s19], [sflag:$0x1] =	stream.linear.gather [spmem:s20], $0x2800, $0x38;
	[tilespmem:$0x1BB00] =	vst v63  }
0x140: {  	_ =	swait.ge [sflag:s21], $0x2800  }
0x141: {  	[sflag:s21] =	ssyncset.done $0x0  }
0x142: {  	s22 =	rddreg [dreg:$0x9];
	[sflag:s21] =	ssyncadd.s32 $0xFFFFD800  }
0x143: {  	[hbm4b:s22+s25] =	stream.linear.scatter [tilespmem:s19], [sflag:$0x4], $0x2800, $0x38;
	[tilespmem:$0x1BB00] =	vst v63  }
0x144: {  	_ =	swait.ge [sflag:s17], $0x2800  }
0x145: {  	s20 =	sld [smem:$0x7FB]  }
0x146: {  	[sflag:s17] =	ssyncset.done $0x0  }
0x147: {  	[sflag:s17] =	ssyncadd.s32 $0xFFFFD800  }
0x148: {  	[tilespmem:s10], [sflag:$0x2] =	stream.linear.gather [spmem:s20], $0x2800, $0x38;
	[tilespmem:$0x1BB00] =	vst v63  }
0x149: {  	_ =	swait.ge [sflag:s24], $0x2800  }
0x14a: {  	[sflag:s24] =	ssyncset.done $0x0  }
0x14b: {  	s22 =	rddreg [dreg:$0xa];
	[sflag:s24] =	ssyncadd.s32 $0xFFFFD800  }
0x14c: {  	[hbm4b:s22+s25] =	stream.linear.scatter [tilespmem:s10], [sflag:$0x5], $0x2800, $0x38;
	[tilespmem:$0x1BB00] =	vst v63  }
0x14d: {  	_ =	swait.ge [sflag:s30], $0x2800  }
0x14e: {  	s22 =	sld [smem:$0x7FC]  }
0x14f: {  	[sflag:s30] =	ssyncset.done $0x0  }
0x150: {  	[sflag:s30] =	ssyncadd.s32 $0xFFFFD800  }
0x151: {  	[tilespmem:s19], [sflag:$0x1] =	stream.linear.gather [spmem:s22], $0x2800, $0x38;
	[tilespmem:$0x1BB00] =	vst v63  }
0x152: {  	_ =	swait.ge [sflag:s21], $0x2800  }
0x153: {  	[sflag:s21] =	ssyncset.done $0x0  }
0x154: {  	s20 =	rddreg [dreg:$0xb];
	[sflag:s21] =	ssyncadd.s32 $0xFFFFD800  }
0x155: {  	[hbm4b:s20+s25] =	stream.linear.scatter [tilespmem:s19], [sflag:$0x4], $0x2800, $0x38;
	[tilespmem:$0x1BB00] =	vst v63  }
0x156: {  	_ =	swait.ge [sflag:s17], $0x2800  }
0x157: {  	s20 =	sld [smem:$0x7FD]  }
0x158: {  	[sflag:s17] =	ssyncset.done $0x0  }
0x159: {  	[sflag:s17] =	ssyncadd.s32 $0xFFFFD800  }
0x15a: {  	[tilespmem:s10], [sflag:$0x2] =	stream.linear.gather [spmem:s20], $0x2800, $0x38;
	[tilespmem:$0x1BB00] =	vst v63  }
0x15b: {  	_ =	swait.ge [sflag:s24], $0x2800  }
0x15c: {  	[sflag:s24] =	ssyncset.done $0x0  }
0x15d: {  	s15 =	rddreg [dreg:$0xc];
	[sflag:s24] =	ssyncadd.s32 $0xFFFFD800  }
0x15e: {  	[hbm4b:s15+s25] =	stream.linear.scatter [tilespmem:s10], [sflag:$0x5], $0x2800, $0x38;
	[tilespmem:$0x1BB00] =	vst v63  }
0x15f: {  	_ =	swait.ge [sflag:s30], $0x2800  }
0x160: {  	[sflag:s30] =	ssyncset.done $0x0  }
0x161: {  	[sflag:s30] =	ssyncadd.s32 $0xFFFFD800  }
0x162: {  	_ =	swait.ge [sflag:s17], $0x2800  }
0x163: {  	[sflag:s17] =	ssyncset.done $0x0  }
0x164: {  	[sflag:s17] =	ssyncadd.s32 $0xFFFFD800  }
0x165: {  	[bflag:$0x0] =	sbarrier.arrive $0xFFFF  }
0x166: {  	s15 =	rddreg [dreg:$0x2]  }
0x167: {  	[tilespmem:s19], [sflag:$0xA] =	stream.linear.gather [hbm4b:s15+s25], $0x2800, $0x38;
	[tilespmem:$0x1BB00] =	vst v63  }
0x168: {  	s15 =	simm.s32 $0xA  }
0x169: {  	_ =	swait.ge [sflag:s15], $0x2800  }
0x16a: {  	[sflag:s15] =	ssyncset.done $0x0  }
0x16b: {  	[sflag:s15] =	ssyncadd.s32 $0xFFFFD800;
	s15 =	sld [smem:$0x7F4]  }
0x16c: {  	[spmem:s6] =	stream.linear.scatter [tilespmem:s19], [sflag:$0x1], $0x2800, $0x38;
	[tilespmem:$0x1BB00] =	vst v63  }
0x16d: {  	_ = 	snop  }
0x16e: {  	[spmem:s15] =	stream.linear.scatter [tilespmem:s19], [sflag:$0x2], $0x2800, $0x38;
	[tilespmem:$0x1BB00] =	vst v63  }
0x16f: {  	s15 =	sld [smem:$0x7F5];
	_ =	sdelay $0x2  }
0x170: {  	[spmem:s15] =	stream.linear.scatter [tilespmem:s19], [sflag:$0x3], $0x2800, $0x38;
	[tilespmem:$0x1BB00] =	vst v63  }
0x171: {  	s15 =	sld [smem:$0x7F6];
	_ =	sdelay $0x2  }
0x172: {  	[spmem:s15] =	stream.linear.scatter [tilespmem:s19], [sflag:$0x4], $0x2800, $0x38;
	[tilespmem:$0x1BB00] =	vst v63  }
0x173: {  	s15 =	sld [smem:$0x7F7];
	_ =	sdelay $0x2  }
0x174: {  	[spmem:s15] =	stream.linear.scatter [tilespmem:s19], [sflag:$0x5], $0x2800, $0x38;
	[tilespmem:$0x1BB00] =	vst v63  }
0x175: {  	s15 =	sld [smem:$0x7FB];
	_ =	sdelay $0x2  }
0x176: {  	[spmem:s15] =	stream.linear.scatter [tilespmem:s19], [sflag:$0x6], $0x2800, $0x38;
	[tilespmem:$0x1BB00] =	vst v63  }
0x177: {  	_ = 	snop  }
0x178: {  	[spmem:s22] =	stream.linear.scatter [tilespmem:s19], [sflag:$0x7], $0x2800, $0x38;
	[tilespmem:$0x1BB00] =	vst v63  }
0x179: {  	_ = 	snop  }
0x17a: {  	[spmem:s20] =	stream.linear.scatter [tilespmem:s19], [sflag:$0x8], $0x2800, $0x38;
	[tilespmem:$0x1BB00] =	vst v63  }
0x17b: {  	_ =	swait.ge [sflag:s21], $0x2800  }
0x17c: {  	[sflag:s21] =	ssyncset.done $0x0  }
0x17d: {  	[sflag:s21] =	ssyncadd.s32 $0xFFFFD800  }
0x17e: {  	_ =	swait.ge [sflag:s24], $0x2800  }
0x17f: {  	[sflag:s24] =	ssyncset.done $0x0  }
0x180: {  	[sflag:s24] =	ssyncadd.s32 $0xFFFFD800  }
0x181: {  	_ =	swait.ge [sflag:s28], $0x2800  }
0x182: {  	[sflag:s28] =	ssyncset.done $0x0  }
0x183: {  	[sflag:s28] =	ssyncadd.s32 $0xFFFFD800  }
0x184: {  	_ =	swait.ge [sflag:s30], $0x2800  }
0x185: {  	[sflag:s30] =	ssyncset.done $0x0  }
0x186: {  	[sflag:s30] =	ssyncadd.s32 $0xFFFFD800  }
0x187: {  	_ =	swait.ge [sflag:s17], $0x2800  }
0x188: {  	[sflag:s17] =	ssyncset.done $0x0  }
0x189: {  	[sflag:s17] =	ssyncadd.s32 $0xFFFFD800  }
0x18a: {  	_ =	swait.ge [sflag:s1], $0x2800  }
0x18b: {  	[sflag:s1] =	ssyncset.done $0x0  }
0x18c: {  	[sflag:s1] =	ssyncadd.s32 $0xFFFFD800  }
0x18d: {  	_ =	swait.ge [sflag:s16], $0x2800  }
0x18e: {  	[sflag:s16] =	ssyncset.done $0x0  }
0x18f: {  	[sflag:s16] =	ssyncadd.s32 $0xFFFFD800  }
0x190: {  	_ =	swait.ge [sflag:s18], $0x2800  }
0x191: {  	[sflag:s18] =	ssyncset.done $0x0  }
0x192: {  	[sflag:s18] =	ssyncadd.s32 $0xFFFFD800  }
0x193: {  	[bflag:$0x0] =	sbarrier.arrive $0xFFFF  }
0x194: {  	s6 =	rddreg [dreg:$0x18]  }
0x195: {  	[tilespmem:s11], [sflag:$0x7] =	stream.linear.gather [hbm4b:s6+s25], $0x50, $0x38;
	[tilespmem:$0x1BB00] =	vst v63  }
0x196: {  	s20 =	rddreg [dreg:$0x17]  }
0x197: {  	[tilespmem:s29], [sflag:$0x7] =	stream.linear.gather [hbm4b:s20+s25], $0x50, $0x38;
	[tilespmem:$0x1BB00] =	vst v63  }
0x198: {  	s22 =	rddreg [dreg:$0x1a]  }
0x199: {  	[tilespmem:s12], [sflag:$0x8] =	stream.linear.gather [hbm4b:s22+s25], $0x50, $0x38;
	[tilespmem:$0x1BB00] =	vst v63  }
0x19a: {  	s6 =	rddreg [dreg:$0x19]  }
0x19b: {  	[tilespmem:s31], [sflag:$0x8] =	stream.linear.gather [hbm4b:s6+s25], $0x50, $0x38;
	[tilespmem:$0x1BB00] =	vst v63  }
0x19c: {  	s20 =	rddreg [dreg:$0x1c]  }
0x19d: {  	[tilespmem:s13], [sflag:$0x9] =	stream.linear.gather [hbm4b:s20+s25], $0x50, $0x38;
	[tilespmem:$0x1BB00] =	vst v63  }
0x19e: {  	s22 =	rddreg [dreg:$0x1b]  }
0x19f: {  	[tilespmem:s26], [sflag:$0x9] =	stream.linear.gather [hbm4b:s22+s25], $0x50, $0x38;
	[tilespmem:$0x1BB00] =	vst v63  }
0x1a0: {  	_ =	swait.ge [sflag:s16], $0x50  }
0x1a1: {  	[sflag:s16] =	ssyncset.done $0x0  }
0x1a2: {  	[sflag:s16] =	ssyncadd.s32 $0xFFFFFFB0  }
0x1a3: {  	_ =	swait.ge [sflag:s16], $0x50  }
0x1a4: {  	[sflag:s16] =	ssyncset.done $0x0  }
0x1a5: {  	[sflag:s16] =	ssyncadd.s32 $0xFFFFFFB0  }
0x1a6: {  	[tilespmem:s19], [sflag:$0x1] =	stream.indirect.gather [hbm4b:s0+s2], $0x80, s11, s2, $0xb8;
	[tilespmem:$0x1BB00] =	vst v63  }
0x1a7: {  	_ =	swait.ge [sflag:s18], $0x50  }
0x1a8: {  	[sflag:s18] =	ssyncset.done $0x0  }
0x1a9: {  	[sflag:s18] =	ssyncadd.s32 $0xFFFFFFB0  }
0x1aa: {  	_ =	swait.ge [sflag:s18], $0x50  }
0x1ab: {  	[sflag:s18] =	ssyncset.done $0x0  }
0x1ac: {  	[sflag:s18] =	ssyncadd.s32 $0xFFFFFFB0  }
0x1ad: {  	[tilespmem:s10], [sflag:$0x2] =	stream.indirect.gather [hbm4b:s0+s2], $0x80, s12, s2, $0xb8;
	[tilespmem:$0x1BB00] =	vst v63  }
0x1ae: {  	_ =	swait.ge [sflag:s9], $0x50  }
0x1af: {  	[sflag:s9] =	ssyncset.done $0x0  }
0x1b0: {  	[sflag:s9] =	ssyncadd.s32 $0xFFFFFFB0  }
0x1b1: {  	_ =	swait.ge [sflag:s9], $0x50  }
0x1b2: {  	[sflag:s9] =	ssyncset.done $0x0  }
0x1b3: {  	s20 =	rddreg [dreg:$0x1e];
	[sflag:s9] =	ssyncadd.s32 $0xFFFFFFB0  }
0x1b4: {  	[tilespmem:s14], [sflag:$0x3] =	stream.indirect.gather [hbm4b:s0+s2], $0x80, s13, s2, $0xb8;
	[tilespmem:$0x1BB00] =	vst v63  }
.LBB2_4:
0x1b5: {  	_ =	swait.ge [sflag:s21], $0x2800  }
0x1b6: {  	[sflag:s21] =	ssyncset.done $0x0  }
0x1b7: {  	[sflag:s21] =	ssyncadd.s32 $0xFFFFD800  }
0x1b8: {  	[spmem:s3] =	stream.indirect.scatter.add.f32 [tilespmem:s19], [sflag:$0x4], $0x80, s29, s2, $0xb8;
	[tilespmem:$0x1BB00] =	vst v63  }
0x1b9: {  	_ =	swait.ge [sflag:s24], $0x2800  }
0x1ba: {  	[sflag:s24] =	ssyncset.done $0x0  }
0x1bb: {  	[sflag:s24] =	ssyncadd.s32 $0xFFFFD800  }
0x1bc: {  	[spmem:s3] =	stream.indirect.scatter.add.f32 [tilespmem:s10], [sflag:$0x5], $0x80, s31, s2, $0xb8;
	[tilespmem:$0x1BB00] =	vst v63  }
0x1bd: {  	_ =	swait.ge [sflag:s28], $0x2800  }
0x1be: {  	[sflag:s28] =	ssyncset.done $0x0  }
0x1bf: {  	[sflag:s28] =	ssyncadd.s32 $0xFFFFD800  }
0x1c0: {  	[spmem:s3] =	stream.indirect.scatter.add.f32 [tilespmem:s14], [sflag:$0x6], $0x80, s26, s2, $0xb8;
	[tilespmem:$0x1BB00] =	vst v63  }
0x1c1: {  	_ =	swait.ge [sflag:s30], $0x2800  }
0x1c2: {  	s6 =	sld [smem:$0x7F3];
	_ =	sdelay $0x1  }
0x1c3: {  	s15 =	sshrl.u32 s20, $0x3;
	[sflag:s30] =	ssyncset.done $0x0  }
0x1c4: {  	[sflag:s30] =	ssyncadd.s32 $0xFFFFD800;
	s22 =	sadd.s32 s6, s15  }
0x1c5: {  	[tilespmem:s11], [sflag:$0x7] =	stream.linear.gather [hbm4b:s22+s4], $0x50, $0x38;
	[tilespmem:$0x1BB00] =	vst v63  }
0x1c6: {  	s15 =	sadd.s32 s23, s15  }
0x1c7: {  	[tilespmem:s29], [sflag:$0x7] =	stream.linear.gather [hbm4b:s15+s4], $0x50, $0x38;
	[tilespmem:$0x1BB00] =	vst v63  }
0x1c8: {  	_ =	swait.ge [sflag:s16], $0x50  }
0x1c9: {  	[sflag:s16] =	ssyncset.done $0x0  }
0x1ca: {  	[sflag:s16] =	ssyncadd.s32 $0xFFFFFFB0  }
0x1cb: {  	_ =	swait.ge [sflag:s16], $0x50  }
0x1cc: {  	[sflag:s16] =	ssyncset.done $0x0  }
0x1cd: {  	[sflag:s16] =	ssyncadd.s32 $0xFFFFFFB0  }
0x1ce: {  	[tilespmem:s19], [sflag:$0x1] =	stream.indirect.gather [hbm4b:s0+s2], $0x80, s11, s2, $0xb8;
	[tilespmem:$0x1BB00] =	vst v63  }
0x1cf: {  	_ =	swait.ge [sflag:s17], $0x2800  }
0x1d0: {  	[sflag:s17] =	ssyncset.done $0x0  }
0x1d1: {  	s6 =	sadd.s32 s25, s8;
	[sflag:s17] =	ssyncadd.s32 $0xFFFFD800  }
0x1d2: {  	[tilespmem:s12], [sflag:$0x8] =	stream.linear.gather [hbm4b:s6+s4], $0x50, $0x38;
	[tilespmem:$0x1BB00] =	vst v63  }
0x1d3: {  	s22 =	sadd.s32 s25, s7  }
0x1d4: {  	[tilespmem:s31], [sflag:$0x8] =	stream.linear.gather [hbm4b:s22+s4], $0x50, $0x38;
	[tilespmem:$0x1BB00] =	vst v63  }
0x1d5: {  	_ =	swait.ge [sflag:s18], $0x50  }
0x1d6: {  	[sflag:s18] =	ssyncset.done $0x0  }
0x1d7: {  	[sflag:s18] =	ssyncadd.s32 $0xFFFFFFB0  }
0x1d8: {  	_ =	swait.ge [sflag:s18], $0x50  }
0x1d9: {  	p0 =	seq.s32 s25, $0x4B0;
	[sflag:s18] =	ssyncset.done $0x0  }
.Ltmp3:
0x1da: {  	[sflag:s18] =	ssyncadd.s32 $0xFFFFFFB0;
	(pc) =	sbr.rel @p0 .LBB2_6-.Ltmp3, $4  }
0x1db: {  	[tilespmem:s10], [sflag:$0x2] =	stream.indirect.gather [hbm4b:s0+s2], $0x80, s12, s2, $0xb8;
	[tilespmem:$0x1BB00] =	vst v63  }
0x1dc: {  	_ =	swait.ge [sflag:s1], $0x2800  }
0x1dd: {  	[sflag:s1] =	ssyncset.done $0x0  }
0x1de: {  	[sflag:s1] =	ssyncadd.s32 $0xFFFFD800  }
0x1df: {  	s15 =	rddreg [dreg:$0x1f]  }
0x1e0: {  	s15 =	sadd.s32 s25, s15  }
0x1e1: {  	[tilespmem:s13], [sflag:$0x9] =	stream.linear.gather [hbm4b:s15+s4], $0x50, $0x38;
	[tilespmem:$0x1BB00] =	vst v63  }
0x1e2: {  	s22 =	sadd.s32 s25, s5  }
0x1e3: {  	[tilespmem:s26], [sflag:$0x9] =	stream.linear.gather [hbm4b:s22+s4], $0x50, $0x38;
	[tilespmem:$0x1BB00] =	vst v63  }
0x1e4: {  	_ =	swait.ge [sflag:s9], $0x50  }
0x1e5: {  	[sflag:s9] =	ssyncset.done $0x0  }
.Ltmp4:
0x1e6: {  	[sflag:s9] =	ssyncadd.s32 $0xFFFFFFB0;
	(pc) =	sbr.rel .LBB2_4-.Ltmp4, $4  }
0x1e7: {  	_ =	swait.ge [sflag:s9], $0x50  }
0x1e8: {  	[sflag:s9] =	ssyncset.done $0x0  }
0x1e9: {  	s20 =	sadd.s32 $0xF0, s20;
	s25 =	sadd.s32 $0x1E, s25;
	[sflag:s9] =	ssyncadd.s32 $0xFFFFFFB0  }
0x1ea: {  	[tilespmem:s14], [sflag:$0x3] =	stream.indirect.gather [hbm4b:s0+s2], $0x80, s13, s2, $0xb8;
	[tilespmem:$0x1BB00] =	vst v63  }
.LBB2_7:
0x1eb: {  	_ =	sfence.sel $0x180000  }
0x1ec: {  	[bflag:$0x0] =	sbarrier.arrive $0xFFFF  }
0x1ed: {  	_ =	strace $0x90000047  }
0x1ee: {  	s0 =	stileid.u32;
	[bflag:$0x2] =	sbarrier.arrive $0xFFFF  }
0x1ef: {  	p0 =	sne.s32 s0, $0x0;
	s0 =	rddreg [dreg:$0x4]  }
0x1f0: {  	s0 =	sadd.s32 @!p0 $0x100000, s0  }
0x1f1: {  	[sflag:s0] =	ssyncadd.tile.s32 @!p0 $0x1;
	_ =	shalt  }
.Lfunc_end2:
_tile_overlayer_lowered:
.L_overlay_start_2:
0x1f2: {  	(tag) =	ssettag $0x2  }
0x1f3: {  	s0 =	rddreg [dreg:$0x0];
	s2 =	stileid.u32  }
0x1f4: {  	s1 =	rddreg [dreg:$0x1];
	p0 =	sne.s32 s2, $0x0  }
0x1f5: {  	s3 =	rddreg [dreg:$0x2];
	[bflag:$0x3] =	sbarrier.arrive $0xFFFF;
	s2 =	simm.s32 @!p0 $0x1C0A  }
0x1f6: {  	[timem:s3], [sflag:s2] =	dma.local @!p0 [hbm:s0], s1  }
0x1f7: {  	s0 =	simm.s32 @!p0 $0xA  }
0x1f8: {  	_ =	swait.ge @!p0 [sflag:s0], s1  }
0x1f9: {  	s1 =	ssub.s32 @!p0 $0x0, s1;
	[sflag:s0] =	ssyncset.done @!p0 $0x0  }
0x1fa: {  	[sflag:s0] =	ssyncadd.s32 @!p0 s1  }
0x1fb: {  	[bflag:$0x3] =	sbarrier.arrive $0xFFFF  }
0x1fc: {  	_ =	shalt  }

// kernel: kernel.13.cloned.1.call-start
scs
__scs_entry_jumppad:
0x0: {  	(pc) =	sbr.rel $0x88, $3  }
0x1: {  	(tag) =	ssettag $0x0;
	lr =	simm.s32 $0x1  }
0x2: {  	[smem:$0x3F95] =	sst lr;
	_ =	strace $0xD0000000  }
0x3: {  	_ = 	snop  }
0x4: {  	_ = 	snop  }
0x5: {  	_ = 	snop  }
0x6: {  	_ = 	snop  }
0x7: {  	_ = 	snop  }
__scs_overlays_trampoline_lowered:
0x8: {  	[smem:$0x3FA4] =	sst s0  }
0x9: {  	[smem:$0x3FA5] =	sst s1  }
0xa: {  	[smem:$0x3FA6] =	sst s2  }
0xb: {  	[smem:$0x3FA7] =	sst s3  }
0xc: {  	[smem:$0x3FA8] =	sst s4  }
0xd: {  	[smem:$0x3FA9] =	sst s5  }
0xe: {  	[smem:$0x3FAA] =	sst s6  }
0xf: {  	[smem:$0x3FAB] =	sst s7  }
0x10: {  	[smem:$0x3FAC] =	sst s8  }
0x11: {  	[smem:$0x3FAD] =	sst s9;
	s0 =	simm.s32 @!p0 $0x0  }
0x12: {  	s1 =	sld [smem:$0x3F93];
	s0 =	simm.s32 @p0 $0x1  }
0x13: {  	[smem:$0x3FAE] =	sst s0;
	s0 =	simm.s32 @!p1 $0x0  }
0x14: {  	s2 =	sld [smem:$0x3F92];
	s0 =	simm.s32 @p1 $0x1  }
0x15: {  	[smem:$0x3FAF] =	sst s0;
	s0 =	simm.s32 @!p2 $0x0  }
0x16: {  	s3 =	sld [smem:$0x3FDB];
	s0 =	simm.s32 @p2 $0x1  }
0x17: {  	s4 =	simm.s32 $0x1BF5;
	[smem:$0x3FB1] =	sst s0  }
0x18: {  	s0 =	sld [smem:$0x3F94];
	_ =	swait.ge [sflag:s4], $0x0  }
0x19: {  	s7 =	sld [smem:$0x3F95]  }
0x1a: {  	s8 =	sadd.s32 $0xFFFFE003, lr  }
0x1b: {  	s9 =	sadd.s32 $0xFFFFFEF7, lr;
	s5 =	simm.s32 $0xFFFFFFFF;
	p2 =	slt.u32 s8, $0xFFFFF086  }
0x1c: {  	p1 =	slt.u32 s9, $0xF7A;
	s5 =	simm.s32 @!p2 $0x0  }
0x1d: {  	s5 =	simm.s32 @p1 $0x1;
	p0 =	seq.s32 s7, s2  }
0x1e: {  	s7 =	smul.u32 @!p0 $0xF7A, s2;
	p2 =	seq.s32 @!p0 s5, $0x0  }
0x1f: {  	s9 =	smul.u32 $0xF7A, s1;
	s8 =	simm.s32 @!p0 $0x1BF5;
	p2 =	por !p2, p0  }
0x20: {  	[sflag:s8] =	ssyncset.s32 @!p0 $0xFFFFF086;
	s6 =	sadd.s32 @!p0 s3, s7;
	s7 =	simm.s32 @!p0 $0x108  }
0x21: {  	s3 =	sadd.s32 s3, s9;
	s6 =	sadd.s32 @!p0 $0x88, s6;
	s7 =	simm.s32 @p2 $0x1082  }
0x22: {  	[simem:s7], [sflag:s8] =	dma.local @!p0 [hbm:s6], $0xF7A  }
0x23: {  	s9 =	sor.u32 $0xD0000000, s2;
	s6 =	simm.s32 $0x108;
	_ =	swait.ge @!p0 [sflag:s8], $0x0  }
0x24: {  	s3 =	sadd.s32 $0x88, s3;
	s6 =	simm.s32 @!p1 $0x1082;
	[sflag:s4] =	ssyncset.s32 $0xFFFFF086  }
0x25: {  	[simem:s6], [sflag:s4] =	dma.local [hbm:s3], $0xF7A  }
0x26: {  	[smem:$0x3F95] =	sst s1;
	(tag) =	ssettag s2;
	_ =	strace s9  }
0x27: {  	s1 =	sld [smem:$0x3FA5]  }
0x28: {  	s2 =	sld [smem:$0x3FA6]  }
0x29: {  	s4 =	sld [smem:$0x3FA8]  }
0x2a: {  	p0 =	seq.s32 s5, $0x0;
	s5 =	sld [smem:$0x3FA9]  }
0x2b: {  	s6 =	sld [smem:$0x3FAA]  }
0x2c: {  	s7 =	sld [smem:$0x3FAB]  }
0x2d: {  	s3 =	simm.s32 $0x108;
	s8 =	sld [smem:$0x3FAC]  }
0x2e: {  	s3 =	simm.s32 @!p0 $0x1082;
	s9 =	sld [smem:$0x3FAD]  }
0x2f: {  	lr =	sadd.s32 s0, s3;
	s0 =	sld [smem:$0x3FA4]  }
0x30: {  	s3 =	sld [smem:$0x3FA7]  }
0x31: {  	[smem:$0x3FB0] =	sst s10  }
0x32: {  	s10 =	sld [smem:$0x3FAE];
	_ =	sdelay $0x3  }
0x33: {  	p0 =	seq.s32 s10, $0x1;
	s10 =	sld [smem:$0x3FB0];
	_ =	sdelay $0x3  }
0x34: {  	[smem:$0x3FB0] =	sst s10  }
0x35: {  	s10 =	sld [smem:$0x3FAF];
	_ =	sdelay $0x3  }
0x36: {  	p1 =	seq.s32 s10, $0x1;
	s10 =	sld [smem:$0x3FB0];
	_ =	sdelay $0x3  }
0x37: {  	[smem:$0x3FB0] =	sst s10  }
0x38: {  	s10 =	sld [smem:$0x3FB1]  }
0x39: {  	_ = 	snop;
	(pc) =	sbr.ind lr, $3  }
0x3a: {  	_ = 	snop  }
0x3b: {  	_ = 	snop  }
0x3c: {  	p2 =	seq.s32 s10, $0x1;
	s10 =	sld [smem:$0x3FB0]  }
0x3d: {  	_ =	shalt  }
0x3e: {  	_ =	shalt  }
0x3f: {  	_ =	shalt  }
0x40: {  	_ =	shalt  }
0x41: {  	_ =	shalt  }
0x42: {  	_ =	shalt  }
0x43: {  	_ =	shalt  }
0x44: {  	_ =	shalt  }
0x45: {  	_ =	shalt  }
0x46: {  	_ =	shalt  }
0x47: {  	_ =	shalt  }
0x48: {  	_ =	shalt  }
0x49: {  	_ =	shalt  }
0x4a: {  	_ =	shalt  }
0x4b: {  	_ =	shalt  }
0x4c: {  	_ =	shalt  }
0x4d: {  	_ =	shalt  }
0x4e: {  	_ =	shalt  }
0x4f: {  	_ =	shalt  }
0x50: {  	_ =	shalt  }
0x51: {  	_ =	shalt  }
0x52: {  	_ =	shalt  }
0x53: {  	_ =	shalt  }
0x54: {  	_ =	shalt  }
0x55: {  	_ =	shalt  }
0x56: {  	_ =	shalt  }
0x57: {  	_ =	shalt  }
0x58: {  	_ =	shalt  }
0x59: {  	_ =	shalt  }
0x5a: {  	_ =	shalt  }
0x5b: {  	_ =	shalt  }
0x5c: {  	_ =	shalt  }
0x5d: {  	_ =	shalt  }
0x5e: {  	_ =	shalt  }
0x5f: {  	_ =	shalt  }
0x60: {  	_ =	shalt  }
0x61: {  	_ =	shalt  }
0x62: {  	_ =	shalt  }
0x63: {  	_ =	shalt  }
0x64: {  	_ =	shalt  }
0x65: {  	_ =	shalt  }
0x66: {  	_ =	shalt  }
0x67: {  	_ =	shalt  }
0x68: {  	_ =	shalt  }
0x69: {  	_ =	shalt  }
0x6a: {  	_ =	shalt  }
0x6b: {  	_ =	shalt  }
0x6c: {  	_ =	shalt  }
0x6d: {  	_ =	shalt  }
0x6e: {  	_ =	shalt  }
0x6f: {  	_ =	shalt  }
0x70: {  	_ =	shalt  }
0x71: {  	_ =	shalt  }
0x72: {  	_ =	shalt  }
0x73: {  	_ =	shalt  }
0x74: {  	_ =	shalt  }
0x75: {  	_ =	shalt  }
0x76: {  	_ =	shalt  }
0x77: {  	_ =	shalt  }
0x78: {  	_ =	shalt  }
0x79: {  	_ =	shalt  }
0x7a: {  	_ =	shalt  }
0x7b: {  	_ =	shalt  }
0x7c: {  	_ =	shalt  }
0x7d: {  	_ =	shalt  }
0x7e: {  	_ =	shalt  }
0x7f: {  	_ =	shalt  }
0x80: {  	_ =	shalt  }
0x81: {  	_ =	shalt  }
0x82: {  	_ =	shalt  }
0x83: {  	_ =	shalt  }
0x84: {  	_ =	shalt  }
0x85: {  	_ =	shalt  }
0x86: {  	_ =	shalt  }
0x87: {  	_ =	shalt  }
.Lfunc_end0:
.L_simem_size_0:
called_computation.1_lowered:
.L_overlay_start_0:
0x88: {  	s2 =	sld [smem:$0x3FD9]  }
0x89: {  	s3 =	sld [smem:$0x3FFE];
	_ =	sdelay $0x1  }
0x8a: {  	s1 =	srdreg.scid  }
0x8b: {  	s0 =	sand.u32 $0x1, s1  }
0x8c: {  	s17 =	sshll.u32 s0, $0xA;
	s2 =	sadd.s32 s3, s2  }
0x8d: {  	s2 =	sadd.s32 s2, s17  }
0x8e: {  	[smem:$0x3FBC] =	sst s2  }
0x8f: {  	_ = 	snop  }
0x90: {  	s2 =	sld [smem:$0x3FD0];
	(tm) =	ssettm $0x1  }
0x91: {  	s18 =	sld [smem:$0x3FFB];
	_ =	sdelay $0x3  }
0x92: {  	_ =	strace s18  }
0x93: {  	s3 =	sld [smem:$0x3FFC];
	_ =	sdelay $0x3  }
0x94: {  	_ =	strace s3  }
0x95: {  	s3 =	sld [smem:$0x3FFD];
	_ =	sdelay $0x3  }
0x96: {  	_ =	strace s3  }
0x97: {  	_ =	strace $0x8FFFFFFF  }
0x98: {  	s19 =	sld [smem:$0x3FDB];
	_ =	sdelay $0x1  }
0x99: {  	s4 =	simm.s32 $_scs_section_size  }
0x9a: {  	s5 =	simm.s32 $_size__tile_overlayer_lowered;
	s6 =	simm.s32 $_tile_overlayer_lowered  }
0x9b: {  	s22 =	simm.s32 $0x1BFF;
	s21 =	sshll.u32 s6, $0x1;
	s3 =	sadd.s32 s4, s19  }
0x9c: {  	s7 =	simm.s32 $0x0;
	s20 =	sshll.u32 s5, $0x1;
	s5 =	sadd.s32 s21, s3  }
0x9d: {  	[timem:s7], [sflag:s22] =	dma.local [hbm:s5], s20  }
0x9e: {  	_ =	swait.ge [sflag:s22], s20  }
0x9f: {  	s4 =	ssub.s32 $0x0, s20;
	[sflag:s22] =	ssyncset.done $0x0  }
0xa0: {  	[sflag:s22] =	ssyncadd.s32 s4;
	_ =	sdelay $0x1  }
0xa1: {  	s23 =	simm.s32 $0x1B8B  }
0xa2: {  	_ =	swait.ge [sflag:s23], $0x1  }
0xa3: {  	[sflag:s23] =	ssyncset.done $0x0  }
0xa4: {  	s25 =	simm.s32 $0x1B8E;
	s24 =	sld [smem:$0x3FFE];
	[sflag:s23] =	ssyncadd.s32 $0xFFFFFFFF  }
0xa5: {  	s26 =	simm.s32 $execute0_lowered;
	[smem:$0x3FD2] =	sst s25  }
0xa6: {  	s5 =	sshll.u32 s26, $0x1;
	_ =	strace $0x80000049;
	[dreg:$0x1] =	wrdreg $0xFFFFFFFF  }
0xa7: {  	s28 =	simm.s32 $_size_execute0_lowered;
	s3 =	sadd.s32 s3, s5;
	[dreg:$0x0] =	wrdreg $0x0  }
0xa8: {  	s5 =	sshll.u32 s28, $0x1;
	[dreg:$0x2] =	wrdreg s3  }
0xa9: {  	[dreg:$0x3] =	wrdreg s5  }
0xaa: {  	[dreg:$0x4] =	wrdreg $0xC0  }
0xab: {  	_ =	task [dreg:s7], $0x5FFFF  }
0xac: {  	[dreg:$0x1] =	wrdreg $0xFFFFFFFF  }
0xad: {  	[dreg:$0x0] =	wrdreg $0x60  }
0xae: {  	[dreg:$0x2] =	wrdreg s24  }
0xaf: {  	[dreg:$0x3] =	wrdreg s2  }
0xb0: {  	[dreg:$0x4] =	wrdreg $0x0  }
0xb1: {  	[dreg:$0x5] =	wrdreg $0x9  }
0xb2: {  	_ =	task.clear_ibuf [dreg:s7], $0x6FFFF;
	_ =	strace $0x90000049  }
0xb3: {  	s29 =	simm.s32 $0x9;
	_ =	strace $0x8000004B  }
0xb4: {  	_ =	swait.ge [sflag:s29], $0x1  }
0xb5: {  	[sflag:s29] =	ssyncadd.s32 $0xFFFFFFFF  }
0xb6: {  	_ =	strace $0x9000004B  }
0xb7: {  	_ =	sfence  }
0xb8: {  	s30 =	sld [smem:$0x0];
	_ =	sdelay $0x2  }
0xb9: {  	s31 =	sshll.u32 s1, $0xD;
	s1 =	sshrl.u32 s1, $0x2  }
0xba: {  	s3 =	sand.u32 $0x4000, s31;
	s1 =	sadd.s32 s1, s30  }
0xbb: {  	s0 =	sor.u32 s3, s0;
	s1 =	sshll.u32 s1, $0x11  }
0xbc: {  	s0 =	sor.u32 s1, s0  }
0xbd: {  	s0 =	sadd.s32 $0x8F2B, s0  }
0xbe: {  	[sflag:s0] =	ssyncadd.remote.s32 $0x1  }
0xbf: {  	_ =	sfence.sel $0xFFFF  }
0xc0: {  	[dreg:$0x0] =	wrdreg $0xFFFFFFFF;
	(pc) =	sbr.abs _section_cstart, $3  }
0xc1: {  	[dreg:$0x1] =	wrdreg $0xFFFFFFFF  }
0xc2: {  	_ =	task.clear_ibuf [dreg:s7], $0x2FFFF;
	_ =	strace $0x9FFFFFFF  }
0xc3: {  	(tm) =	ssettm $0x7FFFFFFF  }
tec
execute0_lowered:
.L_overlay_start_1:
0x0: {  	(tag) =	ssettag $0x1  }
0x1: {  	s0 =	rddreg [dreg:$0x0]  }
0x2: {  	s2 =	rddreg [dreg:$0x2];
	s1 =	srdreg.scid;
	s4 =	simm.s32 $0x0  }
0x3: {  	s6 =	stileid.u32;
	s28 =	simm.s32 $0x1B880;
	s29 =	simm.s32 $0x50  }
0x4: {  	s30 =	simm.s32 $0x16800;
	s31 =	simm.s32 $0x9;
	s1 =	sand.u32 $0x1, s1  }
0x5: {  	[smem:$0x7FF] =	sst s4;
	s8 =	smul.u32 $0x50000, s6;
	s5 =	sadd.s32 $0x16400, s0  }
0x6: {  	s12 =	sadd.s32 $0xC600, s0;
	s17 =	smul.u32 $0x2710, s6;
	s3 =	sshll.u32 s1, $0x4  }
0x7: {  	s10 =	ssub.s32 $0x2, s1;
	s1 =	smul.u32 $0x27100, s1;
	s3 =	sor.u32 s6, s3  }
0x8: {  	s7 =	sadd.s32 $0x2800, s0;
	s8 =	sshrl.u32 s8, $0x2;
	s9 =	smul.u32 $0x2710, s3  }
0x9: {  	s0 =	sadd.s32 $0x3D600, s0;
	_ =	strace $0x8000004A;
	s13 =	sadd.s32 s8, s2  }
0xa: {  	s22 =	sadd.s32 s17, s1;
	s17 =	sadd.s32 $0x2800, s13;
	s9 =	sshrl.u32 s9, $0x3  }
0xb: {  	s11 =	sshrl.u32 s10, $0x1;
	[dreg:$0x15] =	wrdreg s17;
	s23 =	sadd.s32 s12, s9  }
0xc: {  	s24 =	sadd.s32 s7, s9;
	s25 =	sadd.s32 $0xA, s9;
	[dreg:$0x5] =	wrdreg s23  }
0xd: {  	s26 =	smul.u32 $0x14000, s3;
	[dreg:$0x6] =	wrdreg s24;
	s14 =	sadd.s32 s12, s25  }
0xe: {  	s10 =	ssub.s32 s10, s11;
	s8 =	sadd.s32 s7, s25;
	[dreg:$0x7] =	wrdreg s14  }
0xf: {  	s3 =	smul.u32 $0x2800, s3;
	s15 =	sshrl.u32 s26, $0x3;
	[dreg:$0x8] =	wrdreg s8  }
0x10: {  	s14 =	sadd.s32 $0x14, s9;
	s9 =	sadd.s32 s0, s15;
	s15 =	smax.u32 s10, $0x1  }
0x11: {  	s11 =	sadd.s32 $0x140, s22;
	s16 =	sadd.s32 s12, s14;
	[dreg:$0x12] =	wrdreg s15  }
0x12: {  	s17 =	simm.s32 $0x4;
	s18 =	sadd.s32 s7, s14;
	[dreg:$0x9] =	wrdreg s16  }
0x13: {  	s23 =	smov.u32 s7;
	s19 =	sadd.s32 $0xA00, s9;
	[dreg:$0xa] =	wrdreg s18  }
0x14: {  	s8 =	sadd.s32 $0x190, s22;
	s20 =	sadd.s32 $0xF00, s9;
	[dreg:$0xc] =	wrdreg s19  }
0x15: {  	s10 =	simm.s32 $0x1BA00;
	s21 =	sadd.s32 $0x1400, s9;
	[dreg:$0xd] =	wrdreg s20  }
0x16: {  	s14 =	sadd.s32 s0, s3;
	s3 =	sadd.s32 $0x1900, s9;
	[dreg:$0xe] =	wrdreg s21  }
0x17: {  	s6 =	sadd.s32 $0x1E00, s9;
	s9 =	sadd.s32 $0x2300, s9;
	[dreg:$0xf] =	wrdreg s3  }
0x18: {  	s1 =	sshrl.u32 s8, $0x3;
	s0 =	sadd.s32 $0xF0, s22;
	[dreg:$0x10] =	wrdreg s6  }
0x19: {  	s15 =	simm.s32 $0x1B800;
	s8 =	simm.s32 $0x1BA80;
	[dreg:$0x11] =	wrdreg s9  }
0x1a: {  	s3 =	sshrl.u32 s11, $0x3;
	s16 =	sadd.s32 s1, s7;
	s24 =	sadd.s32 s1, s12  }
0x1b: {  	s6 =	smov.u32 s13;
	[dreg:$0x14] =	wrdreg s0;
	s18 =	sadd.s32 $0x5000, s13  }
0x1c: {  	s19 =	sadd.s32 $0x7800, s13;
	s20 =	sadd.s32 $0xA000, s13;
	[dreg:$0xb] =	wrdreg s14  }
0x1d: {  	s21 =	sadd.s32 $0xC800, s13;
	s9 =	sadd.s32 $0x11800, s13;
	[dreg:$0x13] =	wrdreg s16  }
0x1e: {  	s22 =	sadd.s32 $0x500, s14;
	s11 =	simm.s32 $0x14000;
	[dreg:$0x16] =	wrdreg s18  }
0x1f: {  	s14 =	simm.s32 $0x2;
	s0 =	simm.s32 $0x19000;
	[dreg:$0x17] =	wrdreg s19  }
0x20: {  	s1 =	simm.s32 $0x0;
	s25 =	sadd.s32 s3, s7;
	[dreg:$0x18] =	wrdreg s20  }
0x21: {  	s7 =	smov.u32 s12;
	s26 =	sadd.s32 s3, s12;
	[dreg:$0x19] =	wrdreg s21  }
.Ltmp0:
0x22: {  	s3 =	sadd.s32 $0xF000, s13;
	[dreg:$0x1c] =	wrdreg s22;
	(pc) =	sbr.rel .LBB2_1-.Ltmp0, $4  }
0x23: {  	s13 =	simm.s32 $0x1;
	s16 =	simm.s32 $0x3;
	[dreg:$0x1d] =	wrdreg s1  }
0x24: {  	s18 =	simm.s32 $0x5;
	s19 =	simm.s32 $0x6;
	[dreg:$0x4] =	wrdreg s6  }
0x25: {  	s20 =	simm.s32 $0x7;
	s21 =	simm.s32 $0x8;
	[dreg:$0x1b] =	wrdreg s9  }
0x26: {  	s22 =	simm.s32 $0x1B980;
	s12 =	simm.s32 $0x1B900;
	[dreg:$0x1a] =	wrdreg s3  }
.LBB2_4:
0x27: {  	_ =	swait.ge [sflag:s13], $0x2800  }
0x28: {  	[sflag:s13] =	ssyncset.done $0x0  }
0x29: {  	[sflag:s13] =	ssyncadd.s32 $0xFFFFD800  }
0x2a: {  	[spmem:s2] =	stream.indirect.scatter.add.f32 [tilespmem:s11], [sflag:$0x4], $0x80, s22, s29, $0xb8;
	[tilespmem:$0x1BB00] =	vst v63  }
0x2b: {  	_ =	swait.ge [sflag:s14], $0x2800  }
0x2c: {  	[sflag:s14] =	ssyncset.done $0x0  }
0x2d: {  	[sflag:s14] =	ssyncadd.s32 $0xFFFFD800  }
0x2e: {  	[spmem:s2] =	stream.indirect.scatter.add.f32 [tilespmem:s30], [sflag:$0x5], $0x80, s10, s29, $0xb8;
	[tilespmem:$0x1BB00] =	vst v63  }
0x2f: {  	_ =	swait.ge [sflag:s17], $0x2800  }
0x30: {  	[sflag:s17] =	ssyncset.done $0x0  }
0x31: {  	[sflag:s17] =	ssyncadd.s32 $0xFFFFD800  }
0x32: {  	_ =	swait.ge [sflag:s18], $0x2800  }
0x33: {  	[sflag:s18] =	ssyncset.done $0x0  }
0x34: {  	[sflag:s18] =	ssyncadd.s32 $0xFFFFD800  }
0x35: {  	[bflag:$0x0] =	sbarrier.arrive $0xFFFF  }
0x36: {  	s1 =	rddreg [dreg:$0x4]  }
0x37: {  	[tilespmem:s11], [sflag:$0x1] =	stream.linear.gather [spmem:s1], $0x2800, $0x38;
	[tilespmem:$0x1BB00] =	vst v63  }
0x38: {  	_ =	swait.ge [sflag:s13], $0x2800  }
0x39: {  	[sflag:s13] =	ssyncset.done $0x0  }
0x3a: {  	s3 =	rddreg [dreg:$0xb];
	[sflag:s13] =	ssyncadd.s32 $0xFFFFD800  }
0x3b: {  	[hbm4b:s3+s4] =	stream.linear.scatter [tilespmem:s11], [sflag:$0x4], $0x2800, $0x38;
	[tilespmem:$0x1BB00] =	vst v63  }
0x3c: {  	s6 =	rddreg [dreg:$0x15]  }
0x3d: {  	[tilespmem:s30], [sflag:$0x2] =	stream.linear.gather [spmem:s6], $0x2800, $0x38;
	[tilespmem:$0x1BB00] =	vst v63  }
0x3e: {  	_ =	swait.ge [sflag:s14], $0x2800  }
0x3f: {  	[sflag:s14] =	ssyncset.done $0x0  }
0x40: {  	s9 =	rddreg [dreg:$0x1c];
	[sflag:s14] =	ssyncadd.s32 $0xFFFFD800  }
0x41: {  	[hbm4b:s9+s4] =	stream.linear.scatter [tilespmem:s30], [sflag:$0x5], $0x2800, $0x38;
	[tilespmem:$0x1BB00] =	vst v63  }
0x42: {  	_ =	swait.ge [sflag:s17], $0x2800  }
0x43: {  	[sflag:s17] =	ssyncset.done $0x0  }
0x44: {  	s3 =	rddreg [dreg:$0x16];
	[sflag:s17] =	ssyncadd.s32 $0xFFFFD800  }
0x45: {  	[tilespmem:s11], [sflag:$0x1] =	stream.linear.gather [spmem:s3], $0x2800, $0x38;
	[tilespmem:$0x1BB00] =	vst v63  }
0x46: {  	_ =	swait.ge [sflag:s13], $0x2800  }
0x47: {  	[sflag:s13] =	ssyncset.done $0x0  }
0x48: {  	s6 =	rddreg [dreg:$0xc];
	[sflag:s13] =	ssyncadd.s32 $0xFFFFD800  }
0x49: {  	[hbm4b:s6+s4] =	stream.linear.scatter [tilespmem:s11], [sflag:$0x4], $0x2800, $0x38;
	[tilespmem:$0x1BB00] =	vst v63  }
0x4a: {  	_ =	swait.ge [sflag:s18], $0x2800  }
0x4b: {  	[sflag:s18] =	ssyncset.done $0x0  }
0x4c: {  	s9 =	rddreg [dreg:$0x17];
	[sflag:s18] =	ssyncadd.s32 $0xFFFFD800  }
0x4d: {  	[tilespmem:s30], [sflag:$0x2] =	stream.linear.gather [spmem:s9], $0x2800, $0x38;
	[tilespmem:$0x1BB00] =	vst v63  }
0x4e: {  	_ =	swait.ge [sflag:s14], $0x2800  }
0x4f: {  	[sflag:s14] =	ssyncset.done $0x0  }
0x50: {  	s3 =	rddreg [dreg:$0xd];
	[sflag:s14] =	ssyncadd.s32 $0xFFFFD800  }
0x51: {  	[hbm4b:s3+s4] =	stream.linear.scatter [tilespmem:s30], [sflag:$0x5], $0x2800, $0x38;
	[tilespmem:$0x1BB00] =	vst v63  }
0x52: {  	_ =	swait.ge [sflag:s17], $0x2800  }
0x53: {  	[sflag:s17] =	ssyncset.done $0x0  }
0x54: {  	s6 =	rddreg [dreg:$0x18];
	[sflag:s17] =	ssyncadd.s32 $0xFFFFD800  }
0x55: {  	[tilespmem:s11], [sflag:$0x1] =	stream.linear.gather [spmem:s6], $0x2800, $0x38;
	[tilespmem:$0x1BB00] =	vst v63  }
0x56: {  	_ =	swait.ge [sflag:s13], $0x2800  }
0x57: {  	[sflag:s13] =	ssyncset.done $0x0  }
0x58: {  	s9 =	rddreg [dreg:$0xe];
	[sflag:s13] =	ssyncadd.s32 $0xFFFFD800  }
0x59: {  	[hbm4b:s9+s4] =	stream.linear.scatter [tilespmem:s11], [sflag:$0x4], $0x2800, $0x38;
	[tilespmem:$0x1BB00] =	vst v63  }
0x5a: {  	_ =	swait.ge [sflag:s18], $0x2800  }
0x5b: {  	[sflag:s18] =	ssyncset.done $0x0  }
0x5c: {  	s3 =	rddreg [dreg:$0x19];
	[sflag:s18] =	ssyncadd.s32 $0xFFFFD800  }
0x5d: {  	[tilespmem:s30], [sflag:$0x2] =	stream.linear.gather [spmem:s3], $0x2800, $0x38;
	[tilespmem:$0x1BB00] =	vst v63  }
0x5e: {  	_ =	swait.ge [sflag:s14], $0x2800  }
0x5f: {  	[sflag:s14] =	ssyncset.done $0x0  }
0x60: {  	s6 =	rddreg [dreg:$0xf];
	[sflag:s14] =	ssyncadd.s32 $0xFFFFD800  }
0x61: {  	[hbm4b:s6+s4] =	stream.linear.scatter [tilespmem:s30], [sflag:$0x5], $0x2800, $0x38;
	[tilespmem:$0x1BB00] =	vst v63  }
0x62: {  	_ =	swait.ge [sflag:s17], $0x2800  }
0x63: {  	[sflag:s17] =	ssyncset.done $0x0  }
0x64: {  	s3 =	rddreg [dreg:$0x1a];
	[sflag:s17] =	ssyncadd.s32 $0xFFFFD800  }
0x65: {  	[tilespmem:s11], [sflag:$0x1] =	stream.linear.gather [spmem:s3], $0x2800, $0x38;
	[tilespmem:$0x1BB00] =	vst v63  }
0x66: {  	_ =	swait.ge [sflag:s13], $0x2800  }
0x67: {  	[sflag:s13] =	ssyncset.done $0x0  }
0x68: {  	s9 =	rddreg [dreg:$0x10];
	[sflag:s13] =	ssyncadd.s32 $0xFFFFD800  }
0x69: {  	[hbm4b:s9+s4] =	stream.linear.scatter [tilespmem:s11], [sflag:$0x4], $0x2800, $0x38;
	[tilespmem:$0x1BB00] =	vst v63  }
0x6a: {  	_ =	swait.ge [sflag:s18], $0x2800  }
0x6b: {  	[sflag:s18] =	ssyncset.done $0x0  }
0x6c: {  	s9 =	rddreg [dreg:$0x1b];
	[sflag:s18] =	ssyncadd.s32 $0xFFFFD800  }
0x6d: {  	[tilespmem:s30], [sflag:$0x2] =	stream.linear.gather [spmem:s9], $0x2800, $0x38;
	[tilespmem:$0x1BB00] =	vst v63  }
0x6e: {  	_ =	swait.ge [sflag:s14], $0x2800  }
0x6f: {  	[sflag:s14] =	ssyncset.done $0x0  }
0x70: {  	s6 =	rddreg [dreg:$0x11];
	[sflag:s14] =	ssyncadd.s32 $0xFFFFD800  }
0x71: {  	[hbm4b:s6+s4] =	stream.linear.scatter [tilespmem:s30], [sflag:$0x5], $0x2800, $0x38;
	[tilespmem:$0x1BB00] =	vst v63  }
0x72: {  	_ =	swait.ge [sflag:s17], $0x2800  }
0x73: {  	[sflag:s17] =	ssyncset.done $0x0  }
0x74: {  	[sflag:s17] =	ssyncadd.s32 $0xFFFFD800  }
0x75: {  	_ =	swait.ge [sflag:s18], $0x2800  }
0x76: {  	s6 =	rddreg [dreg:$0x1d]  }
0x77: {  	s1 =	rddreg [dreg:$0x12];
	s6 =	sadd.s32 $0x1, s6  }
0x78: {  	p0 =	sne.s32 s6, s1  }
.Ltmp1:
0x79: {  	_ = 	snop;
	(pc) =	sbr.rel @!p0 .LBB2_5-.Ltmp1, $3  }
0x7a: {  	_ =	sdelay $0x1  }
0x7b: {  	[sflag:s18] =	ssyncset.done $0x0;
	[dreg:$0x1d] =	wrdreg s6  }
0x7c: {  	[sflag:s18] =	ssyncadd.s32 $0xFFFFD800;
	s6 =	rddreg [dreg:$0x4]  }
.LBB2_1:
0x7d: {  	s1 =	rddreg [dreg:$0x1]  }
0x7e: {  	[tilespmem:s11], [sflag:$0xA] =	stream.linear.gather [hbm4b:s1+s4], $0x2800, $0x38;
	[tilespmem:$0x1BB00] =	vst v63  }
0x7f: {  	s1 =	simm.s32 $0xA  }
0x80: {  	_ =	swait.ge [sflag:s1], $0x2800  }
0x81: {  	[sflag:s1] =	ssyncset.done $0x0  }
0x82: {  	[sflag:s1] =	ssyncadd.s32 $0xFFFFD800  }
0x83: {  	[spmem:s6] =	stream.linear.scatter [tilespmem:s11], [sflag:$0x1], $0x2800, $0x38;
	[tilespmem:$0x1BB00] =	vst v63  }
0x84: {  	s6 =	rddreg [dreg:$0x15]  }
0x85: {  	[spmem:s6] =	stream.linear.scatter [tilespmem:s11], [sflag:$0x2], $0x2800, $0x38;
	[tilespmem:$0x1BB00] =	vst v63  }
0x86: {  	s6 =	rddreg [dreg:$0x16]  }
0x87: {  	[spmem:s6] =	stream.linear.scatter [tilespmem:s11], [sflag:$0x3], $0x2800, $0x38;
	[tilespmem:$0x1BB00] =	vst v63  }
0x88: {  	s6 =	rddreg [dreg:$0x17]  }
0x89: {  	[spmem:s6] =	stream.linear.scatter [tilespmem:s11], [sflag:$0x4], $0x2800, $0x38;
	[tilespmem:$0x1BB00] =	vst v63  }
0x8a: {  	s6 =	rddreg [dreg:$0x18]  }
0x8b: {  	[spmem:s6] =	stream.linear.scatter [tilespmem:s11], [sflag:$0x5], $0x2800, $0x38;
	[tilespmem:$0x1BB00] =	vst v63  }
0x8c: {  	s6 =	rddreg [dreg:$0x19]  }
0x8d: {  	[spmem:s6] =	stream.linear.scatter [tilespmem:s11], [sflag:$0x6], $0x2800, $0x38;
	[tilespmem:$0x1BB00] =	vst v63  }
0x8e: {  	_ = 	snop  }
0x8f: {  	[spmem:s3] =	stream.linear.scatter [tilespmem:s11], [sflag:$0x7], $0x2800, $0x38;
	[tilespmem:$0x1BB00] =	vst v63  }
0x90: {  	_ = 	snop  }
0x91: {  	[spmem:s9] =	stream.linear.scatter [tilespmem:s11], [sflag:$0x8], $0x2800, $0x38;
	[tilespmem:$0x1BB00] =	vst v63  }
0x92: {  	_ =	swait.ge [sflag:s13], $0x2800  }
0x93: {  	[sflag:s13] =	ssyncset.done $0x0  }
0x94: {  	[sflag:s13] =	ssyncadd.s32 $0xFFFFD800  }
0x95: {  	_ =	swait.ge [sflag:s14], $0x2800  }
0x96: {  	[sflag:s14] =	ssyncset.done $0x0  }
0x97: {  	[sflag:s14] =	ssyncadd.s32 $0xFFFFD800  }
0x98: {  	_ =	swait.ge [sflag:s16], $0x2800  }
0x99: {  	[sflag:s16] =	ssyncset.done $0x0  }
0x9a: {  	[sflag:s16] =	ssyncadd.s32 $0xFFFFD800  }
0x9b: {  	_ =	swait.ge [sflag:s17], $0x2800  }
0x9c: {  	[sflag:s17] =	ssyncset.done $0x0  }
0x9d: {  	[sflag:s17] =	ssyncadd.s32 $0xFFFFD800  }
0x9e: {  	_ =	swait.ge [sflag:s18], $0x2800  }
0x9f: {  	[sflag:s18] =	ssyncset.done $0x0  }
0xa0: {  	[sflag:s18] =	ssyncadd.s32 $0xFFFFD800  }
0xa1: {  	_ =	swait.ge [sflag:s19], $0x2800  }
0xa2: {  	[sflag:s19] =	ssyncset.done $0x0  }
0xa3: {  	[sflag:s19] =	ssyncadd.s32 $0xFFFFD800  }
0xa4: {  	_ =	swait.ge [sflag:s20], $0x2800  }
0xa5: {  	[sflag:s20] =	ssyncset.done $0x0  }
0xa6: {  	[sflag:s20] =	ssyncadd.s32 $0xFFFFD800  }
0xa7: {  	_ =	swait.ge [sflag:s21], $0x2800  }
0xa8: {  	[sflag:s21] =	ssyncset.done $0x0  }
0xa9: {  	[sflag:s21] =	ssyncadd.s32 $0xFFFFD800  }
0xaa: {  	[bflag:$0x0] =	sbarrier.arrive $0xFFFF  }
0xab: {  	s3 =	rddreg [dreg:$0x5]  }
0xac: {  	[tilespmem:s15], [sflag:$0x7] =	stream.linear.gather [hbm4b:s3+s4], $0x50, $0x38;
	[tilespmem:$0x1BB00] =	vst v63  }
0xad: {  	s6 =	rddreg [dreg:$0x6]  }
0xae: {  	[tilespmem:s22], [sflag:$0x7] =	stream.linear.gather [hbm4b:s6+s4], $0x50, $0x38;
	[tilespmem:$0x1BB00] =	vst v63  }
0xaf: {  	s9 =	rddreg [dreg:$0x7]  }
0xb0: {  	[tilespmem:s28], [sflag:$0x8] =	stream.linear.gather [hbm4b:s9+s4], $0x50, $0x38;
	[tilespmem:$0x1BB00] =	vst v63  }
0xb1: {  	s3 =	rddreg [dreg:$0x8]  }
0xb2: {  	[tilespmem:s10], [sflag:$0x8] =	stream.linear.gather [hbm4b:s3+s4], $0x50, $0x38;
	[tilespmem:$0x1BB00] =	vst v63  }
0xb3: {  	s6 =	rddreg [dreg:$0x9]  }
0xb4: {  	[tilespmem:s12], [sflag:$0x9] =	stream.linear.gather [hbm4b:s6+s4], $0x50, $0x38;
	[tilespmem:$0x1BB00] =	vst v63  }
0xb5: {  	s9 =	rddreg [dreg:$0xa]  }
0xb6: {  	[tilespmem:s8], [sflag:$0x9] =	stream.linear.gather [hbm4b:s9+s4], $0x50, $0x38;
	[tilespmem:$0x1BB00] =	vst v63  }
0xb7: {  	_ =	swait.ge [sflag:s20], $0x50  }
0xb8: {  	[sflag:s20] =	ssyncset.done $0x0  }
0xb9: {  	[sflag:s20] =	ssyncadd.s32 $0xFFFFFFB0  }
0xba: {  	_ =	swait.ge [sflag:s20], $0x50  }
0xbb: {  	[sflag:s20] =	ssyncset.done $0x0  }
0xbc: {  	[sflag:s20] =	ssyncadd.s32 $0xFFFFFFB0  }
0xbd: {  	[tilespmem:s11], [sflag:$0x1] =	stream.indirect.gather [hbm4b:s5+s29], $0x80, s15, s29, $0xb8;
	[tilespmem:$0x1BB00] =	vst v63  }
0xbe: {  	_ =	swait.ge [sflag:s21], $0x50  }
0xbf: {  	[sflag:s21] =	ssyncset.done $0x0  }
0xc0: {  	[sflag:s21] =	ssyncadd.s32 $0xFFFFFFB0  }
0xc1: {  	_ =	swait.ge [sflag:s21], $0x50  }
0xc2: {  	[sflag:s21] =	ssyncset.done $0x0  }
0xc3: {  	[sflag:s21] =	ssyncadd.s32 $0xFFFFFFB0  }
0xc4: {  	[tilespmem:s30], [sflag:$0x2] =	stream.indirect.gather [hbm4b:s5+s29], $0x80, s28, s29, $0xb8;
	[tilespmem:$0x1BB00] =	vst v63  }
0xc5: {  	_ =	swait.ge [sflag:s31], $0x50  }
0xc6: {  	[sflag:s31] =	ssyncset.done $0x0  }
0xc7: {  	[sflag:s31] =	ssyncadd.s32 $0xFFFFFFB0  }
0xc8: {  	_ =	swait.ge [sflag:s31], $0x50  }
0xc9: {  	[sflag:s31] =	ssyncset.done $0x0  }
0xca: {  	s9 =	simm.s32 $0x0;
	s1 =	rddreg [dreg:$0x14];
	[sflag:s31] =	ssyncadd.s32 $0xFFFFFFB0  }
0xcb: {  	[tilespmem:s0], [sflag:$0x3] =	stream.indirect.gather [hbm4b:s5+s29], $0x80, s12, s29, $0xb8;
	[tilespmem:$0x1BB00] =	vst v63  }
.LBB2_2:
0xcc: {  	_ =	swait.ge [sflag:s13], $0x2800  }
0xcd: {  	[sflag:s13] =	ssyncset.done $0x0  }
0xce: {  	[sflag:s13] =	ssyncadd.s32 $0xFFFFD800  }
0xcf: {  	[spmem:s2] =	stream.indirect.scatter.add.f32 [tilespmem:s11], [sflag:$0x4], $0x80, s22, s29, $0xb8;
	[tilespmem:$0x1BB00] =	vst v63  }
0xd0: {  	_ =	swait.ge [sflag:s14], $0x2800  }
0xd1: {  	[sflag:s14] =	ssyncset.done $0x0  }
0xd2: {  	[sflag:s14] =	ssyncadd.s32 $0xFFFFD800  }
0xd3: {  	[spmem:s2] =	stream.indirect.scatter.add.f32 [tilespmem:s30], [sflag:$0x5], $0x80, s10, s29, $0xb8;
	[tilespmem:$0x1BB00] =	vst v63  }
0xd4: {  	_ =	swait.ge [sflag:s16], $0x2800  }
0xd5: {  	[sflag:s16] =	ssyncset.done $0x0  }
0xd6: {  	[sflag:s16] =	ssyncadd.s32 $0xFFFFD800  }
0xd7: {  	[spmem:s2] =	stream.indirect.scatter.add.f32 [tilespmem:s0], [sflag:$0x6], $0x80, s8, s29, $0xb8;
	[tilespmem:$0x1BB00] =	vst v63  }
0xd8: {  	_ =	swait.ge [sflag:s17], $0x2800  }
0xd9: {  	s3 =	sshrl.u32 s1, $0x3;
	[sflag:s17] =	ssyncset.done $0x0  }
0xda: {  	s6 =	sadd.s32 s7, s3;
	[sflag:s17] =	ssyncadd.s32 $0xFFFFD800  }
0xdb: {  	[tilespmem:s15], [sflag:$0x7] =	stream.linear.gather [hbm4b:s6+s4], $0x50, $0x38;
	[tilespmem:$0x1BB00] =	vst v63  }
0xdc: {  	s3 =	sadd.s32 s23, s3  }
0xdd: {  	[tilespmem:s22], [sflag:$0x7] =	stream.linear.gather [hbm4b:s3+s4], $0x50, $0x38;
	[tilespmem:$0x1BB00] =	vst v63  }
0xde: {  	_ =	swait.ge [sflag:s20], $0x50  }
0xdf: {  	[sflag:s20] =	ssyncset.done $0x0  }
0xe0: {  	[sflag:s20] =	ssyncadd.s32 $0xFFFFFFB0  }
0xe1: {  	_ =	swait.ge [sflag:s20], $0x50  }
0xe2: {  	[sflag:s20] =	ssyncset.done $0x0  }
0xe3: {  	[sflag:s20] =	ssyncadd.s32 $0xFFFFFFB0  }
0xe4: {  	[tilespmem:s11], [sflag:$0x1] =	stream.indirect.gather [hbm4b:s5+s29], $0x80, s15, s29, $0xb8;
	[tilespmem:$0x1BB00] =	vst v63  }
0xe5: {  	_ =	swait.ge [sflag:s18], $0x2800  }
0xe6: {  	[sflag:s18] =	ssyncset.done $0x0  }
0xe7: {  	s6 =	sadd.s32 s9, s26;
	[sflag:s18] =	ssyncadd.s32 $0xFFFFD800  }
0xe8: {  	[tilespmem:s28], [sflag:$0x8] =	stream.linear.gather [hbm4b:s6+s4], $0x50, $0x38;
	[tilespmem:$0x1BB00] =	vst v63  }
0xe9: {  	s6 =	sadd.s32 s9, s25  }
0xea: {  	[tilespmem:s10], [sflag:$0x8] =	stream.linear.gather [hbm4b:s6+s4], $0x50, $0x38;
	[tilespmem:$0x1BB00] =	vst v63  }
0xeb: {  	_ =	swait.ge [sflag:s21], $0x50  }
0xec: {  	[sflag:s21] =	ssyncset.done $0x0  }
0xed: {  	[sflag:s21] =	ssyncadd.s32 $0xFFFFFFB0  }
0xee: {  	_ =	swait.ge [sflag:s21], $0x50  }
0xef: {  	p0 =	seq.s32 s9, $0x4B0;
	[sflag:s21] =	ssyncset.done $0x0  }
.Ltmp2:
0xf0: {  	[sflag:s21] =	ssyncadd.s32 $0xFFFFFFB0;
	(pc) =	sbr.rel @p0 .LBB2_4-.Ltmp2, $4  }
0xf1: {  	[tilespmem:s30], [sflag:$0x2] =	stream.indirect.gather [hbm4b:s5+s29], $0x80, s28, s29, $0xb8;
	[tilespmem:$0x1BB00] =	vst v63  }
0xf2: {  	_ =	swait.ge [sflag:s19], $0x2800  }
0xf3: {  	[sflag:s19] =	ssyncset.done $0x0  }
0xf4: {  	[sflag:s19] =	ssyncadd.s32 $0xFFFFD800  }
0xf5: {  	s3 =	sadd.s32 s9, s24;
	s6 =	rddreg [dreg:$0x13]  }
0xf6: {  	[tilespmem:s12], [sflag:$0x9] =	stream.linear.gather [hbm4b:s3+s4], $0x50, $0x38;
	[tilespmem:$0x1BB00] =	vst v63  }
0xf7: {  	s3 =	sadd.s32 s9, s6  }
0xf8: {  	[tilespmem:s8], [sflag:$0x9] =	stream.linear.gather [hbm4b:s3+s4], $0x50, $0x38;
	[tilespmem:$0x1BB00] =	vst v63  }
0xf9: {  	_ =	swait.ge [sflag:s31], $0x50  }
0xfa: {  	[sflag:s31] =	ssyncset.done $0x0  }
.Ltmp3:
0xfb: {  	[sflag:s31] =	ssyncadd.s32 $0xFFFFFFB0;
	(pc) =	sbr.rel .LBB2_2-.Ltmp3, $4  }
0xfc: {  	_ =	swait.ge [sflag:s31], $0x50  }
0xfd: {  	[sflag:s31] =	ssyncset.done $0x0  }
0xfe: {  	s1 =	sadd.s32 $0xF0, s1;
	s9 =	sadd.s32 $0x1E, s9;
	[sflag:s31] =	ssyncadd.s32 $0xFFFFFFB0  }
0xff: {  	[tilespmem:s0], [sflag:$0x3] =	stream.indirect.gather [hbm4b:s5+s29], $0x80, s12, s29, $0xb8;
	[tilespmem:$0x1BB00] =	vst v63  }
.LBB2_5:
0x100: {  	_ =	sfence.sel $0x180000  }
0x101: {  	[bflag:$0x0] =	sbarrier.arrive $0xFFFF  }
0x102: {  	_ =	strace $0x9000004A  }
0x103: {  	s0 =	stileid.u32;
	[bflag:$0x2] =	sbarrier.arrive $0xFFFF  }
0x104: {  	p0 =	sne.s32 s0, $0x0;
	s0 =	rddreg [dreg:$0x3]  }
0x105: {  	s0 =	sadd.s32 @!p0 $0x100000, s0  }
0x106: {  	[sflag:s0] =	ssyncadd.tile.s32 @!p0 $0x1;
	_ =	shalt  }
.Lfunc_end2:
_tile_overlayer_lowered:
.L_overlay_start_2:
0x107: {  	(tag) =	ssettag $0x2  }
0x108: {  	s0 =	rddreg [dreg:$0x0];
	s2 =	stileid.u32  }
0x109: {  	s1 =	rddreg [dreg:$0x1];
	p0 =	sne.s32 s2, $0x0  }
0x10a: {  	s3 =	rddreg [dreg:$0x2];
	[bflag:$0x3] =	sbarrier.arrive $0xFFFF;
	s2 =	simm.s32 @!p0 $0x1C0A  }
0x10b: {  	[timem:s3], [sflag:s2] =	dma.local @!p0 [hbm:s0], s1  }
0x10c: {  	s0 =	simm.s32 @!p0 $0xA  }
0x10d: {  	_ =	swait.ge @!p0 [sflag:s0], s1  }
0x10e: {  	s1 =	ssub.s32 @!p0 $0x0, s1;
	[sflag:s0] =	ssyncset.done @!p0 $0x0  }
0x10f: {  	[sflag:s0] =	ssyncadd.s32 @!p0 s1  }
0x110: {  	[bflag:$0x3] =	sbarrier.arrive $0xFFFF  }
0x111: {  	_ =	shalt  }

// kernel: kernel.16.cloned.1.call-start
scs
__scs_entry_jumppad:
0x0: {  	(pc) =	sbr.rel $0x88, $3  }
0x1: {  	(tag) =	ssettag $0x0;
	lr =	simm.s32 $0x1  }
0x2: {  	[smem:$0x3F95] =	sst lr;
	_ =	strace $0xD0000000  }
0x3: {  	_ = 	snop  }
0x4: {  	_ = 	snop  }
0x5: {  	_ = 	snop  }
0x6: {  	_ = 	snop  }
0x7: {  	_ = 	snop  }
__scs_overlays_trampoline_lowered:
0x8: {  	[smem:$0x3FA4] =	sst s0  }
0x9: {  	[smem:$0x3FA5] =	sst s1  }
0xa: {  	[smem:$0x3FA6] =	sst s2  }
0xb: {  	[smem:$0x3FA7] =	sst s3  }
0xc: {  	[smem:$0x3FA8] =	sst s4  }
0xd: {  	[smem:$0x3FA9] =	sst s5  }
0xe: {  	[smem:$0x3FAA] =	sst s6  }
0xf: {  	[smem:$0x3FAB] =	sst s7  }
0x10: {  	[smem:$0x3FAC] =	sst s8  }
0x11: {  	[smem:$0x3FAD] =	sst s9;
	s0 =	simm.s32 @!p0 $0x0  }
0x12: {  	s1 =	sld [smem:$0x3F93];
	s0 =	simm.s32 @p0 $0x1  }
0x13: {  	[smem:$0x3FAE] =	sst s0;
	s0 =	simm.s32 @!p1 $0x0  }
0x14: {  	s2 =	sld [smem:$0x3F92];
	s0 =	simm.s32 @p1 $0x1  }
0x15: {  	[smem:$0x3FAF] =	sst s0;
	s0 =	simm.s32 @!p2 $0x0  }
0x16: {  	s3 =	sld [smem:$0x3FDB];
	s0 =	simm.s32 @p2 $0x1  }
0x17: {  	s4 =	simm.s32 $0x1BF5;
	[smem:$0x3FB1] =	sst s0  }
0x18: {  	s0 =	sld [smem:$0x3F94];
	_ =	swait.ge [sflag:s4], $0x0  }
0x19: {  	s7 =	sld [smem:$0x3F95]  }
0x1a: {  	s8 =	sadd.s32 $0xFFFFE003, lr  }
0x1b: {  	s9 =	sadd.s32 $0xFFFFFEF7, lr;
	s5 =	simm.s32 $0xFFFFFFFF;
	p2 =	slt.u32 s8, $0xFFFFF086  }
0x1c: {  	p1 =	slt.u32 s9, $0xF7A;
	s5 =	simm.s32 @!p2 $0x0  }
0x1d: {  	s5 =	simm.s32 @p1 $0x1;
	p0 =	seq.s32 s7, s2  }
0x1e: {  	s7 =	smul.u32 @!p0 $0xF7A, s2;
	p2 =	seq.s32 @!p0 s5, $0x0  }
0x1f: {  	s9 =	smul.u32 $0xF7A, s1;
	s8 =	simm.s32 @!p0 $0x1BF5;
	p2 =	por !p2, p0  }
0x20: {  	[sflag:s8] =	ssyncset.s32 @!p0 $0xFFFFF086;
	s6 =	sadd.s32 @!p0 s3, s7;
	s7 =	simm.s32 @!p0 $0x108  }
0x21: {  	s3 =	sadd.s32 s3, s9;
	s6 =	sadd.s32 @!p0 $0x88, s6;
	s7 =	simm.s32 @p2 $0x1082  }
0x22: {  	[simem:s7], [sflag:s8] =	dma.local @!p0 [hbm:s6], $0xF7A  }
0x23: {  	s9 =	sor.u32 $0xD0000000, s2;
	s6 =	simm.s32 $0x108;
	_ =	swait.ge @!p0 [sflag:s8], $0x0  }
0x24: {  	s3 =	sadd.s32 $0x88, s3;
	s6 =	simm.s32 @!p1 $0x1082;
	[sflag:s4] =	ssyncset.s32 $0xFFFFF086  }
0x25: {  	[simem:s6], [sflag:s4] =	dma.local [hbm:s3], $0xF7A  }
0x26: {  	[smem:$0x3F95] =	sst s1;
	(tag) =	ssettag s2;
	_ =	strace s9  }
0x27: {  	s1 =	sld [smem:$0x3FA5]  }
0x28: {  	s2 =	sld [smem:$0x3FA6]  }
0x29: {  	s4 =	sld [smem:$0x3FA8]  }
0x2a: {  	p0 =	seq.s32 s5, $0x0;
	s5 =	sld [smem:$0x3FA9]  }
0x2b: {  	s6 =	sld [smem:$0x3FAA]  }
0x2c: {  	s7 =	sld [smem:$0x3FAB]  }
0x2d: {  	s3 =	simm.s32 $0x108;
	s8 =	sld [smem:$0x3FAC]  }
0x2e: {  	s3 =	simm.s32 @!p0 $0x1082;
	s9 =	sld [smem:$0x3FAD]  }
0x2f: {  	lr =	sadd.s32 s0, s3;
	s0 =	sld [smem:$0x3FA4]  }
0x30: {  	s3 =	sld [smem:$0x3FA7]  }
0x31: {  	[smem:$0x3FB0] =	sst s10  }
0x32: {  	s10 =	sld [smem:$0x3FAE];
	_ =	sdelay $0x3  }
0x33: {  	p0 =	seq.s32 s10, $0x1;
	s10 =	sld [smem:$0x3FB0];
	_ =	sdelay $0x3  }
0x34: {  	[smem:$0x3FB0] =	sst s10  }
0x35: {  	s10 =	sld [smem:$0x3FAF];
	_ =	sdelay $0x3  }
0x36: {  	p1 =	seq.s32 s10, $0x1;
	s10 =	sld [smem:$0x3FB0];
	_ =	sdelay $0x3  }
0x37: {  	[smem:$0x3FB0] =	sst s10  }
0x38: {  	s10 =	sld [smem:$0x3FB1]  }
0x39: {  	_ = 	snop;
	(pc) =	sbr.ind lr, $3  }
0x3a: {  	_ = 	snop  }
0x3b: {  	_ = 	snop  }
0x3c: {  	p2 =	seq.s32 s10, $0x1;
	s10 =	sld [smem:$0x3FB0]  }
0x3d: {  	_ =	shalt  }
0x3e: {  	_ =	shalt  }
0x3f: {  	_ =	shalt  }
0x40: {  	_ =	shalt  }
0x41: {  	_ =	shalt  }
0x42: {  	_ =	shalt  }
0x43: {  	_ =	shalt  }
0x44: {  	_ =	shalt  }
0x45: {  	_ =	shalt  }
0x46: {  	_ =	shalt  }
0x47: {  	_ =	shalt  }
0x48: {  	_ =	shalt  }
0x49: {  	_ =	shalt  }
0x4a: {  	_ =	shalt  }
0x4b: {  	_ =	shalt  }
0x4c: {  	_ =	shalt  }
0x4d: {  	_ =	shalt  }
0x4e: {  	_ =	shalt  }
0x4f: {  	_ =	shalt  }
0x50: {  	_ =	shalt  }
0x51: {  	_ =	shalt  }
0x52: {  	_ =	shalt  }
0x53: {  	_ =	shalt  }
0x54: {  	_ =	shalt  }
0x55: {  	_ =	shalt  }
0x56: {  	_ =	shalt  }
0x57: {  	_ =	shalt  }
0x58: {  	_ =	shalt  }
0x59: {  	_ =	shalt  }
0x5a: {  	_ =	shalt  }
0x5b: {  	_ =	shalt  }
0x5c: {  	_ =	shalt  }
0x5d: {  	_ =	shalt  }
0x5e: {  	_ =	shalt  }
0x5f: {  	_ =	shalt  }
0x60: {  	_ =	shalt  }
0x61: {  	_ =	shalt  }
0x62: {  	_ =	shalt  }
0x63: {  	_ =	shalt  }
0x64: {  	_ =	shalt  }
0x65: {  	_ =	shalt  }
0x66: {  	_ =	shalt  }
0x67: {  	_ =	shalt  }
0x68: {  	_ =	shalt  }
0x69: {  	_ =	shalt  }
0x6a: {  	_ =	shalt  }
0x6b: {  	_ =	shalt  }
0x6c: {  	_ =	shalt  }
0x6d: {  	_ =	shalt  }
0x6e: {  	_ =	shalt  }
0x6f: {  	_ =	shalt  }
0x70: {  	_ =	shalt  }
0x71: {  	_ =	shalt  }
0x72: {  	_ =	shalt  }
0x73: {  	_ =	shalt  }
0x74: {  	_ =	shalt  }
0x75: {  	_ =	shalt  }
0x76: {  	_ =	shalt  }
0x77: {  	_ =	shalt  }
0x78: {  	_ =	shalt  }
0x79: {  	_ =	shalt  }
0x7a: {  	_ =	shalt  }
0x7b: {  	_ =	shalt  }
0x7c: {  	_ =	shalt  }
0x7d: {  	_ =	shalt  }
0x7e: {  	_ =	shalt  }
0x7f: {  	_ =	shalt  }
0x80: {  	_ =	shalt  }
0x81: {  	_ =	shalt  }
0x82: {  	_ =	shalt  }
0x83: {  	_ =	shalt  }
0x84: {  	_ =	shalt  }
0x85: {  	_ =	shalt  }
0x86: {  	_ =	shalt  }
0x87: {  	_ =	shalt  }
.Lfunc_end0:
.L_simem_size_0:
called_computation.2_lowered:
.L_overlay_start_0:
0x88: {  	s2 =	sld [smem:$0x3FD9]  }
0x89: {  	s3 =	sld [smem:$0x3FFE];
	_ =	sdelay $0x1  }
0x8a: {  	s1 =	srdreg.scid  }
0x8b: {  	s0 =	sand.u32 $0x1, s1  }
0x8c: {  	s17 =	sshll.u32 s0, $0xA;
	s2 =	sadd.s32 s3, s2  }
0x8d: {  	s2 =	sadd.s32 s2, s17  }
0x8e: {  	[smem:$0x3FBC] =	sst s2  }
0x8f: {  	_ = 	snop  }
0x90: {  	s2 =	sld [smem:$0x3FD0];
	(tm) =	ssettm $0x1  }
0x91: {  	s18 =	sld [smem:$0x3FFB];
	_ =	sdelay $0x3  }
0x92: {  	_ =	strace s18  }
0x93: {  	s3 =	sld [smem:$0x3FFC];
	_ =	sdelay $0x3  }
0x94: {  	_ =	strace s3  }
0x95: {  	s3 =	sld [smem:$0x3FFD];
	_ =	sdelay $0x3  }
0x96: {  	_ =	strace s3  }
0x97: {  	_ =	strace $0x8FFFFFFF  }
0x98: {  	s19 =	sld [smem:$0x3FDB];
	_ =	sdelay $0x1  }
0x99: {  	s4 =	simm.s32 $_scs_section_size  }
0x9a: {  	s5 =	simm.s32 $_size__tile_overlayer_lowered;
	s6 =	simm.s32 $_tile_overlayer_lowered  }
0x9b: {  	s22 =	simm.s32 $0x1BFF;
	s21 =	sshll.u32 s6, $0x1;
	s3 =	sadd.s32 s4, s19  }
0x9c: {  	s7 =	simm.s32 $0x0;
	s20 =	sshll.u32 s5, $0x1;
	s5 =	sadd.s32 s21, s3  }
0x9d: {  	[timem:s7], [sflag:s22] =	dma.local [hbm:s5], s20  }
0x9e: {  	_ =	swait.ge [sflag:s22], s20  }
0x9f: {  	s4 =	ssub.s32 $0x0, s20;
	[sflag:s22] =	ssyncset.done $0x0  }
0xa0: {  	[sflag:s22] =	ssyncadd.s32 s4;
	_ =	sdelay $0x1  }
0xa1: {  	s23 =	simm.s32 $0x1B8B  }
0xa2: {  	_ =	swait.ge [sflag:s23], $0x1  }
0xa3: {  	[sflag:s23] =	ssyncset.done $0x0  }
0xa4: {  	s25 =	simm.s32 $0x1B8E;
	s24 =	sld [smem:$0x3FFE];
	[sflag:s23] =	ssyncadd.s32 $0xFFFFFFFF  }
0xa5: {  	s26 =	simm.s32 $execute0_lowered;
	[smem:$0x3FD2] =	sst s25  }
0xa6: {  	s5 =	sshll.u32 s26, $0x1;
	_ =	strace $0x8000004C;
	[dreg:$0x1] =	wrdreg $0xFFFFFFFF  }
0xa7: {  	s28 =	simm.s32 $_size_execute0_lowered;
	s3 =	sadd.s32 s3, s5;
	[dreg:$0x0] =	wrdreg $0x0  }
0xa8: {  	s5 =	sshll.u32 s28, $0x1;
	[dreg:$0x2] =	wrdreg s3  }
0xa9: {  	[dreg:$0x3] =	wrdreg s5  }
0xaa: {  	[dreg:$0x4] =	wrdreg $0xC0  }
0xab: {  	_ =	task [dreg:s7], $0x5FFFF  }
0xac: {  	[dreg:$0x1] =	wrdreg $0xFFFFFFFF  }
0xad: {  	[dreg:$0x0] =	wrdreg $0x60  }
0xae: {  	[dreg:$0x2] =	wrdreg s24  }
0xaf: {  	[dreg:$0x3] =	wrdreg s2  }
0xb0: {  	[dreg:$0x4] =	wrdreg $0x0  }
0xb1: {  	[dreg:$0x5] =	wrdreg $0x9  }
0xb2: {  	_ =	task.clear_ibuf [dreg:s7], $0x6FFFF;
	_ =	strace $0x9000004C  }
0xb3: {  	s29 =	simm.s32 $0x9;
	_ =	strace $0x8000004E  }
0xb4: {  	_ =	swait.ge [sflag:s29], $0x1  }
0xb5: {  	[sflag:s29] =	ssyncadd.s32 $0xFFFFFFFF  }
0xb6: {  	_ =	strace $0x9000004E  }
0xb7: {  	_ =	sfence  }
0xb8: {  	s30 =	sld [smem:$0x0];
	_ =	sdelay $0x2  }
0xb9: {  	s31 =	sshll.u32 s1, $0xD;
	s1 =	sshrl.u32 s1, $0x2  }
0xba: {  	s3 =	sand.u32 $0x4000, s31;
	s1 =	sadd.s32 s1, s30  }
0xbb: {  	s0 =	sor.u32 s3, s0;
	s1 =	sshll.u32 s1, $0x11  }
0xbc: {  	s0 =	sor.u32 s1, s0  }
0xbd: {  	s0 =	sadd.s32 $0x8F2B, s0  }
0xbe: {  	[sflag:s0] =	ssyncadd.remote.s32 $0x1  }
0xbf: {  	_ =	sfence.sel $0xFFFF  }
0xc0: {  	[dreg:$0x0] =	wrdreg $0xFFFFFFFF;
	(pc) =	sbr.abs _section_cstart, $3  }
0xc1: {  	[dreg:$0x1] =	wrdreg $0xFFFFFFFF  }
0xc2: {  	_ =	task.clear_ibuf [dreg:s7], $0x2FFFF;
	_ =	strace $0x9FFFFFFF  }
0xc3: {  	(tm) =	ssettm $0x7FFFFFFF  }
tec
execute0_lowered:
.L_overlay_start_1:
0x0: {  	(tag) =	ssettag $0x1  }
0x1: {  	s0 =	rddreg [dreg:$0x0]  }
0x2: {  	s2 =	rddreg [dreg:$0x2];
	s1 =	srdreg.scid;
	s4 =	simm.s32 $0x0  }
0x3: {  	s6 =	stileid.u32;
	s28 =	simm.s32 $0x1B880;
	s29 =	simm.s32 $0x50  }
0x4: {  	s30 =	simm.s32 $0x16800;
	s31 =	simm.s32 $0x9;
	s1 =	sand.u32 $0x1, s1  }
0x5: {  	[smem:$0x7FF] =	sst s4;
	s8 =	smul.u32 $0x50000, s6;
	s5 =	sadd.s32 $0x16400, s0  }
0x6: {  	s12 =	sadd.s32 $0xC600, s0;
	s17 =	smul.u32 $0x2710, s6;
	s3 =	sshll.u32 s1, $0x4  }
0x7: {  	s10 =	ssub.s32 $0x2, s1;
	s1 =	smul.u32 $0x27100, s1;
	s3 =	sor.u32 s6, s3  }
0x8: {  	s7 =	sadd.s32 $0x2800, s0;
	s8 =	sshrl.u32 s8, $0x2;
	s9 =	smul.u32 $0x2710, s3  }
0x9: {  	s0 =	sadd.s32 $0x3D600, s0;
	_ =	strace $0x8000004D;
	s13 =	sadd.s32 s8, s2  }
0xa: {  	s22 =	sadd.s32 s17, s1;
	s17 =	sadd.s32 $0x2800, s13;
	s9 =	sshrl.u32 s9, $0x3  }
0xb: {  	s11 =	sshrl.u32 s10, $0x1;
	[dreg:$0x15] =	wrdreg s17;
	s23 =	sadd.s32 s12, s9  }
0xc: {  	s24 =	sadd.s32 s7, s9;
	s25 =	sadd.s32 $0xA, s9;
	[dreg:$0x5] =	wrdreg s23  }
0xd: {  	s26 =	smul.u32 $0x14000, s3;
	[dreg:$0x6] =	wrdreg s24;
	s14 =	sadd.s32 s12, s25  }
0xe: {  	s10 =	ssub.s32 s10, s11;
	s8 =	sadd.s32 s7, s25;
	[dreg:$0x7] =	wrdreg s14  }
0xf: {  	s3 =	smul.u32 $0x2800, s3;
	s15 =	sshrl.u32 s26, $0x3;
	[dreg:$0x8] =	wrdreg s8  }
0x10: {  	s14 =	sadd.s32 $0x14, s9;
	s9 =	sadd.s32 s0, s15;
	s15 =	smax.u32 s10, $0x1  }
0x11: {  	s11 =	sadd.s32 $0x140, s22;
	s16 =	sadd.s32 s12, s14;
	[dreg:$0x12] =	wrdreg s15  }
0x12: {  	s17 =	simm.s32 $0x4;
	s18 =	sadd.s32 s7, s14;
	[dreg:$0x9] =	wrdreg s16  }
0x13: {  	s23 =	smov.u32 s7;
	s19 =	sadd.s32 $0xA00, s9;
	[dreg:$0xa] =	wrdreg s18  }
0x14: {  	s8 =	sadd.s32 $0x190, s22;
	s20 =	sadd.s32 $0xF00, s9;
	[dreg:$0xc] =	wrdreg s19  }
0x15: {  	s10 =	simm.s32 $0x1BA00;
	s21 =	sadd.s32 $0x1400, s9;
	[dreg:$0xd] =	wrdreg s20  }
0x16: {  	s14 =	sadd.s32 s0, s3;
	s3 =	sadd.s32 $0x1900, s9;
	[dreg:$0xe] =	wrdreg s21  }
0x17: {  	s6 =	sadd.s32 $0x1E00, s9;
	s9 =	sadd.s32 $0x2300, s9;
	[dreg:$0xf] =	wrdreg s3  }
0x18: {  	s1 =	sshrl.u32 s8, $0x3;
	s0 =	sadd.s32 $0xF0, s22;
	[dreg:$0x10] =	wrdreg s6  }
0x19: {  	s15 =	simm.s32 $0x1B800;
	s8 =	simm.s32 $0x1BA80;
	[dreg:$0x11] =	wrdreg s9  }
0x1a: {  	s3 =	sshrl.u32 s11, $0x3;
	s16 =	sadd.s32 s1, s7;
	s24 =	sadd.s32 s1, s12  }
0x1b: {  	s6 =	smov.u32 s13;
	[dreg:$0x14] =	wrdreg s0;
	s18 =	sadd.s32 $0x5000, s13  }
0x1c: {  	s19 =	sadd.s32 $0x7800, s13;
	s20 =	sadd.s32 $0xA000, s13;
	[dreg:$0xb] =	wrdreg s14  }
0x1d: {  	s21 =	sadd.s32 $0xC800, s13;
	s9 =	sadd.s32 $0x11800, s13;
	[dreg:$0x13] =	wrdreg s16  }
0x1e: {  	s22 =	sadd.s32 $0x500, s14;
	s11 =	simm.s32 $0x14000;
	[dreg:$0x16] =	wrdreg s18  }
0x1f: {  	s14 =	simm.s32 $0x2;
	s0 =	simm.s32 $0x19000;
	[dreg:$0x17] =	wrdreg s19  }
0x20: {  	s1 =	simm.s32 $0x0;
	s25 =	sadd.s32 s3, s7;
	[dreg:$0x18] =	wrdreg s20  }
0x21: {  	s7 =	smov.u32 s12;
	s26 =	sadd.s32 s3, s12;
	[dreg:$0x19] =	wrdreg s21  }
.Ltmp0:
0x22: {  	s3 =	sadd.s32 $0xF000, s13;
	[dreg:$0x1c] =	wrdreg s22;
	(pc) =	sbr.rel .LBB2_1-.Ltmp0, $4  }
0x23: {  	s13 =	simm.s32 $0x1;
	s16 =	simm.s32 $0x3;
	[dreg:$0x1d] =	wrdreg s1  }
0x24: {  	s18 =	simm.s32 $0x5;
	s19 =	simm.s32 $0x6;
	[dreg:$0x4] =	wrdreg s6  }
0x25: {  	s20 =	simm.s32 $0x7;
	s21 =	simm.s32 $0x8;
	[dreg:$0x1b] =	wrdreg s9  }
0x26: {  	s22 =	simm.s32 $0x1B980;
	s12 =	simm.s32 $0x1B900;
	[dreg:$0x1a] =	wrdreg s3  }
.LBB2_4:
0x27: {  	_ =	swait.ge [sflag:s13], $0x2800  }
0x28: {  	[sflag:s13] =	ssyncset.done $0x0  }
0x29: {  	[sflag:s13] =	ssyncadd.s32 $0xFFFFD800  }
0x2a: {  	[spmem:s2] =	stream.indirect.scatter.add.f32 [tilespmem:s11], [sflag:$0x4], $0x80, s22, s29, $0xb8;
	[tilespmem:$0x1BB00] =	vst v63  }
0x2b: {  	_ =	swait.ge [sflag:s14], $0x2800  }
0x2c: {  	[sflag:s14] =	ssyncset.done $0x0  }
0x2d: {  	[sflag:s14] =	ssyncadd.s32 $0xFFFFD800  }
0x2e: {  	[spmem:s2] =	stream.indirect.scatter.add.f32 [tilespmem:s30], [sflag:$0x5], $0x80, s10, s29, $0xb8;
	[tilespmem:$0x1BB00] =	vst v63  }
0x2f: {  	_ =	swait.ge [sflag:s17], $0x2800  }
0x30: {  	[sflag:s17] =	ssyncset.done $0x0  }
0x31: {  	[sflag:s17] =	ssyncadd.s32 $0xFFFFD800  }
0x32: {  	_ =	swait.ge [sflag:s18], $0x2800  }
0x33: {  	[sflag:s18] =	ssyncset.done $0x0  }
0x34: {  	[sflag:s18] =	ssyncadd.s32 $0xFFFFD800  }
0x35: {  	[bflag:$0x0] =	sbarrier.arrive $0xFFFF  }
0x36: {  	s1 =	rddreg [dreg:$0x4]  }
0x37: {  	[tilespmem:s11], [sflag:$0x1] =	stream.linear.gather [spmem:s1], $0x2800, $0x38;
	[tilespmem:$0x1BB00] =	vst v63  }
0x38: {  	_ =	swait.ge [sflag:s13], $0x2800  }
0x39: {  	[sflag:s13] =	ssyncset.done $0x0  }
0x3a: {  	s3 =	rddreg [dreg:$0xb];
	[sflag:s13] =	ssyncadd.s32 $0xFFFFD800  }
0x3b: {  	[hbm4b:s3+s4] =	stream.linear.scatter [tilespmem:s11], [sflag:$0x4], $0x2800, $0x38;
	[tilespmem:$0x1BB00] =	vst v63  }
0x3c: {  	s6 =	rddreg [dreg:$0x15]  }
0x3d: {  	[tilespmem:s30], [sflag:$0x2] =	stream.linear.gather [spmem:s6], $0x2800, $0x38;
	[tilespmem:$0x1BB00] =	vst v63  }
0x3e: {  	_ =	swait.ge [sflag:s14], $0x2800  }
0x3f: {  	[sflag:s14] =	ssyncset.done $0x0  }
0x40: {  	s9 =	rddreg [dreg:$0x1c];
	[sflag:s14] =	ssyncadd.s32 $0xFFFFD800  }
0x41: {  	[hbm4b:s9+s4] =	stream.linear.scatter [tilespmem:s30], [sflag:$0x5], $0x2800, $0x38;
	[tilespmem:$0x1BB00] =	vst v63  }
0x42: {  	_ =	swait.ge [sflag:s17], $0x2800  }
0x43: {  	[sflag:s17] =	ssyncset.done $0x0  }
0x44: {  	s3 =	rddreg [dreg:$0x16];
	[sflag:s17] =	ssyncadd.s32 $0xFFFFD800  }
0x45: {  	[tilespmem:s11], [sflag:$0x1] =	stream.linear.gather [spmem:s3], $0x2800, $0x38;
	[tilespmem:$0x1BB00] =	vst v63  }
0x46: {  	_ =	swait.ge [sflag:s13], $0x2800  }
0x47: {  	[sflag:s13] =	ssyncset.done $0x0  }
0x48: {  	s6 =	rddreg [dreg:$0xc];
	[sflag:s13] =	ssyncadd.s32 $0xFFFFD800  }
0x49: {  	[hbm4b:s6+s4] =	stream.linear.scatter [tilespmem:s11], [sflag:$0x4], $0x2800, $0x38;
	[tilespmem:$0x1BB00] =	vst v63  }
0x4a: {  	_ =	swait.ge [sflag:s18], $0x2800  }
0x4b: {  	[sflag:s18] =	ssyncset.done $0x0  }
0x4c: {  	s9 =	rddreg [dreg:$0x17];
	[sflag:s18] =	ssyncadd.s32 $0xFFFFD800  }
0x4d: {  	[tilespmem:s30], [sflag:$0x2] =	stream.linear.gather [spmem:s9], $0x2800, $0x38;
	[tilespmem:$0x1BB00] =	vst v63  }
0x4e: {  	_ =	swait.ge [sflag:s14], $0x2800  }
0x4f: {  	[sflag:s14] =	ssyncset.done $0x0  }
0x50: {  	s3 =	rddreg [dreg:$0xd];
	[sflag:s14] =	ssyncadd.s32 $0xFFFFD800  }
0x51: {  	[hbm4b:s3+s4] =	stream.linear.scatter [tilespmem:s30], [sflag:$0x5], $0x2800, $0x38;
	[tilespmem:$0x1BB00] =	vst v63  }
0x52: {  	_ =	swait.ge [sflag:s17], $0x2800  }
0x53: {  	[sflag:s17] =	ssyncset.done $0x0  }
0x54: {  	s6 =	rddreg [dreg:$0x18];
	[sflag:s17] =	ssyncadd.s32 $0xFFFFD800  }
0x55: {  	[tilespmem:s11], [sflag:$0x1] =	stream.linear.gather [spmem:s6], $0x2800, $0x38;
	[tilespmem:$0x1BB00] =	vst v63  }
0x56: {  	_ =	swait.ge [sflag:s13], $0x2800  }
0x57: {  	[sflag:s13] =	ssyncset.done $0x0  }
0x58: {  	s9 =	rddreg [dreg:$0xe];
	[sflag:s13] =	ssyncadd.s32 $0xFFFFD800  }
0x59: {  	[hbm4b:s9+s4] =	stream.linear.scatter [tilespmem:s11], [sflag:$0x4], $0x2800, $0x38;
	[tilespmem:$0x1BB00] =	vst v63  }
0x5a: {  	_ =	swait.ge [sflag:s18], $0x2800  }
0x5b: {  	[sflag:s18] =	ssyncset.done $0x0  }
0x5c: {  	s3 =	rddreg [dreg:$0x19];
	[sflag:s18] =	ssyncadd.s32 $0xFFFFD800  }
0x5d: {  	[tilespmem:s30], [sflag:$0x2] =	stream.linear.gather [spmem:s3], $0x2800, $0x38;
	[tilespmem:$0x1BB00] =	vst v63  }
0x5e: {  	_ =	swait.ge [sflag:s14], $0x2800  }
0x5f: {  	[sflag:s14] =	ssyncset.done $0x0  }
0x60: {  	s6 =	rddreg [dreg:$0xf];
	[sflag:s14] =	ssyncadd.s32 $0xFFFFD800  }
0x61: {  	[hbm4b:s6+s4] =	stream.linear.scatter [tilespmem:s30], [sflag:$0x5], $0x2800, $0x38;
	[tilespmem:$0x1BB00] =	vst v63  }
0x62: {  	_ =	swait.ge [sflag:s17], $0x2800  }
0x63: {  	[sflag:s17] =	ssyncset.done $0x0  }
0x64: {  	s3 =	rddreg [dreg:$0x1a];
	[sflag:s17] =	ssyncadd.s32 $0xFFFFD800  }
0x65: {  	[tilespmem:s11], [sflag:$0x1] =	stream.linear.gather [spmem:s3], $0x2800, $0x38;
	[tilespmem:$0x1BB00] =	vst v63  }
0x66: {  	_ =	swait.ge [sflag:s13], $0x2800  }
0x67: {  	[sflag:s13] =	ssyncset.done $0x0  }
0x68: {  	s9 =	rddreg [dreg:$0x10];
	[sflag:s13] =	ssyncadd.s32 $0xFFFFD800  }
0x69: {  	[hbm4b:s9+s4] =	stream.linear.scatter [tilespmem:s11], [sflag:$0x4], $0x2800, $0x38;
	[tilespmem:$0x1BB00] =	vst v63  }
0x6a: {  	_ =	swait.ge [sflag:s18], $0x2800  }
0x6b: {  	[sflag:s18] =	ssyncset.done $0x0  }
0x6c: {  	s9 =	rddreg [dreg:$0x1b];
	[sflag:s18] =	ssyncadd.s32 $0xFFFFD800  }
0x6d: {  	[tilespmem:s30], [sflag:$0x2] =	stream.linear.gather [spmem:s9], $0x2800, $0x38;
	[tilespmem:$0x1BB00] =	vst v63  }
0x6e: {  	_ =	swait.ge [sflag:s14], $0x2800  }
0x6f: {  	[sflag:s14] =	ssyncset.done $0x0  }
0x70: {  	s6 =	rddreg [dreg:$0x11];
	[sflag:s14] =	ssyncadd.s32 $0xFFFFD800  }
0x71: {  	[hbm4b:s6+s4] =	stream.linear.scatter [tilespmem:s30], [sflag:$0x5], $0x2800, $0x38;
	[tilespmem:$0x1BB00] =	vst v63  }
0x72: {  	_ =	swait.ge [sflag:s17], $0x2800  }
0x73: {  	[sflag:s17] =	ssyncset.done $0x0  }
0x74: {  	[sflag:s17] =	ssyncadd.s32 $0xFFFFD800  }
0x75: {  	_ =	swait.ge [sflag:s18], $0x2800  }
0x76: {  	s6 =	rddreg [dreg:$0x1d]  }
0x77: {  	s1 =	rddreg [dreg:$0x12];
	s6 =	sadd.s32 $0x1, s6  }
0x78: {  	p0 =	sne.s32 s6, s1  }
.Ltmp1:
0x79: {  	_ = 	snop;
	(pc) =	sbr.rel @!p0 .LBB2_5-.Ltmp1, $3  }
0x7a: {  	_ =	sdelay $0x1  }
0x7b: {  	[sflag:s18] =	ssyncset.done $0x0;
	[dreg:$0x1d] =	wrdreg s6  }
0x7c: {  	[sflag:s18] =	ssyncadd.s32 $0xFFFFD800;
	s6 =	rddreg [dreg:$0x4]  }
.LBB2_1:
0x7d: {  	s1 =	rddreg [dreg:$0x1]  }
0x7e: {  	[tilespmem:s11], [sflag:$0xA] =	stream.linear.gather [hbm4b:s1+s4], $0x2800, $0x38;
	[tilespmem:$0x1BB00] =	vst v63  }
0x7f: {  	s1 =	simm.s32 $0xA  }
0x80: {  	_ =	swait.ge [sflag:s1], $0x2800  }
0x81: {  	[sflag:s1] =	ssyncset.done $0x0  }
0x82: {  	[sflag:s1] =	ssyncadd.s32 $0xFFFFD800  }
0x83: {  	[spmem:s6] =	stream.linear.scatter [tilespmem:s11], [sflag:$0x1], $0x2800, $0x38;
	[tilespmem:$0x1BB00] =	vst v63  }
0x84: {  	s6 =	rddreg [dreg:$0x15]  }
0x85: {  	[spmem:s6] =	stream.linear.scatter [tilespmem:s11], [sflag:$0x2], $0x2800, $0x38;
	[tilespmem:$0x1BB00] =	vst v63  }
0x86: {  	s6 =	rddreg [dreg:$0x16]  }
0x87: {  	[spmem:s6] =	stream.linear.scatter [tilespmem:s11], [sflag:$0x3], $0x2800, $0x38;
	[tilespmem:$0x1BB00] =	vst v63  }
0x88: {  	s6 =	rddreg [dreg:$0x17]  }
0x89: {  	[spmem:s6] =	stream.linear.scatter [tilespmem:s11], [sflag:$0x4], $0x2800, $0x38;
	[tilespmem:$0x1BB00] =	vst v63  }
0x8a: {  	s6 =	rddreg [dreg:$0x18]  }
0x8b: {  	[spmem:s6] =	stream.linear.scatter [tilespmem:s11], [sflag:$0x5], $0x2800, $0x38;
	[tilespmem:$0x1BB00] =	vst v63  }
0x8c: {  	s6 =	rddreg [dreg:$0x19]  }
0x8d: {  	[spmem:s6] =	stream.linear.scatter [tilespmem:s11], [sflag:$0x6], $0x2800, $0x38;
	[tilespmem:$0x1BB00] =	vst v63  }
0x8e: {  	_ = 	snop  }
0x8f: {  	[spmem:s3] =	stream.linear.scatter [tilespmem:s11], [sflag:$0x7], $0x2800, $0x38;
	[tilespmem:$0x1BB00] =	vst v63  }
0x90: {  	_ = 	snop  }
0x91: {  	[spmem:s9] =	stream.linear.scatter [tilespmem:s11], [sflag:$0x8], $0x2800, $0x38;
	[tilespmem:$0x1BB00] =	vst v63  }
0x92: {  	_ =	swait.ge [sflag:s13], $0x2800  }
0x93: {  	[sflag:s13] =	ssyncset.done $0x0  }
0x94: {  	[sflag:s13] =	ssyncadd.s32 $0xFFFFD800  }
0x95: {  	_ =	swait.ge [sflag:s14], $0x2800  }
0x96: {  	[sflag:s14] =	ssyncset.done $0x0  }
0x97: {  	[sflag:s14] =	ssyncadd.s32 $0xFFFFD800  }
0x98: {  	_ =	swait.ge [sflag:s16], $0x2800  }
0x99: {  	[sflag:s16] =	ssyncset.done $0x0  }
0x9a: {  	[sflag:s16] =	ssyncadd.s32 $0xFFFFD800  }
0x9b: {  	_ =	swait.ge [sflag:s17], $0x2800  }
0x9c: {  	[sflag:s17] =	ssyncset.done $0x0  }
0x9d: {  	[sflag:s17] =	ssyncadd.s32 $0xFFFFD800  }
0x9e: {  	_ =	swait.ge [sflag:s18], $0x2800  }
0x9f: {  	[sflag:s18] =	ssyncset.done $0x0  }
0xa0: {  	[sflag:s18] =	ssyncadd.s32 $0xFFFFD800  }
0xa1: {  	_ =	swait.ge [sflag:s19], $0x2800  }
0xa2: {  	[sflag:s19] =	ssyncset.done $0x0  }
0xa3: {  	[sflag:s19] =	ssyncadd.s32 $0xFFFFD800  }
0xa4: {  	_ =	swait.ge [sflag:s20], $0x2800  }
0xa5: {  	[sflag:s20] =	ssyncset.done $0x0  }
0xa6: {  	[sflag:s20] =	ssyncadd.s32 $0xFFFFD800  }
0xa7: {  	_ =	swait.ge [sflag:s21], $0x2800  }
0xa8: {  	[sflag:s21] =	ssyncset.done $0x0  }
0xa9: {  	[sflag:s21] =	ssyncadd.s32 $0xFFFFD800  }
0xaa: {  	[bflag:$0x0] =	sbarrier.arrive $0xFFFF  }
0xab: {  	s3 =	rddreg [dreg:$0x5]  }
0xac: {  	[tilespmem:s15], [sflag:$0x7] =	stream.linear.gather [hbm4b:s3+s4], $0x50, $0x38;
	[tilespmem:$0x1BB00] =	vst v63  }
0xad: {  	s6 =	rddreg [dreg:$0x6]  }
0xae: {  	[tilespmem:s22], [sflag:$0x7] =	stream.linear.gather [hbm4b:s6+s4], $0x50, $0x38;
	[tilespmem:$0x1BB00] =	vst v63  }
0xaf: {  	s9 =	rddreg [dreg:$0x7]  }
0xb0: {  	[tilespmem:s28], [sflag:$0x8] =	stream.linear.gather [hbm4b:s9+s4], $0x50, $0x38;
	[tilespmem:$0x1BB00] =	vst v63  }
0xb1: {  	s3 =	rddreg [dreg:$0x8]  }
0xb2: {  	[tilespmem:s10], [sflag:$0x8] =	stream.linear.gather [hbm4b:s3+s4], $0x50, $0x38;
	[tilespmem:$0x1BB00] =	vst v63  }
0xb3: {  	s6 =	rddreg [dreg:$0x9]  }
0xb4: {  	[tilespmem:s12], [sflag:$0x9] =	stream.linear.gather [hbm4b:s6+s4], $0x50, $0x38;
	[tilespmem:$0x1BB00] =	vst v63  }
0xb5: {  	s9 =	rddreg [dreg:$0xa]  }
0xb6: {  	[tilespmem:s8], [sflag:$0x9] =	stream.linear.gather [hbm4b:s9+s4], $0x50, $0x38;
	[tilespmem:$0x1BB00] =	vst v63  }
0xb7: {  	_ =	swait.ge [sflag:s20], $0x50  }
0xb8: {  	[sflag:s20] =	ssyncset.done $0x0  }
0xb9: {  	[sflag:s20] =	ssyncadd.s32 $0xFFFFFFB0  }
0xba: {  	_ =	swait.ge [sflag:s20], $0x50  }
0xbb: {  	[sflag:s20] =	ssyncset.done $0x0  }
0xbc: {  	[sflag:s20] =	ssyncadd.s32 $0xFFFFFFB0  }
0xbd: {  	[tilespmem:s11], [sflag:$0x1] =	stream.indirect.gather [hbm4b:s5+s29], $0x80, s15, s29, $0xb8;
	[tilespmem:$0x1BB00] =	vst v63  }
0xbe: {  	_ =	swait.ge [sflag:s21], $0x50  }
0xbf: {  	[sflag:s21] =	ssyncset.done $0x0  }
0xc0: {  	[sflag:s21] =	ssyncadd.s32 $0xFFFFFFB0  }
0xc1: {  	_ =	swait.ge [sflag:s21], $0x50  }
0xc2: {  	[sflag:s21] =	ssyncset.done $0x0  }
0xc3: {  	[sflag:s21] =	ssyncadd.s32 $0xFFFFFFB0  }
0xc4: {  	[tilespmem:s30], [sflag:$0x2] =	stream.indirect.gather [hbm4b:s5+s29], $0x80, s28, s29, $0xb8;
	[tilespmem:$0x1BB00] =	vst v63  }
0xc5: {  	_ =	swait.ge [sflag:s31], $0x50  }
0xc6: {  	[sflag:s31] =	ssyncset.done $0x0  }
0xc7: {  	[sflag:s31] =	ssyncadd.s32 $0xFFFFFFB0  }
0xc8: {  	_ =	swait.ge [sflag:s31], $0x50  }
0xc9: {  	[sflag:s31] =	ssyncset.done $0x0  }
0xca: {  	s9 =	simm.s32 $0x0;
	s1 =	rddreg [dreg:$0x14];
	[sflag:s31] =	ssyncadd.s32 $0xFFFFFFB0  }
0xcb: {  	[tilespmem:s0], [sflag:$0x3] =	stream.indirect.gather [hbm4b:s5+s29], $0x80, s12, s29, $0xb8;
	[tilespmem:$0x1BB00] =	vst v63  }
.LBB2_2:
0xcc: {  	_ =	swait.ge [sflag:s13], $0x2800  }
0xcd: {  	[sflag:s13] =	ssyncset.done $0x0  }
0xce: {  	[sflag:s13] =	ssyncadd.s32 $0xFFFFD800  }
0xcf: {  	[spmem:s2] =	stream.indirect.scatter.add.f32 [tilespmem:s11], [sflag:$0x4], $0x80, s22, s29, $0xb8;
	[tilespmem:$0x1BB00] =	vst v63  }
0xd0: {  	_ =	swait.ge [sflag:s14], $0x2800  }
0xd1: {  	[sflag:s14] =	ssyncset.done $0x0  }
0xd2: {  	[sflag:s14] =	ssyncadd.s32 $0xFFFFD800  }
0xd3: {  	[spmem:s2] =	stream.indirect.scatter.add.f32 [tilespmem:s30], [sflag:$0x5], $0x80, s10, s29, $0xb8;
	[tilespmem:$0x1BB00] =	vst v63  }
0xd4: {  	_ =	swait.ge [sflag:s16], $0x2800  }
0xd5: {  	[sflag:s16] =	ssyncset.done $0x0  }
0xd6: {  	[sflag:s16] =	ssyncadd.s32 $0xFFFFD800  }
0xd7: {  	[spmem:s2] =	stream.indirect.scatter.add.f32 [tilespmem:s0], [sflag:$0x6], $0x80, s8, s29, $0xb8;
	[tilespmem:$0x1BB00] =	vst v63  }
0xd8: {  	_ =	swait.ge [sflag:s17], $0x2800  }
0xd9: {  	s3 =	sshrl.u32 s1, $0x3;
	[sflag:s17] =	ssyncset.done $0x0  }
0xda: {  	s6 =	sadd.s32 s7, s3;
	[sflag:s17] =	ssyncadd.s32 $0xFFFFD800  }
0xdb: {  	[tilespmem:s15], [sflag:$0x7] =	stream.linear.gather [hbm4b:s6+s4], $0x50, $0x38;
	[tilespmem:$0x1BB00] =	vst v63  }
0xdc: {  	s3 =	sadd.s32 s23, s3  }
0xdd: {  	[tilespmem:s22], [sflag:$0x7] =	stream.linear.gather [hbm4b:s3+s4], $0x50, $0x38;
	[tilespmem:$0x1BB00] =	vst v63  }
0xde: {  	_ =	swait.ge [sflag:s20], $0x50  }
0xdf: {  	[sflag:s20] =	ssyncset.done $0x0  }
0xe0: {  	[sflag:s20] =	ssyncadd.s32 $0xFFFFFFB0  }
0xe1: {  	_ =	swait.ge [sflag:s20], $0x50  }
0xe2: {  	[sflag:s20] =	ssyncset.done $0x0  }
0xe3: {  	[sflag:s20] =	ssyncadd.s32 $0xFFFFFFB0  }
0xe4: {  	[tilespmem:s11], [sflag:$0x1] =	stream.indirect.gather [hbm4b:s5+s29], $0x80, s15, s29, $0xb8;
	[tilespmem:$0x1BB00] =	vst v63  }
0xe5: {  	_ =	swait.ge [sflag:s18], $0x2800  }
0xe6: {  	[sflag:s18] =	ssyncset.done $0x0  }
0xe7: {  	s6 =	sadd.s32 s9, s26;
	[sflag:s18] =	ssyncadd.s32 $0xFFFFD800  }
0xe8: {  	[tilespmem:s28], [sflag:$0x8] =	stream.linear.gather [hbm4b:s6+s4], $0x50, $0x38;
	[tilespmem:$0x1BB00] =	vst v63  }
0xe9: {  	s6 =	sadd.s32 s9, s25  }
0xea: {  	[tilespmem:s10], [sflag:$0x8] =	stream.linear.gather [hbm4b:s6+s4], $0x50, $0x38;
	[tilespmem:$0x1BB00] =	vst v63  }
0xeb: {  	_ =	swait.ge [sflag:s21], $0x50  }
0xec: {  	[sflag:s21] =	ssyncset.done $0x0  }
0xed: {  	[sflag:s21] =	ssyncadd.s32 $0xFFFFFFB0  }
0xee: {  	_ =	swait.ge [sflag:s21], $0x50  }
0xef: {  	p0 =	seq.s32 s9, $0x4B0;
	[sflag:s21] =	ssyncset.done $0x0  }
.Ltmp2:
0xf0: {  	[sflag:s21] =	ssyncadd.s32 $0xFFFFFFB0;
	(pc) =	sbr.rel @p0 .LBB2_4-.Ltmp2, $4  }
0xf1: {  	[tilespmem:s30], [sflag:$0x2] =	stream.indirect.gather [hbm4b:s5+s29], $0x80, s28, s29, $0xb8;
	[tilespmem:$0x1BB00] =	vst v63  }
0xf2: {  	_ =	swait.ge [sflag:s19], $0x2800  }
0xf3: {  	[sflag:s19] =	ssyncset.done $0x0  }
0xf4: {  	[sflag:s19] =	ssyncadd.s32 $0xFFFFD800  }
0xf5: {  	s3 =	sadd.s32 s9, s24;
	s6 =	rddreg [dreg:$0x13]  }
0xf6: {  	[tilespmem:s12], [sflag:$0x9] =	stream.linear.gather [hbm4b:s3+s4], $0x50, $0x38;
	[tilespmem:$0x1BB00] =	vst v63  }
0xf7: {  	s3 =	sadd.s32 s9, s6  }
0xf8: {  	[tilespmem:s8], [sflag:$0x9] =	stream.linear.gather [hbm4b:s3+s4], $0x50, $0x38;
	[tilespmem:$0x1BB00] =	vst v63  }
0xf9: {  	_ =	swait.ge [sflag:s31], $0x50  }
0xfa: {  	[sflag:s31] =	ssyncset.done $0x0  }
.Ltmp3:
0xfb: {  	[sflag:s31] =	ssyncadd.s32 $0xFFFFFFB0;
	(pc) =	sbr.rel .LBB2_2-.Ltmp3, $4  }
0xfc: {  	_ =	swait.ge [sflag:s31], $0x50  }
0xfd: {  	[sflag:s31] =	ssyncset.done $0x0  }
0xfe: {  	s1 =	sadd.s32 $0xF0, s1;
	s9 =	sadd.s32 $0x1E, s9;
	[sflag:s31] =	ssyncadd.s32 $0xFFFFFFB0  }
0xff: {  	[tilespmem:s0], [sflag:$0x3] =	stream.indirect.gather [hbm4b:s5+s29], $0x80, s12, s29, $0xb8;
	[tilespmem:$0x1BB00] =	vst v63  }
.LBB2_5:
0x100: {  	_ =	sfence.sel $0x180000  }
0x101: {  	[bflag:$0x0] =	sbarrier.arrive $0xFFFF  }
0x102: {  	_ =	strace $0x9000004D  }
0x103: {  	s0 =	stileid.u32;
	[bflag:$0x2] =	sbarrier.arrive $0xFFFF  }
0x104: {  	p0 =	sne.s32 s0, $0x0;
	s0 =	rddreg [dreg:$0x3]  }
0x105: {  	s0 =	sadd.s32 @!p0 $0x100000, s0  }
0x106: {  	[sflag:s0] =	ssyncadd.tile.s32 @!p0 $0x1;
	_ =	shalt  }
.Lfunc_end2:
_tile_overlayer_lowered:
.L_overlay_start_2:
0x107: {  	(tag) =	ssettag $0x2  }
0x108: {  	s0 =	rddreg [dreg:$0x0];
	s2 =	stileid.u32  }
0x109: {  	s1 =	rddreg [dreg:$0x1];
	p0 =	sne.s32 s2, $0x0  }
0x10a: {  	s3 =	rddreg [dreg:$0x2];
	[bflag:$0x3] =	sbarrier.arrive $0xFFFF;
	s2 =	simm.s32 @!p0 $0x1C0A  }
0x10b: {  	[timem:s3], [sflag:s2] =	dma.local @!p0 [hbm:s0], s1  }
0x10c: {  	s0 =	simm.s32 @!p0 $0xA  }
0x10d: {  	_ =	swait.ge @!p0 [sflag:s0], s1  }
0x10e: {  	s1 =	ssub.s32 @!p0 $0x0, s1;
	[sflag:s0] =	ssyncset.done @!p0 $0x0  }
0x10f: {  	[sflag:s0] =	ssyncadd.s32 @!p0 s1  }
0x110: {  	[bflag:$0x3] =	sbarrier.arrive $0xFFFF  }
0x111: {  	_ =	shalt  }

// kernel: kernel.19.cloned.1.call-start
scs
__scs_entry_jumppad:
0x0: {  	(pc) =	sbr.rel $0x88, $3  }
0x1: {  	(tag) =	ssettag $0x0;
	lr =	simm.s32 $0x1  }
0x2: {  	[smem:$0x3F95] =	sst lr;
	_ =	strace $0xD0000000  }
0x3: {  	_ = 	snop  }
0x4: {  	_ = 	snop  }
0x5: {  	_ = 	snop  }
0x6: {  	_ = 	snop  }
0x7: {  	_ = 	snop  }
__scs_overlays_trampoline_lowered:
0x8: {  	[smem:$0x3FA4] =	sst s0  }
0x9: {  	[smem:$0x3FA5] =	sst s1  }
0xa: {  	[smem:$0x3FA6] =	sst s2  }
0xb: {  	[smem:$0x3FA7] =	sst s3  }
0xc: {  	[smem:$0x3FA8] =	sst s4  }
0xd: {  	[smem:$0x3FA9] =	sst s5  }
0xe: {  	[smem:$0x3FAA] =	sst s6  }
0xf: {  	[smem:$0x3FAB] =	sst s7  }
0x10: {  	[smem:$0x3FAC] =	sst s8  }
0x11: {  	[smem:$0x3FAD] =	sst s9;
	s0 =	simm.s32 @!p0 $0x0  }
0x12: {  	s1 =	sld [smem:$0x3F93];
	s0 =	simm.s32 @p0 $0x1  }
0x13: {  	[smem:$0x3FAE] =	sst s0;
	s0 =	simm.s32 @!p1 $0x0  }
0x14: {  	s2 =	sld [smem:$0x3F92];
	s0 =	simm.s32 @p1 $0x1  }
0x15: {  	[smem:$0x3FAF] =	sst s0;
	s0 =	simm.s32 @!p2 $0x0  }
0x16: {  	s3 =	sld [smem:$0x3FDB];
	s0 =	simm.s32 @p2 $0x1  }
0x17: {  	s4 =	simm.s32 $0x1BF5;
	[smem:$0x3FB1] =	sst s0  }
0x18: {  	s0 =	sld [smem:$0x3F94];
	_ =	swait.ge [sflag:s4], $0x0  }
0x19: {  	s7 =	sld [smem:$0x3F95]  }
0x1a: {  	s8 =	sadd.s32 $0xFFFFE003, lr  }
0x1b: {  	s9 =	sadd.s32 $0xFFFFFEF7, lr;
	s5 =	simm.s32 $0xFFFFFFFF;
	p2 =	slt.u32 s8, $0xFFFFF086  }
0x1c: {  	p1 =	slt.u32 s9, $0xF7A;
	s5 =	simm.s32 @!p2 $0x0  }
0x1d: {  	s5 =	simm.s32 @p1 $0x1;
	p0 =	seq.s32 s7, s2  }
0x1e: {  	s7 =	smul.u32 @!p0 $0xF7A, s2;
	p2 =	seq.s32 @!p0 s5, $0x0  }
0x1f: {  	s9 =	smul.u32 $0xF7A, s1;
	s8 =	simm.s32 @!p0 $0x1BF5;
	p2 =	por !p2, p0  }
0x20: {  	[sflag:s8] =	ssyncset.s32 @!p0 $0xFFFFF086;
	s6 =	sadd.s32 @!p0 s3, s7;
	s7 =	simm.s32 @!p0 $0x108  }
0x21: {  	s3 =	sadd.s32 s3, s9;
	s6 =	sadd.s32 @!p0 $0x88, s6;
	s7 =	simm.s32 @p2 $0x1082  }
0x22: {  	[simem:s7], [sflag:s8] =	dma.local @!p0 [hbm:s6], $0xF7A  }
0x23: {  	s9 =	sor.u32 $0xD0000000, s2;
	s6 =	simm.s32 $0x108;
	_ =	swait.ge @!p0 [sflag:s8], $0x0  }
0x24: {  	s3 =	sadd.s32 $0x88, s3;
	s6 =	simm.s32 @!p1 $0x1082;
	[sflag:s4] =	ssyncset.s32 $0xFFFFF086  }
0x25: {  	[simem:s6], [sflag:s4] =	dma.local [hbm:s3], $0xF7A  }
0x26: {  	[smem:$0x3F95] =	sst s1;
	(tag) =	ssettag s2;
	_ =	strace s9  }
0x27: {  	s1 =	sld [smem:$0x3FA5]  }
0x28: {  	s2 =	sld [smem:$0x3FA6]  }
0x29: {  	s4 =	sld [smem:$0x3FA8]  }
0x2a: {  	p0 =	seq.s32 s5, $0x0;
	s5 =	sld [smem:$0x3FA9]  }
0x2b: {  	s6 =	sld [smem:$0x3FAA]  }
0x2c: {  	s7 =	sld [smem:$0x3FAB]  }
0x2d: {  	s3 =	simm.s32 $0x108;
	s8 =	sld [smem:$0x3FAC]  }
0x2e: {  	s3 =	simm.s32 @!p0 $0x1082;
	s9 =	sld [smem:$0x3FAD]  }
0x2f: {  	lr =	sadd.s32 s0, s3;
	s0 =	sld [smem:$0x3FA4]  }
0x30: {  	s3 =	sld [smem:$0x3FA7]  }
0x31: {  	[smem:$0x3FB0] =	sst s10  }
0x32: {  	s10 =	sld [smem:$0x3FAE];
	_ =	sdelay $0x3  }
0x33: {  	p0 =	seq.s32 s10, $0x1;
	s10 =	sld [smem:$0x3FB0];
	_ =	sdelay $0x3  }
0x34: {  	[smem:$0x3FB0] =	sst s10  }
0x35: {  	s10 =	sld [smem:$0x3FAF];
	_ =	sdelay $0x3  }
0x36: {  	p1 =	seq.s32 s10, $0x1;
	s10 =	sld [smem:$0x3FB0];
	_ =	sdelay $0x3  }
0x37: {  	[smem:$0x3FB0] =	sst s10  }
0x38: {  	s10 =	sld [smem:$0x3FB1]  }
0x39: {  	_ = 	snop;
	(pc) =	sbr.ind lr, $3  }
0x3a: {  	_ = 	snop  }
0x3b: {  	_ = 	snop  }
0x3c: {  	p2 =	seq.s32 s10, $0x1;
	s10 =	sld [smem:$0x3FB0]  }
0x3d: {  	_ =	shalt  }
0x3e: {  	_ =	shalt  }
0x3f: {  	_ =	shalt  }
0x40: {  	_ =	shalt  }
0x41: {  	_ =	shalt  }
0x42: {  	_ =	shalt  }
0x43: {  	_ =	shalt  }
0x44: {  	_ =	shalt  }
0x45: {  	_ =	shalt  }
0x46: {  	_ =	shalt  }
0x47: {  	_ =	shalt  }
0x48: {  	_ =	shalt  }
0x49: {  	_ =	shalt  }
0x4a: {  	_ =	shalt  }
0x4b: {  	_ =	shalt  }
0x4c: {  	_ =	shalt  }
0x4d: {  	_ =	shalt  }
0x4e: {  	_ =	shalt  }
0x4f: {  	_ =	shalt  }
0x50: {  	_ =	shalt  }
0x51: {  	_ =	shalt  }
0x52: {  	_ =	shalt  }
0x53: {  	_ =	shalt  }
0x54: {  	_ =	shalt  }
0x55: {  	_ =	shalt  }
0x56: {  	_ =	shalt  }
0x57: {  	_ =	shalt  }
0x58: {  	_ =	shalt  }
0x59: {  	_ =	shalt  }
0x5a: {  	_ =	shalt  }
0x5b: {  	_ =	shalt  }
0x5c: {  	_ =	shalt  }
0x5d: {  	_ =	shalt  }
0x5e: {  	_ =	shalt  }
0x5f: {  	_ =	shalt  }
0x60: {  	_ =	shalt  }
0x61: {  	_ =	shalt  }
0x62: {  	_ =	shalt  }
0x63: {  	_ =	shalt  }
0x64: {  	_ =	shalt  }
0x65: {  	_ =	shalt  }
0x66: {  	_ =	shalt  }
0x67: {  	_ =	shalt  }
0x68: {  	_ =	shalt  }
0x69: {  	_ =	shalt  }
0x6a: {  	_ =	shalt  }
0x6b: {  	_ =	shalt  }
0x6c: {  	_ =	shalt  }
0x6d: {  	_ =	shalt  }
0x6e: {  	_ =	shalt  }
0x6f: {  	_ =	shalt  }
0x70: {  	_ =	shalt  }
0x71: {  	_ =	shalt  }
0x72: {  	_ =	shalt  }
0x73: {  	_ =	shalt  }
0x74: {  	_ =	shalt  }
0x75: {  	_ =	shalt  }
0x76: {  	_ =	shalt  }
0x77: {  	_ =	shalt  }
0x78: {  	_ =	shalt  }
0x79: {  	_ =	shalt  }
0x7a: {  	_ =	shalt  }
0x7b: {  	_ =	shalt  }
0x7c: {  	_ =	shalt  }
0x7d: {  	_ =	shalt  }
0x7e: {  	_ =	shalt  }
0x7f: {  	_ =	shalt  }
0x80: {  	_ =	shalt  }
0x81: {  	_ =	shalt  }
0x82: {  	_ =	shalt  }
0x83: {  	_ =	shalt  }
0x84: {  	_ =	shalt  }
0x85: {  	_ =	shalt  }
0x86: {  	_ =	shalt  }
0x87: {  	_ =	shalt  }
.Lfunc_end0:
.L_simem_size_0:
called_computation.3_lowered:
.L_overlay_start_0:
0x88: {  	s2 =	sld [smem:$0x3FD9]  }
0x89: {  	s3 =	sld [smem:$0x3FFE];
	_ =	sdelay $0x1  }
0x8a: {  	s1 =	srdreg.scid  }
0x8b: {  	s0 =	sand.u32 $0x1, s1  }
0x8c: {  	s17 =	sshll.u32 s0, $0xA;
	s2 =	sadd.s32 s3, s2  }
0x8d: {  	s2 =	sadd.s32 s2, s17  }
0x8e: {  	[smem:$0x3FBC] =	sst s2  }
0x8f: {  	_ = 	snop  }
0x90: {  	s2 =	sld [smem:$0x3FD0];
	(tm) =	ssettm $0x1  }
0x91: {  	s18 =	sld [smem:$0x3FFB];
	_ =	sdelay $0x3  }
0x92: {  	_ =	strace s18  }
0x93: {  	s3 =	sld [smem:$0x3FFC];
	_ =	sdelay $0x3  }
0x94: {  	_ =	strace s3  }
0x95: {  	s3 =	sld [smem:$0x3FFD];
	_ =	sdelay $0x3  }
0x96: {  	_ =	strace s3  }
0x97: {  	_ =	strace $0x8FFFFFFF  }
0x98: {  	s19 =	sld [smem:$0x3FDB];
	_ =	sdelay $0x1  }
0x99: {  	s4 =	simm.s32 $_scs_section_size  }
0x9a: {  	s5 =	simm.s32 $_size__tile_overlayer_lowered;
	s6 =	simm.s32 $_tile_overlayer_lowered  }
0x9b: {  	s22 =	simm.s32 $0x1BFF;
	s21 =	sshll.u32 s6, $0x1;
	s3 =	sadd.s32 s4, s19  }
0x9c: {  	s7 =	simm.s32 $0x0;
	s20 =	sshll.u32 s5, $0x1;
	s5 =	sadd.s32 s21, s3  }
0x9d: {  	[timem:s7], [sflag:s22] =	dma.local [hbm:s5], s20  }
0x9e: {  	_ =	swait.ge [sflag:s22], s20  }
0x9f: {  	s4 =	ssub.s32 $0x0, s20;
	[sflag:s22] =	ssyncset.done $0x0  }
0xa0: {  	[sflag:s22] =	ssyncadd.s32 s4;
	_ =	sdelay $0x1  }
0xa1: {  	s23 =	simm.s32 $0x1B8B  }
0xa2: {  	_ =	swait.ge [sflag:s23], $0x1  }
0xa3: {  	[sflag:s23] =	ssyncset.done $0x0  }
0xa4: {  	s25 =	simm.s32 $0x1B8E;
	s24 =	sld [smem:$0x3FFE];
	[sflag:s23] =	ssyncadd.s32 $0xFFFFFFFF  }
0xa5: {  	s26 =	simm.s32 $execute0_lowered;
	[smem:$0x3FD2] =	sst s25  }
0xa6: {  	s5 =	sshll.u32 s26, $0x1;
	_ =	strace $0x8000004F;
	[dreg:$0x1] =	wrdreg $0xFFFFFFFF  }
0xa7: {  	s28 =	simm.s32 $_size_execute0_lowered;
	s3 =	sadd.s32 s3, s5;
	[dreg:$0x0] =	wrdreg $0x0  }
0xa8: {  	s5 =	sshll.u32 s28, $0x1;
	[dreg:$0x2] =	wrdreg s3  }
0xa9: {  	[dreg:$0x3] =	wrdreg s5  }
0xaa: {  	[dreg:$0x4] =	wrdreg $0xC0  }
0xab: {  	_ =	task [dreg:s7], $0x5FFFF  }
0xac: {  	[dreg:$0x1] =	wrdreg $0xFFFFFFFF  }
0xad: {  	[dreg:$0x0] =	wrdreg $0x60  }
0xae: {  	[dreg:$0x2] =	wrdreg s24  }
0xaf: {  	[dreg:$0x3] =	wrdreg s2  }
0xb0: {  	[dreg:$0x4] =	wrdreg $0x0  }
0xb1: {  	[dreg:$0x5] =	wrdreg $0x9  }
0xb2: {  	_ =	task.clear_ibuf [dreg:s7], $0x6FFFF;
	_ =	strace $0x9000004F  }
0xb3: {  	s29 =	simm.s32 $0x9;
	_ =	strace $0x80000051  }
0xb4: {  	_ =	swait.ge [sflag:s29], $0x1  }
0xb5: {  	[sflag:s29] =	ssyncadd.s32 $0xFFFFFFFF  }
0xb6: {  	_ =	strace $0x90000051  }
0xb7: {  	_ =	sfence  }
0xb8: {  	s30 =	sld [smem:$0x0];
	_ =	sdelay $0x2  }
0xb9: {  	s31 =	sshll.u32 s1, $0xD;
	s1 =	sshrl.u32 s1, $0x2  }
0xba: {  	s3 =	sand.u32 $0x4000, s31;
	s1 =	sadd.s32 s1, s30  }
0xbb: {  	s0 =	sor.u32 s3, s0;
	s1 =	sshll.u32 s1, $0x11  }
0xbc: {  	s0 =	sor.u32 s1, s0  }
0xbd: {  	s0 =	sadd.s32 $0x8F2B, s0  }
0xbe: {  	[sflag:s0] =	ssyncadd.remote.s32 $0x1  }
0xbf: {  	_ =	sfence.sel $0xFFFF  }
0xc0: {  	[dreg:$0x0] =	wrdreg $0xFFFFFFFF;
	(pc) =	sbr.abs _section_cstart, $3  }
0xc1: {  	[dreg:$0x1] =	wrdreg $0xFFFFFFFF  }
0xc2: {  	_ =	task.clear_ibuf [dreg:s7], $0x2FFFF;
	_ =	strace $0x9FFFFFFF  }
0xc3: {  	(tm) =	ssettm $0x7FFFFFFF  }
tec
execute0_lowered:
.L_overlay_start_1:
0x0: {  	(tag) =	ssettag $0x1  }
0x1: {  	s0 =	rddreg [dreg:$0x0]  }
0x2: {  	s2 =	rddreg [dreg:$0x2];
	s1 =	srdreg.scid;
	s4 =	simm.s32 $0x0  }
0x3: {  	s6 =	stileid.u32;
	s28 =	simm.s32 $0x1B880;
	s29 =	simm.s32 $0x50  }
0x4: {  	s30 =	simm.s32 $0x16800;
	s31 =	simm.s32 $0x9;
	s1 =	sand.u32 $0x1, s1  }
0x5: {  	[smem:$0x7FF] =	sst s4;
	s8 =	smul.u32 $0x50000, s6;
	s5 =	sadd.s32 $0x16400, s0  }
0x6: {  	s12 =	sadd.s32 $0xC600, s0;
	s17 =	smul.u32 $0x2710, s6;
	s3 =	sshll.u32 s1, $0x4  }
0x7: {  	s10 =	ssub.s32 $0x2, s1;
	s1 =	smul.u32 $0x27100, s1;
	s3 =	sor.u32 s6, s3  }
0x8: {  	s7 =	sadd.s32 $0x2800, s0;
	s8 =	sshrl.u32 s8, $0x2;
	s9 =	smul.u32 $0x2710, s3  }
0x9: {  	s0 =	sadd.s32 $0x3D600, s0;
	_ =	strace $0x80000050;
	s13 =	sadd.s32 s8, s2  }
0xa: {  	s22 =	sadd.s32 s17, s1;
	s17 =	sadd.s32 $0x2800, s13;
	s9 =	sshrl.u32 s9, $0x3  }
0xb: {  	s11 =	sshrl.u32 s10, $0x1;
	[dreg:$0x15] =	wrdreg s17;
	s23 =	sadd.s32 s12, s9  }
0xc: {  	s24 =	sadd.s32 s7, s9;
	s25 =	sadd.s32 $0xA, s9;
	[dreg:$0x5] =	wrdreg s23  }
0xd: {  	s26 =	smul.u32 $0x14000, s3;
	[dreg:$0x6] =	wrdreg s24;
	s14 =	sadd.s32 s12, s25  }
0xe: {  	s10 =	ssub.s32 s10, s11;
	s8 =	sadd.s32 s7, s25;
	[dreg:$0x7] =	wrdreg s14  }
0xf: {  	s3 =	smul.u32 $0x2800, s3;
	s15 =	sshrl.u32 s26, $0x3;
	[dreg:$0x8] =	wrdreg s8  }
0x10: {  	s14 =	sadd.s32 $0x14, s9;
	s9 =	sadd.s32 s0, s15;
	s15 =	smax.u32 s10, $0x1  }
0x11: {  	s11 =	sadd.s32 $0x140, s22;
	s16 =	sadd.s32 s12, s14;
	[dreg:$0x12] =	wrdreg s15  }
0x12: {  	s17 =	simm.s32 $0x4;
	s18 =	sadd.s32 s7, s14;
	[dreg:$0x9] =	wrdreg s16  }
0x13: {  	s23 =	smov.u32 s7;
	s19 =	sadd.s32 $0xA00, s9;
	[dreg:$0xa] =	wrdreg s18  }
0x14: {  	s8 =	sadd.s32 $0x190, s22;
	s20 =	sadd.s32 $0xF00, s9;
	[dreg:$0xc] =	wrdreg s19  }
0x15: {  	s10 =	simm.s32 $0x1BA00;
	s21 =	sadd.s32 $0x1400, s9;
	[dreg:$0xd] =	wrdreg s20  }
0x16: {  	s14 =	sadd.s32 s0, s3;
	s3 =	sadd.s32 $0x1900, s9;
	[dreg:$0xe] =	wrdreg s21  }
0x17: {  	s6 =	sadd.s32 $0x1E00, s9;
	s9 =	sadd.s32 $0x2300, s9;
	[dreg:$0xf] =	wrdreg s3  }
0x18: {  	s1 =	sshrl.u32 s8, $0x3;
	s0 =	sadd.s32 $0xF0, s22;
	[dreg:$0x10] =	wrdreg s6  }
0x19: {  	s15 =	simm.s32 $0x1B800;
	s8 =	simm.s32 $0x1BA80;
	[dreg:$0x11] =	wrdreg s9  }
0x1a: {  	s3 =	sshrl.u32 s11, $0x3;
	s16 =	sadd.s32 s1, s7;
	s24 =	sadd.s32 s1, s12  }
0x1b: {  	s6 =	smov.u32 s13;
	[dreg:$0x14] =	wrdreg s0;
	s18 =	sadd.s32 $0x5000, s13  }
0x1c: {  	s19 =	sadd.s32 $0x7800, s13;
	s20 =	sadd.s32 $0xA000, s13;
	[dreg:$0xb] =	wrdreg s14  }
0x1d: {  	s21 =	sadd.s32 $0xC800, s13;
	s9 =	sadd.s32 $0x11800, s13;
	[dreg:$0x13] =	wrdreg s16  }
0x1e: {  	s22 =	sadd.s32 $0x500, s14;
	s11 =	simm.s32 $0x14000;
	[dreg:$0x16] =	wrdreg s18  }
0x1f: {  	s14 =	simm.s32 $0x2;
	s0 =	simm.s32 $0x19000;
	[dreg:$0x17] =	wrdreg s19  }
0x20: {  	s1 =	simm.s32 $0x0;
	s25 =	sadd.s32 s3, s7;
	[dreg:$0x18] =	wrdreg s20  }
0x21: {  	s7 =	smov.u32 s12;
	s26 =	sadd.s32 s3, s12;
	[dreg:$0x19] =	wrdreg s21  }
.Ltmp0:
0x22: {  	s3 =	sadd.s32 $0xF000, s13;
	[dreg:$0x1c] =	wrdreg s22;
	(pc) =	sbr.rel .LBB2_1-.Ltmp0, $4  }
0x23: {  	s13 =	simm.s32 $0x1;
	s16 =	simm.s32 $0x3;
	[dreg:$0x1d] =	wrdreg s1  }
0x24: {  	s18 =	simm.s32 $0x5;
	s19 =	simm.s32 $0x6;
	[dreg:$0x4] =	wrdreg s6  }
0x25: {  	s20 =	simm.s32 $0x7;
	s21 =	simm.s32 $0x8;
	[dreg:$0x1b] =	wrdreg s9  }
0x26: {  	s22 =	simm.s32 $0x1B980;
	s12 =	simm.s32 $0x1B900;
	[dreg:$0x1a] =	wrdreg s3  }
.LBB2_4:
0x27: {  	_ =	swait.ge [sflag:s13], $0x2800  }
0x28: {  	[sflag:s13] =	ssyncset.done $0x0  }
0x29: {  	[sflag:s13] =	ssyncadd.s32 $0xFFFFD800  }
0x2a: {  	[spmem:s2] =	stream.indirect.scatter.add.f32 [tilespmem:s11], [sflag:$0x4], $0x80, s22, s29, $0xb8;
	[tilespmem:$0x1BB00] =	vst v63  }
0x2b: {  	_ =	swait.ge [sflag:s14], $0x2800  }
0x2c: {  	[sflag:s14] =	ssyncset.done $0x0  }
0x2d: {  	[sflag:s14] =	ssyncadd.s32 $0xFFFFD800  }
0x2e: {  	[spmem:s2] =	stream.indirect.scatter.add.f32 [tilespmem:s30], [sflag:$0x5], $0x80, s10, s29, $0xb8;
	[tilespmem:$0x1BB00] =	vst v63  }
0x2f: {  	_ =	swait.ge [sflag:s17], $0x2800  }
0x30: {  	[sflag:s17] =	ssyncset.done $0x0  }
0x31: {  	[sflag:s17] =	ssyncadd.s32 $0xFFFFD800  }
0x32: {  	_ =	swait.ge [sflag:s18], $0x2800  }
0x33: {  	[sflag:s18] =	ssyncset.done $0x0  }
0x34: {  	[sflag:s18] =	ssyncadd.s32 $0xFFFFD800  }
0x35: {  	[bflag:$0x0] =	sbarrier.arrive $0xFFFF  }
0x36: {  	s1 =	rddreg [dreg:$0x4]  }
0x37: {  	[tilespmem:s11], [sflag:$0x1] =	stream.linear.gather [spmem:s1], $0x2800, $0x38;
	[tilespmem:$0x1BB00] =	vst v63  }
0x38: {  	_ =	swait.ge [sflag:s13], $0x2800  }
0x39: {  	[sflag:s13] =	ssyncset.done $0x0  }
0x3a: {  	s3 =	rddreg [dreg:$0xb];
	[sflag:s13] =	ssyncadd.s32 $0xFFFFD800  }
0x3b: {  	[hbm4b:s3+s4] =	stream.linear.scatter [tilespmem:s11], [sflag:$0x4], $0x2800, $0x38;
	[tilespmem:$0x1BB00] =	vst v63  }
0x3c: {  	s6 =	rddreg [dreg:$0x15]  }
0x3d: {  	[tilespmem:s30], [sflag:$0x2] =	stream.linear.gather [spmem:s6], $0x2800, $0x38;
	[tilespmem:$0x1BB00] =	vst v63  }
0x3e: {  	_ =	swait.ge [sflag:s14], $0x2800  }
0x3f: {  	[sflag:s14] =	ssyncset.done $0x0  }
0x40: {  	s9 =	rddreg [dreg:$0x1c];
	[sflag:s14] =	ssyncadd.s32 $0xFFFFD800  }
0x41: {  	[hbm4b:s9+s4] =	stream.linear.scatter [tilespmem:s30], [sflag:$0x5], $0x2800, $0x38;
	[tilespmem:$0x1BB00] =	vst v63  }
0x42: {  	_ =	swait.ge [sflag:s17], $0x2800  }
0x43: {  	[sflag:s17] =	ssyncset.done $0x0  }
0x44: {  	s3 =	rddreg [dreg:$0x16];
	[sflag:s17] =	ssyncadd.s32 $0xFFFFD800  }
0x45: {  	[tilespmem:s11], [sflag:$0x1] =	stream.linear.gather [spmem:s3], $0x2800, $0x38;
	[tilespmem:$0x1BB00] =	vst v63  }
0x46: {  	_ =	swait.ge [sflag:s13], $0x2800  }
0x47: {  	[sflag:s13] =	ssyncset.done $0x0  }
0x48: {  	s6 =	rddreg [dreg:$0xc];
	[sflag:s13] =	ssyncadd.s32 $0xFFFFD800  }
0x49: {  	[hbm4b:s6+s4] =	stream.linear.scatter [tilespmem:s11], [sflag:$0x4], $0x2800, $0x38;
	[tilespmem:$0x1BB00] =	vst v63  }
0x4a: {  	_ =	swait.ge [sflag:s18], $0x2800  }
0x4b: {  	[sflag:s18] =	ssyncset.done $0x0  }
0x4c: {  	s9 =	rddreg [dreg:$0x17];
	[sflag:s18] =	ssyncadd.s32 $0xFFFFD800  }
0x4d: {  	[tilespmem:s30], [sflag:$0x2] =	stream.linear.gather [spmem:s9], $0x2800, $0x38;
	[tilespmem:$0x1BB00] =	vst v63  }
0x4e: {  	_ =	swait.ge [sflag:s14], $0x2800  }
0x4f: {  	[sflag:s14] =	ssyncset.done $0x0  }
0x50: {  	s3 =	rddreg [dreg:$0xd];
	[sflag:s14] =	ssyncadd.s32 $0xFFFFD800  }
0x51: {  	[hbm4b:s3+s4] =	stream.linear.scatter [tilespmem:s30], [sflag:$0x5], $0x2800, $0x38;
	[tilespmem:$0x1BB00] =	vst v63  }
0x52: {  	_ =	swait.ge [sflag:s17], $0x2800  }
0x53: {  	[sflag:s17] =	ssyncset.done $0x0  }
0x54: {  	s6 =	rddreg [dreg:$0x18];
	[sflag:s17] =	ssyncadd.s32 $0xFFFFD800  }
0x55: {  	[tilespmem:s11], [sflag:$0x1] =	stream.linear.gather [spmem:s6], $0x2800, $0x38;
	[tilespmem:$0x1BB00] =	vst v63  }
0x56: {  	_ =	swait.ge [sflag:s13], $0x2800  }
0x57: {  	[sflag:s13] =	ssyncset.done $0x0  }
0x58: {  	s9 =	rddreg [dreg:$0xe];
	[sflag:s13] =	ssyncadd.s32 $0xFFFFD800  }
0x59: {  	[hbm4b:s9+s4] =	stream.linear.scatter [tilespmem:s11], [sflag:$0x4], $0x2800, $0x38;
	[tilespmem:$0x1BB00] =	vst v63  }
0x5a: {  	_ =	swait.ge [sflag:s18], $0x2800  }
0x5b: {  	[sflag:s18] =	ssyncset.done $0x0  }
0x5c: {  	s3 =	rddreg [dreg:$0x19];
	[sflag:s18] =	ssyncadd.s32 $0xFFFFD800  }
0x5d: {  	[tilespmem:s30], [sflag:$0x2] =	stream.linear.gather [spmem:s3], $0x2800, $0x38;
	[tilespmem:$0x1BB00] =	vst v63  }
0x5e: {  	_ =	swait.ge [sflag:s14], $0x2800  }
0x5f: {  	[sflag:s14] =	ssyncset.done $0x0  }
0x60: {  	s6 =	rddreg [dreg:$0xf];
	[sflag:s14] =	ssyncadd.s32 $0xFFFFD800  }
0x61: {  	[hbm4b:s6+s4] =	stream.linear.scatter [tilespmem:s30], [sflag:$0x5], $0x2800, $0x38;
	[tilespmem:$0x1BB00] =	vst v63  }
0x62: {  	_ =	swait.ge [sflag:s17], $0x2800  }
0x63: {  	[sflag:s17] =	ssyncset.done $0x0  }
0x64: {  	s3 =	rddreg [dreg:$0x1a];
	[sflag:s17] =	ssyncadd.s32 $0xFFFFD800  }
0x65: {  	[tilespmem:s11], [sflag:$0x1] =	stream.linear.gather [spmem:s3], $0x2800, $0x38;
	[tilespmem:$0x1BB00] =	vst v63  }
0x66: {  	_ =	swait.ge [sflag:s13], $0x2800  }
0x67: {  	[sflag:s13] =	ssyncset.done $0x0  }
0x68: {  	s9 =	rddreg [dreg:$0x10];
	[sflag:s13] =	ssyncadd.s32 $0xFFFFD800  }
0x69: {  	[hbm4b:s9+s4] =	stream.linear.scatter [tilespmem:s11], [sflag:$0x4], $0x2800, $0x38;
	[tilespmem:$0x1BB00] =	vst v63  }
0x6a: {  	_ =	swait.ge [sflag:s18], $0x2800  }
0x6b: {  	[sflag:s18] =	ssyncset.done $0x0  }
0x6c: {  	s9 =	rddreg [dreg:$0x1b];
	[sflag:s18] =	ssyncadd.s32 $0xFFFFD800  }
0x6d: {  	[tilespmem:s30], [sflag:$0x2] =	stream.linear.gather [spmem:s9], $0x2800, $0x38;
	[tilespmem:$0x1BB00] =	vst v63  }
0x6e: {  	_ =	swait.ge [sflag:s14], $0x2800  }
0x6f: {  	[sflag:s14] =	ssyncset.done $0x0  }
0x70: {  	s6 =	rddreg [dreg:$0x11];
	[sflag:s14] =	ssyncadd.s32 $0xFFFFD800  }
0x71: {  	[hbm4b:s6+s4] =	stream.linear.scatter [tilespmem:s30], [sflag:$0x5], $0x2800, $0x38;
	[tilespmem:$0x1BB00] =	vst v63  }
0x72: {  	_ =	swait.ge [sflag:s17], $0x2800  }
0x73: {  	[sflag:s17] =	ssyncset.done $0x0  }
0x74: {  	[sflag:s17] =	ssyncadd.s32 $0xFFFFD800  }
0x75: {  	_ =	swait.ge [sflag:s18], $0x2800  }
0x76: {  	s6 =	rddreg [dreg:$0x1d]  }
0x77: {  	s1 =	rddreg [dreg:$0x12];
	s6 =	sadd.s32 $0x1, s6  }
0x78: {  	p0 =	sne.s32 s6, s1  }
.Ltmp1:
0x79: {  	_ = 	snop;
	(pc) =	sbr.rel @!p0 .LBB2_5-.Ltmp1, $3  }
0x7a: {  	_ =	sdelay $0x1  }
0x7b: {  	[sflag:s18] =	ssyncset.done $0x0;
	[dreg:$0x1d] =	wrdreg s6  }
0x7c: {  	[sflag:s18] =	ssyncadd.s32 $0xFFFFD800;
	s6 =	rddreg [dreg:$0x4]  }
.LBB2_1:
0x7d: {  	s1 =	rddreg [dreg:$0x1]  }
0x7e: {  	[tilespmem:s11], [sflag:$0xA] =	stream.linear.gather [hbm4b:s1+s4], $0x2800, $0x38;
	[tilespmem:$0x1BB00] =	vst v63  }
0x7f: {  	s1 =	simm.s32 $0xA  }
0x80: {  	_ =	swait.ge [sflag:s1], $0x2800  }
0x81: {  	[sflag:s1] =	ssyncset.done $0x0  }
0x82: {  	[sflag:s1] =	ssyncadd.s32 $0xFFFFD800  }
0x83: {  	[spmem:s6] =	stream.linear.scatter [tilespmem:s11], [sflag:$0x1], $0x2800, $0x38;
	[tilespmem:$0x1BB00] =	vst v63  }
0x84: {  	s6 =	rddreg [dreg:$0x15]  }
0x85: {  	[spmem:s6] =	stream.linear.scatter [tilespmem:s11], [sflag:$0x2], $0x2800, $0x38;
	[tilespmem:$0x1BB00] =	vst v63  }
0x86: {  	s6 =	rddreg [dreg:$0x16]  }
0x87: {  	[spmem:s6] =	stream.linear.scatter [tilespmem:s11], [sflag:$0x3], $0x2800, $0x38;
	[tilespmem:$0x1BB00] =	vst v63  }
0x88: {  	s6 =	rddreg [dreg:$0x17]  }
0x89: {  	[spmem:s6] =	stream.linear.scatter [tilespmem:s11], [sflag:$0x4], $0x2800, $0x38;
	[tilespmem:$0x1BB00] =	vst v63  }
0x8a: {  	s6 =	rddreg [dreg:$0x18]  }
0x8b: {  	[spmem:s6] =	stream.linear.scatter [tilespmem:s11], [sflag:$0x5], $0x2800, $0x38;
	[tilespmem:$0x1BB00] =	vst v63  }
0x8c: {  	s6 =	rddreg [dreg:$0x19]  }
0x8d: {  	[spmem:s6] =	stream.linear.scatter [tilespmem:s11], [sflag:$0x6], $0x2800, $0x38;
	[tilespmem:$0x1BB00] =	vst v63  }
0x8e: {  	_ = 	snop  }
0x8f: {  	[spmem:s3] =	stream.linear.scatter [tilespmem:s11], [sflag:$0x7], $0x2800, $0x38;
	[tilespmem:$0x1BB00] =	vst v63  }
0x90: {  	_ = 	snop  }
0x91: {  	[spmem:s9] =	stream.linear.scatter [tilespmem:s11], [sflag:$0x8], $0x2800, $0x38;
	[tilespmem:$0x1BB00] =	vst v63  }
0x92: {  	_ =	swait.ge [sflag:s13], $0x2800  }
0x93: {  	[sflag:s13] =	ssyncset.done $0x0  }
0x94: {  	[sflag:s13] =	ssyncadd.s32 $0xFFFFD800  }
0x95: {  	_ =	swait.ge [sflag:s14], $0x2800  }
0x96: {  	[sflag:s14] =	ssyncset.done $0x0  }
0x97: {  	[sflag:s14] =	ssyncadd.s32 $0xFFFFD800  }
0x98: {  	_ =	swait.ge [sflag:s16], $0x2800  }
0x99: {  	[sflag:s16] =	ssyncset.done $0x0  }
0x9a: {  	[sflag:s16] =	ssyncadd.s32 $0xFFFFD800  }
0x9b: {  	_ =	swait.ge [sflag:s17], $0x2800  }
0x9c: {  	[sflag:s17] =	ssyncset.done $0x0  }
0x9d: {  	[sflag:s17] =	ssyncadd.s32 $0xFFFFD800  }
0x9e: {  	_ =	swait.ge [sflag:s18], $0x2800  }
0x9f: {  	[sflag:s18] =	ssyncset.done $0x0  }
0xa0: {  	[sflag:s18] =	ssyncadd.s32 $0xFFFFD800  }
0xa1: {  	_ =	swait.ge [sflag:s19], $0x2800  }
0xa2: {  	[sflag:s19] =	ssyncset.done $0x0  }
0xa3: {  	[sflag:s19] =	ssyncadd.s32 $0xFFFFD800  }
0xa4: {  	_ =	swait.ge [sflag:s20], $0x2800  }
0xa5: {  	[sflag:s20] =	ssyncset.done $0x0  }
0xa6: {  	[sflag:s20] =	ssyncadd.s32 $0xFFFFD800  }
0xa7: {  	_ =	swait.ge [sflag:s21], $0x2800  }
0xa8: {  	[sflag:s21] =	ssyncset.done $0x0  }
0xa9: {  	[sflag:s21] =	ssyncadd.s32 $0xFFFFD800  }
0xaa: {  	[bflag:$0x0] =	sbarrier.arrive $0xFFFF  }
0xab: {  	s3 =	rddreg [dreg:$0x5]  }
0xac: {  	[tilespmem:s15], [sflag:$0x7] =	stream.linear.gather [hbm4b:s3+s4], $0x50, $0x38;
	[tilespmem:$0x1BB00] =	vst v63  }
0xad: {  	s6 =	rddreg [dreg:$0x6]  }
0xae: {  	[tilespmem:s22], [sflag:$0x7] =	stream.linear.gather [hbm4b:s6+s4], $0x50, $0x38;
	[tilespmem:$0x1BB00] =	vst v63  }
0xaf: {  	s9 =	rddreg [dreg:$0x7]  }
0xb0: {  	[tilespmem:s28], [sflag:$0x8] =	stream.linear.gather [hbm4b:s9+s4], $0x50, $0x38;
	[tilespmem:$0x1BB00] =	vst v63  }
0xb1: {  	s3 =	rddreg [dreg:$0x8]  }
0xb2: {  	[tilespmem:s10], [sflag:$0x8] =	stream.linear.gather [hbm4b:s3+s4], $0x50, $0x38;
	[tilespmem:$0x1BB00] =	vst v63  }
0xb3: {  	s6 =	rddreg [dreg:$0x9]  }
0xb4: {  	[tilespmem:s12], [sflag:$0x9] =	stream.linear.gather [hbm4b:s6+s4], $0x50, $0x38;
	[tilespmem:$0x1BB00] =	vst v63  }
0xb5: {  	s9 =	rddreg [dreg:$0xa]  }
0xb6: {  	[tilespmem:s8], [sflag:$0x9] =	stream.linear.gather [hbm4b:s9+s4], $0x50, $0x38;
	[tilespmem:$0x1BB00] =	vst v63  }
0xb7: {  	_ =	swait.ge [sflag:s20], $0x50  }
0xb8: {  	[sflag:s20] =	ssyncset.done $0x0  }
0xb9: {  	[sflag:s20] =	ssyncadd.s32 $0xFFFFFFB0  }
0xba: {  	_ =	swait.ge [sflag:s20], $0x50  }
0xbb: {  	[sflag:s20] =	ssyncset.done $0x0  }
0xbc: {  	[sflag:s20] =	ssyncadd.s32 $0xFFFFFFB0  }
0xbd: {  	[tilespmem:s11], [sflag:$0x1] =	stream.indirect.gather [hbm4b:s5+s29], $0x80, s15, s29, $0xb8;
	[tilespmem:$0x1BB00] =	vst v63  }
0xbe: {  	_ =	swait.ge [sflag:s21], $0x50  }
0xbf: {  	[sflag:s21] =	ssyncset.done $0x0  }
0xc0: {  	[sflag:s21] =	ssyncadd.s32 $0xFFFFFFB0  }
0xc1: {  	_ =	swait.ge [sflag:s21], $0x50  }
0xc2: {  	[sflag:s21] =	ssyncset.done $0x0  }
0xc3: {  	[sflag:s21] =	ssyncadd.s32 $0xFFFFFFB0  }
0xc4: {  	[tilespmem:s30], [sflag:$0x2] =	stream.indirect.gather [hbm4b:s5+s29], $0x80, s28, s29, $0xb8;
	[tilespmem:$0x1BB00] =	vst v63  }
0xc5: {  	_ =	swait.ge [sflag:s31], $0x50  }
0xc6: {  	[sflag:s31] =	ssyncset.done $0x0  }
0xc7: {  	[sflag:s31] =	ssyncadd.s32 $0xFFFFFFB0  }
0xc8: {  	_ =	swait.ge [sflag:s31], $0x50  }
0xc9: {  	[sflag:s31] =	ssyncset.done $0x0  }
0xca: {  	s9 =	simm.s32 $0x0;
	s1 =	rddreg [dreg:$0x14];
	[sflag:s31] =	ssyncadd.s32 $0xFFFFFFB0  }
0xcb: {  	[tilespmem:s0], [sflag:$0x3] =	stream.indirect.gather [hbm4b:s5+s29], $0x80, s12, s29, $0xb8;
	[tilespmem:$0x1BB00] =	vst v63  }
.LBB2_2:
0xcc: {  	_ =	swait.ge [sflag:s13], $0x2800  }
0xcd: {  	[sflag:s13] =	ssyncset.done $0x0  }
0xce: {  	[sflag:s13] =	ssyncadd.s32 $0xFFFFD800  }
0xcf: {  	[spmem:s2] =	stream.indirect.scatter.add.f32 [tilespmem:s11], [sflag:$0x4], $0x80, s22, s29, $0xb8;
	[tilespmem:$0x1BB00] =	vst v63  }
0xd0: {  	_ =	swait.ge [sflag:s14], $0x2800  }
0xd1: {  	[sflag:s14] =	ssyncset.done $0x0  }
0xd2: {  	[sflag:s14] =	ssyncadd.s32 $0xFFFFD800  }
0xd3: {  	[spmem:s2] =	stream.indirect.scatter.add.f32 [tilespmem:s30], [sflag:$0x5], $0x80, s10, s29, $0xb8;
	[tilespmem:$0x1BB00] =	vst v63  }
0xd4: {  	_ =	swait.ge [sflag:s16], $0x2800  }
0xd5: {  	[sflag:s16] =	ssyncset.done $0x0  }
0xd6: {  	[sflag:s16] =	ssyncadd.s32 $0xFFFFD800  }
0xd7: {  	[spmem:s2] =	stream.indirect.scatter.add.f32 [tilespmem:s0], [sflag:$0x6], $0x80, s8, s29, $0xb8;
	[tilespmem:$0x1BB00] =	vst v63  }
0xd8: {  	_ =	swait.ge [sflag:s17], $0x2800  }
0xd9: {  	s3 =	sshrl.u32 s1, $0x3;
	[sflag:s17] =	ssyncset.done $0x0  }
0xda: {  	s6 =	sadd.s32 s7, s3;
	[sflag:s17] =	ssyncadd.s32 $0xFFFFD800  }
0xdb: {  	[tilespmem:s15], [sflag:$0x7] =	stream.linear.gather [hbm4b:s6+s4], $0x50, $0x38;
	[tilespmem:$0x1BB00] =	vst v63  }
0xdc: {  	s3 =	sadd.s32 s23, s3  }
0xdd: {  	[tilespmem:s22], [sflag:$0x7] =	stream.linear.gather [hbm4b:s3+s4], $0x50, $0x38;
	[tilespmem:$0x1BB00] =	vst v63  }
0xde: {  	_ =	swait.ge [sflag:s20], $0x50  }
0xdf: {  	[sflag:s20] =	ssyncset.done $0x0  }
0xe0: {  	[sflag:s20] =	ssyncadd.s32 $0xFFFFFFB0  }
0xe1: {  	_ =	swait.ge [sflag:s20], $0x50  }
0xe2: {  	[sflag:s20] =	ssyncset.done $0x0  }
0xe3: {  	[sflag:s20] =	ssyncadd.s32 $0xFFFFFFB0  }
0xe4: {  	[tilespmem:s11], [sflag:$0x1] =	stream.indirect.gather [hbm4b:s5+s29], $0x80, s15, s29, $0xb8;
	[tilespmem:$0x1BB00] =	vst v63  }
0xe5: {  	_ =	swait.ge [sflag:s18], $0x2800  }
0xe6: {  	[sflag:s18] =	ssyncset.done $0x0  }
0xe7: {  	s6 =	sadd.s32 s9, s26;
	[sflag:s18] =	ssyncadd.s32 $0xFFFFD800  }
0xe8: {  	[tilespmem:s28], [sflag:$0x8] =	stream.linear.gather [hbm4b:s6+s4], $0x50, $0x38;
	[tilespmem:$0x1BB00] =	vst v63  }
0xe9: {  	s6 =	sadd.s32 s9, s25  }
0xea: {  	[tilespmem:s10], [sflag:$0x8] =	stream.linear.gather [hbm4b:s6+s4], $0x50, $0x38;
	[tilespmem:$0x1BB00] =	vst v63  }
0xeb: {  	_ =	swait.ge [sflag:s21], $0x50  }
0xec: {  	[sflag:s21] =	ssyncset.done $0x0  }
0xed: {  	[sflag:s21] =	ssyncadd.s32 $0xFFFFFFB0  }
0xee: {  	_ =	swait.ge [sflag:s21], $0x50  }
0xef: {  	p0 =	seq.s32 s9, $0x4B0;
	[sflag:s21] =	ssyncset.done $0x0  }
.Ltmp2:
0xf0: {  	[sflag:s21] =	ssyncadd.s32 $0xFFFFFFB0;
	(pc) =	sbr.rel @p0 .LBB2_4-.Ltmp2, $4  }
0xf1: {  	[tilespmem:s30], [sflag:$0x2] =	stream.indirect.gather [hbm4b:s5+s29], $0x80, s28, s29, $0xb8;
	[tilespmem:$0x1BB00] =	vst v63  }
0xf2: {  	_ =	swait.ge [sflag:s19], $0x2800  }
0xf3: {  	[sflag:s19] =	ssyncset.done $0x0  }
0xf4: {  	[sflag:s19] =	ssyncadd.s32 $0xFFFFD800  }
0xf5: {  	s3 =	sadd.s32 s9, s24;
	s6 =	rddreg [dreg:$0x13]  }
0xf6: {  	[tilespmem:s12], [sflag:$0x9] =	stream.linear.gather [hbm4b:s3+s4], $0x50, $0x38;
	[tilespmem:$0x1BB00] =	vst v63  }
0xf7: {  	s3 =	sadd.s32 s9, s6  }
0xf8: {  	[tilespmem:s8], [sflag:$0x9] =	stream.linear.gather [hbm4b:s3+s4], $0x50, $0x38;
	[tilespmem:$0x1BB00] =	vst v63  }
0xf9: {  	_ =	swait.ge [sflag:s31], $0x50  }
0xfa: {  	[sflag:s31] =	ssyncset.done $0x0  }
.Ltmp3:
0xfb: {  	[sflag:s31] =	ssyncadd.s32 $0xFFFFFFB0;
	(pc) =	sbr.rel .LBB2_2-.Ltmp3, $4  }
0xfc: {  	_ =	swait.ge [sflag:s31], $0x50  }
0xfd: {  	[sflag:s31] =	ssyncset.done $0x0  }
0xfe: {  	s1 =	sadd.s32 $0xF0, s1;
	s9 =	sadd.s32 $0x1E, s9;
	[sflag:s31] =	ssyncadd.s32 $0xFFFFFFB0  }
0xff: {  	[tilespmem:s0], [sflag:$0x3] =	stream.indirect.gather [hbm4b:s5+s29], $0x80, s12, s29, $0xb8;
	[tilespmem:$0x1BB00] =	vst v63  }
.LBB2_5:
0x100: {  	_ =	sfence.sel $0x180000  }
0x101: {  	[bflag:$0x0] =	sbarrier.arrive $0xFFFF  }
0x102: {  	_ =	strace $0x90000050  }
0x103: {  	s0 =	stileid.u32;
	[bflag:$0x2] =	sbarrier.arrive $0xFFFF  }
0x104: {  	p0 =	sne.s32 s0, $0x0;
	s0 =	rddreg [dreg:$0x3]  }
0x105: {  	s0 =	sadd.s32 @!p0 $0x100000, s0  }
0x106: {  	[sflag:s0] =	ssyncadd.tile.s32 @!p0 $0x1;
	_ =	shalt  }
.Lfunc_end2:
_tile_overlayer_lowered:
.L_overlay_start_2:
0x107: {  	(tag) =	ssettag $0x2  }
0x108: {  	s0 =	rddreg [dreg:$0x0];
	s2 =	stileid.u32  }
0x109: {  	s1 =	rddreg [dreg:$0x1];
	p0 =	sne.s32 s2, $0x0  }
0x10a: {  	s3 =	rddreg [dreg:$0x2];
	[bflag:$0x3] =	sbarrier.arrive $0xFFFF;
	s2 =	simm.s32 @!p0 $0x1C0A  }
0x10b: {  	[timem:s3], [sflag:s2] =	dma.local @!p0 [hbm:s0], s1  }
0x10c: {  	s0 =	simm.s32 @!p0 $0xA  }
0x10d: {  	_ =	swait.ge @!p0 [sflag:s0], s1  }
0x10e: {  	s1 =	ssub.s32 @!p0 $0x0, s1;
	[sflag:s0] =	ssyncset.done @!p0 $0x0  }
0x10f: {  	[sflag:s0] =	ssyncadd.s32 @!p0 s1  }
0x110: {  	[bflag:$0x3] =	sbarrier.arrive $0xFFFF  }
0x111: {  	_ =	shalt  }

</sc_bundles>
